<compile_context>
chip_gen: v7x
topology: tpu7x:2x2x1
jax: 0.10.2.dev20260603
libtpu: 0.0.44.dev20260713+nightly
codegen_flags: <defaults>
</compile_context>

<pallas_src>
import functools

import jax
import jax.numpy as jnp
from jax import lax
from jax.experimental import pallas as pl
from jax.experimental.pallas import tpu as pltpu
from jax.experimental.pallas import tpu_sc as plsc

_NC = 2
_NS = 16
_NW = _NC * _NS
_CH = 128

_F32 = jnp.float32


def _gram_body(eat_ref, g_ref, s_ref, gacc, sacc, *, steps):
    i = pl.program_id(0)

    @pl.when(i == 0)
    def _():
        gacc[...] = jnp.zeros_like(gacc)
        sacc[...] = jnp.zeros_like(sacc)

    eat = eat_ref[...]
    gacc[...] += lax.dot_general(eat, eat, (((1,), (1,)), ((), ())),
                                 preferred_element_type=_F32)
    sacc[...] += jnp.sum(eat, axis=1, keepdims=True)

    @pl.when(i == steps - 1)
    def _():
        g_ref[...] = gacc[...]
        s_ref[...] = sacc[...]


def _gram(eat, tile):
    t, e = eat.shape
    steps = e // tile
    return pl.pallas_call(
        functools.partial(_gram_body, steps=steps),
        grid=(steps,),
        in_specs=[pl.BlockSpec((t, tile), lambda i: (0, i))],
        out_specs=[pl.BlockSpec((t, t), lambda i: (0, 0)),
                   pl.BlockSpec((t, 1), lambda i: (0, 0))],
        out_shape=[jax.ShapeDtypeStruct((t, t), _F32),
                   jax.ShapeDtypeStruct((t, 1), _F32)],
        scratch_shapes=[pltpu.VMEM((t, t), _F32), pltpu.VMEM((t, 1), _F32)],
    )(eat)


def _edge_body(*refs, nxj, p):
    ea_refs = refs[:8]
    xj_refs = refs[8:8 + nxj]
    w1e_ref, c1e_ref, w2rbd_ref, sumbd_ref, b2mbd_ref, out_ref = refs[8 + nxj:]
    parts = []
    for a in range(nxj):
        xj = xj_refs[a][...]
        m2 = jnp.dot(xj, w2rbd_ref[...], preferred_element_type=_F32)
        hexp = jnp.concatenate(
            [jnp.maximum(
                lax.dot_general(ea_refs[a * p + j][...], w1e_ref[...],
                                (((0,), (0,)), ((), ())),
                                preferred_element_type=_F32) + c1e_ref[...],
                0.0)
             for j in range(p)], axis=1)
        msg = jnp.dot(hexp * m2, sumbd_ref[...], preferred_element_type=_F32)
        parts.append(msg + jnp.dot(xj, b2mbd_ref[...],
                                   preferred_element_type=_F32))
    out_ref[...] = parts[0] if nxj == 1 else jnp.concatenate(parts, axis=1)


def _edge_messages(eat, xjp, w1e, c1e, w2rbd, sumbd, b2mbd, f, tile):
    t, e = eat.shape
    q = xjp.shape[0] * 128 // f // 8
    qb = q // tile
    p = 128 // f
    nxj = 8 // p
    dp = w2rbd.shape[1]
    emax = e // tile - 1
    small = lambda shape: pl.BlockSpec(shape, lambda i: (0, 0))
    ea_specs = [
        pl.BlockSpec((t, tile),
                     lambda i, g=g: (0, jnp.minimum(g * qb + i, emax)))
        for g in range(8)]
    xj_specs = [pl.BlockSpec((tile, 128), lambda i, a=a: (a * qb + i, 0))
                for a in range(nxj)]
    return pl.pallas_call(
        functools.partial(_edge_body, nxj=nxj, p=p),
        grid=(qb,),
        in_specs=ea_specs + xj_specs + [
            small((t, 256)), small((1, 256)), small((128, dp)),
            small((dp, p * 16)), small((128, p * 16))],
        out_specs=pl.BlockSpec((tile, 128), lambda i: (i, 0)),
        out_shape=jax.ShapeDtypeStruct((q, 128), _F32),
        compiler_params=pltpu.CompilerParams(
            allow_input_fusion=[False] * 8 + [True] * nxj + [False] * 5),
    )(*([eat] * 8 + [xjp] * nxj + [w1e, c1e, w2rbd, sumbd, b2mbd]))


def _combine_body(s0_ref, s1_ref, c0_ref, c1_ref, x_ref, root_ref, bias_ref,
                  g_ref, be_ref, out_ref, *, bn_relu):
    s = s0_ref[...] + s1_ref[...]
    cnt = (c0_ref[...] + c1_ref[...])[:, 0:1]
    agg = s / jnp.maximum(cnt, 1.0)
    out = agg + jnp.dot(x_ref[...], root_ref[...],
                        preferred_element_type=_F32) + bias_ref[...]
    if bn_relu:
        mu = jnp.mean(out, axis=0, keepdims=True)
        var = jnp.mean((out - mu) ** 2, axis=0, keepdims=True)
        out = g_ref[...] * (out - mu) * lax.rsqrt(var + 1e-5) + be_ref[...]
        out = jnp.maximum(out, 0.0)
    out_ref[...] = out


def _combine(s_parts, c_parts, x, root, bias, g, be, bn_relu):
    d = s_parts.shape[2]
    n, f = x.shape
    full = lambda shape: pl.BlockSpec(shape, lambda i: tuple(0 for _ in shape))
    return pl.pallas_call(
        functools.partial(_combine_body, bn_relu=bn_relu),
        grid=(1,),
        in_specs=[full((n, d)), full((n, d)), full((n, d)), full((n, d)),
                  full((n, f)), full((f, d)), full((1, d)), full((1, d)),
                  full((1, d))],
        out_specs=full((n, d)),
        out_shape=jax.ShapeDtypeStruct((n, d), _F32),
    )(s_parts[0], s_parts[1], c_parts[0], c_parts[1], x, root, bias, g, be)


_K = 8


def _pad_idx(idx, nchunk_pad):
    return jnp.pad(idx, (0, nchunk_pad * _CH - idx.shape[0])).reshape(
        nchunk_pad, _CH)


def _sc_gather(table, idx):
    n, d = table.shape
    e = idx.shape[0]
    nchunk = e // _CH
    iters = -(-(-(-nchunk // _K)) // _NW)
    nchunk_pad = iters * _NW * _K
    idx2 = _pad_idx(idx, nchunk_pad)
    mesh = plsc.VectorSubcoreMesh(core_axis_name="c", subcore_axis_name="s")

    @functools.partial(
        pl.kernel,
        out_type=jax.ShapeDtypeStruct((e, d), _F32),
        mesh=mesh,
        scratch_types=[pltpu.VMEM((_K, _CH), jnp.int32),
                       pltpu.VMEM((_K * _CH, d), _F32),
                       pltpu.SemaphoreType.DMA,
                       pltpu.SemaphoreType.DMA],
        compiler_params=pltpu.CompilerParams(use_tc_tiling_on_sc=False),
    )
    def gather_k(table_hbm, idx_hbm, out_hbm, idx_v, rows_v, gsem, wsem):
        wid = lax.axis_index("s") * _NC + lax.axis_index("c")

        def group(i, carry):
            g = wid + i * _NW
            pltpu.sync_copy(idx_hbm.at[pl.ds(g * _K, _K)], idx_v)
            for j in range(_K):
                c = (g - _NW) * _K + j

                @pl.when(jnp.logical_and(i > 0, c < nchunk))
                def _(j=j, c=c):
                    pltpu.make_async_copy(
                        rows_v.at[pl.ds(j * _CH, _CH)],
                        out_hbm.at[pl.ds(c * _CH, _CH)], wsem).wait()

            for j in range(_K):
                c = g * _K + j

                @pl.when(c < nchunk)
                def _(j=j, c=c):
                    pltpu.async_copy(table_hbm.at[idx_v.at[j]],
                                     rows_v.at[pl.ds(j * _CH, _CH)], gsem)

            for j in range(_K):
                c = g * _K + j

                @pl.when(c < nchunk)
                def _(j=j, c=c):
                    pltpu.make_async_copy(
                        table_hbm.at[idx_v.at[j]],
                        rows_v.at[pl.ds(j * _CH, _CH)], gsem).wait()

            for j in range(_K):
                c = g * _K + j

                @pl.when(c < nchunk)
                def _(j=j, c=c):
                    pltpu.async_copy(rows_v.at[pl.ds(j * _CH, _CH)],
                                     out_hbm.at[pl.ds(c * _CH, _CH)], wsem)

            return carry

        lax.fori_loop(0, iters, group, 0)
        g = wid + (iters - 1) * _NW
        for j in range(_K):
            c = g * _K + j

            @pl.when(c < nchunk)
            def _(j=j, c=c):
                pltpu.make_async_copy(rows_v.at[pl.ds(j * _CH, _CH)],
                                      out_hbm.at[pl.ds(c * _CH, _CH)],
                                      wsem).wait()

    return gather_k(table, idx2)


def _sc_scatter(msg, dst, n, with_counts):
    e, d = msg.shape
    nchunk = e // _CH
    iters = -(-(-(-nchunk // _K)) // _NW)
    nchunk_pad = iters * _NW * _K
    dst2 = _pad_idx(dst, nchunk_pad)
    mesh = plsc.VectorSubcoreMesh(core_axis_name="c", subcore_axis_name="s")
    zeros = jnp.zeros((n, d), _F32)
    ones = jnp.ones((_CH, d), _F32)

    n_out = 2 if with_counts else 1
    out_type = [jax.ShapeDtypeStruct((_NC, n, d), _F32)] * n_out
    scratch = [pltpu.VMEM((_K, _CH), jnp.int32),
               pltpu.VMEM((_K * _CH, d), _F32),
               pltpu.VMEM((_CH, d), _F32),
               pltpu.VMEM_SHARED((n, d), _F32),
               pltpu.VMEM_SHARED((n, d), _F32),
               pltpu.SemaphoreType.DMA,
               pltpu.SemaphoreType.DMA]

    @functools.partial(
        pl.kernel, out_type=out_type, mesh=mesh, scratch_types=scratch,
        compiler_params=pltpu.CompilerParams(use_tc_tiling_on_sc=False))
    def scatter_k(msg_hbm, dst_hbm, zeros_hbm, ones_hbm, *rest):
        outs = rest[:n_out]
        idx_v, msg_v, ones_v, acc_s, acc_c, lsem, ssem = rest[n_out:]
        cid = lax.axis_index("c")
        sid = lax.axis_index("s")
        wid = sid * _NC + cid

        @pl.when(sid == 0)
        def _():
            pltpu.sync_copy(zeros_hbm, acc_s)
            if with_counts:
                pltpu.sync_copy(zeros_hbm, acc_c)

        if with_counts:
            pltpu.sync_copy(ones_hbm, ones_v)
        plsc.subcore_barrier()

        def group(i, carry):
            g = wid + i * _NW
            pltpu.sync_copy(dst_hbm.at[pl.ds(g * _K, _K)], idx_v)
            for j in range(_K):
                c = g * _K + j

                @pl.when(c < nchunk)
                def _(j=j, c=c):
                    pltpu.async_copy(msg_hbm.at[pl.ds(c * _CH, _CH)],
                                     msg_v.at[pl.ds(j * _CH, _CH)], lsem)

            for j in range(_K):
                c = g * _K + j

                @pl.when(c < nchunk)
                def _(j=j, c=c):
                    pltpu.make_async_copy(
                        msg_hbm.at[pl.ds(c * _CH, _CH)],
                        msg_v.at[pl.ds(j * _CH, _CH)], lsem).wait()

            for j in range(_K):
                c = g * _K + j

                @pl.when(c < nchunk)
                def _(j=j, c=c):
                    pltpu.async_copy(msg_v.at[pl.ds(j * _CH, _CH)],
                                     acc_s.at[idx_v.at[j]], ssem, add=True)
                    if with_counts:
                        pltpu.async_copy(ones_v, acc_c.at[idx_v.at[j]],
                                         ssem, add=True)

            for j in range(_K):
                c = g * _K + j

                @pl.when(c < nchunk)
                def _(j=j, c=c):
                    pltpu.make_async_copy(msg_v.at[pl.ds(j * _CH, _CH)],
                                          acc_s.at[idx_v.at[j]], ssem).wait()
                    if with_counts:
                        pltpu.make_async_copy(ones_v, acc_c.at[idx_v.at[j]],
                                              ssem).wait()

            return carry

        lax.fori_loop(0, iters, group, 0)
        plsc.subcore_barrier()

        @pl.when(sid == 0)
        def _():
            pltpu.sync_copy(acc_s, outs[0].at[cid])
            if with_counts:
                pltpu.sync_copy(acc_c, outs[1].at[cid])

    return scatter_k(msg, dst2, zeros, ones)


def _fold_bn(gram, colsum, e, w1, b1, g, be):
    m = colsum[:, 0] / e
    cov = gram / e - jnp.outer(m, m)
    mu = m @ w1 + b1
    var = jnp.sum(w1 * (cov @ w1), axis=0)
    inv = g * lax.rsqrt(var + 1e-5)
    return w1 * inv[None, :], ((b1 - mu) * inv + be)[None, :]


def _bilinear_mats(w2, b2, in_c, out_c):
    dim = w2.shape[0]
    p = 128 // in_c
    w2r = w2.reshape(dim, in_c, out_c).transpose(1, 0, 2).reshape(
        in_c, dim * out_c)
    expand = jnp.kron(jnp.eye(dim, dtype=_F32), jnp.ones((1, out_c), _F32))
    summ = jnp.kron(jnp.ones((dim, 1), _F32), jnp.eye(out_c, dtype=_F32))
    b2m = b2.reshape(in_c, out_c)
    eye_p = jnp.eye(p, dtype=_F32)
    w2rbd = jnp.kron(eye_p, w2r)
    sumbd = jnp.kron(eye_p, summ)
    b2mbd = jnp.kron(eye_p, b2m)
    return expand, w2rbd, sumbd, b2mbd


def kernel(x, edge_index, edge_attr, nn1_w1, nn1_b1, nn1_g, nn1_be, nn1_w2,
           nn1_b2, conv1_root, conv1_bias, nn2_w1, nn2_b1, nn2_g, nn2_be,
           nn2_w2, nn2_b2, conv2_root, conv2_bias, bn_g, bn_be):
    n, f_in = x.shape
    e, t = edge_attr.shape
    dim = nn1_w1.shape[1]
    src = edge_index[0]
    dst = edge_index[1]
    eat = edge_attr.T
    tile = 1280

    gram, colsum = _gram(eat, 32000)
    w1f_1, c1_1 = _fold_bn(gram, colsum, e, nn1_w1, nn1_b1, nn1_g, nn1_be)
    w1f_2, c1_2 = _fold_bn(gram, colsum, e, nn2_w1, nn2_b1, nn2_g, nn2_be)
    exp_1, w2rbd_1, sumbd_1, b2mbd_1 = _bilinear_mats(nn1_w2, nn1_b2, f_in,
                                                      dim)
    exp_2, w2rbd_2, sumbd_2, b2mbd_2 = _bilinear_mats(nn2_w2, nn2_b2, dim,
                                                      dim)
    w1e_1 = w1f_1 @ exp_1
    c1e_1 = c1_1 @ exp_1
    w1e_2 = w1f_2 @ exp_2
    c1e_2 = c1_2 @ exp_2

    qp = -(-(e // 8) // tile) * tile
    ep = 8 * qp
    n_acc = n + 16
    srcp = jnp.pad(src, (0, ep - e))
    dstp = jnp.pad(dst, (0, ep - e), constant_values=n)
    src2 = srcp.reshape(8, qp)
    dst2 = dstp.reshape(8, qp)
    p1 = 128 // f_in
    nxj1 = 8 // p1
    idxg1 = src2.reshape(nxj1, p1, qp).transpose(0, 2, 1).reshape(-1)
    idxg2 = src2.T.reshape(-1)
    dstg = dst2.T.reshape(-1)

    xjp = _sc_gather(x, idxg1).reshape(ep * f_in // 128, 128)
    msg1 = _edge_messages(eat, xjp, w1e_1, c1e_1, w2rbd_1, sumbd_1, b2mbd_1,
                          f_in, tile)
    s1, cnt = _sc_scatter(msg1.reshape(ep, dim), dstg, n_acc,
                          with_counts=True)
    h = _combine(s1, cnt, x, conv1_root, conv1_bias[None, :], bn_g[None, :],
                 bn_be[None, :], bn_relu=True)

    hjp = _sc_gather(h, idxg2).reshape(ep * dim // 128, 128)
    msg2 = _edge_messages(eat, hjp, w1e_2, c1e_2, w2rbd_2, sumbd_2, b2mbd_2,
                          dim, tile)
    s2, = _sc_scatter(msg2.reshape(ep, dim), dstg, n_acc, with_counts=False)
    out = _combine(s2, cnt, h, conv2_root, conv2_bias[None, :], bn_g[None, :],
                   bn_be[None, :], bn_relu=False)
    return out

# --- scband reference (transcript-rebuilt; emitter-appended) ---
"""Pipeline reference for scband-ddiencoder-69423851373253 (READ-ONLY COPY).

The authoritative reference and input builder live on the scoring server;
editing this copy changes nothing except your own understanding.
"""

import jax, jax.numpy as jnp
import numpy as np

F_IN = 32
DIM = 16
T = 16
N = 10000
E = 160000


def _bn(x, g, b, eps=1e-5):
    mu = jnp.mean(x, axis=0, keepdims=True)
    var = jnp.var(x, axis=0, keepdims=True)
    return g * (x - mu) / jnp.sqrt(var + eps) + b


def _edge_nn(ea, w1, b1, g, be, w2, b2):
    h = ea @ w1 + b1
    h = jax.nn.relu(_bn(h, g, be))
    return h @ w2 + b2


def _nnconv(x, edge_index, edge_attr, w1, b1, g, be, w2, b2, root, bias, in_c, out_c):
    n = x.shape[0]
    e = edge_index.shape[1]
    w = _edge_nn(edge_attr, w1, b1, g, be, w2, b2).reshape(e, in_c, out_c)
    x_j = jnp.take(x, edge_index[0], axis=0)
    msg = jnp.einsum('ei,eio->eo', x_j, w)
    s = jax.ops.segment_sum(msg, edge_index[1], num_segments=n)
    cnt = jax.ops.segment_sum(jnp.ones((e,), dtype=x.dtype), edge_index[1], num_segments=n)
    out = s / jnp.maximum(cnt, 1.0)[:, None]
    return out + x @ root + bias


def setup_inputs(seed: int = 0):
    key = jax.random.key(seed)
    ks = jax.random.split(key, 16)
    sc = 0.1
    inp = {}
    inp['x'] = jax.random.normal(ks[0], (N, F_IN), dtype=jnp.float32)
    inp['edge_index'] = jax.random.randint(ks[1], (2, E), 0, N, dtype=jnp.int32)
    inp['edge_attr'] = jax.random.normal(ks[2], (E, T), dtype=jnp.float32)
    inp['nn1_w1'] = jax.random.normal(ks[3], (T, DIM), dtype=jnp.float32) * sc
    inp['nn1_b1'] = jnp.zeros((DIM,), dtype=jnp.float32)
    inp['nn1_g'] = jnp.ones((DIM,), dtype=jnp.float32)
    inp['nn1_be'] = jnp.zeros((DIM,), dtype=jnp.float32)
    inp['nn1_w2'] = jax.random.normal(ks[4], (DIM, F_IN * DIM), dtype=jnp.float32) * sc
    inp['nn1_b2'] = jnp.zeros((F_IN * DIM,), dtype=jnp.float32)
    inp['conv1_root'] = jax.random.normal(ks[5], (F_IN, DIM), dtype=jnp.float32) * sc
    inp['conv1_bias'] = jnp.zeros((DIM,), dtype=jnp.float32)
    inp['nn2_w1'] = jax.random.normal(ks[6], (T, DIM), dtype=jnp.float32) * sc
    inp['nn2_b1'] = jnp.zeros((DIM,), dtype=jnp.float32)
    inp['nn2_g'] = jnp.ones((DIM,), dtype=jnp.float32)
    inp['nn2_be'] = jnp.zeros((DIM,), dtype=jnp.float32)
    inp['nn2_w2'] = jax.random.normal(ks[7], (DIM, DIM * DIM), dtype=jnp.float32) * sc
    inp['nn2_b2'] = jnp.zeros((DIM * DIM,), dtype=jnp.float32)
    inp['conv2_root'] = jax.random.normal(ks[8], (DIM, DIM), dtype=jnp.float32) * sc
    inp['conv2_bias'] = jnp.zeros((DIM,), dtype=jnp.float32)
    inp['bn_g'] = jnp.ones((DIM,), dtype=jnp.float32)
    inp['bn_be'] = jnp.zeros((DIM,), dtype=jnp.float32)
    return inp


def reference(x, edge_index, edge_attr, nn1_w1, nn1_b1, nn1_g, nn1_be, nn1_w2, nn1_b2, conv1_root, conv1_bias, nn2_w1, nn2_b1, nn2_g, nn2_be, nn2_w2, nn2_b2, conv2_root, conv2_bias, bn_g, bn_be):
    h = _nnconv(x, edge_index, edge_attr, nn1_w1, nn1_b1, nn1_g, nn1_be, nn1_w2, nn1_b2, conv1_root, conv1_bias, F_IN, DIM)
    h = jax.nn.relu(_bn(h, bn_g, bn_be))
    out = _nnconv(h, edge_index, edge_attr, nn2_w1, nn2_b1, nn2_g, nn2_be, nn2_w2, nn2_b2, conv2_root, conv2_bias, DIM, DIM)
    return out

if __name__ == "__main__":
    import jax
    _d = setup_inputs()
    print(jax.jit(kernel)(*tuple(_d.values())))

</pallas_src>

<mosaic_0001>
#map = affine_map<(d0, d1) -> (0, 0)>
module attributes {stable_mosaic.version = 14 : i64} {
  func.func @gather_k(%arg0: i32, %arg1: i32, %arg2: memref<10000x32xf32, #tpu.memory_space<hbm>>, %arg3: memref<1280x128xi32, #tpu.memory_space<hbm>>, %arg4: memref<163840x32xf32, #tpu.memory_space<hbm>>, %arg5: memref<8x128xi32, #tpu.memory_space<vmem>>, %arg6: memref<1024x32xf32, #tpu.memory_space<vmem>>, %arg7: memref<!tpu.dma_semaphore, #tpu.memory_space<semaphore_mem>>, %arg8: memref<!tpu.dma_semaphore, #tpu.memory_space<semaphore_mem>>) attributes {dimension_semantics = [#tpu.dimension_semantics<core_parallel>, #tpu.dimension_semantics<subcore_parallel>], iteration_bounds = array<i64: 2, 16>, scalar_prefetch = 0 : i64, scratch_operands = 4 : i64, tpu.core_type = #tpu.core_type<sc_vector_subcore>, window_params = [{transform_indices = #map}, {transform_indices = #map}, {transform_indices = #map}]} {
    %mul3A = arith.constant 2 : i32
    %mul3A_0 = arith.muli %arg1, %mul3A : i32
    %add3A = arith.addi %mul3A_0, %arg0 : i32
    %scan3A = arith.constant 0 : i32
    %scan3A_1 = arith.constant 0 : i32
    %scan3A_2 = arith.constant 5 : i32
    %scan3A_3 = arith.addi %scan3A_1, %scan3A_2 : i32
    %scan3A_4 = arith.constant 1 : i32
    scf.for %scan3A_77 = %scan3A_1 to %scan3A_3 step %scan3A_4  : i32 {
      %mul3A_78 = arith.constant 32 : i32
      %mul3A_79 = arith.muli %scan3A_77, %mul3A_78 : i32
      %add3A_80 = arith.addi %add3A, %mul3A_79 : i32
      %mul3A_81 = arith.constant 8 : i32
      %mul3A_82 = arith.muli %add3A_80, %mul3A_81 : i32
      "tpu.region"() ({
        %run_scoped3A = tpu.sem_alloc : memref<!tpu.dma_semaphore, #tpu.memory_space<semaphore_mem>>
        %dma_start3A = arith.constant 0 : i32
        %dma_start3A_408 = tpu.memref_slice %arg3[%mul3A_82, %dma_start3A] : memref<1280x128xi32, #tpu.memory_space<hbm>> -> memref<8x128xi32, #tpu.memory_space<hbm>>
        %dma_start3A_409 = arith.constant 0 : i32
        %dma_start3A_410 = tpu.memref_slice %arg3[%mul3A_82, %dma_start3A_409] : memref<1280x128xi32, #tpu.memory_space<hbm>> -> memref<8x128xi32, #tpu.memory_space<hbm>>
        tpu.enqueue_dma source(%dma_start3A_410 : memref<8x128xi32, #tpu.memory_space<hbm>>) target(%arg5 : memref<8x128xi32, #tpu.memory_space<vmem>>) target_semaphore(%run_scoped3A : memref<!tpu.dma_semaphore, #tpu.memory_space<semaphore_mem>>)
        %dma_wait3A = arith.constant 0 : i32
        %dma_wait3A_411 = tpu.memref_slice %arg3[%mul3A_82, %dma_wait3A] : memref<1280x128xi32, #tpu.memory_space<hbm>> -> memref<8x128xi32, #tpu.memory_space<hbm>>
        %dma_wait3A_412 = arith.constant 0 : i32
        %dma_wait3A_413 = tpu.memref_slice %arg3[%mul3A_82, %dma_wait3A_412] : memref<1280x128xi32, #tpu.memory_space<hbm>> -> memref<8x128xi32, #tpu.memory_space<hbm>>
        tpu.wait_dma2 semaphore(%run_scoped3A : memref<!tpu.dma_semaphore, #tpu.memory_space<semaphore_mem>>) src(%dma_wait3A_413 : memref<8x128xi32, #tpu.memory_space<hbm>>) dst(%arg5 : memref<8x128xi32, #tpu.memory_space<vmem>>)
        tpu.yield
      }) : () -> ()
      %sub3A = arith.constant 32 : i32
      %sub3A_83 = arith.subi %add3A_80, %sub3A : i32
      %mul3A_84 = arith.constant 8 : i32
      %mul3A_85 = arith.muli %sub3A_83, %mul3A_84 : i32
      %add3A_86 = arith.constant 0 : i32
      %add3A_87 = arith.addi %mul3A_85, %add3A_86 : i32
      %gt3A = arith.constant 0 : i32
      %gt3A_88 = arith.cmpi sgt, %scan3A_77, %gt3A : i32
      %lt3A_89 = arith.constant 1280 : i32
      %lt3A_90 = arith.cmpi slt, %add3A_87, %lt3A_89 : i32
      %and3A = arith.andi %gt3A_88, %lt3A_90 : i1
      %convert_element_type3A_91 = arith.extui %and3A : i1 to i32
      %cond3A_92 = arith.constant 0 : i32
      %cond3A_93 = arith.cmpi ne, %convert_element_type3A_91, %cond3A_92 : i32
      scf.if %cond3A_93 {
        %mul3A_408 = arith.constant 128 : i32
        %mul3A_409 = arith.muli %add3A_87, %mul3A_408 : i32
        %dma_wait3A = arith.constant 0 : i32
        %dma_wait3A_410 = arith.constant 0 : i32
        %dma_wait3A_411 = tpu.memref_slice %arg6[%dma_wait3A, %dma_wait3A_410] : memref<1024x32xf32, #tpu.memory_space<vmem>> -> memref<128x32xf32, #tpu.memory_space<vmem>>
        %dma_wait3A_412 = arith.constant 0 : i32
        %dma_wait3A_413 = tpu.memref_slice %arg4[%mul3A_409, %dma_wait3A_412] : memref<163840x32xf32, #tpu.memory_space<hbm>> -> memref<128x32xf32, #tpu.memory_space<hbm>>
        %dma_wait3A_414 = arith.constant 0 : i32
        %dma_wait3A_415 = tpu.memref_slice %arg4[%mul3A_409, %dma_wait3A_414] : memref<163840x32xf32, #tpu.memory_space<hbm>> -> memref<128x32xf32, #tpu.memory_space<hbm>>
        %dma_wait3A_416 = arith.constant 0 : i32
        %dma_wait3A_417 = arith.constant 0 : i32
        %dma_wait3A_418 = tpu.memref_slice %arg6[%dma_wait3A_416, %dma_wait3A_417] : memref<1024x32xf32, #tpu.memory_space<vmem>> -> memref<128x32xf32, #tpu.memory_space<vmem>>
        tpu.wait_dma2 semaphore(%arg8 : memref<!tpu.dma_semaphore, #tpu.memory_space<semaphore_mem>>) src(%dma_wait3A_418 : memref<128x32xf32, #tpu.memory_space<vmem>>) dst(%dma_wait3A_415 : memref<128x32xf32, #tpu.memory_space<hbm>>)
      } else {
      }
      %sub3A_94 = arith.constant 32 : i32
      %sub3A_95 = arith.subi %add3A_80, %sub3A_94 : i32
      %mul3A_96 = arith.constant 8 : i32
      %mul3A_97 = arith.muli %sub3A_95, %mul3A_96 : i32
      %add3A_98 = arith.constant 1 : i32
      %add3A_99 = arith.addi %mul3A_97, %add3A_98 : i32
      %gt3A_100 = arith.constant 0 : i32
      %gt3A_101 = arith.cmpi sgt, %scan3A_77, %gt3A_100 : i32
      %lt3A_102 = arith.constant 1280 : i32
      %lt3A_103 = arith.cmpi slt, %add3A_99, %lt3A_102 : i32
      %and3A_104 = arith.andi %gt3A_101, %lt3A_103 : i1
      %convert_element_type3A_105 = arith.extui %and3A_104 : i1 to i32
      %cond3A_106 = arith.constant 0 : i32
      %cond3A_107 = arith.cmpi ne, %convert_element_type3A_105, %cond3A_106 : i32
      scf.if %cond3A_107 {
        %mul3A_408 = arith.constant 128 : i32
        %mul3A_409 = arith.muli %add3A_99, %mul3A_408 : i32
        %dma_wait3A = arith.constant 128 : i32
        %dma_wait3A_410 = arith.constant 0 : i32
        %dma_wait3A_411 = tpu.memref_slice %arg6[%dma_wait3A, %dma_wait3A_410] : memref<1024x32xf32, #tpu.memory_space<vmem>> -> memref<128x32xf32, #tpu.memory_space<vmem>>
        %dma_wait3A_412 = arith.constant 0 : i32
        %dma_wait3A_413 = tpu.memref_slice %arg4[%mul3A_409, %dma_wait3A_412] : memref<163840x32xf32, #tpu.memory_space<hbm>> -> memref<128x32xf32, #tpu.memory_space<hbm>>
        %dma_wait3A_414 = arith.constant 0 : i32
        %dma_wait3A_415 = tpu.memref_slice %arg4[%mul3A_409, %dma_wait3A_414] : memref<163840x32xf32, #tpu.memory_space<hbm>> -> memref<128x32xf32, #tpu.memory_space<hbm>>
        %dma_wait3A_416 = arith.constant 128 : i32
        %dma_wait3A_417 = arith.constant 0 : i32
        %dma_wait3A_418 = tpu.memref_slice %arg6[%dma_wait3A_416, %dma_wait3A_417] : memref<1024x32xf32, #tpu.memory_space<vmem>> -> memref<128x32xf32, #tpu.memory_space<vmem>>
        tpu.wait_dma2 semaphore(%arg8 : memref<!tpu.dma_semaphore, #tpu.memory_space<semaphore_mem>>) src(%dma_wait3A_418 : memref<128x32xf32, #tpu.memory_space<vmem>>) dst(%dma_wait3A_415 : memref<128x32xf32, #tpu.memory_space<hbm>>)
      } else {
      }
      %sub3A_108 = arith.constant 32 : i32
      %sub3A_109 = arith.subi %add3A_80, %sub3A_108 : i32
      %mul3A_110 = arith.constant 8 : i32
      %mul3A_111 = arith.muli %sub3A_109, %mul3A_110 : i32
      %add3A_112 = arith.constant 2 : i32
      %add3A_113 = arith.addi %mul3A_111, %add3A_112 : i32
      %gt3A_114 = arith.constant 0 : i32
      %gt3A_115 = arith.cmpi sgt, %scan3A_77, %gt3A_114 : i32
      %lt3A_116 = arith.constant 1280 : i32
      %lt3A_117 = arith.cmpi slt, %add3A_113, %lt3A_116 : i32
      %and3A_118 = arith.andi %gt3A_115, %lt3A_117 : i1
      %convert_element_type3A_119 = arith.extui %and3A_118 : i1 to i32
      %cond3A_120 = arith.constant 0 : i32
      %cond3A_121 = arith.cmpi ne, %convert_element_type3A_119, %cond3A_120 : i32
      scf.if %cond3A_121 {
        %mul3A_408 = arith.constant 128 : i32
        %mul3A_409 = arith.muli %add3A_113, %mul3A_408 : i32
        %dma_wait3A = arith.constant 256 : i32
        %dma_wait3A_410 = arith.constant 0 : i32
        %dma_wait3A_411 = tpu.memref_slice %arg6[%dma_wait3A, %dma_wait3A_410] : memref<1024x32xf32, #tpu.memory_space<vmem>> -> memref<128x32xf32, #tpu.memory_space<vmem>>
        %dma_wait3A_412 = arith.constant 0 : i32
        %dma_wait3A_413 = tpu.memref_slice %arg4[%mul3A_409, %dma_wait3A_412] : memref<163840x32xf32, #tpu.memory_space<hbm>> -> memref<128x32xf32, #tpu.memory_space<hbm>>
        %dma_wait3A_414 = arith.constant 0 : i32
        %dma_wait3A_415 = tpu.memref_slice %arg4[%mul3A_409, %dma_wait3A_414] : memref<163840x32xf32, #tpu.memory_space<hbm>> -> memref<128x32xf32, #tpu.memory_space<hbm>>
        %dma_wait3A_416 = arith.constant 256 : i32
        %dma_wait3A_417 = arith.constant 0 : i32
        %dma_wait3A_418 = tpu.memref_slice %arg6[%dma_wait3A_416, %dma_wait3A_417] : memref<1024x32xf32, #tpu.memory_space<vmem>> -> memref<128x32xf32, #tpu.memory_space<vmem>>
        tpu.wait_dma2 semaphore(%arg8 : memref<!tpu.dma_semaphore, #tpu.memory_space<semaphore_mem>>) src(%dma_wait3A_418 : memref<128x32xf32, #tpu.memory_space<vmem>>) dst(%dma_wait3A_415 : memref<128x32xf32, #tpu.memory_space<hbm>>)
      } else {
      }
      %sub3A_122 = arith.constant 32 : i32
      %sub3A_123 = arith.subi %add3A_80, %sub3A_122 : i32
      %mul3A_124 = arith.constant 8 : i32
      %mul3A_125 = arith.muli %sub3A_123, %mul3A_124 : i32
      %add3A_126 = arith.constant 3 : i32
      %add3A_127 = arith.addi %mul3A_125, %add3A_126 : i32
      %gt3A_128 = arith.constant 0 : i32
      %gt3A_129 = arith.cmpi sgt, %scan3A_77, %gt3A_128 : i32
      %lt3A_130 = arith.constant 1280 : i32
      %lt3A_131 = arith.cmpi slt, %add3A_127, %lt3A_130 : i32
      %and3A_132 = arith.andi %gt3A_129, %lt3A_131 : i1
      %convert_element_type3A_133 = arith.extui %and3A_132 : i1 to i32
      %cond3A_134 = arith.constant 0 : i32
      %cond3A_135 = arith.cmpi ne, %convert_element_type3A_133, %cond3A_134 : i32
      scf.if %cond3A_135 {
        %mul3A_408 = arith.constant 128 : i32
        %mul3A_409 = arith.muli %add3A_127, %mul3A_408 : i32
        %dma_wait3A = arith.constant 384 : i32
        %dma_wait3A_410 = arith.constant 0 : i32
        %dma_wait3A_411 = tpu.memref_slice %arg6[%dma_wait3A, %dma_wait3A_410] : memref<1024x32xf32, #tpu.memory_space<vmem>> -> memref<128x32xf32, #tpu.memory_space<vmem>>
        %dma_wait3A_412 = arith.constant 0 : i32
        %dma_wait3A_413 = tpu.memref_slice %arg4[%mul3A_409, %dma_wait3A_412] : memref<163840x32xf32, #tpu.memory_space<hbm>> -> memref<128x32xf32, #tpu.memory_space<hbm>>
        %dma_wait3A_414 = arith.constant 0 : i32
        %dma_wait3A_415 = tpu.memref_slice %arg4[%mul3A_409, %dma_wait3A_414] : memref<163840x32xf32, #tpu.memory_space<hbm>> -> memref<128x32xf32, #tpu.memory_space<hbm>>
        %dma_wait3A_416 = arith.constant 384 : i32
        %dma_wait3A_417 = arith.constant 0 : i32
        %dma_wait3A_418 = tpu.memref_slice %arg6[%dma_wait3A_416, %dma_wait3A_417] : memref<1024x32xf32, #tpu.memory_space<vmem>> -> memref<128x32xf32, #tpu.memory_space<vmem>>
        tpu.wait_dma2 semaphore(%arg8 : memref<!tpu.dma_semaphore, #tpu.memory_space<semaphore_mem>>) src(%dma_wait3A_418 : memref<128x32xf32, #tpu.memory_space<vmem>>) dst(%dma_wait3A_415 : memref<128x32xf32, #tpu.memory_space<hbm>>)
      } else {
      }
      %sub3A_136 = arith.constant 32 : i32
      %sub3A_137 = arith.subi %add3A_80, %sub3A_136 : i32
      %mul3A_138 = arith.constant 8 : i32
      %mul3A_139 = arith.muli %sub3A_137, %mul3A_138 : i32
      %add3A_140 = arith.constant 4 : i32
      %add3A_141 = arith.addi %mul3A_139, %add3A_140 : i32
      %gt3A_142 = arith.constant 0 : i32
      %gt3A_143 = arith.cmpi sgt, %scan3A_77, %gt3A_142 : i32
      %lt3A_144 = arith.constant 1280 : i32
      %lt3A_145 = arith.cmpi slt, %add3A_141, %lt3A_144 : i32
      %and3A_146 = arith.andi %gt3A_143, %lt3A_145 : i1
      %convert_element_type3A_147 = arith.extui %and3A_146 : i1 to i32
      %cond3A_148 = arith.constant 0 : i32
      %cond3A_149 = arith.cmpi ne, %convert_element_type3A_147, %cond3A_148 : i32
      scf.if %cond3A_149 {
        %mul3A_408 = arith.constant 128 : i32
        %mul3A_409 = arith.muli %add3A_141, %mul3A_408 : i32
        %dma_wait3A = arith.constant 512 : i32
        %dma_wait3A_410 = arith.constant 0 : i32
        %dma_wait3A_411 = tpu.memref_slice %arg6[%dma_wait3A, %dma_wait3A_410] : memref<1024x32xf32, #tpu.memory_space<vmem>> -> memref<128x32xf32, #tpu.memory_space<vmem>>
        %dma_wait3A_412 = arith.constant 0 : i32
        %dma_wait3A_413 = tpu.memref_slice %arg4[%mul3A_409, %dma_wait3A_412] : memref<163840x32xf32, #tpu.memory_space<hbm>> -> memref<128x32xf32, #tpu.memory_space<hbm>>
        %dma_wait3A_414 = arith.constant 0 : i32
        %dma_wait3A_415 = tpu.memref_slice %arg4[%mul3A_409, %dma_wait3A_414] : memref<163840x32xf32, #tpu.memory_space<hbm>> -> memref<128x32xf32, #tpu.memory_space<hbm>>
        %dma_wait3A_416 = arith.constant 512 : i32
        %dma_wait3A_417 = arith.constant 0 : i32
        %dma_wait3A_418 = tpu.memref_slice %arg6[%dma_wait3A_416, %dma_wait3A_417] : memref<1024x32xf32, #tpu.memory_space<vmem>> -> memref<128x32xf32, #tpu.memory_space<vmem>>
        tpu.wait_dma2 semaphore(%arg8 : memref<!tpu.dma_semaphore, #tpu.memory_space<semaphore_mem>>) src(%dma_wait3A_418 : memref<128x32xf32, #tpu.memory_space<vmem>>) dst(%dma_wait3A_415 : memref<128x32xf32, #tpu.memory_space<hbm>>)
      } else {
      }
      %sub3A_150 = arith.constant 32 : i32
      %sub3A_151 = arith.subi %add3A_80, %sub3A_150 : i32
      %mul3A_152 = arith.constant 8 : i32
      %mul3A_153 = arith.muli %sub3A_151, %mul3A_152 : i32
      %add3A_154 = arith.constant 5 : i32
      %add3A_155 = arith.addi %mul3A_153, %add3A_154 : i32
      %gt3A_156 = arith.constant 0 : i32
      %gt3A_157 = arith.cmpi sgt, %scan3A_77, %gt3A_156 : i32
      %lt3A_158 = arith.constant 1280 : i32
      %lt3A_159 = arith.cmpi slt, %add3A_155, %lt3A_158 : i32
      %and3A_160 = arith.andi %gt3A_157, %lt3A_159 : i1
      %convert_element_type3A_161 = arith.extui %and3A_160 : i1 to i32
      %cond3A_162 = arith.constant 0 : i32
      %cond3A_163 = arith.cmpi ne, %convert_element_type3A_161, %cond3A_162 : i32
      scf.if %cond3A_163 {
        %mul3A_408 = arith.constant 128 : i32
        %mul3A_409 = arith.muli %add3A_155, %mul3A_408 : i32
        %dma_wait3A = arith.constant 640 : i32
        %dma_wait3A_410 = arith.constant 0 : i32
        %dma_wait3A_411 = tpu.memref_slice %arg6[%dma_wait3A, %dma_wait3A_410] : memref<1024x32xf32, #tpu.memory_space<vmem>> -> memref<128x32xf32, #tpu.memory_space<vmem>>
        %dma_wait3A_412 = arith.constant 0 : i32
        %dma_wait3A_413 = tpu.memref_slice %arg4[%mul3A_409, %dma_wait3A_412] : memref<163840x32xf32, #tpu.memory_space<hbm>> -> memref<128x32xf32, #tpu.memory_space<hbm>>
        %dma_wait3A_414 = arith.constant 0 : i32
        %dma_wait3A_415 = tpu.memref_slice %arg4[%mul3A_409, %dma_wait3A_414] : memref<163840x32xf32, #tpu.memory_space<hbm>> -> memref<128x32xf32, #tpu.memory_space<hbm>>
        %dma_wait3A_416 = arith.constant 640 : i32
        %dma_wait3A_417 = arith.constant 0 : i32
        %dma_wait3A_418 = tpu.memref_slice %arg6[%dma_wait3A_416, %dma_wait3A_417] : memref<1024x32xf32, #tpu.memory_space<vmem>> -> memref<128x32xf32, #tpu.memory_space<vmem>>
        tpu.wait_dma2 semaphore(%arg8 : memref<!tpu.dma_semaphore, #tpu.memory_space<semaphore_mem>>) src(%dma_wait3A_418 : memref<128x32xf32, #tpu.memory_space<vmem>>) dst(%dma_wait3A_415 : memref<128x32xf32, #tpu.memory_space<hbm>>)
      } else {
      }
      %sub3A_164 = arith.constant 32 : i32
      %sub3A_165 = arith.subi %add3A_80, %sub3A_164 : i32
      %mul3A_166 = arith.constant 8 : i32
      %mul3A_167 = arith.muli %sub3A_165, %mul3A_166 : i32
      %add3A_168 = arith.constant 6 : i32
      %add3A_169 = arith.addi %mul3A_167, %add3A_168 : i32
      %gt3A_170 = arith.constant 0 : i32
      %gt3A_171 = arith.cmpi sgt, %scan3A_77, %gt3A_170 : i32
      %lt3A_172 = arith.constant 1280 : i32
      %lt3A_173 = arith.cmpi slt, %add3A_169, %lt3A_172 : i32
      %and3A_174 = arith.andi %gt3A_171, %lt3A_173 : i1
      %convert_element_type3A_175 = arith.extui %and3A_174 : i1 to i32
      %cond3A_176 = arith.constant 0 : i32
      %cond3A_177 = arith.cmpi ne, %convert_element_type3A_175, %cond3A_176 : i32
      scf.if %cond3A_177 {
        %mul3A_408 = arith.constant 128 : i32
        %mul3A_409 = arith.muli %add3A_169, %mul3A_408 : i32
        %dma_wait3A = arith.constant 768 : i32
        %dma_wait3A_410 = arith.constant 0 : i32
        %dma_wait3A_411 = tpu.memref_slice %arg6[%dma_wait3A, %dma_wait3A_410] : memref<1024x32xf32, #tpu.memory_space<vmem>> -> memref<128x32xf32, #tpu.memory_space<vmem>>
        %dma_wait3A_412 = arith.constant 0 : i32
        %dma_wait3A_413 = tpu.memref_slice %arg4[%mul3A_409, %dma_wait3A_412] : memref<163840x32xf32, #tpu.memory_space<hbm>> -> memref<128x32xf32, #tpu.memory_space<hbm>>
        %dma_wait3A_414 = arith.constant 0 : i32
        %dma_wait3A_415 = tpu.memref_slice %arg4[%mul3A_409, %dma_wait3A_414] : memref<163840x32xf32, #tpu.memory_space<hbm>> -> memref<128x32xf32, #tpu.memory_space<hbm>>
        %dma_wait3A_416 = arith.constant 768 : i32
        %dma_wait3A_417 = arith.constant 0 : i32
        %dma_wait3A_418 = tpu.memref_slice %arg6[%dma_wait3A_416, %dma_wait3A_417] : memref<1024x32xf32, #tpu.memory_space<vmem>> -> memref<128x32xf32, #tpu.memory_space<vmem>>
        tpu.wait_dma2 semaphore(%arg8 : memref<!tpu.dma_semaphore, #tpu.memory_space<semaphore_mem>>) src(%dma_wait3A_418 : memref<128x32xf32, #tpu.memory_space<vmem>>) dst(%dma_wait3A_415 : memref<128x32xf32, #tpu.memory_space<hbm>>)
      } else {
      }
      %sub3A_178 = arith.constant 32 : i32
      %sub3A_179 = arith.subi %add3A_80, %sub3A_178 : i32
      %mul3A_180 = arith.constant 8 : i32
      %mul3A_181 = arith.muli %sub3A_179, %mul3A_180 : i32
      %add3A_182 = arith.constant 7 : i32
      %add3A_183 = arith.addi %mul3A_181, %add3A_182 : i32
      %gt3A_184 = arith.constant 0 : i32
      %gt3A_185 = arith.cmpi sgt, %scan3A_77, %gt3A_184 : i32
      %lt3A_186 = arith.constant 1280 : i32
      %lt3A_187 = arith.cmpi slt, %add3A_183, %lt3A_186 : i32
      %and3A_188 = arith.andi %gt3A_185, %lt3A_187 : i1
      %convert_element_type3A_189 = arith.extui %and3A_188 : i1 to i32
      %cond3A_190 = arith.constant 0 : i32
      %cond3A_191 = arith.cmpi ne, %convert_element_type3A_189, %cond3A_190 : i32
      scf.if %cond3A_191 {
        %mul3A_408 = arith.constant 128 : i32
        %mul3A_409 = arith.muli %add3A_183, %mul3A_408 : i32
        %dma_wait3A = arith.constant 896 : i32
        %dma_wait3A_410 = arith.constant 0 : i32
        %dma_wait3A_411 = tpu.memref_slice %arg6[%dma_wait3A, %dma_wait3A_410] : memref<1024x32xf32, #tpu.memory_space<vmem>> -> memref<128x32xf32, #tpu.memory_space<vmem>>
        %dma_wait3A_412 = arith.constant 0 : i32
        %dma_wait3A_413 = tpu.memref_slice %arg4[%mul3A_409, %dma_wait3A_412] : memref<163840x32xf32, #tpu.memory_space<hbm>> -> memref<128x32xf32, #tpu.memory_space<hbm>>
        %dma_wait3A_414 = arith.constant 0 : i32
        %dma_wait3A_415 = tpu.memref_slice %arg4[%mul3A_409, %dma_wait3A_414] : memref<163840x32xf32, #tpu.memory_space<hbm>> -> memref<128x32xf32, #tpu.memory_space<hbm>>
        %dma_wait3A_416 = arith.constant 896 : i32
        %dma_wait3A_417 = arith.constant 0 : i32
        %dma_wait3A_418 = tpu.memref_slice %arg6[%dma_wait3A_416, %dma_wait3A_417] : memref<1024x32xf32, #tpu.memory_space<vmem>> -> memref<128x32xf32, #tpu.memory_space<vmem>>
        tpu.wait_dma2 semaphore(%arg8 : memref<!tpu.dma_semaphore, #tpu.memory_space<semaphore_mem>>) src(%dma_wait3A_418 : memref<128x32xf32, #tpu.memory_space<vmem>>) dst(%dma_wait3A_415 : memref<128x32xf32, #tpu.memory_space<hbm>>)
      } else {
      }
      %mul3A_192 = arith.constant 8 : i32
      %mul3A_193 = arith.muli %add3A_80, %mul3A_192 : i32
      %add3A_194 = arith.constant 0 : i32
      %add3A_195 = arith.addi %mul3A_193, %add3A_194 : i32
      %lt3A_196 = arith.constant 1280 : i32
      %lt3A_197 = arith.cmpi slt, %add3A_195, %lt3A_196 : i32
      %convert_element_type3A_198 = arith.extui %lt3A_197 : i1 to i32
      %cond3A_199 = arith.constant 0 : i32
      %cond3A_200 = arith.cmpi ne, %convert_element_type3A_198, %cond3A_199 : i32
      scf.if %cond3A_200 {
        %dma_start3A = arith.constant 0 : i32
        %dma_start3A_408 = arith.constant 0 : i32
        %dma_start3A_409 = arith.constant 0 : i32
        %dma_start3A_410 = tpu.memref_slice %arg6[%dma_start3A_408, %dma_start3A_409] : memref<1024x32xf32, #tpu.memory_space<vmem>> -> memref<128x32xf32, #tpu.memory_space<vmem>>
        %dma_start3A_411 = arith.constant 0 : i32
        %dma_start3A_412 = tpu.memref_slice %arg5[%dma_start3A, %dma_start3A_411] : memref<8x128xi32, #tpu.memory_space<vmem>> -> memref<1x128xi32, #tpu.memory_space<vmem>>
        %dma_start3A_413 = tpu.memref_squeeze %dma_start3A_412 : memref<1x128xi32, #tpu.memory_space<vmem>> -> memref<128xi32, #tpu.memory_space<vmem>>
        %dma_start3A_414 = arith.constant 0 : i32
        %dma_start3A_415 = arith.constant 0 : i32
        %dma_start3A_416 = tpu.memref_slice %arg2[%dma_start3A_414, %dma_start3A_415] : memref<10000x32xf32, #tpu.memory_space<hbm>> -> memref<10000x32xf32, #tpu.memory_space<hbm>>
        tpu.enqueue_indirect_dma source(%dma_start3A_416 : memref<10000x32xf32, #tpu.memory_space<hbm>>) target(%dma_start3A_410 : memref<128x32xf32, #tpu.memory_space<vmem>>) offsets(%dma_start3A_413 : memref<128xi32, #tpu.memory_space<vmem>>) semaphore(%arg7 : memref<!tpu.dma_semaphore, #tpu.memory_space<semaphore_mem>>)
      } else {
      }
      %mul3A_201 = arith.constant 8 : i32
      %mul3A_202 = arith.muli %add3A_80, %mul3A_201 : i32
      %add3A_203 = arith.constant 1 : i32
      %add3A_204 = arith.addi %mul3A_202, %add3A_203 : i32
      %lt3A_205 = arith.constant 1280 : i32
      %lt3A_206 = arith.cmpi slt, %add3A_204, %lt3A_205 : i32
      %convert_element_type3A_207 = arith.extui %lt3A_206 : i1 to i32
      %cond3A_208 = arith.constant 0 : i32
      %cond3A_209 = arith.cmpi ne, %convert_element_type3A_207, %cond3A_208 : i32
      scf.if %cond3A_209 {
        %dma_start3A = arith.constant 1 : i32
        %dma_start3A_408 = arith.constant 128 : i32
        %dma_start3A_409 = arith.constant 0 : i32
        %dma_start3A_410 = tpu.memref_slice %arg6[%dma_start3A_408, %dma_start3A_409] : memref<1024x32xf32, #tpu.memory_space<vmem>> -> memref<128x32xf32, #tpu.memory_space<vmem>>
        %dma_start3A_411 = arith.constant 0 : i32
        %dma_start3A_412 = tpu.memref_slice %arg5[%dma_start3A, %dma_start3A_411] : memref<8x128xi32, #tpu.memory_space<vmem>> -> memref<1x128xi32, #tpu.memory_space<vmem>>
        %dma_start3A_413 = tpu.memref_squeeze %dma_start3A_412 : memref<1x128xi32, #tpu.memory_space<vmem>> -> memref<128xi32, #tpu.memory_space<vmem>>
        %dma_start3A_414 = arith.constant 0 : i32
        %dma_start3A_415 = arith.constant 0 : i32
        %dma_start3A_416 = tpu.memref_slice %arg2[%dma_start3A_414, %dma_start3A_415] : memref<10000x32xf32, #tpu.memory_space<hbm>> -> memref<10000x32xf32, #tpu.memory_space<hbm>>
        tpu.enqueue_indirect_dma source(%dma_start3A_416 : memref<10000x32xf32, #tpu.memory_space<hbm>>) target(%dma_start3A_410 : memref<128x32xf32, #tpu.memory_space<vmem>>) offsets(%dma_start3A_413 : memref<128xi32, #tpu.memory_space<vmem>>) semaphore(%arg7 : memref<!tpu.dma_semaphore, #tpu.memory_space<semaphore_mem>>)
      } else {
      }
      %mul3A_210 = arith.constant 8 : i32
      %mul3A_211 = arith.muli %add3A_80, %mul3A_210 : i32
      %add3A_212 = arith.constant 2 : i32
      %add3A_213 = arith.addi %mul3A_211, %add3A_212 : i32
      %lt3A_214 = arith.constant 1280 : i32
      %lt3A_215 = arith.cmpi slt, %add3A_213, %lt3A_214 : i32
      %convert_element_type3A_216 = arith.extui %lt3A_215 : i1 to i32
      %cond3A_217 = arith.constant 0 : i32
      %cond3A_218 = arith.cmpi ne, %convert_element_type3A_216, %cond3A_217 : i32
      scf.if %cond3A_218 {
        %dma_start3A = arith.constant 2 : i32
        %dma_start3A_408 = arith.constant 256 : i32
        %dma_start3A_409 = arith.constant 0 : i32
        %dma_start3A_410 = tpu.memref_slice %arg6[%dma_start3A_408, %dma_start3A_409] : memref<1024x32xf32, #tpu.memory_space<vmem>> -> memref<128x32xf32, #tpu.memory_space<vmem>>
        %dma_start3A_411 = arith.constant 0 : i32
        %dma_start3A_412 = tpu.memref_slice %arg5[%dma_start3A, %dma_start3A_411] : memref<8x128xi32, #tpu.memory_space<vmem>> -> memref<1x128xi32, #tpu.memory_space<vmem>>
        %dma_start3A_413 = tpu.memref_squeeze %dma_start3A_412 : memref<1x128xi32, #tpu.memory_space<vmem>> -> memref<128xi32, #tpu.memory_space<vmem>>
        %dma_start3A_414 = arith.constant 0 : i32
        %dma_start3A_415 = arith.constant 0 : i32
        %dma_start3A_416 = tpu.memref_slice %arg2[%dma_start3A_414, %dma_start3A_415] : memref<10000x32xf32, #tpu.memory_space<hbm>> -> memref<10000x32xf32, #tpu.memory_space<hbm>>
        tpu.enqueue_indirect_dma source(%dma_start3A_416 : memref<10000x32xf32, #tpu.memory_space<hbm>>) target(%dma_start3A_410 : memref<128x32xf32, #tpu.memory_space<vmem>>) offsets(%dma_start3A_413 : memref<128xi32, #tpu.memory_space<vmem>>) semaphore(%arg7 : memref<!tpu.dma_semaphore, #tpu.memory_space<semaphore_mem>>)
      } else {
      }
      %mul3A_219 = arith.constant 8 : i32
      %mul3A_220 = arith.muli %add3A_80, %mul3A_219 : i32
      %add3A_221 = arith.constant 3 : i32
      %add3A_222 = arith.addi %mul3A_220, %add3A_221 : i32
      %lt3A_223 = arith.constant 1280 : i32
      %lt3A_224 = arith.cmpi slt, %add3A_222, %lt3A_223 : i32
      %convert_element_type3A_225 = arith.extui %lt3A_224 : i1 to i32
      %cond3A_226 = arith.constant 0 : i32
      %cond3A_227 = arith.cmpi ne, %convert_element_type3A_225, %cond3A_226 : i32
      scf.if %cond3A_227 {
        %dma_start3A = arith.constant 3 : i32
        %dma_start3A_408 = arith.constant 384 : i32
        %dma_start3A_409 = arith.constant 0 : i32
        %dma_start3A_410 = tpu.memref_slice %arg6[%dma_start3A_408, %dma_start3A_409] : memref<1024x32xf32, #tpu.memory_space<vmem>> -> memref<128x32xf32, #tpu.memory_space<vmem>>
        %dma_start3A_411 = arith.constant 0 : i32
        %dma_start3A_412 = tpu.memref_slice %arg5[%dma_start3A, %dma_start3A_411] : memref<8x128xi32, #tpu.memory_space<vmem>> -> memref<1x128xi32, #tpu.memory_space<vmem>>
        %dma_start3A_413 = tpu.memref_squeeze %dma_start3A_412 : memref<1x128xi32, #tpu.memory_space<vmem>> -> memref<128xi32, #tpu.memory_space<vmem>>
        %dma_start3A_414 = arith.constant 0 : i32
        %dma_start3A_415 = arith.constant 0 : i32
        %dma_start3A_416 = tpu.memref_slice %arg2[%dma_start3A_414, %dma_start3A_415] : memref<10000x32xf32, #tpu.memory_space<hbm>> -> memref<10000x32xf32, #tpu.memory_space<hbm>>
        tpu.enqueue_indirect_dma source(%dma_start3A_416 : memref<10000x32xf32, #tpu.memory_space<hbm>>) target(%dma_start3A_410 : memref<128x32xf32, #tpu.memory_space<vmem>>) offsets(%dma_start3A_413 : memref<128xi32, #tpu.memory_space<vmem>>) semaphore(%arg7 : memref<!tpu.dma_semaphore, #tpu.memory_space<semaphore_mem>>)
      } else {
      }
      %mul3A_228 = arith.constant 8 : i32
      %mul3A_229 = arith.muli %add3A_80, %mul3A_228 : i32
      %add3A_230 = arith.constant 4 : i32
      %add3A_231 = arith.addi %mul3A_229, %add3A_230 : i32
      %lt3A_232 = arith.constant 1280 : i32
      %lt3A_233 = arith.cmpi slt, %add3A_231, %lt3A_232 : i32
      %convert_element_type3A_234 = arith.extui %lt3A_233 : i1 to i32
      %cond3A_235 = arith.constant 0 : i32
      %cond3A_236 = arith.cmpi ne, %convert_element_type3A_234, %cond3A_235 : i32
      scf.if %cond3A_236 {
        %dma_start3A = arith.constant 4 : i32
        %dma_start3A_408 = arith.constant 512 : i32
        %dma_start3A_409 = arith.constant 0 : i32
        %dma_start3A_410 = tpu.memref_slice %arg6[%dma_start3A_408, %dma_start3A_409] : memref<1024x32xf32, #tpu.memory_space<vmem>> -> memref<128x32xf32, #tpu.memory_space<vmem>>
        %dma_start3A_411 = arith.constant 0 : i32
        %dma_start3A_412 = tpu.memref_slice %arg5[%dma_start3A, %dma_start3A_411] : memref<8x128xi32, #tpu.memory_space<vmem>> -> memref<1x128xi32, #tpu.memory_space<vmem>>
        %dma_start3A_413 = tpu.memref_squeeze %dma_start3A_412 : memref<1x128xi32, #tpu.memory_space<vmem>> -> memref<128xi32, #tpu.memory_space<vmem>>
        %dma_start3A_414 = arith.constant 0 : i32
        %dma_start3A_415 = arith.constant 0 : i32
        %dma_start3A_416 = tpu.memref_slice %arg2[%dma_start3A_414, %dma_start3A_415] : memref<10000x32xf32, #tpu.memory_space<hbm>> -> memref<10000x32xf32, #tpu.memory_space<hbm>>
        tpu.enqueue_indirect_dma source(%dma_start3A_416 : memref<10000x32xf32, #tpu.memory_space<hbm>>) target(%dma_start3A_410 : memref<128x32xf32, #tpu.memory_space<vmem>>) offsets(%dma_start3A_413 : memref<128xi32, #tpu.memory_space<vmem>>) semaphore(%arg7 : memref<!tpu.dma_semaphore, #tpu.memory_space<semaphore_mem>>)
      } else {
      }
      %mul3A_237 = arith.constant 8 : i32
      %mul3A_238 = arith.muli %add3A_80, %mul3A_237 : i32
      %add3A_239 = arith.constant 5 : i32
      %add3A_240 = arith.addi %mul3A_238, %add3A_239 : i32
      %lt3A_241 = arith.constant 1280 : i32
      %lt3A_242 = arith.cmpi slt, %add3A_240, %lt3A_241 : i32
      %convert_element_type3A_243 = arith.extui %lt3A_242 : i1 to i32
      %cond3A_244 = arith.constant 0 : i32
      %cond3A_245 = arith.cmpi ne, %convert_element_type3A_243, %cond3A_244 : i32
      scf.if %cond3A_245 {
        %dma_start3A = arith.constant 5 : i32
        %dma_start3A_408 = arith.constant 640 : i32
        %dma_start3A_409 = arith.constant 0 : i32
        %dma_start3A_410 = tpu.memref_slice %arg6[%dma_start3A_408, %dma_start3A_409] : memref<1024x32xf32, #tpu.memory_space<vmem>> -> memref<128x32xf32, #tpu.memory_space<vmem>>
        %dma_start3A_411 = arith.constant 0 : i32
        %dma_start3A_412 = tpu.memref_slice %arg5[%dma_start3A, %dma_start3A_411] : memref<8x128xi32, #tpu.memory_space<vmem>> -> memref<1x128xi32, #tpu.memory_space<vmem>>
        %dma_start3A_413 = tpu.memref_squeeze %dma_start3A_412 : memref<1x128xi32, #tpu.memory_space<vmem>> -> memref<128xi32, #tpu.memory_space<vmem>>
        %dma_start3A_414 = arith.constant 0 : i32
        %dma_start3A_415 = arith.constant 0 : i32
        %dma_start3A_416 = tpu.memref_slice %arg2[%dma_start3A_414, %dma_start3A_415] : memref<10000x32xf32, #tpu.memory_space<hbm>> -> memref<10000x32xf32, #tpu.memory_space<hbm>>
        tpu.enqueue_indirect_dma source(%dma_start3A_416 : memref<10000x32xf32, #tpu.memory_space<hbm>>) target(%dma_start3A_410 : memref<128x32xf32, #tpu.memory_space<vmem>>) offsets(%dma_start3A_413 : memref<128xi32, #tpu.memory_space<vmem>>) semaphore(%arg7 : memref<!tpu.dma_semaphore, #tpu.memory_space<semaphore_mem>>)
      } else {
      }
      %mul3A_246 = arith.constant 8 : i32
      %mul3A_247 = arith.muli %add3A_80, %mul3A_246 : i32
      %add3A_248 = arith.constant 6 : i32
      %add3A_249 = arith.addi %mul3A_247, %add3A_248 : i32
      %lt3A_250 = arith.constant 1280 : i32
      %lt3A_251 = arith.cmpi slt, %add3A_249, %lt3A_250 : i32
      %convert_element_type3A_252 = arith.extui %lt3A_251 : i1 to i32
      %cond3A_253 = arith.constant 0 : i32
      %cond3A_254 = arith.cmpi ne, %convert_element_type3A_252, %cond3A_253 : i32
      scf.if %cond3A_254 {
        %dma_start3A = arith.constant 6 : i32
        %dma_start3A_408 = arith.constant 768 : i32
        %dma_start3A_409 = arith.constant 0 : i32
        %dma_start3A_410 = tpu.memref_slice %arg6[%dma_start3A_408, %dma_start3A_409] : memref<1024x32xf32, #tpu.memory_space<vmem>> -> memref<128x32xf32, #tpu.memory_space<vmem>>
        %dma_start3A_411 = arith.constant 0 : i32
        %dma_start3A_412 = tpu.memref_slice %arg5[%dma_start3A, %dma_start3A_411] : memref<8x128xi32, #tpu.memory_space<vmem>> -> memref<1x128xi32, #tpu.memory_space<vmem>>
        %dma_start3A_413 = tpu.memref_squeeze %dma_start3A_412 : memref<1x128xi32, #tpu.memory_space<vmem>> -> memref<128xi32, #tpu.memory_space<vmem>>
        %dma_start3A_414 = arith.constant 0 : i32
        %dma_start3A_415 = arith.constant 0 : i32
        %dma_start3A_416 = tpu.memref_slice %arg2[%dma_start3A_414, %dma_start3A_415] : memref<10000x32xf32, #tpu.memory_space<hbm>> -> memref<10000x32xf32, #tpu.memory_space<hbm>>
        tpu.enqueue_indirect_dma source(%dma_start3A_416 : memref<10000x32xf32, #tpu.memory_space<hbm>>) target(%dma_start3A_410 : memref<128x32xf32, #tpu.memory_space<vmem>>) offsets(%dma_start3A_413 : memref<128xi32, #tpu.memory_space<vmem>>) semaphore(%arg7 : memref<!tpu.dma_semaphore, #tpu.memory_space<semaphore_mem>>)
      } else {
      }
      %mul3A_255 = arith.constant 8 : i32
      %mul3A_256 = arith.muli %add3A_80, %mul3A_255 : i32
      %add3A_257 = arith.constant 7 : i32
      %add3A_258 = arith.addi %mul3A_256, %add3A_257 : i32
      %lt3A_259 = arith.constant 1280 : i32
      %lt3A_260 = arith.cmpi slt, %add3A_258, %lt3A_259 : i32
      %convert_element_type3A_261 = arith.extui %lt3A_260 : i1 to i32
      %cond3A_262 = arith.constant 0 : i32
      %cond3A_263 = arith.cmpi ne, %convert_element_type3A_261, %cond3A_262 : i32
      scf.if %cond3A_263 {
        %dma_start3A = arith.constant 7 : i32
        %dma_start3A_408 = arith.constant 896 : i32
        %dma_start3A_409 = arith.constant 0 : i32
        %dma_start3A_410 = tpu.memref_slice %arg6[%dma_start3A_408, %dma_start3A_409] : memref<1024x32xf32, #tpu.memory_space<vmem>> -> memref<128x32xf32, #tpu.memory_space<vmem>>
        %dma_start3A_411 = arith.constant 0 : i32
        %dma_start3A_412 = tpu.memref_slice %arg5[%dma_start3A, %dma_start3A_411] : memref<8x128xi32, #tpu.memory_space<vmem>> -> memref<1x128xi32, #tpu.memory_space<vmem>>
        %dma_start3A_413 = tpu.memref_squeeze %dma_start3A_412 : memref<1x128xi32, #tpu.memory_space<vmem>> -> memref<128xi32, #tpu.memory_space<vmem>>
        %dma_start3A_414 = arith.constant 0 : i32
        %dma_start3A_415 = arith.constant 0 : i32
        %dma_start3A_416 = tpu.memref_slice %arg2[%dma_start3A_414, %dma_start3A_415] : memref<10000x32xf32, #tpu.memory_space<hbm>> -> memref<10000x32xf32, #tpu.memory_space<hbm>>
        tpu.enqueue_indirect_dma source(%dma_start3A_416 : memref<10000x32xf32, #tpu.memory_space<hbm>>) target(%dma_start3A_410 : memref<128x32xf32, #tpu.memory_space<vmem>>) offsets(%dma_start3A_413 : memref<128xi32, #tpu.memory_space<vmem>>) semaphore(%arg7 : memref<!tpu.dma_semaphore, #tpu.memory_space<semaphore_mem>>)
      } else {
      }
      %mul3A_264 = arith.constant 8 : i32
      %mul3A_265 = arith.muli %add3A_80, %mul3A_264 : i32
      %add3A_266 = arith.constant 0 : i32
      %add3A_267 = arith.addi %mul3A_265, %add3A_266 : i32
      %lt3A_268 = arith.constant 1280 : i32
      %lt3A_269 = arith.cmpi slt, %add3A_267, %lt3A_268 : i32
      %convert_element_type3A_270 = arith.extui %lt3A_269 : i1 to i32
      %cond3A_271 = arith.constant 0 : i32
      %cond3A_272 = arith.cmpi ne, %convert_element_type3A_270, %cond3A_271 : i32
      scf.if %cond3A_272 {
        %dma_wait3A = arith.constant 0 : i32
        %dma_wait3A_408 = arith.constant 0 : i32
        %dma_wait3A_409 = arith.constant 0 : i32
        %dma_wait3A_410 = tpu.memref_slice %arg6[%dma_wait3A_408, %dma_wait3A_409] : memref<1024x32xf32, #tpu.memory_space<vmem>> -> memref<128x32xf32, #tpu.memory_space<vmem>>
        %dma_wait3A_411 = arith.constant 0 : i32
        %dma_wait3A_412 = tpu.memref_slice %arg5[%dma_wait3A, %dma_wait3A_411] : memref<8x128xi32, #tpu.memory_space<vmem>> -> memref<1x128xi32, #tpu.memory_space<vmem>>
        %dma_wait3A_413 = tpu.memref_squeeze %dma_wait3A_412 : memref<1x128xi32, #tpu.memory_space<vmem>> -> memref<128xi32, #tpu.memory_space<vmem>>
        %dma_wait3A_414 = arith.constant 0 : i32
        %dma_wait3A_415 = arith.constant 0 : i32
        %dma_wait3A_416 = tpu.memref_slice %arg2[%dma_wait3A_414, %dma_wait3A_415] : memref<10000x32xf32, #tpu.memory_space<hbm>> -> memref<10000x32xf32, #tpu.memory_space<hbm>>
        tpu.wait_indirect_dma semaphore(%arg7 : memref<!tpu.dma_semaphore, #tpu.memory_space<semaphore_mem>>) src(%dma_wait3A_416 : memref<10000x32xf32, #tpu.memory_space<hbm>>) dst(%dma_wait3A_410 : memref<128x32xf32, #tpu.memory_space<vmem>>)
      } else {
      }
      %mul3A_273 = arith.constant 8 : i32
      %mul3A_274 = arith.muli %add3A_80, %mul3A_273 : i32
      %add3A_275 = arith.constant 1 : i32
      %add3A_276 = arith.addi %mul3A_274, %add3A_275 : i32
      %lt3A_277 = arith.constant 1280 : i32
      %lt3A_278 = arith.cmpi slt, %add3A_276, %lt3A_277 : i32
      %convert_element_type3A_279 = arith.extui %lt3A_278 : i1 to i32
      %cond3A_280 = arith.constant 0 : i32
      %cond3A_281 = arith.cmpi ne, %convert_element_type3A_279, %cond3A_280 : i32
      scf.if %cond3A_281 {
        %dma_wait3A = arith.constant 1 : i32
        %dma_wait3A_408 = arith.constant 128 : i32
        %dma_wait3A_409 = arith.constant 0 : i32
        %dma_wait3A_410 = tpu.memref_slice %arg6[%dma_wait3A_408, %dma_wait3A_409] : memref<1024x32xf32, #tpu.memory_space<vmem>> -> memref<128x32xf32, #tpu.memory_space<vmem>>
        %dma_wait3A_411 = arith.constant 0 : i32
        %dma_wait3A_412 = tpu.memref_slice %arg5[%dma_wait3A, %dma_wait3A_411] : memref<8x128xi32, #tpu.memory_space<vmem>> -> memref<1x128xi32, #tpu.memory_space<vmem>>
        %dma_wait3A_413 = tpu.memref_squeeze %dma_wait3A_412 : memref<1x128xi32, #tpu.memory_space<vmem>> -> memref<128xi32, #tpu.memory_space<vmem>>
        %dma_wait3A_414 = arith.constant 0 : i32
        %dma_wait3A_415 = arith.constant 0 : i32
        %dma_wait3A_416 = tpu.memref_slice %arg2[%dma_wait3A_414, %dma_wait3A_415] : memref<10000x32xf32, #tpu.memory_space<hbm>> -> memref<10000x32xf32, #tpu.memory_space<hbm>>
        tpu.wait_indirect_dma semaphore(%arg7 : memref<!tpu.dma_semaphore, #tpu.memory_space<semaphore_mem>>) src(%dma_wait3A_416 : memref<10000x32xf32, #tpu.memory_space<hbm>>) dst(%dma_wait3A_410 : memref<128x32xf32, #tpu.memory_space<vmem>>)
      } else {
      }
      %mul3A_282 = arith.constant 8 : i32
      %mul3A_283 = arith.muli %add3A_80, %mul3A_282 : i32
      %add3A_284 = arith.constant 2 : i32
      %add3A_285 = arith.addi %mul3A_283, %add3A_284 : i32
      %lt3A_286 = arith.constant 1280 : i32
      %lt3A_287 = arith.cmpi slt, %add3A_285, %lt3A_286 : i32
      %convert_element_type3A_288 = arith.extui %lt3A_287 : i1 to i32
      %cond3A_289 = arith.constant 0 : i32
      %cond3A_290 = arith.cmpi ne, %convert_element_type3A_288, %cond3A_289 : i32
      scf.if %cond3A_290 {
        %dma_wait3A = arith.constant 2 : i32
        %dma_wait3A_408 = arith.constant 256 : i32
        %dma_wait3A_409 = arith.constant 0 : i32
        %dma_wait3A_410 = tpu.memref_slice %arg6[%dma_wait3A_408, %dma_wait3A_409] : memref<1024x32xf32, #tpu.memory_space<vmem>> -> memref<128x32xf32, #tpu.memory_space<vmem>>
        %dma_wait3A_411 = arith.constant 0 : i32
        %dma_wait3A_412 = tpu.memref_slice %arg5[%dma_wait3A, %dma_wait3A_411] : memref<8x128xi32, #tpu.memory_space<vmem>> -> memref<1x128xi32, #tpu.memory_space<vmem>>
        %dma_wait3A_413 = tpu.memref_squeeze %dma_wait3A_412 : memref<1x128xi32, #tpu.memory_space<vmem>> -> memref<128xi32, #tpu.memory_space<vmem>>
        %dma_wait3A_414 = arith.constant 0 : i32
        %dma_wait3A_415 = arith.constant 0 : i32
        %dma_wait3A_416 = tpu.memref_slice %arg2[%dma_wait3A_414, %dma_wait3A_415] : memref<10000x32xf32, #tpu.memory_space<hbm>> -> memref<10000x32xf32, #tpu.memory_space<hbm>>
        tpu.wait_indirect_dma semaphore(%arg7 : memref<!tpu.dma_semaphore, #tpu.memory_space<semaphore_mem>>) src(%dma_wait3A_416 : memref<10000x32xf32, #tpu.memory_space<hbm>>) dst(%dma_wait3A_410 : memref<128x32xf32, #tpu.memory_space<vmem>>)
      } else {
      }
      %mul3A_291 = arith.constant 8 : i32
      %mul3A_292 = arith.muli %add3A_80, %mul3A_291 : i32
      %add3A_293 = arith.constant 3 : i32
      %add3A_294 = arith.addi %mul3A_292, %add3A_293 : i32
      %lt3A_295 = arith.constant 1280 : i32
      %lt3A_296 = arith.cmpi slt, %add3A_294, %lt3A_295 : i32
      %convert_element_type3A_297 = arith.extui %lt3A_296 : i1 to i32
      %cond3A_298 = arith.constant 0 : i32
      %cond3A_299 = arith.cmpi ne, %convert_element_type3A_297, %cond3A_298 : i32
      scf.if %cond3A_299 {
        %dma_wait3A = arith.constant 3 : i32
        %dma_wait3A_408 = arith.constant 384 : i32
        %dma_wait3A_409 = arith.constant 0 : i32
        %dma_wait3A_410 = tpu.memref_slice %arg6[%dma_wait3A_408, %dma_wait3A_409] : memref<1024x32xf32, #tpu.memory_space<vmem>> -> memref<128x32xf32, #tpu.memory_space<vmem>>
        %dma_wait3A_411 = arith.constant 0 : i32
        %dma_wait3A_412 = tpu.memref_slice %arg5[%dma_wait3A, %dma_wait3A_411] : memref<8x128xi32, #tpu.memory_space<vmem>> -> memref<1x128xi32, #tpu.memory_space<vmem>>
        %dma_wait3A_413 = tpu.memref_squeeze %dma_wait3A_412 : memref<1x128xi32, #tpu.memory_space<vmem>> -> memref<128xi32, #tpu.memory_space<vmem>>
        %dma_wait3A_414 = arith.constant 0 : i32
        %dma_wait3A_415 = arith.constant 0 : i32
        %dma_wait3A_416 = tpu.memref_slice %arg2[%dma_wait3A_414, %dma_wait3A_415] : memref<10000x32xf32, #tpu.memory_space<hbm>> -> memref<10000x32xf32, #tpu.memory_space<hbm>>
        tpu.wait_indirect_dma semaphore(%arg7 : memref<!tpu.dma_semaphore, #tpu.memory_space<semaphore_mem>>) src(%dma_wait3A_416 : memref<10000x32xf32, #tpu.memory_space<hbm>>) dst(%dma_wait3A_410 : memref<128x32xf32, #tpu.memory_space<vmem>>)
      } else {
      }
      %mul3A_300 = arith.constant 8 : i32
      %mul3A_301 = arith.muli %add3A_80, %mul3A_300 : i32
      %add3A_302 = arith.constant 4 : i32
      %add3A_303 = arith.addi %mul3A_301, %add3A_302 : i32
      %lt3A_304 = arith.constant 1280 : i32
      %lt3A_305 = arith.cmpi slt, %add3A_303, %lt3A_304 : i32
      %convert_element_type3A_306 = arith.extui %lt3A_305 : i1 to i32
      %cond3A_307 = arith.constant 0 : i32
      %cond3A_308 = arith.cmpi ne, %convert_element_type3A_306, %cond3A_307 : i32
      scf.if %cond3A_308 {
        %dma_wait3A = arith.constant 4 : i32
        %dma_wait3A_408 = arith.constant 512 : i32
        %dma_wait3A_409 = arith.constant 0 : i32
        %dma_wait3A_410 = tpu.memref_slice %arg6[%dma_wait3A_408, %dma_wait3A_409] : memref<1024x32xf32, #tpu.memory_space<vmem>> -> memref<128x32xf32, #tpu.memory_space<vmem>>
        %dma_wait3A_411 = arith.constant 0 : i32
        %dma_wait3A_412 = tpu.memref_slice %arg5[%dma_wait3A, %dma_wait3A_411] : memref<8x128xi32, #tpu.memory_space<vmem>> -> memref<1x128xi32, #tpu.memory_space<vmem>>
        %dma_wait3A_413 = tpu.memref_squeeze %dma_wait3A_412 : memref<1x128xi32, #tpu.memory_space<vmem>> -> memref<128xi32, #tpu.memory_space<vmem>>
        %dma_wait3A_414 = arith.constant 0 : i32
        %dma_wait3A_415 = arith.constant 0 : i32
        %dma_wait3A_416 = tpu.memref_slice %arg2[%dma_wait3A_414, %dma_wait3A_415] : memref<10000x32xf32, #tpu.memory_space<hbm>> -> memref<10000x32xf32, #tpu.memory_space<hbm>>
        tpu.wait_indirect_dma semaphore(%arg7 : memref<!tpu.dma_semaphore, #tpu.memory_space<semaphore_mem>>) src(%dma_wait3A_416 : memref<10000x32xf32, #tpu.memory_space<hbm>>) dst(%dma_wait3A_410 : memref<128x32xf32, #tpu.memory_space<vmem>>)
      } else {
      }
      %mul3A_309 = arith.constant 8 : i32
      %mul3A_310 = arith.muli %add3A_80, %mul3A_309 : i32
      %add3A_311 = arith.constant 5 : i32
      %add3A_312 = arith.addi %mul3A_310, %add3A_311 : i32
      %lt3A_313 = arith.constant 1280 : i32
      %lt3A_314 = arith.cmpi slt, %add3A_312, %lt3A_313 : i32
      %convert_element_type3A_315 = arith.extui %lt3A_314 : i1 to i32
      %cond3A_316 = arith.constant 0 : i32
      %cond3A_317 = arith.cmpi ne, %convert_element_type3A_315, %cond3A_316 : i32
      scf.if %cond3A_317 {
        %dma_wait3A = arith.constant 5 : i32
        %dma_wait3A_408 = arith.constant 640 : i32
        %dma_wait3A_409 = arith.constant 0 : i32
        %dma_wait3A_410 = tpu.memref_slice %arg6[%dma_wait3A_408, %dma_wait3A_409] : memref<1024x32xf32, #tpu.memory_space<vmem>> -> memref<128x32xf32, #tpu.memory_space<vmem>>
        %dma_wait3A_411 = arith.constant 0 : i32
        %dma_wait3A_412 = tpu.memref_slice %arg5[%dma_wait3A, %dma_wait3A_411] : memref<8x128xi32, #tpu.memory_space<vmem>> -> memref<1x128xi32, #tpu.memory_space<vmem>>
        %dma_wait3A_413 = tpu.memref_squeeze %dma_wait3A_412 : memref<1x128xi32, #tpu.memory_space<vmem>> -> memref<128xi32, #tpu.memory_space<vmem>>
        %dma_wait3A_414 = arith.constant 0 : i32
        %dma_wait3A_415 = arith.constant 0 : i32
        %dma_wait3A_416 = tpu.memref_slice %arg2[%dma_wait3A_414, %dma_wait3A_415] : memref<10000x32xf32, #tpu.memory_space<hbm>> -> memref<10000x32xf32, #tpu.memory_space<hbm>>
        tpu.wait_indirect_dma semaphore(%arg7 : memref<!tpu.dma_semaphore, #tpu.memory_space<semaphore_mem>>) src(%dma_wait3A_416 : memref<10000x32xf32, #tpu.memory_space<hbm>>) dst(%dma_wait3A_410 : memref<128x32xf32, #tpu.memory_space<vmem>>)
      } else {
      }
      %mul3A_318 = arith.constant 8 : i32
      %mul3A_319 = arith.muli %add3A_80, %mul3A_318 : i32
      %add3A_320 = arith.constant 6 : i32
      %add3A_321 = arith.addi %mul3A_319, %add3A_320 : i32
      %lt3A_322 = arith.constant 1280 : i32
      %lt3A_323 = arith.cmpi slt, %add3A_321, %lt3A_322 : i32
      %convert_element_type3A_324 = arith.extui %lt3A_323 : i1 to i32
      %cond3A_325 = arith.constant 0 : i32
      %cond3A_326 = arith.cmpi ne, %convert_element_type3A_324, %cond3A_325 : i32
      scf.if %cond3A_326 {
        %dma_wait3A = arith.constant 6 : i32
        %dma_wait3A_408 = arith.constant 768 : i32
        %dma_wait3A_409 = arith.constant 0 : i32
        %dma_wait3A_410 = tpu.memref_slice %arg6[%dma_wait3A_408, %dma_wait3A_409] : memref<1024x32xf32, #tpu.memory_space<vmem>> -> memref<128x32xf32, #tpu.memory_space<vmem>>
        %dma_wait3A_411 = arith.constant 0 : i32
        %dma_wait3A_412 = tpu.memref_slice %arg5[%dma_wait3A, %dma_wait3A_411] : memref<8x128xi32, #tpu.memory_space<vmem>> -> memref<1x128xi32, #tpu.memory_space<vmem>>
        %dma_wait3A_413 = tpu.memref_squeeze %dma_wait3A_412 : memref<1x128xi32, #tpu.memory_space<vmem>> -> memref<128xi32, #tpu.memory_space<vmem>>
        %dma_wait3A_414 = arith.constant 0 : i32
        %dma_wait3A_415 = arith.constant 0 : i32
        %dma_wait3A_416 = tpu.memref_slice %arg2[%dma_wait3A_414, %dma_wait3A_415] : memref<10000x32xf32, #tpu.memory_space<hbm>> -> memref<10000x32xf32, #tpu.memory_space<hbm>>
        tpu.wait_indirect_dma semaphore(%arg7 : memref<!tpu.dma_semaphore, #tpu.memory_space<semaphore_mem>>) src(%dma_wait3A_416 : memref<10000x32xf32, #tpu.memory_space<hbm>>) dst(%dma_wait3A_410 : memref<128x32xf32, #tpu.memory_space<vmem>>)
      } else {
      }
      %mul3A_327 = arith.constant 8 : i32
      %mul3A_328 = arith.muli %add3A_80, %mul3A_327 : i32
      %add3A_329 = arith.constant 7 : i32
      %add3A_330 = arith.addi %mul3A_328, %add3A_329 : i32
      %lt3A_331 = arith.constant 1280 : i32
      %lt3A_332 = arith.cmpi slt, %add3A_330, %lt3A_331 : i32
      %convert_element_type3A_333 = arith.extui %lt3A_332 : i1 to i32
      %cond3A_334 = arith.constant 0 : i32
      %cond3A_335 = arith.cmpi ne, %convert_element_type3A_333, %cond3A_334 : i32
      scf.if %cond3A_335 {
        %dma_wait3A = arith.constant 7 : i32
        %dma_wait3A_408 = arith.constant 896 : i32
        %dma_wait3A_409 = arith.constant 0 : i32
        %dma_wait3A_410 = tpu.memref_slice %arg6[%dma_wait3A_408, %dma_wait3A_409] : memref<1024x32xf32, #tpu.memory_space<vmem>> -> memref<128x32xf32, #tpu.memory_space<vmem>>
        %dma_wait3A_411 = arith.constant 0 : i32
        %dma_wait3A_412 = tpu.memref_slice %arg5[%dma_wait3A, %dma_wait3A_411] : memref<8x128xi32, #tpu.memory_space<vmem>> -> memref<1x128xi32, #tpu.memory_space<vmem>>
        %dma_wait3A_413 = tpu.memref_squeeze %dma_wait3A_412 : memref<1x128xi32, #tpu.memory_space<vmem>> -> memref<128xi32, #tpu.memory_space<vmem>>
        %dma_wait3A_414 = arith.constant 0 : i32
        %dma_wait3A_415 = arith.constant 0 : i32
        %dma_wait3A_416 = tpu.memref_slice %arg2[%dma_wait3A_414, %dma_wait3A_415] : memref<10000x32xf32, #tpu.memory_space<hbm>> -> memref<10000x32xf32, #tpu.memory_space<hbm>>
        tpu.wait_indirect_dma semaphore(%arg7 : memref<!tpu.dma_semaphore, #tpu.memory_space<semaphore_mem>>) src(%dma_wait3A_416 : memref<10000x32xf32, #tpu.memory_space<hbm>>) dst(%dma_wait3A_410 : memref<128x32xf32, #tpu.memory_space<vmem>>)
      } else {
      }
      %mul3A_336 = arith.constant 8 : i32
      %mul3A_337 = arith.muli %add3A_80, %mul3A_336 : i32
      %add3A_338 = arith.constant 0 : i32
      %add3A_339 = arith.addi %mul3A_337, %add3A_338 : i32
      %lt3A_340 = arith.constant 1280 : i32
      %lt3A_341 = arith.cmpi slt, %add3A_339, %lt3A_340 : i32
      %convert_element_type3A_342 = arith.extui %lt3A_341 : i1 to i32
      %cond3A_343 = arith.constant 0 : i32
      %cond3A_344 = arith.cmpi ne, %convert_element_type3A_342, %cond3A_343 : i32
      scf.if %cond3A_344 {
        %mul3A_408 = arith.constant 128 : i32
        %mul3A_409 = arith.muli %add3A_339, %mul3A_408 : i32
        %dma_start3A = arith.constant 0 : i32
        %dma_start3A_410 = arith.constant 0 : i32
        %dma_start3A_411 = tpu.memref_slice %arg6[%dma_start3A, %dma_start3A_410] : memref<1024x32xf32, #tpu.memory_space<vmem>> -> memref<128x32xf32, #tpu.memory_space<vmem>>
        %dma_start3A_412 = arith.constant 0 : i32
        %dma_start3A_413 = tpu.memref_slice %arg4[%mul3A_409, %dma_start3A_412] : memref<163840x32xf32, #tpu.memory_space<hbm>> -> memref<128x32xf32, #tpu.memory_space<hbm>>
        %dma_start3A_414 = arith.constant 0 : i32
        %dma_start3A_415 = tpu.memref_slice %arg4[%mul3A_409, %dma_start3A_414] : memref<163840x32xf32, #tpu.memory_space<hbm>> -> memref<128x32xf32, #tpu.memory_space<hbm>>
        %dma_start3A_416 = arith.constant 0 : i32
        %dma_start3A_417 = arith.constant 0 : i32
        %dma_start3A_418 = tpu.memref_slice %arg6[%dma_start3A_416, %dma_start3A_417] : memref<1024x32xf32, #tpu.memory_space<vmem>> -> memref<128x32xf32, #tpu.memory_space<vmem>>
        tpu.enqueue_dma source(%dma_start3A_418 : memref<128x32xf32, #tpu.memory_space<vmem>>) target(%dma_start3A_415 : memref<128x32xf32, #tpu.memory_space<hbm>>) target_semaphore(%arg8 : memref<!tpu.dma_semaphore, #tpu.memory_space<semaphore_mem>>)
      } else {
      }
      %mul3A_345 = arith.constant 8 : i32
      %mul3A_346 = arith.muli %add3A_80, %mul3A_345 : i32
      %add3A_347 = arith.constant 1 : i32
      %add3A_348 = arith.addi %mul3A_346, %add3A_347 : i32
      %lt3A_349 = arith.constant 1280 : i32
      %lt3A_350 = arith.cmpi slt, %add3A_348, %lt3A_349 : i32
      %convert_element_type3A_351 = arith.extui %lt3A_350 : i1 to i32
      %cond3A_352 = arith.constant 0 : i32
      %cond3A_353 = arith.cmpi ne, %convert_element_type3A_351, %cond3A_352 : i32
      scf.if %cond3A_353 {
        %mul3A_408 = arith.constant 128 : i32
        %mul3A_409 = arith.muli %add3A_348, %mul3A_408 : i32
        %dma_start3A = arith.constant 128 : i32
        %dma_start3A_410 = arith.constant 0 : i32
        %dma_start3A_411 = tpu.memref_slice %arg6[%dma_start3A, %dma_start3A_410] : memref<1024x32xf32, #tpu.memory_space<vmem>> -> memref<128x32xf32, #tpu.memory_space<vmem>>
        %dma_start3A_412 = arith.constant 0 : i32
        %dma_start3A_413 = tpu.memref_slice %arg4[%mul3A_409, %dma_start3A_412] : memref<163840x32xf32, #tpu.memory_space<hbm>> -> memref<128x32xf32, #tpu.memory_space<hbm>>
        %dma_start3A_414 = arith.constant 0 : i32
        %dma_start3A_415 = tpu.memref_slice %arg4[%mul3A_409, %dma_start3A_414] : memref<163840x32xf32, #tpu.memory_space<hbm>> -> memref<128x32xf32, #tpu.memory_space<hbm>>
        %dma_start3A_416 = arith.constant 128 : i32
        %dma_start3A_417 = arith.constant 0 : i32
        %dma_start3A_418 = tpu.memref_slice %arg6[%dma_start3A_416, %dma_start3A_417] : memref<1024x32xf32, #tpu.memory_space<vmem>> -> memref<128x32xf32, #tpu.memory_space<vmem>>
        tpu.enqueue_dma source(%dma_start3A_418 : memref<128x32xf32, #tpu.memory_space<vmem>>) target(%dma_start3A_415 : memref<128x32xf32, #tpu.memory_space<hbm>>) target_semaphore(%arg8 : memref<!tpu.dma_semaphore, #tpu.memory_space<semaphore_mem>>)
      } else {
      }
      %mul3A_354 = arith.constant 8 : i32
      %mul3A_355 = arith.muli %add3A_80, %mul3A_354 : i32
      %add3A_356 = arith.constant 2 : i32
      %add3A_357 = arith.addi %mul3A_355, %add3A_356 : i32
      %lt3A_358 = arith.constant 1280 : i32
      %lt3A_359 = arith.cmpi slt, %add3A_357, %lt3A_358 : i32
      %convert_element_type3A_360 = arith.extui %lt3A_359 : i1 to i32
      %cond3A_361 = arith.constant 0 : i32
      %cond3A_362 = arith.cmpi ne, %convert_element_type3A_360, %cond3A_361 : i32
      scf.if %cond3A_362 {
        %mul3A_408 = arith.constant 128 : i32
        %mul3A_409 = arith.muli %add3A_357, %mul3A_408 : i32
        %dma_start3A = arith.constant 256 : i32
        %dma_start3A_410 = arith.constant 0 : i32
        %dma_start3A_411 = tpu.memref_slice %arg6[%dma_start3A, %dma_start3A_410] : memref<1024x32xf32, #tpu.memory_space<vmem>> -> memref<128x32xf32, #tpu.memory_space<vmem>>
        %dma_start3A_412 = arith.constant 0 : i32
        %dma_start3A_413 = tpu.memref_slice %arg4[%mul3A_409, %dma_start3A_412] : memref<163840x32xf32, #tpu.memory_space<hbm>> -> memref<128x32xf32, #tpu.memory_space<hbm>>
        %dma_start3A_414 = arith.constant 0 : i32
        %dma_start3A_415 = tpu.memref_slice %arg4[%mul3A_409, %dma_start3A_414] : memref<163840x32xf32, #tpu.memory_space<hbm>> -> memref<128x32xf32, #tpu.memory_space<hbm>>
        %dma_start3A_416 = arith.constant 256 : i32
        %dma_start3A_417 = arith.constant 0 : i32
        %dma_start3A_418 = tpu.memref_slice %arg6[%dma_start3A_416, %dma_start3A_417] : memref<1024x32xf32, #tpu.memory_space<vmem>> -> memref<128x32xf32, #tpu.memory_space<vmem>>
        tpu.enqueue_dma source(%dma_start3A_418 : memref<128x32xf32, #tpu.memory_space<vmem>>) target(%dma_start3A_415 : memref<128x32xf32, #tpu.memory_space<hbm>>) target_semaphore(%arg8 : memref<!tpu.dma_semaphore, #tpu.memory_space<semaphore_mem>>)
      } else {
      }
      %mul3A_363 = arith.constant 8 : i32
      %mul3A_364 = arith.muli %add3A_80, %mul3A_363 : i32
      %add3A_365 = arith.constant 3 : i32
      %add3A_366 = arith.addi %mul3A_364, %add3A_365 : i32
      %lt3A_367 = arith.constant 1280 : i32
      %lt3A_368 = arith.cmpi slt, %add3A_366, %lt3A_367 : i32
      %convert_element_type3A_369 = arith.extui %lt3A_368 : i1 to i32
      %cond3A_370 = arith.constant 0 : i32
      %cond3A_371 = arith.cmpi ne, %convert_element_type3A_369, %cond3A_370 : i32
      scf.if %cond3A_371 {
        %mul3A_408 = arith.constant 128 : i32
        %mul3A_409 = arith.muli %add3A_366, %mul3A_408 : i32
        %dma_start3A = arith.constant 384 : i32
        %dma_start3A_410 = arith.constant 0 : i32
        %dma_start3A_411 = tpu.memref_slice %arg6[%dma_start3A, %dma_start3A_410] : memref<1024x32xf32, #tpu.memory_space<vmem>> -> memref<128x32xf32, #tpu.memory_space<vmem>>
        %dma_start3A_412 = arith.constant 0 : i32
        %dma_start3A_413 = tpu.memref_slice %arg4[%mul3A_409, %dma_start3A_412] : memref<163840x32xf32, #tpu.memory_space<hbm>> -> memref<128x32xf32, #tpu.memory_space<hbm>>
        %dma_start3A_414 = arith.constant 0 : i32
        %dma_start3A_415 = tpu.memref_slice %arg4[%mul3A_409, %dma_start3A_414] : memref<163840x32xf32, #tpu.memory_space<hbm>> -> memref<128x32xf32, #tpu.memory_space<hbm>>
        %dma_start3A_416 = arith.constant 384 : i32
        %dma_start3A_417 = arith.constant 0 : i32
        %dma_start3A_418 = tpu.memref_slice %arg6[%dma_start3A_416, %dma_start3A_417] : memref<1024x32xf32, #tpu.memory_space<vmem>> -> memref<128x32xf32, #tpu.memory_space<vmem>>
        tpu.enqueue_dma source(%dma_start3A_418 : memref<128x32xf32, #tpu.memory_space<vmem>>) target(%dma_start3A_415 : memref<128x32xf32, #tpu.memory_space<hbm>>) target_semaphore(%arg8 : memref<!tpu.dma_semaphore, #tpu.memory_space<semaphore_mem>>)
      } else {
      }
      %mul3A_372 = arith.constant 8 : i32
      %mul3A_373 = arith.muli %add3A_80, %mul3A_372 : i32
      %add3A_374 = arith.constant 4 : i32
      %add3A_375 = arith.addi %mul3A_373, %add3A_374 : i32
      %lt3A_376 = arith.constant 1280 : i32
      %lt3A_377 = arith.cmpi slt, %add3A_375, %lt3A_376 : i32
      %convert_element_type3A_378 = arith.extui %lt3A_377 : i1 to i32
      %cond3A_379 = arith.constant 0 : i32
      %cond3A_380 = arith.cmpi ne, %convert_element_type3A_378, %cond3A_379 : i32
      scf.if %cond3A_380 {
        %mul3A_408 = arith.constant 128 : i32
        %mul3A_409 = arith.muli %add3A_375, %mul3A_408 : i32
        %dma_start3A = arith.constant 512 : i32
        %dma_start3A_410 = arith.constant 0 : i32
        %dma_start3A_411 = tpu.memref_slice %arg6[%dma_start3A, %dma_start3A_410] : memref<1024x32xf32, #tpu.memory_space<vmem>> -> memref<128x32xf32, #tpu.memory_space<vmem>>
        %dma_start3A_412 = arith.constant 0 : i32
        %dma_start3A_413 = tpu.memref_slice %arg4[%mul3A_409, %dma_start3A_412] : memref<163840x32xf32, #tpu.memory_space<hbm>> -> memref<128x32xf32, #tpu.memory_space<hbm>>
        %dma_start3A_414 = arith.constant 0 : i32
        %dma_start3A_415 = tpu.memref_slice %arg4[%mul3A_409, %dma_start3A_414] : memref<163840x32xf32, #tpu.memory_space<hbm>> -> memref<128x32xf32, #tpu.memory_space<hbm>>
        %dma_start3A_416 = arith.constant 512 : i32
        %dma_start3A_417 = arith.constant 0 : i32
        %dma_start3A_418 = tpu.memref_slice %arg6[%dma_start3A_416, %dma_start3A_417] : memref<1024x32xf32, #tpu.memory_space<vmem>> -> memref<128x32xf32, #tpu.memory_space<vmem>>
        tpu.enqueue_dma source(%dma_start3A_418 : memref<128x32xf32, #tpu.memory_space<vmem>>) target(%dma_start3A_415 : memref<128x32xf32, #tpu.memory_space<hbm>>) target_semaphore(%arg8 : memref<!tpu.dma_semaphore, #tpu.memory_space<semaphore_mem>>)
      } else {
      }
      %mul3A_381 = arith.constant 8 : i32
      %mul3A_382 = arith.muli %add3A_80, %mul3A_381 : i32
      %add3A_383 = arith.constant 5 : i32
      %add3A_384 = arith.addi %mul3A_382, %add3A_383 : i32
      %lt3A_385 = arith.constant 1280 : i32
      %lt3A_386 = arith.cmpi slt, %add3A_384, %lt3A_385 : i32
      %convert_element_type3A_387 = arith.extui %lt3A_386 : i1 to i32
      %cond3A_388 = arith.constant 0 : i32
      %cond3A_389 = arith.cmpi ne, %convert_element_type3A_387, %cond3A_388 : i32
      scf.if %cond3A_389 {
        %mul3A_408 = arith.constant 128 : i32
        %mul3A_409 = arith.muli %add3A_384, %mul3A_408 : i32
        %dma_start3A = arith.constant 640 : i32
        %dma_start3A_410 = arith.constant 0 : i32
        %dma_start3A_411 = tpu.memref_slice %arg6[%dma_start3A, %dma_start3A_410] : memref<1024x32xf32, #tpu.memory_space<vmem>> -> memref<128x32xf32, #tpu.memory_space<vmem>>
        %dma_start3A_412 = arith.constant 0 : i32
        %dma_start3A_413 = tpu.memref_slice %arg4[%mul3A_409, %dma_start3A_412] : memref<163840x32xf32, #tpu.memory_space<hbm>> -> memref<128x32xf32, #tpu.memory_space<hbm>>
        %dma_start3A_414 = arith.constant 0 : i32
        %dma_start3A_415 = tpu.memref_slice %arg4[%mul3A_409, %dma_start3A_414] : memref<163840x32xf32, #tpu.memory_space<hbm>> -> memref<128x32xf32, #tpu.memory_space<hbm>>
        %dma_start3A_416 = arith.constant 640 : i32
        %dma_start3A_417 = arith.constant 0 : i32
        %dma_start3A_418 = tpu.memref_slice %arg6[%dma_start3A_416, %dma_start3A_417] : memref<1024x32xf32, #tpu.memory_space<vmem>> -> memref<128x32xf32, #tpu.memory_space<vmem>>
        tpu.enqueue_dma source(%dma_start3A_418 : memref<128x32xf32, #tpu.memory_space<vmem>>) target(%dma_start3A_415 : memref<128x32xf32, #tpu.memory_space<hbm>>) target_semaphore(%arg8 : memref<!tpu.dma_semaphore, #tpu.memory_space<semaphore_mem>>)
      } else {
      }
      %mul3A_390 = arith.constant 8 : i32
      %mul3A_391 = arith.muli %add3A_80, %mul3A_390 : i32
      %add3A_392 = arith.constant 6 : i32
      %add3A_393 = arith.addi %mul3A_391, %add3A_392 : i32
      %lt3A_394 = arith.constant 1280 : i32
      %lt3A_395 = arith.cmpi slt, %add3A_393, %lt3A_394 : i32
      %convert_element_type3A_396 = arith.extui %lt3A_395 : i1 to i32
      %cond3A_397 = arith.constant 0 : i32
      %cond3A_398 = arith.cmpi ne, %convert_element_type3A_396, %cond3A_397 : i32
      scf.if %cond3A_398 {
        %mul3A_408 = arith.constant 128 : i32
        %mul3A_409 = arith.muli %add3A_393, %mul3A_408 : i32
        %dma_start3A = arith.constant 768 : i32
        %dma_start3A_410 = arith.constant 0 : i32
        %dma_start3A_411 = tpu.memref_slice %arg6[%dma_start3A, %dma_start3A_410] : memref<1024x32xf32, #tpu.memory_space<vmem>> -> memref<128x32xf32, #tpu.memory_space<vmem>>
        %dma_start3A_412 = arith.constant 0 : i32
        %dma_start3A_413 = tpu.memref_slice %arg4[%mul3A_409, %dma_start3A_412] : memref<163840x32xf32, #tpu.memory_space<hbm>> -> memref<128x32xf32, #tpu.memory_space<hbm>>
        %dma_start3A_414 = arith.constant 0 : i32
        %dma_start3A_415 = tpu.memref_slice %arg4[%mul3A_409, %dma_start3A_414] : memref<163840x32xf32, #tpu.memory_space<hbm>> -> memref<128x32xf32, #tpu.memory_space<hbm>>
        %dma_start3A_416 = arith.constant 768 : i32
        %dma_start3A_417 = arith.constant 0 : i32
        %dma_start3A_418 = tpu.memref_slice %arg6[%dma_start3A_416, %dma_start3A_417] : memref<1024x32xf32, #tpu.memory_space<vmem>> -> memref<128x32xf32, #tpu.memory_space<vmem>>
        tpu.enqueue_dma source(%dma_start3A_418 : memref<128x32xf32, #tpu.memory_space<vmem>>) target(%dma_start3A_415 : memref<128x32xf32, #tpu.memory_space<hbm>>) target_semaphore(%arg8 : memref<!tpu.dma_semaphore, #tpu.memory_space<semaphore_mem>>)
      } else {
      }
      %mul3A_399 = arith.constant 8 : i32
      %mul3A_400 = arith.muli %add3A_80, %mul3A_399 : i32
      %add3A_401 = arith.constant 7 : i32
      %add3A_402 = arith.addi %mul3A_400, %add3A_401 : i32
      %lt3A_403 = arith.constant 1280 : i32
      %lt3A_404 = arith.cmpi slt, %add3A_402, %lt3A_403 : i32
      %convert_element_type3A_405 = arith.extui %lt3A_404 : i1 to i32
      %cond3A_406 = arith.constant 0 : i32
      %cond3A_407 = arith.cmpi ne, %convert_element_type3A_405, %cond3A_406 : i32
      scf.if %cond3A_407 {
        %mul3A_408 = arith.constant 128 : i32
        %mul3A_409 = arith.muli %add3A_402, %mul3A_408 : i32
        %dma_start3A = arith.constant 896 : i32
        %dma_start3A_410 = arith.constant 0 : i32
        %dma_start3A_411 = tpu.memref_slice %arg6[%dma_start3A, %dma_start3A_410] : memref<1024x32xf32, #tpu.memory_space<vmem>> -> memref<128x32xf32, #tpu.memory_space<vmem>>
        %dma_start3A_412 = arith.constant 0 : i32
        %dma_start3A_413 = tpu.memref_slice %arg4[%mul3A_409, %dma_start3A_412] : memref<163840x32xf32, #tpu.memory_space<hbm>> -> memref<128x32xf32, #tpu.memory_space<hbm>>
        %dma_start3A_414 = arith.constant 0 : i32
        %dma_start3A_415 = tpu.memref_slice %arg4[%mul3A_409, %dma_start3A_414] : memref<163840x32xf32, #tpu.memory_space<hbm>> -> memref<128x32xf32, #tpu.memory_space<hbm>>
        %dma_start3A_416 = arith.constant 896 : i32
        %dma_start3A_417 = arith.constant 0 : i32
        %dma_start3A_418 = tpu.memref_slice %arg6[%dma_start3A_416, %dma_start3A_417] : memref<1024x32xf32, #tpu.memory_space<vmem>> -> memref<128x32xf32, #tpu.memory_space<vmem>>
        tpu.enqueue_dma source(%dma_start3A_418 : memref<128x32xf32, #tpu.memory_space<vmem>>) target(%dma_start3A_415 : memref<128x32xf32, #tpu.memory_space<hbm>>) target_semaphore(%arg8 : memref<!tpu.dma_semaphore, #tpu.memory_space<semaphore_mem>>)
      } else {
      }
    }
    %scan3A_5 = arith.constant 5 : i32
    %add3A_6 = arith.constant 128 : i32
    %add3A_7 = arith.addi %add3A, %add3A_6 : i32
    %mul3A_8 = arith.constant 8 : i32
    %mul3A_9 = arith.muli %add3A_7, %mul3A_8 : i32
    %add3A_10 = arith.constant 0 : i32
    %add3A_11 = arith.addi %mul3A_9, %add3A_10 : i32
    %lt3A = arith.constant 1280 : i32
    %lt3A_12 = arith.cmpi slt, %add3A_11, %lt3A : i32
    %convert_element_type3A = arith.extui %lt3A_12 : i1 to i32
    %cond3A = arith.constant 0 : i32
    %cond3A_13 = arith.cmpi ne, %convert_element_type3A, %cond3A : i32
    scf.if %cond3A_13 {
      %mul3A_77 = arith.constant 128 : i32
      %mul3A_78 = arith.muli %add3A_11, %mul3A_77 : i32
      %dma_wait3A = arith.constant 0 : i32
      %dma_wait3A_79 = arith.constant 0 : i32
      %dma_wait3A_80 = tpu.memref_slice %arg6[%dma_wait3A, %dma_wait3A_79] : memref<1024x32xf32, #tpu.memory_space<vmem>> -> memref<128x32xf32, #tpu.memory_space<vmem>>
      %dma_wait3A_81 = arith.constant 0 : i32
      %dma_wait3A_82 = tpu.memref_slice %arg4[%mul3A_78, %dma_wait3A_81] : memref<163840x32xf32, #tpu.memory_space<hbm>> -> memref<128x32xf32, #tpu.memory_space<hbm>>
      %dma_wait3A_83 = arith.constant 0 : i32
      %dma_wait3A_84 = tpu.memref_slice %arg4[%mul3A_78, %dma_wait3A_83] : memref<163840x32xf32, #tpu.memory_space<hbm>> -> memref<128x32xf32, #tpu.memory_space<hbm>>
      %dma_wait3A_85 = arith.constant 0 : i32
      %dma_wait3A_86 = arith.constant 0 : i32
      %dma_wait3A_87 = tpu.memref_slice %arg6[%dma_wait3A_85, %dma_wait3A_86] : memref<1024x32xf32, #tpu.memory_space<vmem>> -> memref<128x32xf32, #tpu.memory_space<vmem>>
      tpu.wait_dma2 semaphore(%arg8 : memref<!tpu.dma_semaphore, #tpu.memory_space<semaphore_mem>>) src(%dma_wait3A_87 : memref<128x32xf32, #tpu.memory_space<vmem>>) dst(%dma_wait3A_84 : memref<128x32xf32, #tpu.memory_space<hbm>>)
    } else {
    }
    %mul3A_14 = arith.constant 8 : i32
    %mul3A_15 = arith.muli %add3A_7, %mul3A_14 : i32
    %add3A_16 = arith.constant 1 : i32
    %add3A_17 = arith.addi %mul3A_15, %add3A_16 : i32
    %lt3A_18 = arith.constant 1280 : i32
    %lt3A_19 = arith.cmpi slt, %add3A_17, %lt3A_18 : i32
    %convert_element_type3A_20 = arith.extui %lt3A_19 : i1 to i32
    %cond3A_21 = arith.constant 0 : i32
    %cond3A_22 = arith.cmpi ne, %convert_element_type3A_20, %cond3A_21 : i32
    scf.if %cond3A_22 {
      %mul3A_77 = arith.constant 128 : i32
      %mul3A_78 = arith.muli %add3A_17, %mul3A_77 : i32
      %dma_wait3A = arith.constant 128 : i32
      %dma_wait3A_79 = arith.constant 0 : i32
      %dma_wait3A_80 = tpu.memref_slice %arg6[%dma_wait3A, %dma_wait3A_79] : memref<1024x32xf32, #tpu.memory_space<vmem>> -> memref<128x32xf32, #tpu.memory_space<vmem>>
      %dma_wait3A_81 = arith.constant 0 : i32
      %dma_wait3A_82 = tpu.memref_slice %arg4[%mul3A_78, %dma_wait3A_81] : memref<163840x32xf32, #tpu.memory_space<hbm>> -> memref<128x32xf32, #tpu.memory_space<hbm>>
      %dma_wait3A_83 = arith.constant 0 : i32
      %dma_wait3A_84 = tpu.memref_slice %arg4[%mul3A_78, %dma_wait3A_83] : memref<163840x32xf32, #tpu.memory_space<hbm>> -> memref<128x32xf32, #tpu.memory_space<hbm>>
      %dma_wait3A_85 = arith.constant 128 : i32
      %dma_wait3A_86 = arith.constant 0 : i32
      %dma_wait3A_87 = tpu.memref_slice %arg6[%dma_wait3A_85, %dma_wait3A_86] : memref<1024x32xf32, #tpu.memory_space<vmem>> -> memref<128x32xf32, #tpu.memory_space<vmem>>
      tpu.wait_dma2 semaphore(%arg8 : memref<!tpu.dma_semaphore, #tpu.memory_space<semaphore_mem>>) src(%dma_wait3A_87 : memref<128x32xf32, #tpu.memory_space<vmem>>) dst(%dma_wait3A_84 : memref<128x32xf32, #tpu.memory_space<hbm>>)
    } else {
    }
    %mul3A_23 = arith.constant 8 : i32
    %mul3A_24 = arith.muli %add3A_7, %mul3A_23 : i32
    %add3A_25 = arith.constant 2 : i32
    %add3A_26 = arith.addi %mul3A_24, %add3A_25 : i32
    %lt3A_27 = arith.constant 1280 : i32
    %lt3A_28 = arith.cmpi slt, %add3A_26, %lt3A_27 : i32
    %convert_element_type3A_29 = arith.extui %lt3A_28 : i1 to i32
    %cond3A_30 = arith.constant 0 : i32
    %cond3A_31 = arith.cmpi ne, %convert_element_type3A_29, %cond3A_30 : i32
    scf.if %cond3A_31 {
      %mul3A_77 = arith.constant 128 : i32
      %mul3A_78 = arith.muli %add3A_26, %mul3A_77 : i32
      %dma_wait3A = arith.constant 256 : i32
      %dma_wait3A_79 = arith.constant 0 : i32
      %dma_wait3A_80 = tpu.memref_slice %arg6[%dma_wait3A, %dma_wait3A_79] : memref<1024x32xf32, #tpu.memory_space<vmem>> -> memref<128x32xf32, #tpu.memory_space<vmem>>
      %dma_wait3A_81 = arith.constant 0 : i32
      %dma_wait3A_82 = tpu.memref_slice %arg4[%mul3A_78, %dma_wait3A_81] : memref<163840x32xf32, #tpu.memory_space<hbm>> -> memref<128x32xf32, #tpu.memory_space<hbm>>
      %dma_wait3A_83 = arith.constant 0 : i32
      %dma_wait3A_84 = tpu.memref_slice %arg4[%mul3A_78, %dma_wait3A_83] : memref<163840x32xf32, #tpu.memory_space<hbm>> -> memref<128x32xf32, #tpu.memory_space<hbm>>
      %dma_wait3A_85 = arith.constant 256 : i32
      %dma_wait3A_86 = arith.constant 0 : i32
      %dma_wait3A_87 = tpu.memref_slice %arg6[%dma_wait3A_85, %dma_wait3A_86] : memref<1024x32xf32, #tpu.memory_space<vmem>> -> memref<128x32xf32, #tpu.memory_space<vmem>>
      tpu.wait_dma2 semaphore(%arg8 : memref<!tpu.dma_semaphore, #tpu.memory_space<semaphore_mem>>) src(%dma_wait3A_87 : memref<128x32xf32, #tpu.memory_space<vmem>>) dst(%dma_wait3A_84 : memref<128x32xf32, #tpu.memory_space<hbm>>)
    } else {
    }
    %mul3A_32 = arith.constant 8 : i32
    %mul3A_33 = arith.muli %add3A_7, %mul3A_32 : i32
    %add3A_34 = arith.constant 3 : i32
    %add3A_35 = arith.addi %mul3A_33, %add3A_34 : i32
    %lt3A_36 = arith.constant 1280 : i32
    %lt3A_37 = arith.cmpi slt, %add3A_35, %lt3A_36 : i32
    %convert_element_type3A_38 = arith.extui %lt3A_37 : i1 to i32
    %cond3A_39 = arith.constant 0 : i32
    %cond3A_40 = arith.cmpi ne, %convert_element_type3A_38, %cond3A_39 : i32
    scf.if %cond3A_40 {
      %mul3A_77 = arith.constant 128 : i32
      %mul3A_78 = arith.muli %add3A_35, %mul3A_77 : i32
      %dma_wait3A = arith.constant 384 : i32
      %dma_wait3A_79 = arith.constant 0 : i32
      %dma_wait3A_80 = tpu.memref_slice %arg6[%dma_wait3A, %dma_wait3A_79] : memref<1024x32xf32, #tpu.memory_space<vmem>> -> memref<128x32xf32, #tpu.memory_space<vmem>>
      %dma_wait3A_81 = arith.constant 0 : i32
      %dma_wait3A_82 = tpu.memref_slice %arg4[%mul3A_78, %dma_wait3A_81] : memref<163840x32xf32, #tpu.memory_space<hbm>> -> memref<128x32xf32, #tpu.memory_space<hbm>>
      %dma_wait3A_83 = arith.constant 0 : i32
      %dma_wait3A_84 = tpu.memref_slice %arg4[%mul3A_78, %dma_wait3A_83] : memref<163840x32xf32, #tpu.memory_space<hbm>> -> memref<128x32xf32, #tpu.memory_space<hbm>>
      %dma_wait3A_85 = arith.constant 384 : i32
      %dma_wait3A_86 = arith.constant 0 : i32
      %dma_wait3A_87 = tpu.memref_slice %arg6[%dma_wait3A_85, %dma_wait3A_86] : memref<1024x32xf32, #tpu.memory_space<vmem>> -> memref<128x32xf32, #tpu.memory_space<vmem>>
      tpu.wait_dma2 semaphore(%arg8 : memref<!tpu.dma_semaphore, #tpu.memory_space<semaphore_mem>>) src(%dma_wait3A_87 : memref<128x32xf32, #tpu.memory_space<vmem>>) dst(%dma_wait3A_84 : memref<128x32xf32, #tpu.memory_space<hbm>>)
    } else {
    }
    %mul3A_41 = arith.constant 8 : i32
    %mul3A_42 = arith.muli %add3A_7, %mul3A_41 : i32
    %add3A_43 = arith.constant 4 : i32
    %add3A_44 = arith.addi %mul3A_42, %add3A_43 : i32
    %lt3A_45 = arith.constant 1280 : i32
    %lt3A_46 = arith.cmpi slt, %add3A_44, %lt3A_45 : i32
    %convert_element_type3A_47 = arith.extui %lt3A_46 : i1 to i32
    %cond3A_48 = arith.constant 0 : i32
    %cond3A_49 = arith.cmpi ne, %convert_element_type3A_47, %cond3A_48 : i32
    scf.if %cond3A_49 {
      %mul3A_77 = arith.constant 128 : i32
      %mul3A_78 = arith.muli %add3A_44, %mul3A_77 : i32
      %dma_wait3A = arith.constant 512 : i32
      %dma_wait3A_79 = arith.constant 0 : i32
      %dma_wait3A_80 = tpu.memref_slice %arg6[%dma_wait3A, %dma_wait3A_79] : memref<1024x32xf32, #tpu.memory_space<vmem>> -> memref<128x32xf32, #tpu.memory_space<vmem>>
      %dma_wait3A_81 = arith.constant 0 : i32
      %dma_wait3A_82 = tpu.memref_slice %arg4[%mul3A_78, %dma_wait3A_81] : memref<163840x32xf32, #tpu.memory_space<hbm>> -> memref<128x32xf32, #tpu.memory_space<hbm>>
      %dma_wait3A_83 = arith.constant 0 : i32
      %dma_wait3A_84 = tpu.memref_slice %arg4[%mul3A_78, %dma_wait3A_83] : memref<163840x32xf32, #tpu.memory_space<hbm>> -> memref<128x32xf32, #tpu.memory_space<hbm>>
      %dma_wait3A_85 = arith.constant 512 : i32
      %dma_wait3A_86 = arith.constant 0 : i32
      %dma_wait3A_87 = tpu.memref_slice %arg6[%dma_wait3A_85, %dma_wait3A_86] : memref<1024x32xf32, #tpu.memory_space<vmem>> -> memref<128x32xf32, #tpu.memory_space<vmem>>
      tpu.wait_dma2 semaphore(%arg8 : memref<!tpu.dma_semaphore, #tpu.memory_space<semaphore_mem>>) src(%dma_wait3A_87 : memref<128x32xf32, #tpu.memory_space<vmem>>) dst(%dma_wait3A_84 : memref<128x32xf32, #tpu.memory_space<hbm>>)
    } else {
    }
    %mul3A_50 = arith.constant 8 : i32
    %mul3A_51 = arith.muli %add3A_7, %mul3A_50 : i32
    %add3A_52 = arith.constant 5 : i32
    %add3A_53 = arith.addi %mul3A_51, %add3A_52 : i32
    %lt3A_54 = arith.constant 1280 : i32
    %lt3A_55 = arith.cmpi slt, %add3A_53, %lt3A_54 : i32
    %convert_element_type3A_56 = arith.extui %lt3A_55 : i1 to i32
    %cond3A_57 = arith.constant 0 : i32
    %cond3A_58 = arith.cmpi ne, %convert_element_type3A_56, %cond3A_57 : i32
    scf.if %cond3A_58 {
      %mul3A_77 = arith.constant 128 : i32
      %mul3A_78 = arith.muli %add3A_53, %mul3A_77 : i32
      %dma_wait3A = arith.constant 640 : i32
      %dma_wait3A_79 = arith.constant 0 : i32
      %dma_wait3A_80 = tpu.memref_slice %arg6[%dma_wait3A, %dma_wait3A_79] : memref<1024x32xf32, #tpu.memory_space<vmem>> -> memref<128x32xf32, #tpu.memory_space<vmem>>
      %dma_wait3A_81 = arith.constant 0 : i32
      %dma_wait3A_82 = tpu.memref_slice %arg4[%mul3A_78, %dma_wait3A_81] : memref<163840x32xf32, #tpu.memory_space<hbm>> -> memref<128x32xf32, #tpu.memory_space<hbm>>
      %dma_wait3A_83 = arith.constant 0 : i32
      %dma_wait3A_84 = tpu.memref_slice %arg4[%mul3A_78, %dma_wait3A_83] : memref<163840x32xf32, #tpu.memory_space<hbm>> -> memref<128x32xf32, #tpu.memory_space<hbm>>
      %dma_wait3A_85 = arith.constant 640 : i32
      %dma_wait3A_86 = arith.constant 0 : i32
      %dma_wait3A_87 = tpu.memref_slice %arg6[%dma_wait3A_85, %dma_wait3A_86] : memref<1024x32xf32, #tpu.memory_space<vmem>> -> memref<128x32xf32, #tpu.memory_space<vmem>>
      tpu.wait_dma2 semaphore(%arg8 : memref<!tpu.dma_semaphore, #tpu.memory_space<semaphore_mem>>) src(%dma_wait3A_87 : memref<128x32xf32, #tpu.memory_space<vmem>>) dst(%dma_wait3A_84 : memref<128x32xf32, #tpu.memory_space<hbm>>)
    } else {
    }
    %mul3A_59 = arith.constant 8 : i32
    %mul3A_60 = arith.muli %add3A_7, %mul3A_59 : i32
    %add3A_61 = arith.constant 6 : i32
    %add3A_62 = arith.addi %mul3A_60, %add3A_61 : i32
    %lt3A_63 = arith.constant 1280 : i32
    %lt3A_64 = arith.cmpi slt, %add3A_62, %lt3A_63 : i32
    %convert_element_type3A_65 = arith.extui %lt3A_64 : i1 to i32
    %cond3A_66 = arith.constant 0 : i32
    %cond3A_67 = arith.cmpi ne, %convert_element_type3A_65, %cond3A_66 : i32
    scf.if %cond3A_67 {
      %mul3A_77 = arith.constant 128 : i32
      %mul3A_78 = arith.muli %add3A_62, %mul3A_77 : i32
      %dma_wait3A = arith.constant 768 : i32
      %dma_wait3A_79 = arith.constant 0 : i32
      %dma_wait3A_80 = tpu.memref_slice %arg6[%dma_wait3A, %dma_wait3A_79] : memref<1024x32xf32, #tpu.memory_space<vmem>> -> memref<128x32xf32, #tpu.memory_space<vmem>>
      %dma_wait3A_81 = arith.constant 0 : i32
      %dma_wait3A_82 = tpu.memref_slice %arg4[%mul3A_78, %dma_wait3A_81] : memref<163840x32xf32, #tpu.memory_space<hbm>> -> memref<128x32xf32, #tpu.memory_space<hbm>>
      %dma_wait3A_83 = arith.constant 0 : i32
      %dma_wait3A_84 = tpu.memref_slice %arg4[%mul3A_78, %dma_wait3A_83] : memref<163840x32xf32, #tpu.memory_space<hbm>> -> memref<128x32xf32, #tpu.memory_space<hbm>>
      %dma_wait3A_85 = arith.constant 768 : i32
      %dma_wait3A_86 = arith.constant 0 : i32
      %dma_wait3A_87 = tpu.memref_slice %arg6[%dma_wait3A_85, %dma_wait3A_86] : memref<1024x32xf32, #tpu.memory_space<vmem>> -> memref<128x32xf32, #tpu.memory_space<vmem>>
      tpu.wait_dma2 semaphore(%arg8 : memref<!tpu.dma_semaphore, #tpu.memory_space<semaphore_mem>>) src(%dma_wait3A_87 : memref<128x32xf32, #tpu.memory_space<vmem>>) dst(%dma_wait3A_84 : memref<128x32xf32, #tpu.memory_space<hbm>>)
    } else {
    }
    %mul3A_68 = arith.constant 8 : i32
    %mul3A_69 = arith.muli %add3A_7, %mul3A_68 : i32
    %add3A_70 = arith.constant 7 : i32
    %add3A_71 = arith.addi %mul3A_69, %add3A_70 : i32
    %lt3A_72 = arith.constant 1280 : i32
    %lt3A_73 = arith.cmpi slt, %add3A_71, %lt3A_72 : i32
    %convert_element_type3A_74 = arith.extui %lt3A_73 : i1 to i32
    %cond3A_75 = arith.constant 0 : i32
    %cond3A_76 = arith.cmpi ne, %convert_element_type3A_74, %cond3A_75 : i32
    scf.if %cond3A_76 {
      %mul3A_77 = arith.constant 128 : i32
      %mul3A_78 = arith.muli %add3A_71, %mul3A_77 : i32
      %dma_wait3A = arith.constant 896 : i32
      %dma_wait3A_79 = arith.constant 0 : i32
      %dma_wait3A_80 = tpu.memref_slice %arg6[%dma_wait3A, %dma_wait3A_79] : memref<1024x32xf32, #tpu.memory_space<vmem>> -> memref<128x32xf32, #tpu.memory_space<vmem>>
      %dma_wait3A_81 = arith.constant 0 : i32
      %dma_wait3A_82 = tpu.memref_slice %arg4[%mul3A_78, %dma_wait3A_81] : memref<163840x32xf32, #tpu.memory_space<hbm>> -> memref<128x32xf32, #tpu.memory_space<hbm>>
      %dma_wait3A_83 = arith.constant 0 : i32
      %dma_wait3A_84 = tpu.memref_slice %arg4[%mul3A_78, %dma_wait3A_83] : memref<163840x32xf32, #tpu.memory_space<hbm>> -> memref<128x32xf32, #tpu.memory_space<hbm>>
      %dma_wait3A_85 = arith.constant 896 : i32
      %dma_wait3A_86 = arith.constant 0 : i32
      %dma_wait3A_87 = tpu.memref_slice %arg6[%dma_wait3A_85, %dma_wait3A_86] : memref<1024x32xf32, #tpu.memory_space<vmem>> -> memref<128x32xf32, #tpu.memory_space<vmem>>
      tpu.wait_dma2 semaphore(%arg8 : memref<!tpu.dma_semaphore, #tpu.memory_space<semaphore_mem>>) src(%dma_wait3A_87 : memref<128x32xf32, #tpu.memory_space<vmem>>) dst(%dma_wait3A_84 : memref<128x32xf32, #tpu.memory_space<hbm>>)
    } else {
    }
    return
  }
}

#map = affine_map<(d0, d1) -> (0, 0)>
module attributes {stable_mosaic.version = 14 : i64} {
  func.func @gather_k(%arg0: i32, %arg1: i32, %arg2: memref<10000x16xf32, #tpu.memory_space<hbm>>, %arg3: memref<1280x128xi32, #tpu.memory_space<hbm>>, %arg4: memref<163840x16xf32, #tpu.memory_space<hbm>>, %arg5: memref<8x128xi32, #tpu.memory_space<vmem>>, %arg6: memref<1024x16xf32, #tpu.memory_space<vmem>>, %arg7: memref<!tpu.dma_semaphore, #tpu.memory_space<semaphore_mem>>, %arg8: memref<!tpu.dma_semaphore, #tpu.memory_space<semaphore_mem>>) attributes {dimension_semantics = [#tpu.dimension_semantics<core_parallel>, #tpu.dimension_semantics<subcore_parallel>], iteration_bounds = array<i64: 2, 16>, scalar_prefetch = 0 : i64, scratch_operands = 4 : i64, tpu.core_type = #tpu.core_type<sc_vector_subcore>, window_params = [{transform_indices = #map}, {transform_indices = #map}, {transform_indices = #map}]} {
    %mul3A = arith.constant 2 : i32
    %mul3A_0 = arith.muli %arg1, %mul3A : i32
    %add3A = arith.addi %mul3A_0, %arg0 : i32
    %scan3A = arith.constant 0 : i32
    %scan3A_1 = arith.constant 0 : i32
    %scan3A_2 = arith.constant 5 : i32
    %scan3A_3 = arith.addi %scan3A_1, %scan3A_2 : i32
    %scan3A_4 = arith.constant 1 : i32
    scf.for %scan3A_77 = %scan3A_1 to %scan3A_3 step %scan3A_4  : i32 {
      %mul3A_78 = arith.constant 32 : i32
      %mul3A_79 = arith.muli %scan3A_77, %mul3A_78 : i32
      %add3A_80 = arith.addi %add3A, %mul3A_79 : i32
      %mul3A_81 = arith.constant 8 : i32
      %mul3A_82 = arith.muli %add3A_80, %mul3A_81 : i32
      "tpu.region"() ({
        %run_scoped3A = tpu.sem_alloc : memref<!tpu.dma_semaphore, #tpu.memory_space<semaphore_mem>>
        %dma_start3A = arith.constant 0 : i32
        %dma_start3A_408 = tpu.memref_slice %arg3[%mul3A_82, %dma_start3A] : memref<1280x128xi32, #tpu.memory_space<hbm>> -> memref<8x128xi32, #tpu.memory_space<hbm>>
        %dma_start3A_409 = arith.constant 0 : i32
        %dma_start3A_410 = tpu.memref_slice %arg3[%mul3A_82, %dma_start3A_409] : memref<1280x128xi32, #tpu.memory_space<hbm>> -> memref<8x128xi32, #tpu.memory_space<hbm>>
        tpu.enqueue_dma source(%dma_start3A_410 : memref<8x128xi32, #tpu.memory_space<hbm>>) target(%arg5 : memref<8x128xi32, #tpu.memory_space<vmem>>) target_semaphore(%run_scoped3A : memref<!tpu.dma_semaphore, #tpu.memory_space<semaphore_mem>>)
        %dma_wait3A = arith.constant 0 : i32
        %dma_wait3A_411 = tpu.memref_slice %arg3[%mul3A_82, %dma_wait3A] : memref<1280x128xi32, #tpu.memory_space<hbm>> -> memref<8x128xi32, #tpu.memory_space<hbm>>
        %dma_wait3A_412 = arith.constant 0 : i32
        %dma_wait3A_413 = tpu.memref_slice %arg3[%mul3A_82, %dma_wait3A_412] : memref<1280x128xi32, #tpu.memory_space<hbm>> -> memref<8x128xi32, #tpu.memory_space<hbm>>
        tpu.wait_dma2 semaphore(%run_scoped3A : memref<!tpu.dma_semaphore, #tpu.memory_space<semaphore_mem>>) src(%dma_wait3A_413 : memref<8x128xi32, #tpu.memory_space<hbm>>) dst(%arg5 : memref<8x128xi32, #tpu.memory_space<vmem>>)
        tpu.yield
      }) : () -> ()
      %sub3A = arith.constant 32 : i32
      %sub3A_83 = arith.subi %add3A_80, %sub3A : i32
      %mul3A_84 = arith.constant 8 : i32
      %mul3A_85 = arith.muli %sub3A_83, %mul3A_84 : i32
      %add3A_86 = arith.constant 0 : i32
      %add3A_87 = arith.addi %mul3A_85, %add3A_86 : i32
      %gt3A = arith.constant 0 : i32
      %gt3A_88 = arith.cmpi sgt, %scan3A_77, %gt3A : i32
      %lt3A_89 = arith.constant 1280 : i32
      %lt3A_90 = arith.cmpi slt, %add3A_87, %lt3A_89 : i32
      %and3A = arith.andi %gt3A_88, %lt3A_90 : i1
      %convert_element_type3A_91 = arith.extui %and3A : i1 to i32
      %cond3A_92 = arith.constant 0 : i32
      %cond3A_93 = arith.cmpi ne, %convert_element_type3A_91, %cond3A_92 : i32
      scf.if %cond3A_93 {
        %mul3A_408 = arith.constant 128 : i32
        %mul3A_409 = arith.muli %add3A_87, %mul3A_408 : i32
        %dma_wait3A = arith.constant 0 : i32
        %dma_wait3A_410 = arith.constant 0 : i32
        %dma_wait3A_411 = tpu.memref_slice %arg6[%dma_wait3A, %dma_wait3A_410] : memref<1024x16xf32, #tpu.memory_space<vmem>> -> memref<128x16xf32, #tpu.memory_space<vmem>>
        %dma_wait3A_412 = arith.constant 0 : i32
        %dma_wait3A_413 = tpu.memref_slice %arg4[%mul3A_409, %dma_wait3A_412] : memref<163840x16xf32, #tpu.memory_space<hbm>> -> memref<128x16xf32, #tpu.memory_space<hbm>>
        %dma_wait3A_414 = arith.constant 0 : i32
        %dma_wait3A_415 = tpu.memref_slice %arg4[%mul3A_409, %dma_wait3A_414] : memref<163840x16xf32, #tpu.memory_space<hbm>> -> memref<128x16xf32, #tpu.memory_space<hbm>>
        %dma_wait3A_416 = arith.constant 0 : i32
        %dma_wait3A_417 = arith.constant 0 : i32
        %dma_wait3A_418 = tpu.memref_slice %arg6[%dma_wait3A_416, %dma_wait3A_417] : memref<1024x16xf32, #tpu.memory_space<vmem>> -> memref<128x16xf32, #tpu.memory_space<vmem>>
        tpu.wait_dma2 semaphore(%arg8 : memref<!tpu.dma_semaphore, #tpu.memory_space<semaphore_mem>>) src(%dma_wait3A_418 : memref<128x16xf32, #tpu.memory_space<vmem>>) dst(%dma_wait3A_415 : memref<128x16xf32, #tpu.memory_space<hbm>>)
      } else {
      }
      %sub3A_94 = arith.constant 32 : i32
      %sub3A_95 = arith.subi %add3A_80, %sub3A_94 : i32
      %mul3A_96 = arith.constant 8 : i32
      %mul3A_97 = arith.muli %sub3A_95, %mul3A_96 : i32
      %add3A_98 = arith.constant 1 : i32
      %add3A_99 = arith.addi %mul3A_97, %add3A_98 : i32
      %gt3A_100 = arith.constant 0 : i32
      %gt3A_101 = arith.cmpi sgt, %scan3A_77, %gt3A_100 : i32
      %lt3A_102 = arith.constant 1280 : i32
      %lt3A_103 = arith.cmpi slt, %add3A_99, %lt3A_102 : i32
      %and3A_104 = arith.andi %gt3A_101, %lt3A_103 : i1
      %convert_element_type3A_105 = arith.extui %and3A_104 : i1 to i32
      %cond3A_106 = arith.constant 0 : i32
      %cond3A_107 = arith.cmpi ne, %convert_element_type3A_105, %cond3A_106 : i32
      scf.if %cond3A_107 {
        %mul3A_408 = arith.constant 128 : i32
        %mul3A_409 = arith.muli %add3A_99, %mul3A_408 : i32
        %dma_wait3A = arith.constant 128 : i32
        %dma_wait3A_410 = arith.constant 0 : i32
        %dma_wait3A_411 = tpu.memref_slice %arg6[%dma_wait3A, %dma_wait3A_410] : memref<1024x16xf32, #tpu.memory_space<vmem>> -> memref<128x16xf32, #tpu.memory_space<vmem>>
        %dma_wait3A_412 = arith.constant 0 : i32
        %dma_wait3A_413 = tpu.memref_slice %arg4[%mul3A_409, %dma_wait3A_412] : memref<163840x16xf32, #tpu.memory_space<hbm>> -> memref<128x16xf32, #tpu.memory_space<hbm>>
        %dma_wait3A_414 = arith.constant 0 : i32
        %dma_wait3A_415 = tpu.memref_slice %arg4[%mul3A_409, %dma_wait3A_414] : memref<163840x16xf32, #tpu.memory_space<hbm>> -> memref<128x16xf32, #tpu.memory_space<hbm>>
        %dma_wait3A_416 = arith.constant 128 : i32
        %dma_wait3A_417 = arith.constant 0 : i32
        %dma_wait3A_418 = tpu.memref_slice %arg6[%dma_wait3A_416, %dma_wait3A_417] : memref<1024x16xf32, #tpu.memory_space<vmem>> -> memref<128x16xf32, #tpu.memory_space<vmem>>
        tpu.wait_dma2 semaphore(%arg8 : memref<!tpu.dma_semaphore, #tpu.memory_space<semaphore_mem>>) src(%dma_wait3A_418 : memref<128x16xf32, #tpu.memory_space<vmem>>) dst(%dma_wait3A_415 : memref<128x16xf32, #tpu.memory_space<hbm>>)
      } else {
      }
      %sub3A_108 = arith.constant 32 : i32
      %sub3A_109 = arith.subi %add3A_80, %sub3A_108 : i32
      %mul3A_110 = arith.constant 8 : i32
      %mul3A_111 = arith.muli %sub3A_109, %mul3A_110 : i32
      %add3A_112 = arith.constant 2 : i32
      %add3A_113 = arith.addi %mul3A_111, %add3A_112 : i32
      %gt3A_114 = arith.constant 0 : i32
      %gt3A_115 = arith.cmpi sgt, %scan3A_77, %gt3A_114 : i32
      %lt3A_116 = arith.constant 1280 : i32
      %lt3A_117 = arith.cmpi slt, %add3A_113, %lt3A_116 : i32
      %and3A_118 = arith.andi %gt3A_115, %lt3A_117 : i1
      %convert_element_type3A_119 = arith.extui %and3A_118 : i1 to i32
      %cond3A_120 = arith.constant 0 : i32
      %cond3A_121 = arith.cmpi ne, %convert_element_type3A_119, %cond3A_120 : i32
      scf.if %cond3A_121 {
        %mul3A_408 = arith.constant 128 : i32
        %mul3A_409 = arith.muli %add3A_113, %mul3A_408 : i32
        %dma_wait3A = arith.constant 256 : i32
        %dma_wait3A_410 = arith.constant 0 : i32
        %dma_wait3A_411 = tpu.memref_slice %arg6[%dma_wait3A, %dma_wait3A_410] : memref<1024x16xf32, #tpu.memory_space<vmem>> -> memref<128x16xf32, #tpu.memory_space<vmem>>
        %dma_wait3A_412 = arith.constant 0 : i32
        %dma_wait3A_413 = tpu.memref_slice %arg4[%mul3A_409, %dma_wait3A_412] : memref<163840x16xf32, #tpu.memory_space<hbm>> -> memref<128x16xf32, #tpu.memory_space<hbm>>
        %dma_wait3A_414 = arith.constant 0 : i32
        %dma_wait3A_415 = tpu.memref_slice %arg4[%mul3A_409, %dma_wait3A_414] : memref<163840x16xf32, #tpu.memory_space<hbm>> -> memref<128x16xf32, #tpu.memory_space<hbm>>
        %dma_wait3A_416 = arith.constant 256 : i32
        %dma_wait3A_417 = arith.constant 0 : i32
        %dma_wait3A_418 = tpu.memref_slice %arg6[%dma_wait3A_416, %dma_wait3A_417] : memref<1024x16xf32, #tpu.memory_space<vmem>> -> memref<128x16xf32, #tpu.memory_space<vmem>>
        tpu.wait_dma2 semaphore(%arg8 : memref<!tpu.dma_semaphore, #tpu.memory_space<semaphore_mem>>) src(%dma_wait3A_418 : memref<128x16xf32, #tpu.memory_space<vmem>>) dst(%dma_wait3A_415 : memref<128x16xf32, #tpu.memory_space<hbm>>)
      } else {
      }
      %sub3A_122 = arith.constant 32 : i32
      %sub3A_123 = arith.subi %add3A_80, %sub3A_122 : i32
      %mul3A_124 = arith.constant 8 : i32
      %mul3A_125 = arith.muli %sub3A_123, %mul3A_124 : i32
      %add3A_126 = arith.constant 3 : i32
      %add3A_127 = arith.addi %mul3A_125, %add3A_126 : i32
      %gt3A_128 = arith.constant 0 : i32
      %gt3A_129 = arith.cmpi sgt, %scan3A_77, %gt3A_128 : i32
      %lt3A_130 = arith.constant 1280 : i32
      %lt3A_131 = arith.cmpi slt, %add3A_127, %lt3A_130 : i32
      %and3A_132 = arith.andi %gt3A_129, %lt3A_131 : i1
      %convert_element_type3A_133 = arith.extui %and3A_132 : i1 to i32
      %cond3A_134 = arith.constant 0 : i32
      %cond3A_135 = arith.cmpi ne, %convert_element_type3A_133, %cond3A_134 : i32
      scf.if %cond3A_135 {
        %mul3A_408 = arith.constant 128 : i32
        %mul3A_409 = arith.muli %add3A_127, %mul3A_408 : i32
        %dma_wait3A = arith.constant 384 : i32
        %dma_wait3A_410 = arith.constant 0 : i32
        %dma_wait3A_411 = tpu.memref_slice %arg6[%dma_wait3A, %dma_wait3A_410] : memref<1024x16xf32, #tpu.memory_space<vmem>> -> memref<128x16xf32, #tpu.memory_space<vmem>>
        %dma_wait3A_412 = arith.constant 0 : i32
        %dma_wait3A_413 = tpu.memref_slice %arg4[%mul3A_409, %dma_wait3A_412] : memref<163840x16xf32, #tpu.memory_space<hbm>> -> memref<128x16xf32, #tpu.memory_space<hbm>>
        %dma_wait3A_414 = arith.constant 0 : i32
        %dma_wait3A_415 = tpu.memref_slice %arg4[%mul3A_409, %dma_wait3A_414] : memref<163840x16xf32, #tpu.memory_space<hbm>> -> memref<128x16xf32, #tpu.memory_space<hbm>>
        %dma_wait3A_416 = arith.constant 384 : i32
        %dma_wait3A_417 = arith.constant 0 : i32
        %dma_wait3A_418 = tpu.memref_slice %arg6[%dma_wait3A_416, %dma_wait3A_417] : memref<1024x16xf32, #tpu.memory_space<vmem>> -> memref<128x16xf32, #tpu.memory_space<vmem>>
        tpu.wait_dma2 semaphore(%arg8 : memref<!tpu.dma_semaphore, #tpu.memory_space<semaphore_mem>>) src(%dma_wait3A_418 : memref<128x16xf32, #tpu.memory_space<vmem>>) dst(%dma_wait3A_415 : memref<128x16xf32, #tpu.memory_space<hbm>>)
      } else {
      }
      %sub3A_136 = arith.constant 32 : i32
      %sub3A_137 = arith.subi %add3A_80, %sub3A_136 : i32
      %mul3A_138 = arith.constant 8 : i32
      %mul3A_139 = arith.muli %sub3A_137, %mul3A_138 : i32
      %add3A_140 = arith.constant 4 : i32
      %add3A_141 = arith.addi %mul3A_139, %add3A_140 : i32
      %gt3A_142 = arith.constant 0 : i32
      %gt3A_143 = arith.cmpi sgt, %scan3A_77, %gt3A_142 : i32
      %lt3A_144 = arith.constant 1280 : i32
      %lt3A_145 = arith.cmpi slt, %add3A_141, %lt3A_144 : i32
      %and3A_146 = arith.andi %gt3A_143, %lt3A_145 : i1
      %convert_element_type3A_147 = arith.extui %and3A_146 : i1 to i32
      %cond3A_148 = arith.constant 0 : i32
      %cond3A_149 = arith.cmpi ne, %convert_element_type3A_147, %cond3A_148 : i32
      scf.if %cond3A_149 {
        %mul3A_408 = arith.constant 128 : i32
        %mul3A_409 = arith.muli %add3A_141, %mul3A_408 : i32
        %dma_wait3A = arith.constant 512 : i32
        %dma_wait3A_410 = arith.constant 0 : i32
        %dma_wait3A_411 = tpu.memref_slice %arg6[%dma_wait3A, %dma_wait3A_410] : memref<1024x16xf32, #tpu.memory_space<vmem>> -> memref<128x16xf32, #tpu.memory_space<vmem>>
        %dma_wait3A_412 = arith.constant 0 : i32
        %dma_wait3A_413 = tpu.memref_slice %arg4[%mul3A_409, %dma_wait3A_412] : memref<163840x16xf32, #tpu.memory_space<hbm>> -> memref<128x16xf32, #tpu.memory_space<hbm>>
        %dma_wait3A_414 = arith.constant 0 : i32
        %dma_wait3A_415 = tpu.memref_slice %arg4[%mul3A_409, %dma_wait3A_414] : memref<163840x16xf32, #tpu.memory_space<hbm>> -> memref<128x16xf32, #tpu.memory_space<hbm>>
        %dma_wait3A_416 = arith.constant 512 : i32
        %dma_wait3A_417 = arith.constant 0 : i32
        %dma_wait3A_418 = tpu.memref_slice %arg6[%dma_wait3A_416, %dma_wait3A_417] : memref<1024x16xf32, #tpu.memory_space<vmem>> -> memref<128x16xf32, #tpu.memory_space<vmem>>
        tpu.wait_dma2 semaphore(%arg8 : memref<!tpu.dma_semaphore, #tpu.memory_space<semaphore_mem>>) src(%dma_wait3A_418 : memref<128x16xf32, #tpu.memory_space<vmem>>) dst(%dma_wait3A_415 : memref<128x16xf32, #tpu.memory_space<hbm>>)
      } else {
      }
      %sub3A_150 = arith.constant 32 : i32
      %sub3A_151 = arith.subi %add3A_80, %sub3A_150 : i32
      %mul3A_152 = arith.constant 8 : i32
      %mul3A_153 = arith.muli %sub3A_151, %mul3A_152 : i32
      %add3A_154 = arith.constant 5 : i32
      %add3A_155 = arith.addi %mul3A_153, %add3A_154 : i32
      %gt3A_156 = arith.constant 0 : i32
      %gt3A_157 = arith.cmpi sgt, %scan3A_77, %gt3A_156 : i32
      %lt3A_158 = arith.constant 1280 : i32
      %lt3A_159 = arith.cmpi slt, %add3A_155, %lt3A_158 : i32
      %and3A_160 = arith.andi %gt3A_157, %lt3A_159 : i1
      %convert_element_type3A_161 = arith.extui %and3A_160 : i1 to i32
      %cond3A_162 = arith.constant 0 : i32
      %cond3A_163 = arith.cmpi ne, %convert_element_type3A_161, %cond3A_162 : i32
      scf.if %cond3A_163 {
        %mul3A_408 = arith.constant 128 : i32
        %mul3A_409 = arith.muli %add3A_155, %mul3A_408 : i32
        %dma_wait3A = arith.constant 640 : i32
        %dma_wait3A_410 = arith.constant 0 : i32
        %dma_wait3A_411 = tpu.memref_slice %arg6[%dma_wait3A, %dma_wait3A_410] : memref<1024x16xf32, #tpu.memory_space<vmem>> -> memref<128x16xf32, #tpu.memory_space<vmem>>
        %dma_wait3A_412 = arith.constant 0 : i32
        %dma_wait3A_413 = tpu.memref_slice %arg4[%mul3A_409, %dma_wait3A_412] : memref<163840x16xf32, #tpu.memory_space<hbm>> -> memref<128x16xf32, #tpu.memory_space<hbm>>
        %dma_wait3A_414 = arith.constant 0 : i32
        %dma_wait3A_415 = tpu.memref_slice %arg4[%mul3A_409, %dma_wait3A_414] : memref<163840x16xf32, #tpu.memory_space<hbm>> -> memref<128x16xf32, #tpu.memory_space<hbm>>
        %dma_wait3A_416 = arith.constant 640 : i32
        %dma_wait3A_417 = arith.constant 0 : i32
        %dma_wait3A_418 = tpu.memref_slice %arg6[%dma_wait3A_416, %dma_wait3A_417] : memref<1024x16xf32, #tpu.memory_space<vmem>> -> memref<128x16xf32, #tpu.memory_space<vmem>>
        tpu.wait_dma2 semaphore(%arg8 : memref<!tpu.dma_semaphore, #tpu.memory_space<semaphore_mem>>) src(%dma_wait3A_418 : memref<128x16xf32, #tpu.memory_space<vmem>>) dst(%dma_wait3A_415 : memref<128x16xf32, #tpu.memory_space<hbm>>)
      } else {
      }
      %sub3A_164 = arith.constant 32 : i32
      %sub3A_165 = arith.subi %add3A_80, %sub3A_164 : i32
      %mul3A_166 = arith.constant 8 : i32
      %mul3A_167 = arith.muli %sub3A_165, %mul3A_166 : i32
      %add3A_168 = arith.constant 6 : i32
      %add3A_169 = arith.addi %mul3A_167, %add3A_168 : i32
      %gt3A_170 = arith.constant 0 : i32
      %gt3A_171 = arith.cmpi sgt, %scan3A_77, %gt3A_170 : i32
      %lt3A_172 = arith.constant 1280 : i32
      %lt3A_173 = arith.cmpi slt, %add3A_169, %lt3A_172 : i32
      %and3A_174 = arith.andi %gt3A_171, %lt3A_173 : i1
      %convert_element_type3A_175 = arith.extui %and3A_174 : i1 to i32
      %cond3A_176 = arith.constant 0 : i32
      %cond3A_177 = arith.cmpi ne, %convert_element_type3A_175, %cond3A_176 : i32
      scf.if %cond3A_177 {
        %mul3A_408 = arith.constant 128 : i32
        %mul3A_409 = arith.muli %add3A_169, %mul3A_408 : i32
        %dma_wait3A = arith.constant 768 : i32
        %dma_wait3A_410 = arith.constant 0 : i32
        %dma_wait3A_411 = tpu.memref_slice %arg6[%dma_wait3A, %dma_wait3A_410] : memref<1024x16xf32, #tpu.memory_space<vmem>> -> memref<128x16xf32, #tpu.memory_space<vmem>>
        %dma_wait3A_412 = arith.constant 0 : i32
        %dma_wait3A_413 = tpu.memref_slice %arg4[%mul3A_409, %dma_wait3A_412] : memref<163840x16xf32, #tpu.memory_space<hbm>> -> memref<128x16xf32, #tpu.memory_space<hbm>>
        %dma_wait3A_414 = arith.constant 0 : i32
        %dma_wait3A_415 = tpu.memref_slice %arg4[%mul3A_409, %dma_wait3A_414] : memref<163840x16xf32, #tpu.memory_space<hbm>> -> memref<128x16xf32, #tpu.memory_space<hbm>>
        %dma_wait3A_416 = arith.constant 768 : i32
        %dma_wait3A_417 = arith.constant 0 : i32
        %dma_wait3A_418 = tpu.memref_slice %arg6[%dma_wait3A_416, %dma_wait3A_417] : memref<1024x16xf32, #tpu.memory_space<vmem>> -> memref<128x16xf32, #tpu.memory_space<vmem>>
        tpu.wait_dma2 semaphore(%arg8 : memref<!tpu.dma_semaphore, #tpu.memory_space<semaphore_mem>>) src(%dma_wait3A_418 : memref<128x16xf32, #tpu.memory_space<vmem>>) dst(%dma_wait3A_415 : memref<128x16xf32, #tpu.memory_space<hbm>>)
      } else {
      }
      %sub3A_178 = arith.constant 32 : i32
      %sub3A_179 = arith.subi %add3A_80, %sub3A_178 : i32
      %mul3A_180 = arith.constant 8 : i32
      %mul3A_181 = arith.muli %sub3A_179, %mul3A_180 : i32
      %add3A_182 = arith.constant 7 : i32
      %add3A_183 = arith.addi %mul3A_181, %add3A_182 : i32
      %gt3A_184 = arith.constant 0 : i32
      %gt3A_185 = arith.cmpi sgt, %scan3A_77, %gt3A_184 : i32
      %lt3A_186 = arith.constant 1280 : i32
      %lt3A_187 = arith.cmpi slt, %add3A_183, %lt3A_186 : i32
      %and3A_188 = arith.andi %gt3A_185, %lt3A_187 : i1
      %convert_element_type3A_189 = arith.extui %and3A_188 : i1 to i32
      %cond3A_190 = arith.constant 0 : i32
      %cond3A_191 = arith.cmpi ne, %convert_element_type3A_189, %cond3A_190 : i32
      scf.if %cond3A_191 {
        %mul3A_408 = arith.constant 128 : i32
        %mul3A_409 = arith.muli %add3A_183, %mul3A_408 : i32
        %dma_wait3A = arith.constant 896 : i32
        %dma_wait3A_410 = arith.constant 0 : i32
        %dma_wait3A_411 = tpu.memref_slice %arg6[%dma_wait3A, %dma_wait3A_410] : memref<1024x16xf32, #tpu.memory_space<vmem>> -> memref<128x16xf32, #tpu.memory_space<vmem>>
        %dma_wait3A_412 = arith.constant 0 : i32
        %dma_wait3A_413 = tpu.memref_slice %arg4[%mul3A_409, %dma_wait3A_412] : memref<163840x16xf32, #tpu.memory_space<hbm>> -> memref<128x16xf32, #tpu.memory_space<hbm>>
        %dma_wait3A_414 = arith.constant 0 : i32
        %dma_wait3A_415 = tpu.memref_slice %arg4[%mul3A_409, %dma_wait3A_414] : memref<163840x16xf32, #tpu.memory_space<hbm>> -> memref<128x16xf32, #tpu.memory_space<hbm>>
        %dma_wait3A_416 = arith.constant 896 : i32
        %dma_wait3A_417 = arith.constant 0 : i32
        %dma_wait3A_418 = tpu.memref_slice %arg6[%dma_wait3A_416, %dma_wait3A_417] : memref<1024x16xf32, #tpu.memory_space<vmem>> -> memref<128x16xf32, #tpu.memory_space<vmem>>
        tpu.wait_dma2 semaphore(%arg8 : memref<!tpu.dma_semaphore, #tpu.memory_space<semaphore_mem>>) src(%dma_wait3A_418 : memref<128x16xf32, #tpu.memory_space<vmem>>) dst(%dma_wait3A_415 : memref<128x16xf32, #tpu.memory_space<hbm>>)
      } else {
      }
      %mul3A_192 = arith.constant 8 : i32
      %mul3A_193 = arith.muli %add3A_80, %mul3A_192 : i32
      %add3A_194 = arith.constant 0 : i32
      %add3A_195 = arith.addi %mul3A_193, %add3A_194 : i32
      %lt3A_196 = arith.constant 1280 : i32
      %lt3A_197 = arith.cmpi slt, %add3A_195, %lt3A_196 : i32
      %convert_element_type3A_198 = arith.extui %lt3A_197 : i1 to i32
      %cond3A_199 = arith.constant 0 : i32
      %cond3A_200 = arith.cmpi ne, %convert_element_type3A_198, %cond3A_199 : i32
      scf.if %cond3A_200 {
        %dma_start3A = arith.constant 0 : i32
        %dma_start3A_408 = arith.constant 0 : i32
        %dma_start3A_409 = arith.constant 0 : i32
        %dma_start3A_410 = tpu.memref_slice %arg6[%dma_start3A_408, %dma_start3A_409] : memref<1024x16xf32, #tpu.memory_space<vmem>> -> memref<128x16xf32, #tpu.memory_space<vmem>>
        %dma_start3A_411 = arith.constant 0 : i32
        %dma_start3A_412 = tpu.memref_slice %arg5[%dma_start3A, %dma_start3A_411] : memref<8x128xi32, #tpu.memory_space<vmem>> -> memref<1x128xi32, #tpu.memory_space<vmem>>
        %dma_start3A_413 = tpu.memref_squeeze %dma_start3A_412 : memref<1x128xi32, #tpu.memory_space<vmem>> -> memref<128xi32, #tpu.memory_space<vmem>>
        %dma_start3A_414 = arith.constant 0 : i32
        %dma_start3A_415 = arith.constant 0 : i32
        %dma_start3A_416 = tpu.memref_slice %arg2[%dma_start3A_414, %dma_start3A_415] : memref<10000x16xf32, #tpu.memory_space<hbm>> -> memref<10000x16xf32, #tpu.memory_space<hbm>>
        tpu.enqueue_indirect_dma source(%dma_start3A_416 : memref<10000x16xf32, #tpu.memory_space<hbm>>) target(%dma_start3A_410 : memref<128x16xf32, #tpu.memory_space<vmem>>) offsets(%dma_start3A_413 : memref<128xi32, #tpu.memory_space<vmem>>) semaphore(%arg7 : memref<!tpu.dma_semaphore, #tpu.memory_space<semaphore_mem>>)
      } else {
      }
      %mul3A_201 = arith.constant 8 : i32
      %mul3A_202 = arith.muli %add3A_80, %mul3A_201 : i32
      %add3A_203 = arith.constant 1 : i32
      %add3A_204 = arith.addi %mul3A_202, %add3A_203 : i32
      %lt3A_205 = arith.constant 1280 : i32
      %lt3A_206 = arith.cmpi slt, %add3A_204, %lt3A_205 : i32
      %convert_element_type3A_207 = arith.extui %lt3A_206 : i1 to i32
      %cond3A_208 = arith.constant 0 : i32
      %cond3A_209 = arith.cmpi ne, %convert_element_type3A_207, %cond3A_208 : i32
      scf.if %cond3A_209 {
        %dma_start3A = arith.constant 1 : i32
        %dma_start3A_408 = arith.constant 128 : i32
        %dma_start3A_409 = arith.constant 0 : i32
        %dma_start3A_410 = tpu.memref_slice %arg6[%dma_start3A_408, %dma_start3A_409] : memref<1024x16xf32, #tpu.memory_space<vmem>> -> memref<128x16xf32, #tpu.memory_space<vmem>>
        %dma_start3A_411 = arith.constant 0 : i32
        %dma_start3A_412 = tpu.memref_slice %arg5[%dma_start3A, %dma_start3A_411] : memref<8x128xi32, #tpu.memory_space<vmem>> -> memref<1x128xi32, #tpu.memory_space<vmem>>
        %dma_start3A_413 = tpu.memref_squeeze %dma_start3A_412 : memref<1x128xi32, #tpu.memory_space<vmem>> -> memref<128xi32, #tpu.memory_space<vmem>>
        %dma_start3A_414 = arith.constant 0 : i32
        %dma_start3A_415 = arith.constant 0 : i32
        %dma_start3A_416 = tpu.memref_slice %arg2[%dma_start3A_414, %dma_start3A_415] : memref<10000x16xf32, #tpu.memory_space<hbm>> -> memref<10000x16xf32, #tpu.memory_space<hbm>>
        tpu.enqueue_indirect_dma source(%dma_start3A_416 : memref<10000x16xf32, #tpu.memory_space<hbm>>) target(%dma_start3A_410 : memref<128x16xf32, #tpu.memory_space<vmem>>) offsets(%dma_start3A_413 : memref<128xi32, #tpu.memory_space<vmem>>) semaphore(%arg7 : memref<!tpu.dma_semaphore, #tpu.memory_space<semaphore_mem>>)
      } else {
      }
      %mul3A_210 = arith.constant 8 : i32
      %mul3A_211 = arith.muli %add3A_80, %mul3A_210 : i32
      %add3A_212 = arith.constant 2 : i32
      %add3A_213 = arith.addi %mul3A_211, %add3A_212 : i32
      %lt3A_214 = arith.constant 1280 : i32
      %lt3A_215 = arith.cmpi slt, %add3A_213, %lt3A_214 : i32
      %convert_element_type3A_216 = arith.extui %lt3A_215 : i1 to i32
      %cond3A_217 = arith.constant 0 : i32
      %cond3A_218 = arith.cmpi ne, %convert_element_type3A_216, %cond3A_217 : i32
      scf.if %cond3A_218 {
        %dma_start3A = arith.constant 2 : i32
        %dma_start3A_408 = arith.constant 256 : i32
        %dma_start3A_409 = arith.constant 0 : i32
        %dma_start3A_410 = tpu.memref_slice %arg6[%dma_start3A_408, %dma_start3A_409] : memref<1024x16xf32, #tpu.memory_space<vmem>> -> memref<128x16xf32, #tpu.memory_space<vmem>>
        %dma_start3A_411 = arith.constant 0 : i32
        %dma_start3A_412 = tpu.memref_slice %arg5[%dma_start3A, %dma_start3A_411] : memref<8x128xi32, #tpu.memory_space<vmem>> -> memref<1x128xi32, #tpu.memory_space<vmem>>
        %dma_start3A_413 = tpu.memref_squeeze %dma_start3A_412 : memref<1x128xi32, #tpu.memory_space<vmem>> -> memref<128xi32, #tpu.memory_space<vmem>>
        %dma_start3A_414 = arith.constant 0 : i32
        %dma_start3A_415 = arith.constant 0 : i32
        %dma_start3A_416 = tpu.memref_slice %arg2[%dma_start3A_414, %dma_start3A_415] : memref<10000x16xf32, #tpu.memory_space<hbm>> -> memref<10000x16xf32, #tpu.memory_space<hbm>>
        tpu.enqueue_indirect_dma source(%dma_start3A_416 : memref<10000x16xf32, #tpu.memory_space<hbm>>) target(%dma_start3A_410 : memref<128x16xf32, #tpu.memory_space<vmem>>) offsets(%dma_start3A_413 : memref<128xi32, #tpu.memory_space<vmem>>) semaphore(%arg7 : memref<!tpu.dma_semaphore, #tpu.memory_space<semaphore_mem>>)
      } else {
      }
      %mul3A_219 = arith.constant 8 : i32
      %mul3A_220 = arith.muli %add3A_80, %mul3A_219 : i32
      %add3A_221 = arith.constant 3 : i32
      %add3A_222 = arith.addi %mul3A_220, %add3A_221 : i32
      %lt3A_223 = arith.constant 1280 : i32
      %lt3A_224 = arith.cmpi slt, %add3A_222, %lt3A_223 : i32
      %convert_element_type3A_225 = arith.extui %lt3A_224 : i1 to i32
      %cond3A_226 = arith.constant 0 : i32
      %cond3A_227 = arith.cmpi ne, %convert_element_type3A_225, %cond3A_226 : i32
      scf.if %cond3A_227 {
        %dma_start3A = arith.constant 3 : i32
        %dma_start3A_408 = arith.constant 384 : i32
        %dma_start3A_409 = arith.constant 0 : i32
        %dma_start3A_410 = tpu.memref_slice %arg6[%dma_start3A_408, %dma_start3A_409] : memref<1024x16xf32, #tpu.memory_space<vmem>> -> memref<128x16xf32, #tpu.memory_space<vmem>>
        %dma_start3A_411 = arith.constant 0 : i32
        %dma_start3A_412 = tpu.memref_slice %arg5[%dma_start3A, %dma_start3A_411] : memref<8x128xi32, #tpu.memory_space<vmem>> -> memref<1x128xi32, #tpu.memory_space<vmem>>
        %dma_start3A_413 = tpu.memref_squeeze %dma_start3A_412 : memref<1x128xi32, #tpu.memory_space<vmem>> -> memref<128xi32, #tpu.memory_space<vmem>>
        %dma_start3A_414 = arith.constant 0 : i32
        %dma_start3A_415 = arith.constant 0 : i32
        %dma_start3A_416 = tpu.memref_slice %arg2[%dma_start3A_414, %dma_start3A_415] : memref<10000x16xf32, #tpu.memory_space<hbm>> -> memref<10000x16xf32, #tpu.memory_space<hbm>>
        tpu.enqueue_indirect_dma source(%dma_start3A_416 : memref<10000x16xf32, #tpu.memory_space<hbm>>) target(%dma_start3A_410 : memref<128x16xf32, #tpu.memory_space<vmem>>) offsets(%dma_start3A_413 : memref<128xi32, #tpu.memory_space<vmem>>) semaphore(%arg7 : memref<!tpu.dma_semaphore, #tpu.memory_space<semaphore_mem>>)
      } else {
      }
      %mul3A_228 = arith.constant 8 : i32
      %mul3A_229 = arith.muli %add3A_80, %mul3A_228 : i32
      %add3A_230 = arith.constant 4 : i32
      %add3A_231 = arith.addi %mul3A_229, %add3A_230 : i32
      %lt3A_232 = arith.constant 1280 : i32
      %lt3A_233 = arith.cmpi slt, %add3A_231, %lt3A_232 : i32
      %convert_element_type3A_234 = arith.extui %lt3A_233 : i1 to i32
      %cond3A_235 = arith.constant 0 : i32
      %cond3A_236 = arith.cmpi ne, %convert_element_type3A_234, %cond3A_235 : i32
      scf.if %cond3A_236 {
        %dma_start3A = arith.constant 4 : i32
        %dma_start3A_408 = arith.constant 512 : i32
        %dma_start3A_409 = arith.constant 0 : i32
        %dma_start3A_410 = tpu.memref_slice %arg6[%dma_start3A_408, %dma_start3A_409] : memref<1024x16xf32, #tpu.memory_space<vmem>> -> memref<128x16xf32, #tpu.memory_space<vmem>>
        %dma_start3A_411 = arith.constant 0 : i32
        %dma_start3A_412 = tpu.memref_slice %arg5[%dma_start3A, %dma_start3A_411] : memref<8x128xi32, #tpu.memory_space<vmem>> -> memref<1x128xi32, #tpu.memory_space<vmem>>
        %dma_start3A_413 = tpu.memref_squeeze %dma_start3A_412 : memref<1x128xi32, #tpu.memory_space<vmem>> -> memref<128xi32, #tpu.memory_space<vmem>>
        %dma_start3A_414 = arith.constant 0 : i32
        %dma_start3A_415 = arith.constant 0 : i32
        %dma_start3A_416 = tpu.memref_slice %arg2[%dma_start3A_414, %dma_start3A_415] : memref<10000x16xf32, #tpu.memory_space<hbm>> -> memref<10000x16xf32, #tpu.memory_space<hbm>>
        tpu.enqueue_indirect_dma source(%dma_start3A_416 : memref<10000x16xf32, #tpu.memory_space<hbm>>) target(%dma_start3A_410 : memref<128x16xf32, #tpu.memory_space<vmem>>) offsets(%dma_start3A_413 : memref<128xi32, #tpu.memory_space<vmem>>) semaphore(%arg7 : memref<!tpu.dma_semaphore, #tpu.memory_space<semaphore_mem>>)
      } else {
      }
      %mul3A_237 = arith.constant 8 : i32
      %mul3A_238 = arith.muli %add3A_80, %mul3A_237 : i32
      %add3A_239 = arith.constant 5 : i32
      %add3A_240 = arith.addi %mul3A_238, %add3A_239 : i32
      %lt3A_241 = arith.constant 1280 : i32
      %lt3A_242 = arith.cmpi slt, %add3A_240, %lt3A_241 : i32
      %convert_element_type3A_243 = arith.extui %lt3A_242 : i1 to i32
      %cond3A_244 = arith.constant 0 : i32
      %cond3A_245 = arith.cmpi ne, %convert_element_type3A_243, %cond3A_244 : i32
      scf.if %cond3A_245 {
        %dma_start3A = arith.constant 5 : i32
        %dma_start3A_408 = arith.constant 640 : i32
        %dma_start3A_409 = arith.constant 0 : i32
        %dma_start3A_410 = tpu.memref_slice %arg6[%dma_start3A_408, %dma_start3A_409] : memref<1024x16xf32, #tpu.memory_space<vmem>> -> memref<128x16xf32, #tpu.memory_space<vmem>>
        %dma_start3A_411 = arith.constant 0 : i32
        %dma_start3A_412 = tpu.memref_slice %arg5[%dma_start3A, %dma_start3A_411] : memref<8x128xi32, #tpu.memory_space<vmem>> -> memref<1x128xi32, #tpu.memory_space<vmem>>
        %dma_start3A_413 = tpu.memref_squeeze %dma_start3A_412 : memref<1x128xi32, #tpu.memory_space<vmem>> -> memref<128xi32, #tpu.memory_space<vmem>>
        %dma_start3A_414 = arith.constant 0 : i32
        %dma_start3A_415 = arith.constant 0 : i32
        %dma_start3A_416 = tpu.memref_slice %arg2[%dma_start3A_414, %dma_start3A_415] : memref<10000x16xf32, #tpu.memory_space<hbm>> -> memref<10000x16xf32, #tpu.memory_space<hbm>>
        tpu.enqueue_indirect_dma source(%dma_start3A_416 : memref<10000x16xf32, #tpu.memory_space<hbm>>) target(%dma_start3A_410 : memref<128x16xf32, #tpu.memory_space<vmem>>) offsets(%dma_start3A_413 : memref<128xi32, #tpu.memory_space<vmem>>) semaphore(%arg7 : memref<!tpu.dma_semaphore, #tpu.memory_space<semaphore_mem>>)
      } else {
      }
      %mul3A_246 = arith.constant 8 : i32
      %mul3A_247 = arith.muli %add3A_80, %mul3A_246 : i32
      %add3A_248 = arith.constant 6 : i32
      %add3A_249 = arith.addi %mul3A_247, %add3A_248 : i32
      %lt3A_250 = arith.constant 1280 : i32
      %lt3A_251 = arith.cmpi slt, %add3A_249, %lt3A_250 : i32
      %convert_element_type3A_252 = arith.extui %lt3A_251 : i1 to i32
      %cond3A_253 = arith.constant 0 : i32
      %cond3A_254 = arith.cmpi ne, %convert_element_type3A_252, %cond3A_253 : i32
      scf.if %cond3A_254 {
        %dma_start3A = arith.constant 6 : i32
        %dma_start3A_408 = arith.constant 768 : i32
        %dma_start3A_409 = arith.constant 0 : i32
        %dma_start3A_410 = tpu.memref_slice %arg6[%dma_start3A_408, %dma_start3A_409] : memref<1024x16xf32, #tpu.memory_space<vmem>> -> memref<128x16xf32, #tpu.memory_space<vmem>>
        %dma_start3A_411 = arith.constant 0 : i32
        %dma_start3A_412 = tpu.memref_slice %arg5[%dma_start3A, %dma_start3A_411] : memref<8x128xi32, #tpu.memory_space<vmem>> -> memref<1x128xi32, #tpu.memory_space<vmem>>
        %dma_start3A_413 = tpu.memref_squeeze %dma_start3A_412 : memref<1x128xi32, #tpu.memory_space<vmem>> -> memref<128xi32, #tpu.memory_space<vmem>>
        %dma_start3A_414 = arith.constant 0 : i32
        %dma_start3A_415 = arith.constant 0 : i32
        %dma_start3A_416 = tpu.memref_slice %arg2[%dma_start3A_414, %dma_start3A_415] : memref<10000x16xf32, #tpu.memory_space<hbm>> -> memref<10000x16xf32, #tpu.memory_space<hbm>>
        tpu.enqueue_indirect_dma source(%dma_start3A_416 : memref<10000x16xf32, #tpu.memory_space<hbm>>) target(%dma_start3A_410 : memref<128x16xf32, #tpu.memory_space<vmem>>) offsets(%dma_start3A_413 : memref<128xi32, #tpu.memory_space<vmem>>) semaphore(%arg7 : memref<!tpu.dma_semaphore, #tpu.memory_space<semaphore_mem>>)
      } else {
      }
      %mul3A_255 = arith.constant 8 : i32
      %mul3A_256 = arith.muli %add3A_80, %mul3A_255 : i32
      %add3A_257 = arith.constant 7 : i32
      %add3A_258 = arith.addi %mul3A_256, %add3A_257 : i32
      %lt3A_259 = arith.constant 1280 : i32
      %lt3A_260 = arith.cmpi slt, %add3A_258, %lt3A_259 : i32
      %convert_element_type3A_261 = arith.extui %lt3A_260 : i1 to i32
      %cond3A_262 = arith.constant 0 : i32
      %cond3A_263 = arith.cmpi ne, %convert_element_type3A_261, %cond3A_262 : i32
      scf.if %cond3A_263 {
        %dma_start3A = arith.constant 7 : i32
        %dma_start3A_408 = arith.constant 896 : i32
        %dma_start3A_409 = arith.constant 0 : i32
        %dma_start3A_410 = tpu.memref_slice %arg6[%dma_start3A_408, %dma_start3A_409] : memref<1024x16xf32, #tpu.memory_space<vmem>> -> memref<128x16xf32, #tpu.memory_space<vmem>>
        %dma_start3A_411 = arith.constant 0 : i32
        %dma_start3A_412 = tpu.memref_slice %arg5[%dma_start3A, %dma_start3A_411] : memref<8x128xi32, #tpu.memory_space<vmem>> -> memref<1x128xi32, #tpu.memory_space<vmem>>
        %dma_start3A_413 = tpu.memref_squeeze %dma_start3A_412 : memref<1x128xi32, #tpu.memory_space<vmem>> -> memref<128xi32, #tpu.memory_space<vmem>>
        %dma_start3A_414 = arith.constant 0 : i32
        %dma_start3A_415 = arith.constant 0 : i32
        %dma_start3A_416 = tpu.memref_slice %arg2[%dma_start3A_414, %dma_start3A_415] : memref<10000x16xf32, #tpu.memory_space<hbm>> -> memref<10000x16xf32, #tpu.memory_space<hbm>>
        tpu.enqueue_indirect_dma source(%dma_start3A_416 : memref<10000x16xf32, #tpu.memory_space<hbm>>) target(%dma_start3A_410 : memref<128x16xf32, #tpu.memory_space<vmem>>) offsets(%dma_start3A_413 : memref<128xi32, #tpu.memory_space<vmem>>) semaphore(%arg7 : memref<!tpu.dma_semaphore, #tpu.memory_space<semaphore_mem>>)
      } else {
      }
      %mul3A_264 = arith.constant 8 : i32
      %mul3A_265 = arith.muli %add3A_80, %mul3A_264 : i32
      %add3A_266 = arith.constant 0 : i32
      %add3A_267 = arith.addi %mul3A_265, %add3A_266 : i32
      %lt3A_268 = arith.constant 1280 : i32
      %lt3A_269 = arith.cmpi slt, %add3A_267, %lt3A_268 : i32
      %convert_element_type3A_270 = arith.extui %lt3A_269 : i1 to i32
      %cond3A_271 = arith.constant 0 : i32
      %cond3A_272 = arith.cmpi ne, %convert_element_type3A_270, %cond3A_271 : i32
      scf.if %cond3A_272 {
        %dma_wait3A = arith.constant 0 : i32
        %dma_wait3A_408 = arith.constant 0 : i32
        %dma_wait3A_409 = arith.constant 0 : i32
        %dma_wait3A_410 = tpu.memref_slice %arg6[%dma_wait3A_408, %dma_wait3A_409] : memref<1024x16xf32, #tpu.memory_space<vmem>> -> memref<128x16xf32, #tpu.memory_space<vmem>>
        %dma_wait3A_411 = arith.constant 0 : i32
        %dma_wait3A_412 = tpu.memref_slice %arg5[%dma_wait3A, %dma_wait3A_411] : memref<8x128xi32, #tpu.memory_space<vmem>> -> memref<1x128xi32, #tpu.memory_space<vmem>>
        %dma_wait3A_413 = tpu.memref_squeeze %dma_wait3A_412 : memref<1x128xi32, #tpu.memory_space<vmem>> -> memref<128xi32, #tpu.memory_space<vmem>>
        %dma_wait3A_414 = arith.constant 0 : i32
        %dma_wait3A_415 = arith.constant 0 : i32
        %dma_wait3A_416 = tpu.memref_slice %arg2[%dma_wait3A_414, %dma_wait3A_415] : memref<10000x16xf32, #tpu.memory_space<hbm>> -> memref<10000x16xf32, #tpu.memory_space<hbm>>
        tpu.wait_indirect_dma semaphore(%arg7 : memref<!tpu.dma_semaphore, #tpu.memory_space<semaphore_mem>>) src(%dma_wait3A_416 : memref<10000x16xf32, #tpu.memory_space<hbm>>) dst(%dma_wait3A_410 : memref<128x16xf32, #tpu.memory_space<vmem>>)
      } else {
      }
      %mul3A_273 = arith.constant 8 : i32
      %mul3A_274 = arith.muli %add3A_80, %mul3A_273 : i32
      %add3A_275 = arith.constant 1 : i32
      %add3A_276 = arith.addi %mul3A_274, %add3A_275 : i32
      %lt3A_277 = arith.constant 1280 : i32
      %lt3A_278 = arith.cmpi slt, %add3A_276, %lt3A_277 : i32
      %convert_element_type3A_279 = arith.extui %lt3A_278 : i1 to i32
      %cond3A_280 = arith.constant 0 : i32
      %cond3A_281 = arith.cmpi ne, %convert_element_type3A_279, %cond3A_280 : i32
      scf.if %cond3A_281 {
        %dma_wait3A = arith.constant 1 : i32
        %dma_wait3A_408 = arith.constant 128 : i32
        %dma_wait3A_409 = arith.constant 0 : i32
        %dma_wait3A_410 = tpu.memref_slice %arg6[%dma_wait3A_408, %dma_wait3A_409] : memref<1024x16xf32, #tpu.memory_space<vmem>> -> memref<128x16xf32, #tpu.memory_space<vmem>>
        %dma_wait3A_411 = arith.constant 0 : i32
        %dma_wait3A_412 = tpu.memref_slice %arg5[%dma_wait3A, %dma_wait3A_411] : memref<8x128xi32, #tpu.memory_space<vmem>> -> memref<1x128xi32, #tpu.memory_space<vmem>>
        %dma_wait3A_413 = tpu.memref_squeeze %dma_wait3A_412 : memref<1x128xi32, #tpu.memory_space<vmem>> -> memref<128xi32, #tpu.memory_space<vmem>>
        %dma_wait3A_414 = arith.constant 0 : i32
        %dma_wait3A_415 = arith.constant 0 : i32
        %dma_wait3A_416 = tpu.memref_slice %arg2[%dma_wait3A_414, %dma_wait3A_415] : memref<10000x16xf32, #tpu.memory_space<hbm>> -> memref<10000x16xf32, #tpu.memory_space<hbm>>
        tpu.wait_indirect_dma semaphore(%arg7 : memref<!tpu.dma_semaphore, #tpu.memory_space<semaphore_mem>>) src(%dma_wait3A_416 : memref<10000x16xf32, #tpu.memory_space<hbm>>) dst(%dma_wait3A_410 : memref<128x16xf32, #tpu.memory_space<vmem>>)
      } else {
      }
      %mul3A_282 = arith.constant 8 : i32
      %mul3A_283 = arith.muli %add3A_80, %mul3A_282 : i32
      %add3A_284 = arith.constant 2 : i32
      %add3A_285 = arith.addi %mul3A_283, %add3A_284 : i32
      %lt3A_286 = arith.constant 1280 : i32
      %lt3A_287 = arith.cmpi slt, %add3A_285, %lt3A_286 : i32
      %convert_element_type3A_288 = arith.extui %lt3A_287 : i1 to i32
      %cond3A_289 = arith.constant 0 : i32
      %cond3A_290 = arith.cmpi ne, %convert_element_type3A_288, %cond3A_289 : i32
      scf.if %cond3A_290 {
        %dma_wait3A = arith.constant 2 : i32
        %dma_wait3A_408 = arith.constant 256 : i32
        %dma_wait3A_409 = arith.constant 0 : i32
        %dma_wait3A_410 = tpu.memref_slice %arg6[%dma_wait3A_408, %dma_wait3A_409] : memref<1024x16xf32, #tpu.memory_space<vmem>> -> memref<128x16xf32, #tpu.memory_space<vmem>>
        %dma_wait3A_411 = arith.constant 0 : i32
        %dma_wait3A_412 = tpu.memref_slice %arg5[%dma_wait3A, %dma_wait3A_411] : memref<8x128xi32, #tpu.memory_space<vmem>> -> memref<1x128xi32, #tpu.memory_space<vmem>>
        %dma_wait3A_413 = tpu.memref_squeeze %dma_wait3A_412 : memref<1x128xi32, #tpu.memory_space<vmem>> -> memref<128xi32, #tpu.memory_space<vmem>>
        %dma_wait3A_414 = arith.constant 0 : i32
        %dma_wait3A_415 = arith.constant 0 : i32
        %dma_wait3A_416 = tpu.memref_slice %arg2[%dma_wait3A_414, %dma_wait3A_415] : memref<10000x16xf32, #tpu.memory_space<hbm>> -> memref<10000x16xf32, #tpu.memory_space<hbm>>
        tpu.wait_indirect_dma semaphore(%arg7 : memref<!tpu.dma_semaphore, #tpu.memory_space<semaphore_mem>>) src(%dma_wait3A_416 : memref<10000x16xf32, #tpu.memory_space<hbm>>) dst(%dma_wait3A_410 : memref<128x16xf32, #tpu.memory_space<vmem>>)
      } else {
      }
      %mul3A_291 = arith.constant 8 : i32
      %mul3A_292 = arith.muli %add3A_80, %mul3A_291 : i32
      %add3A_293 = arith.constant 3 : i32
      %add3A_294 = arith.addi %mul3A_292, %add3A_293 : i32
      %lt3A_295 = arith.constant 1280 : i32
      %lt3A_296 = arith.cmpi slt, %add3A_294, %lt3A_295 : i32
      %convert_element_type3A_297 = arith.extui %lt3A_296 : i1 to i32
      %cond3A_298 = arith.constant 0 : i32
      %cond3A_299 = arith.cmpi ne, %convert_element_type3A_297, %cond3A_298 : i32
      scf.if %cond3A_299 {
        %dma_wait3A = arith.constant 3 : i32
        %dma_wait3A_408 = arith.constant 384 : i32
        %dma_wait3A_409 = arith.constant 0 : i32
        %dma_wait3A_410 = tpu.memref_slice %arg6[%dma_wait3A_408, %dma_wait3A_409] : memref<1024x16xf32, #tpu.memory_space<vmem>> -> memref<128x16xf32, #tpu.memory_space<vmem>>
        %dma_wait3A_411 = arith.constant 0 : i32
        %dma_wait3A_412 = tpu.memref_slice %arg5[%dma_wait3A, %dma_wait3A_411] : memref<8x128xi32, #tpu.memory_space<vmem>> -> memref<1x128xi32, #tpu.memory_space<vmem>>
        %dma_wait3A_413 = tpu.memref_squeeze %dma_wait3A_412 : memref<1x128xi32, #tpu.memory_space<vmem>> -> memref<128xi32, #tpu.memory_space<vmem>>
        %dma_wait3A_414 = arith.constant 0 : i32
        %dma_wait3A_415 = arith.constant 0 : i32
        %dma_wait3A_416 = tpu.memref_slice %arg2[%dma_wait3A_414, %dma_wait3A_415] : memref<10000x16xf32, #tpu.memory_space<hbm>> -> memref<10000x16xf32, #tpu.memory_space<hbm>>
        tpu.wait_indirect_dma semaphore(%arg7 : memref<!tpu.dma_semaphore, #tpu.memory_space<semaphore_mem>>) src(%dma_wait3A_416 : memref<10000x16xf32, #tpu.memory_space<hbm>>) dst(%dma_wait3A_410 : memref<128x16xf32, #tpu.memory_space<vmem>>)
      } else {
      }
      %mul3A_300 = arith.constant 8 : i32
      %mul3A_301 = arith.muli %add3A_80, %mul3A_300 : i32
      %add3A_302 = arith.constant 4 : i32
      %add3A_303 = arith.addi %mul3A_301, %add3A_302 : i32
      %lt3A_304 = arith.constant 1280 : i32
      %lt3A_305 = arith.cmpi slt, %add3A_303, %lt3A_304 : i32
      %convert_element_type3A_306 = arith.extui %lt3A_305 : i1 to i32
      %cond3A_307 = arith.constant 0 : i32
      %cond3A_308 = arith.cmpi ne, %convert_element_type3A_306, %cond3A_307 : i32
      scf.if %cond3A_308 {
        %dma_wait3A = arith.constant 4 : i32
        %dma_wait3A_408 = arith.constant 512 : i32
        %dma_wait3A_409 = arith.constant 0 : i32
        %dma_wait3A_410 = tpu.memref_slice %arg6[%dma_wait3A_408, %dma_wait3A_409] : memref<1024x16xf32, #tpu.memory_space<vmem>> -> memref<128x16xf32, #tpu.memory_space<vmem>>
        %dma_wait3A_411 = arith.constant 0 : i32
        %dma_wait3A_412 = tpu.memref_slice %arg5[%dma_wait3A, %dma_wait3A_411] : memref<8x128xi32, #tpu.memory_space<vmem>> -> memref<1x128xi32, #tpu.memory_space<vmem>>
        %dma_wait3A_413 = tpu.memref_squeeze %dma_wait3A_412 : memref<1x128xi32, #tpu.memory_space<vmem>> -> memref<128xi32, #tpu.memory_space<vmem>>
        %dma_wait3A_414 = arith.constant 0 : i32
        %dma_wait3A_415 = arith.constant 0 : i32
        %dma_wait3A_416 = tpu.memref_slice %arg2[%dma_wait3A_414, %dma_wait3A_415] : memref<10000x16xf32, #tpu.memory_space<hbm>> -> memref<10000x16xf32, #tpu.memory_space<hbm>>
        tpu.wait_indirect_dma semaphore(%arg7 : memref<!tpu.dma_semaphore, #tpu.memory_space<semaphore_mem>>) src(%dma_wait3A_416 : memref<10000x16xf32, #tpu.memory_space<hbm>>) dst(%dma_wait3A_410 : memref<128x16xf32, #tpu.memory_space<vmem>>)
      } else {
      }
      %mul3A_309 = arith.constant 8 : i32
      %mul3A_310 = arith.muli %add3A_80, %mul3A_309 : i32
      %add3A_311 = arith.constant 5 : i32
      %add3A_312 = arith.addi %mul3A_310, %add3A_311 : i32
      %lt3A_313 = arith.constant 1280 : i32
      %lt3A_314 = arith.cmpi slt, %add3A_312, %lt3A_313 : i32
      %convert_element_type3A_315 = arith.extui %lt3A_314 : i1 to i32
      %cond3A_316 = arith.constant 0 : i32
      %cond3A_317 = arith.cmpi ne, %convert_element_type3A_315, %cond3A_316 : i32
      scf.if %cond3A_317 {
        %dma_wait3A = arith.constant 5 : i32
        %dma_wait3A_408 = arith.constant 640 : i32
        %dma_wait3A_409 = arith.constant 0 : i32
        %dma_wait3A_410 = tpu.memref_slice %arg6[%dma_wait3A_408, %dma_wait3A_409] : memref<1024x16xf32, #tpu.memory_space<vmem>> -> memref<128x16xf32, #tpu.memory_space<vmem>>
        %dma_wait3A_411 = arith.constant 0 : i32
        %dma_wait3A_412 = tpu.memref_slice %arg5[%dma_wait3A, %dma_wait3A_411] : memref<8x128xi32, #tpu.memory_space<vmem>> -> memref<1x128xi32, #tpu.memory_space<vmem>>
        %dma_wait3A_413 = tpu.memref_squeeze %dma_wait3A_412 : memref<1x128xi32, #tpu.memory_space<vmem>> -> memref<128xi32, #tpu.memory_space<vmem>>
        %dma_wait3A_414 = arith.constant 0 : i32
        %dma_wait3A_415 = arith.constant 0 : i32
        %dma_wait3A_416 = tpu.memref_slice %arg2[%dma_wait3A_414, %dma_wait3A_415] : memref<10000x16xf32, #tpu.memory_space<hbm>> -> memref<10000x16xf32, #tpu.memory_space<hbm>>
        tpu.wait_indirect_dma semaphore(%arg7 : memref<!tpu.dma_semaphore, #tpu.memory_space<semaphore_mem>>) src(%dma_wait3A_416 : memref<10000x16xf32, #tpu.memory_space<hbm>>) dst(%dma_wait3A_410 : memref<128x16xf32, #tpu.memory_space<vmem>>)
      } else {
      }
      %mul3A_318 = arith.constant 8 : i32
      %mul3A_319 = arith.muli %add3A_80, %mul3A_318 : i32
      %add3A_320 = arith.constant 6 : i32
      %add3A_321 = arith.addi %mul3A_319, %add3A_320 : i32
      %lt3A_322 = arith.constant 1280 : i32
      %lt3A_323 = arith.cmpi slt, %add3A_321, %lt3A_322 : i32
      %convert_element_type3A_324 = arith.extui %lt3A_323 : i1 to i32
      %cond3A_325 = arith.constant 0 : i32
      %cond3A_326 = arith.cmpi ne, %convert_element_type3A_324, %cond3A_325 : i32
      scf.if %cond3A_326 {
        %dma_wait3A = arith.constant 6 : i32
        %dma_wait3A_408 = arith.constant 768 : i32
        %dma_wait3A_409 = arith.constant 0 : i32
        %dma_wait3A_410 = tpu.memref_slice %arg6[%dma_wait3A_408, %dma_wait3A_409] : memref<1024x16xf32, #tpu.memory_space<vmem>> -> memref<128x16xf32, #tpu.memory_space<vmem>>
        %dma_wait3A_411 = arith.constant 0 : i32
        %dma_wait3A_412 = tpu.memref_slice %arg5[%dma_wait3A, %dma_wait3A_411] : memref<8x128xi32, #tpu.memory_space<vmem>> -> memref<1x128xi32, #tpu.memory_space<vmem>>
        %dma_wait3A_413 = tpu.memref_squeeze %dma_wait3A_412 : memref<1x128xi32, #tpu.memory_space<vmem>> -> memref<128xi32, #tpu.memory_space<vmem>>
        %dma_wait3A_414 = arith.constant 0 : i32
        %dma_wait3A_415 = arith.constant 0 : i32
        %dma_wait3A_416 = tpu.memref_slice %arg2[%dma_wait3A_414, %dma_wait3A_415] : memref<10000x16xf32, #tpu.memory_space<hbm>> -> memref<10000x16xf32, #tpu.memory_space<hbm>>
        tpu.wait_indirect_dma semaphore(%arg7 : memref<!tpu.dma_semaphore, #tpu.memory_space<semaphore_mem>>) src(%dma_wait3A_416 : memref<10000x16xf32, #tpu.memory_space<hbm>>) dst(%dma_wait3A_410 : memref<128x16xf32, #tpu.memory_space<vmem>>)
      } else {
      }
      %mul3A_327 = arith.constant 8 : i32
      %mul3A_328 = arith.muli %add3A_80, %mul3A_327 : i32
      %add3A_329 = arith.constant 7 : i32
      %add3A_330 = arith.addi %mul3A_328, %add3A_329 : i32
      %lt3A_331 = arith.constant 1280 : i32
      %lt3A_332 = arith.cmpi slt, %add3A_330, %lt3A_331 : i32
      %convert_element_type3A_333 = arith.extui %lt3A_332 : i1 to i32
      %cond3A_334 = arith.constant 0 : i32
      %cond3A_335 = arith.cmpi ne, %convert_element_type3A_333, %cond3A_334 : i32
      scf.if %cond3A_335 {
        %dma_wait3A = arith.constant 7 : i32
        %dma_wait3A_408 = arith.constant 896 : i32
        %dma_wait3A_409 = arith.constant 0 : i32
        %dma_wait3A_410 = tpu.memref_slice %arg6[%dma_wait3A_408, %dma_wait3A_409] : memref<1024x16xf32, #tpu.memory_space<vmem>> -> memref<128x16xf32, #tpu.memory_space<vmem>>
        %dma_wait3A_411 = arith.constant 0 : i32
        %dma_wait3A_412 = tpu.memref_slice %arg5[%dma_wait3A, %dma_wait3A_411] : memref<8x128xi32, #tpu.memory_space<vmem>> -> memref<1x128xi32, #tpu.memory_space<vmem>>
        %dma_wait3A_413 = tpu.memref_squeeze %dma_wait3A_412 : memref<1x128xi32, #tpu.memory_space<vmem>> -> memref<128xi32, #tpu.memory_space<vmem>>
        %dma_wait3A_414 = arith.constant 0 : i32
        %dma_wait3A_415 = arith.constant 0 : i32
        %dma_wait3A_416 = tpu.memref_slice %arg2[%dma_wait3A_414, %dma_wait3A_415] : memref<10000x16xf32, #tpu.memory_space<hbm>> -> memref<10000x16xf32, #tpu.memory_space<hbm>>
        tpu.wait_indirect_dma semaphore(%arg7 : memref<!tpu.dma_semaphore, #tpu.memory_space<semaphore_mem>>) src(%dma_wait3A_416 : memref<10000x16xf32, #tpu.memory_space<hbm>>) dst(%dma_wait3A_410 : memref<128x16xf32, #tpu.memory_space<vmem>>)
      } else {
      }
      %mul3A_336 = arith.constant 8 : i32
      %mul3A_337 = arith.muli %add3A_80, %mul3A_336 : i32
      %add3A_338 = arith.constant 0 : i32
      %add3A_339 = arith.addi %mul3A_337, %add3A_338 : i32
      %lt3A_340 = arith.constant 1280 : i32
      %lt3A_341 = arith.cmpi slt, %add3A_339, %lt3A_340 : i32
      %convert_element_type3A_342 = arith.extui %lt3A_341 : i1 to i32
      %cond3A_343 = arith.constant 0 : i32
      %cond3A_344 = arith.cmpi ne, %convert_element_type3A_342, %cond3A_343 : i32
      scf.if %cond3A_344 {
        %mul3A_408 = arith.constant 128 : i32
        %mul3A_409 = arith.muli %add3A_339, %mul3A_408 : i32
        %dma_start3A = arith.constant 0 : i32
        %dma_start3A_410 = arith.constant 0 : i32
        %dma_start3A_411 = tpu.memref_slice %arg6[%dma_start3A, %dma_start3A_410] : memref<1024x16xf32, #tpu.memory_space<vmem>> -> memref<128x16xf32, #tpu.memory_space<vmem>>
        %dma_start3A_412 = arith.constant 0 : i32
        %dma_start3A_413 = tpu.memref_slice %arg4[%mul3A_409, %dma_start3A_412] : memref<163840x16xf32, #tpu.memory_space<hbm>> -> memref<128x16xf32, #tpu.memory_space<hbm>>
        %dma_start3A_414 = arith.constant 0 : i32
        %dma_start3A_415 = tpu.memref_slice %arg4[%mul3A_409, %dma_start3A_414] : memref<163840x16xf32, #tpu.memory_space<hbm>> -> memref<128x16xf32, #tpu.memory_space<hbm>>
        %dma_start3A_416 = arith.constant 0 : i32
        %dma_start3A_417 = arith.constant 0 : i32
        %dma_start3A_418 = tpu.memref_slice %arg6[%dma_start3A_416, %dma_start3A_417] : memref<1024x16xf32, #tpu.memory_space<vmem>> -> memref<128x16xf32, #tpu.memory_space<vmem>>
        tpu.enqueue_dma source(%dma_start3A_418 : memref<128x16xf32, #tpu.memory_space<vmem>>) target(%dma_start3A_415 : memref<128x16xf32, #tpu.memory_space<hbm>>) target_semaphore(%arg8 : memref<!tpu.dma_semaphore, #tpu.memory_space<semaphore_mem>>)
      } else {
      }
      %mul3A_345 = arith.constant 8 : i32
      %mul3A_346 = arith.muli %add3A_80, %mul3A_345 : i32
      %add3A_347 = arith.constant 1 : i32
      %add3A_348 = arith.addi %mul3A_346, %add3A_347 : i32
      %lt3A_349 = arith.constant 1280 : i32
      %lt3A_350 = arith.cmpi slt, %add3A_348, %lt3A_349 : i32
      %convert_element_type3A_351 = arith.extui %lt3A_350 : i1 to i32
      %cond3A_352 = arith.constant 0 : i32
      %cond3A_353 = arith.cmpi ne, %convert_element_type3A_351, %cond3A_352 : i32
      scf.if %cond3A_353 {
        %mul3A_408 = arith.constant 128 : i32
        %mul3A_409 = arith.muli %add3A_348, %mul3A_408 : i32
        %dma_start3A = arith.constant 128 : i32
        %dma_start3A_410 = arith.constant 0 : i32
        %dma_start3A_411 = tpu.memref_slice %arg6[%dma_start3A, %dma_start3A_410] : memref<1024x16xf32, #tpu.memory_space<vmem>> -> memref<128x16xf32, #tpu.memory_space<vmem>>
        %dma_start3A_412 = arith.constant 0 : i32
        %dma_start3A_413 = tpu.memref_slice %arg4[%mul3A_409, %dma_start3A_412] : memref<163840x16xf32, #tpu.memory_space<hbm>> -> memref<128x16xf32, #tpu.memory_space<hbm>>
        %dma_start3A_414 = arith.constant 0 : i32
        %dma_start3A_415 = tpu.memref_slice %arg4[%mul3A_409, %dma_start3A_414] : memref<163840x16xf32, #tpu.memory_space<hbm>> -> memref<128x16xf32, #tpu.memory_space<hbm>>
        %dma_start3A_416 = arith.constant 128 : i32
        %dma_start3A_417 = arith.constant 0 : i32
        %dma_start3A_418 = tpu.memref_slice %arg6[%dma_start3A_416, %dma_start3A_417] : memref<1024x16xf32, #tpu.memory_space<vmem>> -> memref<128x16xf32, #tpu.memory_space<vmem>>
        tpu.enqueue_dma source(%dma_start3A_418 : memref<128x16xf32, #tpu.memory_space<vmem>>) target(%dma_start3A_415 : memref<128x16xf32, #tpu.memory_space<hbm>>) target_semaphore(%arg8 : memref<!tpu.dma_semaphore, #tpu.memory_space<semaphore_mem>>)
      } else {
      }
      %mul3A_354 = arith.constant 8 : i32
      %mul3A_355 = arith.muli %add3A_80, %mul3A_354 : i32
      %add3A_356 = arith.constant 2 : i32
      %add3A_357 = arith.addi %mul3A_355, %add3A_356 : i32
      %lt3A_358 = arith.constant 1280 : i32
      %lt3A_359 = arith.cmpi slt, %add3A_357, %lt3A_358 : i32
      %convert_element_type3A_360 = arith.extui %lt3A_359 : i1 to i32
      %cond3A_361 = arith.constant 0 : i32
      %cond3A_362 = arith.cmpi ne, %convert_element_type3A_360, %cond3A_361 : i32
      scf.if %cond3A_362 {
        %mul3A_408 = arith.constant 128 : i32
        %mul3A_409 = arith.muli %add3A_357, %mul3A_408 : i32
        %dma_start3A = arith.constant 256 : i32
        %dma_start3A_410 = arith.constant 0 : i32
        %dma_start3A_411 = tpu.memref_slice %arg6[%dma_start3A, %dma_start3A_410] : memref<1024x16xf32, #tpu.memory_space<vmem>> -> memref<128x16xf32, #tpu.memory_space<vmem>>
        %dma_start3A_412 = arith.constant 0 : i32
        %dma_start3A_413 = tpu.memref_slice %arg4[%mul3A_409, %dma_start3A_412] : memref<163840x16xf32, #tpu.memory_space<hbm>> -> memref<128x16xf32, #tpu.memory_space<hbm>>
        %dma_start3A_414 = arith.constant 0 : i32
        %dma_start3A_415 = tpu.memref_slice %arg4[%mul3A_409, %dma_start3A_414] : memref<163840x16xf32, #tpu.memory_space<hbm>> -> memref<128x16xf32, #tpu.memory_space<hbm>>
        %dma_start3A_416 = arith.constant 256 : i32
        %dma_start3A_417 = arith.constant 0 : i32
        %dma_start3A_418 = tpu.memref_slice %arg6[%dma_start3A_416, %dma_start3A_417] : memref<1024x16xf32, #tpu.memory_space<vmem>> -> memref<128x16xf32, #tpu.memory_space<vmem>>
        tpu.enqueue_dma source(%dma_start3A_418 : memref<128x16xf32, #tpu.memory_space<vmem>>) target(%dma_start3A_415 : memref<128x16xf32, #tpu.memory_space<hbm>>) target_semaphore(%arg8 : memref<!tpu.dma_semaphore, #tpu.memory_space<semaphore_mem>>)
      } else {
      }
      %mul3A_363 = arith.constant 8 : i32
      %mul3A_364 = arith.muli %add3A_80, %mul3A_363 : i32
      %add3A_365 = arith.constant 3 : i32
      %add3A_366 = arith.addi %mul3A_364, %add3A_365 : i32
      %lt3A_367 = arith.constant 1280 : i32
      %lt3A_368 = arith.cmpi slt, %add3A_366, %lt3A_367 : i32
      %convert_element_type3A_369 = arith.extui %lt3A_368 : i1 to i32
      %cond3A_370 = arith.constant 0 : i32
      %cond3A_371 = arith.cmpi ne, %convert_element_type3A_369, %cond3A_370 : i32
      scf.if %cond3A_371 {
        %mul3A_408 = arith.constant 128 : i32
        %mul3A_409 = arith.muli %add3A_366, %mul3A_408 : i32
        %dma_start3A = arith.constant 384 : i32
        %dma_start3A_410 = arith.constant 0 : i32
        %dma_start3A_411 = tpu.memref_slice %arg6[%dma_start3A, %dma_start3A_410] : memref<1024x16xf32, #tpu.memory_space<vmem>> -> memref<128x16xf32, #tpu.memory_space<vmem>>
        %dma_start3A_412 = arith.constant 0 : i32
        %dma_start3A_413 = tpu.memref_slice %arg4[%mul3A_409, %dma_start3A_412] : memref<163840x16xf32, #tpu.memory_space<hbm>> -> memref<128x16xf32, #tpu.memory_space<hbm>>
        %dma_start3A_414 = arith.constant 0 : i32
        %dma_start3A_415 = tpu.memref_slice %arg4[%mul3A_409, %dma_start3A_414] : memref<163840x16xf32, #tpu.memory_space<hbm>> -> memref<128x16xf32, #tpu.memory_space<hbm>>
        %dma_start3A_416 = arith.constant 384 : i32
        %dma_start3A_417 = arith.constant 0 : i32
        %dma_start3A_418 = tpu.memref_slice %arg6[%dma_start3A_416, %dma_start3A_417] : memref<1024x16xf32, #tpu.memory_space<vmem>> -> memref<128x16xf32, #tpu.memory_space<vmem>>
        tpu.enqueue_dma source(%dma_start3A_418 : memref<128x16xf32, #tpu.memory_space<vmem>>) target(%dma_start3A_415 : memref<128x16xf32, #tpu.memory_space<hbm>>) target_semaphore(%arg8 : memref<!tpu.dma_semaphore, #tpu.memory_space<semaphore_mem>>)
      } else {
      }
      %mul3A_372 = arith.constant 8 : i32
      %mul3A_373 = arith.muli %add3A_80, %mul3A_372 : i32
      %add3A_374 = arith.constant 4 : i32
      %add3A_375 = arith.addi %mul3A_373, %add3A_374 : i32
      %lt3A_376 = arith.constant 1280 : i32
      %lt3A_377 = arith.cmpi slt, %add3A_375, %lt3A_376 : i32
      %convert_element_type3A_378 = arith.extui %lt3A_377 : i1 to i32
      %cond3A_379 = arith.constant 0 : i32
      %cond3A_380 = arith.cmpi ne, %convert_element_type3A_378, %cond3A_379 : i32
      scf.if %cond3A_380 {
        %mul3A_408 = arith.constant 128 : i32
        %mul3A_409 = arith.muli %add3A_375, %mul3A_408 : i32
        %dma_start3A = arith.constant 512 : i32
        %dma_start3A_410 = arith.constant 0 : i32
        %dma_start3A_411 = tpu.memref_slice %arg6[%dma_start3A, %dma_start3A_410] : memref<1024x16xf32, #tpu.memory_space<vmem>> -> memref<128x16xf32, #tpu.memory_space<vmem>>
        %dma_start3A_412 = arith.constant 0 : i32
        %dma_start3A_413 = tpu.memref_slice %arg4[%mul3A_409, %dma_start3A_412] : memref<163840x16xf32, #tpu.memory_space<hbm>> -> memref<128x16xf32, #tpu.memory_space<hbm>>
        %dma_start3A_414 = arith.constant 0 : i32
        %dma_start3A_415 = tpu.memref_slice %arg4[%mul3A_409, %dma_start3A_414] : memref<163840x16xf32, #tpu.memory_space<hbm>> -> memref<128x16xf32, #tpu.memory_space<hbm>>
        %dma_start3A_416 = arith.constant 512 : i32
        %dma_start3A_417 = arith.constant 0 : i32
        %dma_start3A_418 = tpu.memref_slice %arg6[%dma_start3A_416, %dma_start3A_417] : memref<1024x16xf32, #tpu.memory_space<vmem>> -> memref<128x16xf32, #tpu.memory_space<vmem>>
        tpu.enqueue_dma source(%dma_start3A_418 : memref<128x16xf32, #tpu.memory_space<vmem>>) target(%dma_start3A_415 : memref<128x16xf32, #tpu.memory_space<hbm>>) target_semaphore(%arg8 : memref<!tpu.dma_semaphore, #tpu.memory_space<semaphore_mem>>)
      } else {
      }
      %mul3A_381 = arith.constant 8 : i32
      %mul3A_382 = arith.muli %add3A_80, %mul3A_381 : i32
      %add3A_383 = arith.constant 5 : i32
      %add3A_384 = arith.addi %mul3A_382, %add3A_383 : i32
      %lt3A_385 = arith.constant 1280 : i32
      %lt3A_386 = arith.cmpi slt, %add3A_384, %lt3A_385 : i32
      %convert_element_type3A_387 = arith.extui %lt3A_386 : i1 to i32
      %cond3A_388 = arith.constant 0 : i32
      %cond3A_389 = arith.cmpi ne, %convert_element_type3A_387, %cond3A_388 : i32
      scf.if %cond3A_389 {
        %mul3A_408 = arith.constant 128 : i32
        %mul3A_409 = arith.muli %add3A_384, %mul3A_408 : i32
        %dma_start3A = arith.constant 640 : i32
        %dma_start3A_410 = arith.constant 0 : i32
        %dma_start3A_411 = tpu.memref_slice %arg6[%dma_start3A, %dma_start3A_410] : memref<1024x16xf32, #tpu.memory_space<vmem>> -> memref<128x16xf32, #tpu.memory_space<vmem>>
        %dma_start3A_412 = arith.constant 0 : i32
        %dma_start3A_413 = tpu.memref_slice %arg4[%mul3A_409, %dma_start3A_412] : memref<163840x16xf32, #tpu.memory_space<hbm>> -> memref<128x16xf32, #tpu.memory_space<hbm>>
        %dma_start3A_414 = arith.constant 0 : i32
        %dma_start3A_415 = tpu.memref_slice %arg4[%mul3A_409, %dma_start3A_414] : memref<163840x16xf32, #tpu.memory_space<hbm>> -> memref<128x16xf32, #tpu.memory_space<hbm>>
        %dma_start3A_416 = arith.constant 640 : i32
        %dma_start3A_417 = arith.constant 0 : i32
        %dma_start3A_418 = tpu.memref_slice %arg6[%dma_start3A_416, %dma_start3A_417] : memref<1024x16xf32, #tpu.memory_space<vmem>> -> memref<128x16xf32, #tpu.memory_space<vmem>>
        tpu.enqueue_dma source(%dma_start3A_418 : memref<128x16xf32, #tpu.memory_space<vmem>>) target(%dma_start3A_415 : memref<128x16xf32, #tpu.memory_space<hbm>>) target_semaphore(%arg8 : memref<!tpu.dma_semaphore, #tpu.memory_space<semaphore_mem>>)
      } else {
      }
      %mul3A_390 = arith.constant 8 : i32
      %mul3A_391 = arith.muli %add3A_80, %mul3A_390 : i32
      %add3A_392 = arith.constant 6 : i32
      %add3A_393 = arith.addi %mul3A_391, %add3A_392 : i32
      %lt3A_394 = arith.constant 1280 : i32
      %lt3A_395 = arith.cmpi slt, %add3A_393, %lt3A_394 : i32
      %convert_element_type3A_396 = arith.extui %lt3A_395 : i1 to i32
      %cond3A_397 = arith.constant 0 : i32
      %cond3A_398 = arith.cmpi ne, %convert_element_type3A_396, %cond3A_397 : i32
      scf.if %cond3A_398 {
        %mul3A_408 = arith.constant 128 : i32
        %mul3A_409 = arith.muli %add3A_393, %mul3A_408 : i32
        %dma_start3A = arith.constant 768 : i32
        %dma_start3A_410 = arith.constant 0 : i32
        %dma_start3A_411 = tpu.memref_slice %arg6[%dma_start3A, %dma_start3A_410] : memref<1024x16xf32, #tpu.memory_space<vmem>> -> memref<128x16xf32, #tpu.memory_space<vmem>>
        %dma_start3A_412 = arith.constant 0 : i32
        %dma_start3A_413 = tpu.memref_slice %arg4[%mul3A_409, %dma_start3A_412] : memref<163840x16xf32, #tpu.memory_space<hbm>> -> memref<128x16xf32, #tpu.memory_space<hbm>>
        %dma_start3A_414 = arith.constant 0 : i32
        %dma_start3A_415 = tpu.memref_slice %arg4[%mul3A_409, %dma_start3A_414] : memref<163840x16xf32, #tpu.memory_space<hbm>> -> memref<128x16xf32, #tpu.memory_space<hbm>>
        %dma_start3A_416 = arith.constant 768 : i32
        %dma_start3A_417 = arith.constant 0 : i32
        %dma_start3A_418 = tpu.memref_slice %arg6[%dma_start3A_416, %dma_start3A_417] : memref<1024x16xf32, #tpu.memory_space<vmem>> -> memref<128x16xf32, #tpu.memory_space<vmem>>
        tpu.enqueue_dma source(%dma_start3A_418 : memref<128x16xf32, #tpu.memory_space<vmem>>) target(%dma_start3A_415 : memref<128x16xf32, #tpu.memory_space<hbm>>) target_semaphore(%arg8 : memref<!tpu.dma_semaphore, #tpu.memory_space<semaphore_mem>>)
      } else {
      }
      %mul3A_399 = arith.constant 8 : i32
      %mul3A_400 = arith.muli %add3A_80, %mul3A_399 : i32
      %add3A_401 = arith.constant 7 : i32
      %add3A_402 = arith.addi %mul3A_400, %add3A_401 : i32
      %lt3A_403 = arith.constant 1280 : i32
      %lt3A_404 = arith.cmpi slt, %add3A_402, %lt3A_403 : i32
      %convert_element_type3A_405 = arith.extui %lt3A_404 : i1 to i32
      %cond3A_406 = arith.constant 0 : i32
      %cond3A_407 = arith.cmpi ne, %convert_element_type3A_405, %cond3A_406 : i32
      scf.if %cond3A_407 {
        %mul3A_408 = arith.constant 128 : i32
        %mul3A_409 = arith.muli %add3A_402, %mul3A_408 : i32
        %dma_start3A = arith.constant 896 : i32
        %dma_start3A_410 = arith.constant 0 : i32
        %dma_start3A_411 = tpu.memref_slice %arg6[%dma_start3A, %dma_start3A_410] : memref<1024x16xf32, #tpu.memory_space<vmem>> -> memref<128x16xf32, #tpu.memory_space<vmem>>
        %dma_start3A_412 = arith.constant 0 : i32
        %dma_start3A_413 = tpu.memref_slice %arg4[%mul3A_409, %dma_start3A_412] : memref<163840x16xf32, #tpu.memory_space<hbm>> -> memref<128x16xf32, #tpu.memory_space<hbm>>
        %dma_start3A_414 = arith.constant 0 : i32
        %dma_start3A_415 = tpu.memref_slice %arg4[%mul3A_409, %dma_start3A_414] : memref<163840x16xf32, #tpu.memory_space<hbm>> -> memref<128x16xf32, #tpu.memory_space<hbm>>
        %dma_start3A_416 = arith.constant 896 : i32
        %dma_start3A_417 = arith.constant 0 : i32
        %dma_start3A_418 = tpu.memref_slice %arg6[%dma_start3A_416, %dma_start3A_417] : memref<1024x16xf32, #tpu.memory_space<vmem>> -> memref<128x16xf32, #tpu.memory_space<vmem>>
        tpu.enqueue_dma source(%dma_start3A_418 : memref<128x16xf32, #tpu.memory_space<vmem>>) target(%dma_start3A_415 : memref<128x16xf32, #tpu.memory_space<hbm>>) target_semaphore(%arg8 : memref<!tpu.dma_semaphore, #tpu.memory_space<semaphore_mem>>)
      } else {
      }
    }
    %scan3A_5 = arith.constant 5 : i32
    %add3A_6 = arith.constant 128 : i32
    %add3A_7 = arith.addi %add3A, %add3A_6 : i32
    %mul3A_8 = arith.constant 8 : i32
    %mul3A_9 = arith.muli %add3A_7, %mul3A_8 : i32
    %add3A_10 = arith.constant 0 : i32
    %add3A_11 = arith.addi %mul3A_9, %add3A_10 : i32
    %lt3A = arith.constant 1280 : i32
    %lt3A_12 = arith.cmpi slt, %add3A_11, %lt3A : i32
    %convert_element_type3A = arith.extui %lt3A_12 : i1 to i32
    %cond3A = arith.constant 0 : i32
    %cond3A_13 = arith.cmpi ne, %convert_element_type3A, %cond3A : i32
    scf.if %cond3A_13 {
      %mul3A_77 = arith.constant 128 : i32
      %mul3A_78 = arith.muli %add3A_11, %mul3A_77 : i32
      %dma_wait3A = arith.constant 0 : i32
      %dma_wait3A_79 = arith.constant 0 : i32
      %dma_wait3A_80 = tpu.memref_slice %arg6[%dma_wait3A, %dma_wait3A_79] : memref<1024x16xf32, #tpu.memory_space<vmem>> -> memref<128x16xf32, #tpu.memory_space<vmem>>
      %dma_wait3A_81 = arith.constant 0 : i32
      %dma_wait3A_82 = tpu.memref_slice %arg4[%mul3A_78, %dma_wait3A_81] : memref<163840x16xf32, #tpu.memory_space<hbm>> -> memref<128x16xf32, #tpu.memory_space<hbm>>
      %dma_wait3A_83 = arith.constant 0 : i32
      %dma_wait3A_84 = tpu.memref_slice %arg4[%mul3A_78, %dma_wait3A_83] : memref<163840x16xf32, #tpu.memory_space<hbm>> -> memref<128x16xf32, #tpu.memory_space<hbm>>
      %dma_wait3A_85 = arith.constant 0 : i32
      %dma_wait3A_86 = arith.constant 0 : i32
      %dma_wait3A_87 = tpu.memref_slice %arg6[%dma_wait3A_85, %dma_wait3A_86] : memref<1024x16xf32, #tpu.memory_space<vmem>> -> memref<128x16xf32, #tpu.memory_space<vmem>>
      tpu.wait_dma2 semaphore(%arg8 : memref<!tpu.dma_semaphore, #tpu.memory_space<semaphore_mem>>) src(%dma_wait3A_87 : memref<128x16xf32, #tpu.memory_space<vmem>>) dst(%dma_wait3A_84 : memref<128x16xf32, #tpu.memory_space<hbm>>)
    } else {
    }
    %mul3A_14 = arith.constant 8 : i32
    %mul3A_15 = arith.muli %add3A_7, %mul3A_14 : i32
    %add3A_16 = arith.constant 1 : i32
    %add3A_17 = arith.addi %mul3A_15, %add3A_16 : i32
    %lt3A_18 = arith.constant 1280 : i32
    %lt3A_19 = arith.cmpi slt, %add3A_17, %lt3A_18 : i32
    %convert_element_type3A_20 = arith.extui %lt3A_19 : i1 to i32
    %cond3A_21 = arith.constant 0 : i32
    %cond3A_22 = arith.cmpi ne, %convert_element_type3A_20, %cond3A_21 : i32
    scf.if %cond3A_22 {
      %mul3A_77 = arith.constant 128 : i32
      %mul3A_78 = arith.muli %add3A_17, %mul3A_77 : i32
      %dma_wait3A = arith.constant 128 : i32
      %dma_wait3A_79 = arith.constant 0 : i32
      %dma_wait3A_80 = tpu.memref_slice %arg6[%dma_wait3A, %dma_wait3A_79] : memref<1024x16xf32, #tpu.memory_space<vmem>> -> memref<128x16xf32, #tpu.memory_space<vmem>>
      %dma_wait3A_81 = arith.constant 0 : i32
      %dma_wait3A_82 = tpu.memref_slice %arg4[%mul3A_78, %dma_wait3A_81] : memref<163840x16xf32, #tpu.memory_space<hbm>> -> memref<128x16xf32, #tpu.memory_space<hbm>>
      %dma_wait3A_83 = arith.constant 0 : i32
      %dma_wait3A_84 = tpu.memref_slice %arg4[%mul3A_78, %dma_wait3A_83] : memref<163840x16xf32, #tpu.memory_space<hbm>> -> memref<128x16xf32, #tpu.memory_space<hbm>>
      %dma_wait3A_85 = arith.constant 128 : i32
      %dma_wait3A_86 = arith.constant 0 : i32
      %dma_wait3A_87 = tpu.memref_slice %arg6[%dma_wait3A_85, %dma_wait3A_86] : memref<1024x16xf32, #tpu.memory_space<vmem>> -> memref<128x16xf32, #tpu.memory_space<vmem>>
      tpu.wait_dma2 semaphore(%arg8 : memref<!tpu.dma_semaphore, #tpu.memory_space<semaphore_mem>>) src(%dma_wait3A_87 : memref<128x16xf32, #tpu.memory_space<vmem>>) dst(%dma_wait3A_84 : memref<128x16xf32, #tpu.memory_space<hbm>>)
    } else {
    }
    %mul3A_23 = arith.constant 8 : i32
    %mul3A_24 = arith.muli %add3A_7, %mul3A_23 : i32
    %add3A_25 = arith.constant 2 : i32
    %add3A_26 = arith.addi %mul3A_24, %add3A_25 : i32
    %lt3A_27 = arith.constant 1280 : i32
    %lt3A_28 = arith.cmpi slt, %add3A_26, %lt3A_27 : i32
    %convert_element_type3A_29 = arith.extui %lt3A_28 : i1 to i32
    %cond3A_30 = arith.constant 0 : i32
    %cond3A_31 = arith.cmpi ne, %convert_element_type3A_29, %cond3A_30 : i32
    scf.if %cond3A_31 {
      %mul3A_77 = arith.constant 128 : i32
      %mul3A_78 = arith.muli %add3A_26, %mul3A_77 : i32
      %dma_wait3A = arith.constant 256 : i32
      %dma_wait3A_79 = arith.constant 0 : i32
      %dma_wait3A_80 = tpu.memref_slice %arg6[%dma_wait3A, %dma_wait3A_79] : memref<1024x16xf32, #tpu.memory_space<vmem>> -> memref<128x16xf32, #tpu.memory_space<vmem>>
      %dma_wait3A_81 = arith.constant 0 : i32
      %dma_wait3A_82 = tpu.memref_slice %arg4[%mul3A_78, %dma_wait3A_81] : memref<163840x16xf32, #tpu.memory_space<hbm>> -> memref<128x16xf32, #tpu.memory_space<hbm>>
      %dma_wait3A_83 = arith.constant 0 : i32
      %dma_wait3A_84 = tpu.memref_slice %arg4[%mul3A_78, %dma_wait3A_83] : memref<163840x16xf32, #tpu.memory_space<hbm>> -> memref<128x16xf32, #tpu.memory_space<hbm>>
      %dma_wait3A_85 = arith.constant 256 : i32
      %dma_wait3A_86 = arith.constant 0 : i32
      %dma_wait3A_87 = tpu.memref_slice %arg6[%dma_wait3A_85, %dma_wait3A_86] : memref<1024x16xf32, #tpu.memory_space<vmem>> -> memref<128x16xf32, #tpu.memory_space<vmem>>
      tpu.wait_dma2 semaphore(%arg8 : memref<!tpu.dma_semaphore, #tpu.memory_space<semaphore_mem>>) src(%dma_wait3A_87 : memref<128x16xf32, #tpu.memory_space<vmem>>) dst(%dma_wait3A_84 : memref<128x16xf32, #tpu.memory_space<hbm>>)
    } else {
    }
    %mul3A_32 = arith.constant 8 : i32
    %mul3A_33 = arith.muli %add3A_7, %mul3A_32 : i32
    %add3A_34 = arith.constant 3 : i32
    %add3A_35 = arith.addi %mul3A_33, %add3A_34 : i32
    %lt3A_36 = arith.constant 1280 : i32
    %lt3A_37 = arith.cmpi slt, %add3A_35, %lt3A_36 : i32
    %convert_element_type3A_38 = arith.extui %lt3A_37 : i1 to i32
    %cond3A_39 = arith.constant 0 : i32
    %cond3A_40 = arith.cmpi ne, %convert_element_type3A_38, %cond3A_39 : i32
    scf.if %cond3A_40 {
      %mul3A_77 = arith.constant 128 : i32
      %mul3A_78 = arith.muli %add3A_35, %mul3A_77 : i32
      %dma_wait3A = arith.constant 384 : i32
      %dma_wait3A_79 = arith.constant 0 : i32
      %dma_wait3A_80 = tpu.memref_slice %arg6[%dma_wait3A, %dma_wait3A_79] : memref<1024x16xf32, #tpu.memory_space<vmem>> -> memref<128x16xf32, #tpu.memory_space<vmem>>
      %dma_wait3A_81 = arith.constant 0 : i32
      %dma_wait3A_82 = tpu.memref_slice %arg4[%mul3A_78, %dma_wait3A_81] : memref<163840x16xf32, #tpu.memory_space<hbm>> -> memref<128x16xf32, #tpu.memory_space<hbm>>
      %dma_wait3A_83 = arith.constant 0 : i32
      %dma_wait3A_84 = tpu.memref_slice %arg4[%mul3A_78, %dma_wait3A_83] : memref<163840x16xf32, #tpu.memory_space<hbm>> -> memref<128x16xf32, #tpu.memory_space<hbm>>
      %dma_wait3A_85 = arith.constant 384 : i32
      %dma_wait3A_86 = arith.constant 0 : i32
      %dma_wait3A_87 = tpu.memref_slice %arg6[%dma_wait3A_85, %dma_wait3A_86] : memref<1024x16xf32, #tpu.memory_space<vmem>> -> memref<128x16xf32, #tpu.memory_space<vmem>>
      tpu.wait_dma2 semaphore(%arg8 : memref<!tpu.dma_semaphore, #tpu.memory_space<semaphore_mem>>) src(%dma_wait3A_87 : memref<128x16xf32, #tpu.memory_space<vmem>>) dst(%dma_wait3A_84 : memref<128x16xf32, #tpu.memory_space<hbm>>)
    } else {
    }
    %mul3A_41 = arith.constant 8 : i32
    %mul3A_42 = arith.muli %add3A_7, %mul3A_41 : i32
    %add3A_43 = arith.constant 4 : i32
    %add3A_44 = arith.addi %mul3A_42, %add3A_43 : i32
    %lt3A_45 = arith.constant 1280 : i32
    %lt3A_46 = arith.cmpi slt, %add3A_44, %lt3A_45 : i32
    %convert_element_type3A_47 = arith.extui %lt3A_46 : i1 to i32
    %cond3A_48 = arith.constant 0 : i32
    %cond3A_49 = arith.cmpi ne, %convert_element_type3A_47, %cond3A_48 : i32
    scf.if %cond3A_49 {
      %mul3A_77 = arith.constant 128 : i32
      %mul3A_78 = arith.muli %add3A_44, %mul3A_77 : i32
      %dma_wait3A = arith.constant 512 : i32
      %dma_wait3A_79 = arith.constant 0 : i32
      %dma_wait3A_80 = tpu.memref_slice %arg6[%dma_wait3A, %dma_wait3A_79] : memref<1024x16xf32, #tpu.memory_space<vmem>> -> memref<128x16xf32, #tpu.memory_space<vmem>>
      %dma_wait3A_81 = arith.constant 0 : i32
      %dma_wait3A_82 = tpu.memref_slice %arg4[%mul3A_78, %dma_wait3A_81] : memref<163840x16xf32, #tpu.memory_space<hbm>> -> memref<128x16xf32, #tpu.memory_space<hbm>>
      %dma_wait3A_83 = arith.constant 0 : i32
      %dma_wait3A_84 = tpu.memref_slice %arg4[%mul3A_78, %dma_wait3A_83] : memref<163840x16xf32, #tpu.memory_space<hbm>> -> memref<128x16xf32, #tpu.memory_space<hbm>>
      %dma_wait3A_85 = arith.constant 512 : i32
      %dma_wait3A_86 = arith.constant 0 : i32
      %dma_wait3A_87 = tpu.memref_slice %arg6[%dma_wait3A_85, %dma_wait3A_86] : memref<1024x16xf32, #tpu.memory_space<vmem>> -> memref<128x16xf32, #tpu.memory_space<vmem>>
      tpu.wait_dma2 semaphore(%arg8 : memref<!tpu.dma_semaphore, #tpu.memory_space<semaphore_mem>>) src(%dma_wait3A_87 : memref<128x16xf32, #tpu.memory_space<vmem>>) dst(%dma_wait3A_84 : memref<128x16xf32, #tpu.memory_space<hbm>>)
    } else {
    }
    %mul3A_50 = arith.constant 8 : i32
    %mul3A_51 = arith.muli %add3A_7, %mul3A_50 : i32
    %add3A_52 = arith.constant 5 : i32
    %add3A_53 = arith.addi %mul3A_51, %add3A_52 : i32
    %lt3A_54 = arith.constant 1280 : i32
    %lt3A_55 = arith.cmpi slt, %add3A_53, %lt3A_54 : i32
    %convert_element_type3A_56 = arith.extui %lt3A_55 : i1 to i32
    %cond3A_57 = arith.constant 0 : i32
    %cond3A_58 = arith.cmpi ne, %convert_element_type3A_56, %cond3A_57 : i32
    scf.if %cond3A_58 {
      %mul3A_77 = arith.constant 128 : i32
      %mul3A_78 = arith.muli %add3A_53, %mul3A_77 : i32
      %dma_wait3A = arith.constant 640 : i32
      %dma_wait3A_79 = arith.constant 0 : i32
      %dma_wait3A_80 = tpu.memref_slice %arg6[%dma_wait3A, %dma_wait3A_79] : memref<1024x16xf32, #tpu.memory_space<vmem>> -> memref<128x16xf32, #tpu.memory_space<vmem>>
      %dma_wait3A_81 = arith.constant 0 : i32
      %dma_wait3A_82 = tpu.memref_slice %arg4[%mul3A_78, %dma_wait3A_81] : memref<163840x16xf32, #tpu.memory_space<hbm>> -> memref<128x16xf32, #tpu.memory_space<hbm>>
      %dma_wait3A_83 = arith.constant 0 : i32
      %dma_wait3A_84 = tpu.memref_slice %arg4[%mul3A_78, %dma_wait3A_83] : memref<163840x16xf32, #tpu.memory_space<hbm>> -> memref<128x16xf32, #tpu.memory_space<hbm>>
      %dma_wait3A_85 = arith.constant 640 : i32
      %dma_wait3A_86 = arith.constant 0 : i32
      %dma_wait3A_87 = tpu.memref_slice %arg6[%dma_wait3A_85, %dma_wait3A_86] : memref<1024x16xf32, #tpu.memory_space<vmem>> -> memref<128x16xf32, #tpu.memory_space<vmem>>
      tpu.wait_dma2 semaphore(%arg8 : memref<!tpu.dma_semaphore, #tpu.memory_space<semaphore_mem>>) src(%dma_wait3A_87 : memref<128x16xf32, #tpu.memory_space<vmem>>) dst(%dma_wait3A_84 : memref<128x16xf32, #tpu.memory_space<hbm>>)
    } else {
    }
    %mul3A_59 = arith.constant 8 : i32
    %mul3A_60 = arith.muli %add3A_7, %mul3A_59 : i32
    %add3A_61 = arith.constant 6 : i32
    %add3A_62 = arith.addi %mul3A_60, %add3A_61 : i32
    %lt3A_63 = arith.constant 1280 : i32
    %lt3A_64 = arith.cmpi slt, %add3A_62, %lt3A_63 : i32
    %convert_element_type3A_65 = arith.extui %lt3A_64 : i1 to i32
    %cond3A_66 = arith.constant 0 : i32
    %cond3A_67 = arith.cmpi ne, %convert_element_type3A_65, %cond3A_66 : i32
    scf.if %cond3A_67 {
      %mul3A_77 = arith.constant 128 : i32
      %mul3A_78 = arith.muli %add3A_62, %mul3A_77 : i32
      %dma_wait3A = arith.constant 768 : i32
      %dma_wait3A_79 = arith.constant 0 : i32
      %dma_wait3A_80 = tpu.memref_slice %arg6[%dma_wait3A, %dma_wait3A_79] : memref<1024x16xf32, #tpu.memory_space<vmem>> -> memref<128x16xf32, #tpu.memory_space<vmem>>
      %dma_wait3A_81 = arith.constant 0 : i32
      %dma_wait3A_82 = tpu.memref_slice %arg4[%mul3A_78, %dma_wait3A_81] : memref<163840x16xf32, #tpu.memory_space<hbm>> -> memref<128x16xf32, #tpu.memory_space<hbm>>
      %dma_wait3A_83 = arith.constant 0 : i32
      %dma_wait3A_84 = tpu.memref_slice %arg4[%mul3A_78, %dma_wait3A_83] : memref<163840x16xf32, #tpu.memory_space<hbm>> -> memref<128x16xf32, #tpu.memory_space<hbm>>
      %dma_wait3A_85 = arith.constant 768 : i32
      %dma_wait3A_86 = arith.constant 0 : i32
      %dma_wait3A_87 = tpu.memref_slice %arg6[%dma_wait3A_85, %dma_wait3A_86] : memref<1024x16xf32, #tpu.memory_space<vmem>> -> memref<128x16xf32, #tpu.memory_space<vmem>>
      tpu.wait_dma2 semaphore(%arg8 : memref<!tpu.dma_semaphore, #tpu.memory_space<semaphore_mem>>) src(%dma_wait3A_87 : memref<128x16xf32, #tpu.memory_space<vmem>>) dst(%dma_wait3A_84 : memref<128x16xf32, #tpu.memory_space<hbm>>)
    } else {
    }
    %mul3A_68 = arith.constant 8 : i32
    %mul3A_69 = arith.muli %add3A_7, %mul3A_68 : i32
    %add3A_70 = arith.constant 7 : i32
    %add3A_71 = arith.addi %mul3A_69, %add3A_70 : i32
    %lt3A_72 = arith.constant 1280 : i32
    %lt3A_73 = arith.cmpi slt, %add3A_71, %lt3A_72 : i32
    %convert_element_type3A_74 = arith.extui %lt3A_73 : i1 to i32
    %cond3A_75 = arith.constant 0 : i32
    %cond3A_76 = arith.cmpi ne, %convert_element_type3A_74, %cond3A_75 : i32
    scf.if %cond3A_76 {
      %mul3A_77 = arith.constant 128 : i32
      %mul3A_78 = arith.muli %add3A_71, %mul3A_77 : i32
      %dma_wait3A = arith.constant 896 : i32
      %dma_wait3A_79 = arith.constant 0 : i32
      %dma_wait3A_80 = tpu.memref_slice %arg6[%dma_wait3A, %dma_wait3A_79] : memref<1024x16xf32, #tpu.memory_space<vmem>> -> memref<128x16xf32, #tpu.memory_space<vmem>>
      %dma_wait3A_81 = arith.constant 0 : i32
      %dma_wait3A_82 = tpu.memref_slice %arg4[%mul3A_78, %dma_wait3A_81] : memref<163840x16xf32, #tpu.memory_space<hbm>> -> memref<128x16xf32, #tpu.memory_space<hbm>>
      %dma_wait3A_83 = arith.constant 0 : i32
      %dma_wait3A_84 = tpu.memref_slice %arg4[%mul3A_78, %dma_wait3A_83] : memref<163840x16xf32, #tpu.memory_space<hbm>> -> memref<128x16xf32, #tpu.memory_space<hbm>>
      %dma_wait3A_85 = arith.constant 896 : i32
      %dma_wait3A_86 = arith.constant 0 : i32
      %dma_wait3A_87 = tpu.memref_slice %arg6[%dma_wait3A_85, %dma_wait3A_86] : memref<1024x16xf32, #tpu.memory_space<vmem>> -> memref<128x16xf32, #tpu.memory_space<vmem>>
      tpu.wait_dma2 semaphore(%arg8 : memref<!tpu.dma_semaphore, #tpu.memory_space<semaphore_mem>>) src(%dma_wait3A_87 : memref<128x16xf32, #tpu.memory_space<vmem>>) dst(%dma_wait3A_84 : memref<128x16xf32, #tpu.memory_space<hbm>>)
    } else {
    }
    return
  }
}

#map = affine_map<(d0, d1) -> (0, 0)>
#map1 = affine_map<(d0, d1) -> (0, 0, 0)>
module attributes {stable_mosaic.version = 14 : i64} {
  func.func @scatter_k(%arg0: i32, %arg1: i32, %arg2: memref<163840x16xf32, #tpu.memory_space<hbm>>, %arg3: memref<1280x128xi32, #tpu.memory_space<hbm>>, %arg4: memref<10016x16xf32, #tpu.memory_space<hbm>>, %arg5: memref<128x16xf32, #tpu.memory_space<hbm>>, %arg6: memref<2x10016x16xf32, #tpu.memory_space<hbm>>, %arg7: memref<2x10016x16xf32, #tpu.memory_space<hbm>>, %arg8: memref<8x128xi32, #tpu.memory_space<vmem>>, %arg9: memref<1024x16xf32, #tpu.memory_space<vmem>>, %arg10: memref<128x16xf32, #tpu.memory_space<vmem>>, %arg11: memref<10016x16xf32, #tpu.memory_space<vmem_shared>>, %arg12: memref<10016x16xf32, #tpu.memory_space<vmem_shared>>, %arg13: memref<!tpu.dma_semaphore, #tpu.memory_space<semaphore_mem>>, %arg14: memref<!tpu.dma_semaphore, #tpu.memory_space<semaphore_mem>>) attributes {dimension_semantics = [#tpu.dimension_semantics<core_parallel>, #tpu.dimension_semantics<subcore_parallel>], iteration_bounds = array<i64: 2, 16>, scalar_prefetch = 0 : i64, scratch_operands = 7 : i64, tpu.core_type = #tpu.core_type<sc_vector_subcore>, window_params = [{transform_indices = #map}, {transform_indices = #map}, {transform_indices = #map}, {transform_indices = #map}, {transform_indices = #map1}, {transform_indices = #map1}]} {
    %mul3A = arith.constant 2 : i32
    %mul3A_0 = arith.muli %arg1, %mul3A : i32
    %add3A = arith.addi %mul3A_0, %arg0 : i32
    %eq3A = arith.constant 0 : i32
    %eq3A_1 = arith.cmpi eq, %arg1, %eq3A : i32
    %convert_element_type3A = arith.extui %eq3A_1 : i1 to i32
    %cond3A = arith.constant 0 : i32
    %cond3A_2 = arith.cmpi ne, %convert_element_type3A, %cond3A : i32
    scf.if %cond3A_2 {
      "tpu.region"() ({
        %run_scoped3A = tpu.sem_alloc : memref<!tpu.dma_semaphore, #tpu.memory_space<semaphore_mem>>
        tpu.enqueue_dma source(%arg4 : memref<10016x16xf32, #tpu.memory_space<hbm>>) target(%arg11 : memref<10016x16xf32, #tpu.memory_space<vmem_shared>>) target_semaphore(%run_scoped3A : memref<!tpu.dma_semaphore, #tpu.memory_space<semaphore_mem>>)
        tpu.wait_dma2 semaphore(%run_scoped3A : memref<!tpu.dma_semaphore, #tpu.memory_space<semaphore_mem>>) src(%arg4 : memref<10016x16xf32, #tpu.memory_space<hbm>>) dst(%arg11 : memref<10016x16xf32, #tpu.memory_space<vmem_shared>>)
        tpu.yield
      }) : () -> ()
      "tpu.region"() ({
        %run_scoped3A = tpu.sem_alloc : memref<!tpu.dma_semaphore, #tpu.memory_space<semaphore_mem>>
        tpu.enqueue_dma source(%arg4 : memref<10016x16xf32, #tpu.memory_space<hbm>>) target(%arg12 : memref<10016x16xf32, #tpu.memory_space<vmem_shared>>) target_semaphore(%run_scoped3A : memref<!tpu.dma_semaphore, #tpu.memory_space<semaphore_mem>>)
        tpu.wait_dma2 semaphore(%run_scoped3A : memref<!tpu.dma_semaphore, #tpu.memory_space<semaphore_mem>>) src(%arg4 : memref<10016x16xf32, #tpu.memory_space<hbm>>) dst(%arg12 : memref<10016x16xf32, #tpu.memory_space<vmem_shared>>)
        tpu.yield
      }) : () -> ()
    } else {
    }
    "tpu.region"() ({
      %run_scoped3A = tpu.sem_alloc : memref<!tpu.dma_semaphore, #tpu.memory_space<semaphore_mem>>
      tpu.enqueue_dma source(%arg5 : memref<128x16xf32, #tpu.memory_space<hbm>>) target(%arg10 : memref<128x16xf32, #tpu.memory_space<vmem>>) target_semaphore(%run_scoped3A : memref<!tpu.dma_semaphore, #tpu.memory_space<semaphore_mem>>)
      tpu.wait_dma2 semaphore(%run_scoped3A : memref<!tpu.dma_semaphore, #tpu.memory_space<semaphore_mem>>) src(%arg5 : memref<128x16xf32, #tpu.memory_space<hbm>>) dst(%arg10 : memref<128x16xf32, #tpu.memory_space<vmem>>)
      tpu.yield
    }) : () -> ()
    %barrier3A = arith.constant 0 : index
    tpu.barrier barrier_id(%barrier3A)
    %scan3A = arith.constant 0 : i32
    %scan3A_3 = arith.constant 0 : i32
    %scan3A_4 = arith.constant 5 : i32
    %scan3A_5 = arith.addi %scan3A_3, %scan3A_4 : i32
    %scan3A_6 = arith.constant 1 : i32
    scf.for %scan3A_14 = %scan3A_3 to %scan3A_5 step %scan3A_6  : i32 {
      %mul3A_15 = arith.constant 32 : i32
      %mul3A_16 = arith.muli %scan3A_14, %mul3A_15 : i32
      %add3A_17 = arith.addi %add3A, %mul3A_16 : i32
      %mul3A_18 = arith.constant 8 : i32
      %mul3A_19 = arith.muli %add3A_17, %mul3A_18 : i32
      "tpu.region"() ({
        %run_scoped3A = tpu.sem_alloc : memref<!tpu.dma_semaphore, #tpu.memory_space<semaphore_mem>>
        %dma_start3A = arith.constant 0 : i32
        %dma_start3A_307 = tpu.memref_slice %arg3[%mul3A_19, %dma_start3A] : memref<1280x128xi32, #tpu.memory_space<hbm>> -> memref<8x128xi32, #tpu.memory_space<hbm>>
        %dma_start3A_308 = arith.constant 0 : i32
        %dma_start3A_309 = tpu.memref_slice %arg3[%mul3A_19, %dma_start3A_308] : memref<1280x128xi32, #tpu.memory_space<hbm>> -> memref<8x128xi32, #tpu.memory_space<hbm>>
        tpu.enqueue_dma source(%dma_start3A_309 : memref<8x128xi32, #tpu.memory_space<hbm>>) target(%arg8 : memref<8x128xi32, #tpu.memory_space<vmem>>) target_semaphore(%run_scoped3A : memref<!tpu.dma_semaphore, #tpu.memory_space<semaphore_mem>>)
        %dma_wait3A = arith.constant 0 : i32
        %dma_wait3A_310 = tpu.memref_slice %arg3[%mul3A_19, %dma_wait3A] : memref<1280x128xi32, #tpu.memory_space<hbm>> -> memref<8x128xi32, #tpu.memory_space<hbm>>
        %dma_wait3A_311 = arith.constant 0 : i32
        %dma_wait3A_312 = tpu.memref_slice %arg3[%mul3A_19, %dma_wait3A_311] : memref<1280x128xi32, #tpu.memory_space<hbm>> -> memref<8x128xi32, #tpu.memory_space<hbm>>
        tpu.wait_dma2 semaphore(%run_scoped3A : memref<!tpu.dma_semaphore, #tpu.memory_space<semaphore_mem>>) src(%dma_wait3A_312 : memref<8x128xi32, #tpu.memory_space<hbm>>) dst(%arg8 : memref<8x128xi32, #tpu.memory_space<vmem>>)
        tpu.yield
      }) : () -> ()
      %mul3A_20 = arith.constant 8 : i32
      %mul3A_21 = arith.muli %add3A_17, %mul3A_20 : i32
      %add3A_22 = arith.constant 0 : i32
      %add3A_23 = arith.addi %mul3A_21, %add3A_22 : i32
      %lt3A = arith.constant 1280 : i32
      %lt3A_24 = arith.cmpi slt, %add3A_23, %lt3A : i32
      %convert_element_type3A_25 = arith.extui %lt3A_24 : i1 to i32
      %cond3A_26 = arith.constant 0 : i32
      %cond3A_27 = arith.cmpi ne, %convert_element_type3A_25, %cond3A_26 : i32
      scf.if %cond3A_27 {
        %mul3A_307 = arith.constant 128 : i32
        %mul3A_308 = arith.muli %add3A_23, %mul3A_307 : i32
        %dma_start3A = arith.constant 0 : i32
        %dma_start3A_309 = arith.constant 0 : i32
        %dma_start3A_310 = tpu.memref_slice %arg9[%dma_start3A, %dma_start3A_309] : memref<1024x16xf32, #tpu.memory_space<vmem>> -> memref<128x16xf32, #tpu.memory_space<vmem>>
        %dma_start3A_311 = arith.constant 0 : i32
        %dma_start3A_312 = tpu.memref_slice %arg2[%mul3A_308, %dma_start3A_311] : memref<163840x16xf32, #tpu.memory_space<hbm>> -> memref<128x16xf32, #tpu.memory_space<hbm>>
        %dma_start3A_313 = arith.constant 0 : i32
        %dma_start3A_314 = arith.constant 0 : i32
        %dma_start3A_315 = tpu.memref_slice %arg9[%dma_start3A_313, %dma_start3A_314] : memref<1024x16xf32, #tpu.memory_space<vmem>> -> memref<128x16xf32, #tpu.memory_space<vmem>>
        %dma_start3A_316 = arith.constant 0 : i32
        %dma_start3A_317 = tpu.memref_slice %arg2[%mul3A_308, %dma_start3A_316] : memref<163840x16xf32, #tpu.memory_space<hbm>> -> memref<128x16xf32, #tpu.memory_space<hbm>>
        tpu.enqueue_dma source(%dma_start3A_317 : memref<128x16xf32, #tpu.memory_space<hbm>>) target(%dma_start3A_315 : memref<128x16xf32, #tpu.memory_space<vmem>>) target_semaphore(%arg13 : memref<!tpu.dma_semaphore, #tpu.memory_space<semaphore_mem>>)
      } else {
      }
      %mul3A_28 = arith.constant 8 : i32
      %mul3A_29 = arith.muli %add3A_17, %mul3A_28 : i32
      %add3A_30 = arith.constant 1 : i32
      %add3A_31 = arith.addi %mul3A_29, %add3A_30 : i32
      %lt3A_32 = arith.constant 1280 : i32
      %lt3A_33 = arith.cmpi slt, %add3A_31, %lt3A_32 : i32
      %convert_element_type3A_34 = arith.extui %lt3A_33 : i1 to i32
      %cond3A_35 = arith.constant 0 : i32
      %cond3A_36 = arith.cmpi ne, %convert_element_type3A_34, %cond3A_35 : i32
      scf.if %cond3A_36 {
        %mul3A_307 = arith.constant 128 : i32
        %mul3A_308 = arith.muli %add3A_31, %mul3A_307 : i32
        %dma_start3A = arith.constant 128 : i32
        %dma_start3A_309 = arith.constant 0 : i32
        %dma_start3A_310 = tpu.memref_slice %arg9[%dma_start3A, %dma_start3A_309] : memref<1024x16xf32, #tpu.memory_space<vmem>> -> memref<128x16xf32, #tpu.memory_space<vmem>>
        %dma_start3A_311 = arith.constant 0 : i32
        %dma_start3A_312 = tpu.memref_slice %arg2[%mul3A_308, %dma_start3A_311] : memref<163840x16xf32, #tpu.memory_space<hbm>> -> memref<128x16xf32, #tpu.memory_space<hbm>>
        %dma_start3A_313 = arith.constant 128 : i32
        %dma_start3A_314 = arith.constant 0 : i32
        %dma_start3A_315 = tpu.memref_slice %arg9[%dma_start3A_313, %dma_start3A_314] : memref<1024x16xf32, #tpu.memory_space<vmem>> -> memref<128x16xf32, #tpu.memory_space<vmem>>
        %dma_start3A_316 = arith.constant 0 : i32
        %dma_start3A_317 = tpu.memref_slice %arg2[%mul3A_308, %dma_start3A_316] : memref<163840x16xf32, #tpu.memory_space<hbm>> -> memref<128x16xf32, #tpu.memory_space<hbm>>
        tpu.enqueue_dma source(%dma_start3A_317 : memref<128x16xf32, #tpu.memory_space<hbm>>) target(%dma_start3A_315 : memref<128x16xf32, #tpu.memory_space<vmem>>) target_semaphore(%arg13 : memref<!tpu.dma_semaphore, #tpu.memory_space<semaphore_mem>>)
      } else {
      }
      %mul3A_37 = arith.constant 8 : i32
      %mul3A_38 = arith.muli %add3A_17, %mul3A_37 : i32
      %add3A_39 = arith.constant 2 : i32
      %add3A_40 = arith.addi %mul3A_38, %add3A_39 : i32
      %lt3A_41 = arith.constant 1280 : i32
      %lt3A_42 = arith.cmpi slt, %add3A_40, %lt3A_41 : i32
      %convert_element_type3A_43 = arith.extui %lt3A_42 : i1 to i32
      %cond3A_44 = arith.constant 0 : i32
      %cond3A_45 = arith.cmpi ne, %convert_element_type3A_43, %cond3A_44 : i32
      scf.if %cond3A_45 {
        %mul3A_307 = arith.constant 128 : i32
        %mul3A_308 = arith.muli %add3A_40, %mul3A_307 : i32
        %dma_start3A = arith.constant 256 : i32
        %dma_start3A_309 = arith.constant 0 : i32
        %dma_start3A_310 = tpu.memref_slice %arg9[%dma_start3A, %dma_start3A_309] : memref<1024x16xf32, #tpu.memory_space<vmem>> -> memref<128x16xf32, #tpu.memory_space<vmem>>
        %dma_start3A_311 = arith.constant 0 : i32
        %dma_start3A_312 = tpu.memref_slice %arg2[%mul3A_308, %dma_start3A_311] : memref<163840x16xf32, #tpu.memory_space<hbm>> -> memref<128x16xf32, #tpu.memory_space<hbm>>
        %dma_start3A_313 = arith.constant 256 : i32
        %dma_start3A_314 = arith.constant 0 : i32
        %dma_start3A_315 = tpu.memref_slice %arg9[%dma_start3A_313, %dma_start3A_314] : memref<1024x16xf32, #tpu.memory_space<vmem>> -> memref<128x16xf32, #tpu.memory_space<vmem>>
        %dma_start3A_316 = arith.constant 0 : i32
        %dma_start3A_317 = tpu.memref_slice %arg2[%mul3A_308, %dma_start3A_316] : memref<163840x16xf32, #tpu.memory_space<hbm>> -> memref<128x16xf32, #tpu.memory_space<hbm>>
        tpu.enqueue_dma source(%dma_start3A_317 : memref<128x16xf32, #tpu.memory_space<hbm>>) target(%dma_start3A_315 : memref<128x16xf32, #tpu.memory_space<vmem>>) target_semaphore(%arg13 : memref<!tpu.dma_semaphore, #tpu.memory_space<semaphore_mem>>)
      } else {
      }
      %mul3A_46 = arith.constant 8 : i32
      %mul3A_47 = arith.muli %add3A_17, %mul3A_46 : i32
      %add3A_48 = arith.constant 3 : i32
      %add3A_49 = arith.addi %mul3A_47, %add3A_48 : i32
      %lt3A_50 = arith.constant 1280 : i32
      %lt3A_51 = arith.cmpi slt, %add3A_49, %lt3A_50 : i32
      %convert_element_type3A_52 = arith.extui %lt3A_51 : i1 to i32
      %cond3A_53 = arith.constant 0 : i32
      %cond3A_54 = arith.cmpi ne, %convert_element_type3A_52, %cond3A_53 : i32
      scf.if %cond3A_54 {
        %mul3A_307 = arith.constant 128 : i32
        %mul3A_308 = arith.muli %add3A_49, %mul3A_307 : i32
        %dma_start3A = arith.constant 384 : i32
        %dma_start3A_309 = arith.constant 0 : i32
        %dma_start3A_310 = tpu.memref_slice %arg9[%dma_start3A, %dma_start3A_309] : memref<1024x16xf32, #tpu.memory_space<vmem>> -> memref<128x16xf32, #tpu.memory_space<vmem>>
        %dma_start3A_311 = arith.constant 0 : i32
        %dma_start3A_312 = tpu.memref_slice %arg2[%mul3A_308, %dma_start3A_311] : memref<163840x16xf32, #tpu.memory_space<hbm>> -> memref<128x16xf32, #tpu.memory_space<hbm>>
        %dma_start3A_313 = arith.constant 384 : i32
        %dma_start3A_314 = arith.constant 0 : i32
        %dma_start3A_315 = tpu.memref_slice %arg9[%dma_start3A_313, %dma_start3A_314] : memref<1024x16xf32, #tpu.memory_space<vmem>> -> memref<128x16xf32, #tpu.memory_space<vmem>>
        %dma_start3A_316 = arith.constant 0 : i32
        %dma_start3A_317 = tpu.memref_slice %arg2[%mul3A_308, %dma_start3A_316] : memref<163840x16xf32, #tpu.memory_space<hbm>> -> memref<128x16xf32, #tpu.memory_space<hbm>>
        tpu.enqueue_dma source(%dma_start3A_317 : memref<128x16xf32, #tpu.memory_space<hbm>>) target(%dma_start3A_315 : memref<128x16xf32, #tpu.memory_space<vmem>>) target_semaphore(%arg13 : memref<!tpu.dma_semaphore, #tpu.memory_space<semaphore_mem>>)
      } else {
      }
      %mul3A_55 = arith.constant 8 : i32
      %mul3A_56 = arith.muli %add3A_17, %mul3A_55 : i32
      %add3A_57 = arith.constant 4 : i32
      %add3A_58 = arith.addi %mul3A_56, %add3A_57 : i32
      %lt3A_59 = arith.constant 1280 : i32
      %lt3A_60 = arith.cmpi slt, %add3A_58, %lt3A_59 : i32
      %convert_element_type3A_61 = arith.extui %lt3A_60 : i1 to i32
      %cond3A_62 = arith.constant 0 : i32
      %cond3A_63 = arith.cmpi ne, %convert_element_type3A_61, %cond3A_62 : i32
      scf.if %cond3A_63 {
        %mul3A_307 = arith.constant 128 : i32
        %mul3A_308 = arith.muli %add3A_58, %mul3A_307 : i32
        %dma_start3A = arith.constant 512 : i32
        %dma_start3A_309 = arith.constant 0 : i32
        %dma_start3A_310 = tpu.memref_slice %arg9[%dma_start3A, %dma_start3A_309] : memref<1024x16xf32, #tpu.memory_space<vmem>> -> memref<128x16xf32, #tpu.memory_space<vmem>>
        %dma_start3A_311 = arith.constant 0 : i32
        %dma_start3A_312 = tpu.memref_slice %arg2[%mul3A_308, %dma_start3A_311] : memref<163840x16xf32, #tpu.memory_space<hbm>> -> memref<128x16xf32, #tpu.memory_space<hbm>>
        %dma_start3A_313 = arith.constant 512 : i32
        %dma_start3A_314 = arith.constant 0 : i32
        %dma_start3A_315 = tpu.memref_slice %arg9[%dma_start3A_313, %dma_start3A_314] : memref<1024x16xf32, #tpu.memory_space<vmem>> -> memref<128x16xf32, #tpu.memory_space<vmem>>
        %dma_start3A_316 = arith.constant 0 : i32
        %dma_start3A_317 = tpu.memref_slice %arg2[%mul3A_308, %dma_start3A_316] : memref<163840x16xf32, #tpu.memory_space<hbm>> -> memref<128x16xf32, #tpu.memory_space<hbm>>
        tpu.enqueue_dma source(%dma_start3A_317 : memref<128x16xf32, #tpu.memory_space<hbm>>) target(%dma_start3A_315 : memref<128x16xf32, #tpu.memory_space<vmem>>) target_semaphore(%arg13 : memref<!tpu.dma_semaphore, #tpu.memory_space<semaphore_mem>>)
      } else {
      }
      %mul3A_64 = arith.constant 8 : i32
      %mul3A_65 = arith.muli %add3A_17, %mul3A_64 : i32
      %add3A_66 = arith.constant 5 : i32
      %add3A_67 = arith.addi %mul3A_65, %add3A_66 : i32
      %lt3A_68 = arith.constant 1280 : i32
      %lt3A_69 = arith.cmpi slt, %add3A_67, %lt3A_68 : i32
      %convert_element_type3A_70 = arith.extui %lt3A_69 : i1 to i32
      %cond3A_71 = arith.constant 0 : i32
      %cond3A_72 = arith.cmpi ne, %convert_element_type3A_70, %cond3A_71 : i32
      scf.if %cond3A_72 {
        %mul3A_307 = arith.constant 128 : i32
        %mul3A_308 = arith.muli %add3A_67, %mul3A_307 : i32
        %dma_start3A = arith.constant 640 : i32
        %dma_start3A_309 = arith.constant 0 : i32
        %dma_start3A_310 = tpu.memref_slice %arg9[%dma_start3A, %dma_start3A_309] : memref<1024x16xf32, #tpu.memory_space<vmem>> -> memref<128x16xf32, #tpu.memory_space<vmem>>
        %dma_start3A_311 = arith.constant 0 : i32
        %dma_start3A_312 = tpu.memref_slice %arg2[%mul3A_308, %dma_start3A_311] : memref<163840x16xf32, #tpu.memory_space<hbm>> -> memref<128x16xf32, #tpu.memory_space<hbm>>
        %dma_start3A_313 = arith.constant 640 : i32
        %dma_start3A_314 = arith.constant 0 : i32
        %dma_start3A_315 = tpu.memref_slice %arg9[%dma_start3A_313, %dma_start3A_314] : memref<1024x16xf32, #tpu.memory_space<vmem>> -> memref<128x16xf32, #tpu.memory_space<vmem>>
        %dma_start3A_316 = arith.constant 0 : i32
        %dma_start3A_317 = tpu.memref_slice %arg2[%mul3A_308, %dma_start3A_316] : memref<163840x16xf32, #tpu.memory_space<hbm>> -> memref<128x16xf32, #tpu.memory_space<hbm>>
        tpu.enqueue_dma source(%dma_start3A_317 : memref<128x16xf32, #tpu.memory_space<hbm>>) target(%dma_start3A_315 : memref<128x16xf32, #tpu.memory_space<vmem>>) target_semaphore(%arg13 : memref<!tpu.dma_semaphore, #tpu.memory_space<semaphore_mem>>)
      } else {
      }
      %mul3A_73 = arith.constant 8 : i32
      %mul3A_74 = arith.muli %add3A_17, %mul3A_73 : i32
      %add3A_75 = arith.constant 6 : i32
      %add3A_76 = arith.addi %mul3A_74, %add3A_75 : i32
      %lt3A_77 = arith.constant 1280 : i32
      %lt3A_78 = arith.cmpi slt, %add3A_76, %lt3A_77 : i32
      %convert_element_type3A_79 = arith.extui %lt3A_78 : i1 to i32
      %cond3A_80 = arith.constant 0 : i32
      %cond3A_81 = arith.cmpi ne, %convert_element_type3A_79, %cond3A_80 : i32
      scf.if %cond3A_81 {
        %mul3A_307 = arith.constant 128 : i32
        %mul3A_308 = arith.muli %add3A_76, %mul3A_307 : i32
        %dma_start3A = arith.constant 768 : i32
        %dma_start3A_309 = arith.constant 0 : i32
        %dma_start3A_310 = tpu.memref_slice %arg9[%dma_start3A, %dma_start3A_309] : memref<1024x16xf32, #tpu.memory_space<vmem>> -> memref<128x16xf32, #tpu.memory_space<vmem>>
        %dma_start3A_311 = arith.constant 0 : i32
        %dma_start3A_312 = tpu.memref_slice %arg2[%mul3A_308, %dma_start3A_311] : memref<163840x16xf32, #tpu.memory_space<hbm>> -> memref<128x16xf32, #tpu.memory_space<hbm>>
        %dma_start3A_313 = arith.constant 768 : i32
        %dma_start3A_314 = arith.constant 0 : i32
        %dma_start3A_315 = tpu.memref_slice %arg9[%dma_start3A_313, %dma_start3A_314] : memref<1024x16xf32, #tpu.memory_space<vmem>> -> memref<128x16xf32, #tpu.memory_space<vmem>>
        %dma_start3A_316 = arith.constant 0 : i32
        %dma_start3A_317 = tpu.memref_slice %arg2[%mul3A_308, %dma_start3A_316] : memref<163840x16xf32, #tpu.memory_space<hbm>> -> memref<128x16xf32, #tpu.memory_space<hbm>>
        tpu.enqueue_dma source(%dma_start3A_317 : memref<128x16xf32, #tpu.memory_space<hbm>>) target(%dma_start3A_315 : memref<128x16xf32, #tpu.memory_space<vmem>>) target_semaphore(%arg13 : memref<!tpu.dma_semaphore, #tpu.memory_space<semaphore_mem>>)
      } else {
      }
      %mul3A_82 = arith.constant 8 : i32
      %mul3A_83 = arith.muli %add3A_17, %mul3A_82 : i32
      %add3A_84 = arith.constant 7 : i32
      %add3A_85 = arith.addi %mul3A_83, %add3A_84 : i32
      %lt3A_86 = arith.constant 1280 : i32
      %lt3A_87 = arith.cmpi slt, %add3A_85, %lt3A_86 : i32
      %convert_element_type3A_88 = arith.extui %lt3A_87 : i1 to i32
      %cond3A_89 = arith.constant 0 : i32
      %cond3A_90 = arith.cmpi ne, %convert_element_type3A_88, %cond3A_89 : i32
      scf.if %cond3A_90 {
        %mul3A_307 = arith.constant 128 : i32
        %mul3A_308 = arith.muli %add3A_85, %mul3A_307 : i32
        %dma_start3A = arith.constant 896 : i32
        %dma_start3A_309 = arith.constant 0 : i32
        %dma_start3A_310 = tpu.memref_slice %arg9[%dma_start3A, %dma_start3A_309] : memref<1024x16xf32, #tpu.memory_space<vmem>> -> memref<128x16xf32, #tpu.memory_space<vmem>>
        %dma_start3A_311 = arith.constant 0 : i32
        %dma_start3A_312 = tpu.memref_slice %arg2[%mul3A_308, %dma_start3A_311] : memref<163840x16xf32, #tpu.memory_space<hbm>> -> memref<128x16xf32, #tpu.memory_space<hbm>>
        %dma_start3A_313 = arith.constant 896 : i32
        %dma_start3A_314 = arith.constant 0 : i32
        %dma_start3A_315 = tpu.memref_slice %arg9[%dma_start3A_313, %dma_start3A_314] : memref<1024x16xf32, #tpu.memory_space<vmem>> -> memref<128x16xf32, #tpu.memory_space<vmem>>
        %dma_start3A_316 = arith.constant 0 : i32
        %dma_start3A_317 = tpu.memref_slice %arg2[%mul3A_308, %dma_start3A_316] : memref<163840x16xf32, #tpu.memory_space<hbm>> -> memref<128x16xf32, #tpu.memory_space<hbm>>
        tpu.enqueue_dma source(%dma_start3A_317 : memref<128x16xf32, #tpu.memory_space<hbm>>) target(%dma_start3A_315 : memref<128x16xf32, #tpu.memory_space<vmem>>) target_semaphore(%arg13 : memref<!tpu.dma_semaphore, #tpu.memory_space<semaphore_mem>>)
      } else {
      }
      %mul3A_91 = arith.constant 8 : i32
      %mul3A_92 = arith.muli %add3A_17, %mul3A_91 : i32
      %add3A_93 = arith.constant 0 : i32
      %add3A_94 = arith.addi %mul3A_92, %add3A_93 : i32
      %lt3A_95 = arith.constant 1280 : i32
      %lt3A_96 = arith.cmpi slt, %add3A_94, %lt3A_95 : i32
      %convert_element_type3A_97 = arith.extui %lt3A_96 : i1 to i32
      %cond3A_98 = arith.constant 0 : i32
      %cond3A_99 = arith.cmpi ne, %convert_element_type3A_97, %cond3A_98 : i32
      scf.if %cond3A_99 {
        %mul3A_307 = arith.constant 128 : i32
        %mul3A_308 = arith.muli %add3A_94, %mul3A_307 : i32
        %dma_wait3A = arith.constant 0 : i32
        %dma_wait3A_309 = arith.constant 0 : i32
        %dma_wait3A_310 = tpu.memref_slice %arg9[%dma_wait3A, %dma_wait3A_309] : memref<1024x16xf32, #tpu.memory_space<vmem>> -> memref<128x16xf32, #tpu.memory_space<vmem>>
        %dma_wait3A_311 = arith.constant 0 : i32
        %dma_wait3A_312 = tpu.memref_slice %arg2[%mul3A_308, %dma_wait3A_311] : memref<163840x16xf32, #tpu.memory_space<hbm>> -> memref<128x16xf32, #tpu.memory_space<hbm>>
        %dma_wait3A_313 = arith.constant 0 : i32
        %dma_wait3A_314 = arith.constant 0 : i32
        %dma_wait3A_315 = tpu.memref_slice %arg9[%dma_wait3A_313, %dma_wait3A_314] : memref<1024x16xf32, #tpu.memory_space<vmem>> -> memref<128x16xf32, #tpu.memory_space<vmem>>
        %dma_wait3A_316 = arith.constant 0 : i32
        %dma_wait3A_317 = tpu.memref_slice %arg2[%mul3A_308, %dma_wait3A_316] : memref<163840x16xf32, #tpu.memory_space<hbm>> -> memref<128x16xf32, #tpu.memory_space<hbm>>
        tpu.wait_dma2 semaphore(%arg13 : memref<!tpu.dma_semaphore, #tpu.memory_space<semaphore_mem>>) src(%dma_wait3A_317 : memref<128x16xf32, #tpu.memory_space<hbm>>) dst(%dma_wait3A_315 : memref<128x16xf32, #tpu.memory_space<vmem>>)
      } else {
      }
      %mul3A_100 = arith.constant 8 : i32
      %mul3A_101 = arith.muli %add3A_17, %mul3A_100 : i32
      %add3A_102 = arith.constant 1 : i32
      %add3A_103 = arith.addi %mul3A_101, %add3A_102 : i32
      %lt3A_104 = arith.constant 1280 : i32
      %lt3A_105 = arith.cmpi slt, %add3A_103, %lt3A_104 : i32
      %convert_element_type3A_106 = arith.extui %lt3A_105 : i1 to i32
      %cond3A_107 = arith.constant 0 : i32
      %cond3A_108 = arith.cmpi ne, %convert_element_type3A_106, %cond3A_107 : i32
      scf.if %cond3A_108 {
        %mul3A_307 = arith.constant 128 : i32
        %mul3A_308 = arith.muli %add3A_103, %mul3A_307 : i32
        %dma_wait3A = arith.constant 128 : i32
        %dma_wait3A_309 = arith.constant 0 : i32
        %dma_wait3A_310 = tpu.memref_slice %arg9[%dma_wait3A, %dma_wait3A_309] : memref<1024x16xf32, #tpu.memory_space<vmem>> -> memref<128x16xf32, #tpu.memory_space<vmem>>
        %dma_wait3A_311 = arith.constant 0 : i32
        %dma_wait3A_312 = tpu.memref_slice %arg2[%mul3A_308, %dma_wait3A_311] : memref<163840x16xf32, #tpu.memory_space<hbm>> -> memref<128x16xf32, #tpu.memory_space<hbm>>
        %dma_wait3A_313 = arith.constant 128 : i32
        %dma_wait3A_314 = arith.constant 0 : i32
        %dma_wait3A_315 = tpu.memref_slice %arg9[%dma_wait3A_313, %dma_wait3A_314] : memref<1024x16xf32, #tpu.memory_space<vmem>> -> memref<128x16xf32, #tpu.memory_space<vmem>>
        %dma_wait3A_316 = arith.constant 0 : i32
        %dma_wait3A_317 = tpu.memref_slice %arg2[%mul3A_308, %dma_wait3A_316] : memref<163840x16xf32, #tpu.memory_space<hbm>> -> memref<128x16xf32, #tpu.memory_space<hbm>>
        tpu.wait_dma2 semaphore(%arg13 : memref<!tpu.dma_semaphore, #tpu.memory_space<semaphore_mem>>) src(%dma_wait3A_317 : memref<128x16xf32, #tpu.memory_space<hbm>>) dst(%dma_wait3A_315 : memref<128x16xf32, #tpu.memory_space<vmem>>)
      } else {
      }
      %mul3A_109 = arith.constant 8 : i32
      %mul3A_110 = arith.muli %add3A_17, %mul3A_109 : i32
      %add3A_111 = arith.constant 2 : i32
      %add3A_112 = arith.addi %mul3A_110, %add3A_111 : i32
      %lt3A_113 = arith.constant 1280 : i32
      %lt3A_114 = arith.cmpi slt, %add3A_112, %lt3A_113 : i32
      %convert_element_type3A_115 = arith.extui %lt3A_114 : i1 to i32
      %cond3A_116 = arith.constant 0 : i32
      %cond3A_117 = arith.cmpi ne, %convert_element_type3A_115, %cond3A_116 : i32
      scf.if %cond3A_117 {
        %mul3A_307 = arith.constant 128 : i32
        %mul3A_308 = arith.muli %add3A_112, %mul3A_307 : i32
        %dma_wait3A = arith.constant 256 : i32
        %dma_wait3A_309 = arith.constant 0 : i32
        %dma_wait3A_310 = tpu.memref_slice %arg9[%dma_wait3A, %dma_wait3A_309] : memref<1024x16xf32, #tpu.memory_space<vmem>> -> memref<128x16xf32, #tpu.memory_space<vmem>>
        %dma_wait3A_311 = arith.constant 0 : i32
        %dma_wait3A_312 = tpu.memref_slice %arg2[%mul3A_308, %dma_wait3A_311] : memref<163840x16xf32, #tpu.memory_space<hbm>> -> memref<128x16xf32, #tpu.memory_space<hbm>>
        %dma_wait3A_313 = arith.constant 256 : i32
        %dma_wait3A_314 = arith.constant 0 : i32
        %dma_wait3A_315 = tpu.memref_slice %arg9[%dma_wait3A_313, %dma_wait3A_314] : memref<1024x16xf32, #tpu.memory_space<vmem>> -> memref<128x16xf32, #tpu.memory_space<vmem>>
        %dma_wait3A_316 = arith.constant 0 : i32
        %dma_wait3A_317 = tpu.memref_slice %arg2[%mul3A_308, %dma_wait3A_316] : memref<163840x16xf32, #tpu.memory_space<hbm>> -> memref<128x16xf32, #tpu.memory_space<hbm>>
        tpu.wait_dma2 semaphore(%arg13 : memref<!tpu.dma_semaphore, #tpu.memory_space<semaphore_mem>>) src(%dma_wait3A_317 : memref<128x16xf32, #tpu.memory_space<hbm>>) dst(%dma_wait3A_315 : memref<128x16xf32, #tpu.memory_space<vmem>>)
      } else {
      }
      %mul3A_118 = arith.constant 8 : i32
      %mul3A_119 = arith.muli %add3A_17, %mul3A_118 : i32
      %add3A_120 = arith.constant 3 : i32
      %add3A_121 = arith.addi %mul3A_119, %add3A_120 : i32
      %lt3A_122 = arith.constant 1280 : i32
      %lt3A_123 = arith.cmpi slt, %add3A_121, %lt3A_122 : i32
      %convert_element_type3A_124 = arith.extui %lt3A_123 : i1 to i32
      %cond3A_125 = arith.constant 0 : i32
      %cond3A_126 = arith.cmpi ne, %convert_element_type3A_124, %cond3A_125 : i32
      scf.if %cond3A_126 {
        %mul3A_307 = arith.constant 128 : i32
        %mul3A_308 = arith.muli %add3A_121, %mul3A_307 : i32
        %dma_wait3A = arith.constant 384 : i32
        %dma_wait3A_309 = arith.constant 0 : i32
        %dma_wait3A_310 = tpu.memref_slice %arg9[%dma_wait3A, %dma_wait3A_309] : memref<1024x16xf32, #tpu.memory_space<vmem>> -> memref<128x16xf32, #tpu.memory_space<vmem>>
        %dma_wait3A_311 = arith.constant 0 : i32
        %dma_wait3A_312 = tpu.memref_slice %arg2[%mul3A_308, %dma_wait3A_311] : memref<163840x16xf32, #tpu.memory_space<hbm>> -> memref<128x16xf32, #tpu.memory_space<hbm>>
        %dma_wait3A_313 = arith.constant 384 : i32
        %dma_wait3A_314 = arith.constant 0 : i32
        %dma_wait3A_315 = tpu.memref_slice %arg9[%dma_wait3A_313, %dma_wait3A_314] : memref<1024x16xf32, #tpu.memory_space<vmem>> -> memref<128x16xf32, #tpu.memory_space<vmem>>
        %dma_wait3A_316 = arith.constant 0 : i32
        %dma_wait3A_317 = tpu.memref_slice %arg2[%mul3A_308, %dma_wait3A_316] : memref<163840x16xf32, #tpu.memory_space<hbm>> -> memref<128x16xf32, #tpu.memory_space<hbm>>
        tpu.wait_dma2 semaphore(%arg13 : memref<!tpu.dma_semaphore, #tpu.memory_space<semaphore_mem>>) src(%dma_wait3A_317 : memref<128x16xf32, #tpu.memory_space<hbm>>) dst(%dma_wait3A_315 : memref<128x16xf32, #tpu.memory_space<vmem>>)
      } else {
      }
      %mul3A_127 = arith.constant 8 : i32
      %mul3A_128 = arith.muli %add3A_17, %mul3A_127 : i32
      %add3A_129 = arith.constant 4 : i32
      %add3A_130 = arith.addi %mul3A_128, %add3A_129 : i32
      %lt3A_131 = arith.constant 1280 : i32
      %lt3A_132 = arith.cmpi slt, %add3A_130, %lt3A_131 : i32
      %convert_element_type3A_133 = arith.extui %lt3A_132 : i1 to i32
      %cond3A_134 = arith.constant 0 : i32
      %cond3A_135 = arith.cmpi ne, %convert_element_type3A_133, %cond3A_134 : i32
      scf.if %cond3A_135 {
        %mul3A_307 = arith.constant 128 : i32
        %mul3A_308 = arith.muli %add3A_130, %mul3A_307 : i32
        %dma_wait3A = arith.constant 512 : i32
        %dma_wait3A_309 = arith.constant 0 : i32
        %dma_wait3A_310 = tpu.memref_slice %arg9[%dma_wait3A, %dma_wait3A_309] : memref<1024x16xf32, #tpu.memory_space<vmem>> -> memref<128x16xf32, #tpu.memory_space<vmem>>
        %dma_wait3A_311 = arith.constant 0 : i32
        %dma_wait3A_312 = tpu.memref_slice %arg2[%mul3A_308, %dma_wait3A_311] : memref<163840x16xf32, #tpu.memory_space<hbm>> -> memref<128x16xf32, #tpu.memory_space<hbm>>
        %dma_wait3A_313 = arith.constant 512 : i32
        %dma_wait3A_314 = arith.constant 0 : i32
        %dma_wait3A_315 = tpu.memref_slice %arg9[%dma_wait3A_313, %dma_wait3A_314] : memref<1024x16xf32, #tpu.memory_space<vmem>> -> memref<128x16xf32, #tpu.memory_space<vmem>>
        %dma_wait3A_316 = arith.constant 0 : i32
        %dma_wait3A_317 = tpu.memref_slice %arg2[%mul3A_308, %dma_wait3A_316] : memref<163840x16xf32, #tpu.memory_space<hbm>> -> memref<128x16xf32, #tpu.memory_space<hbm>>
        tpu.wait_dma2 semaphore(%arg13 : memref<!tpu.dma_semaphore, #tpu.memory_space<semaphore_mem>>) src(%dma_wait3A_317 : memref<128x16xf32, #tpu.memory_space<hbm>>) dst(%dma_wait3A_315 : memref<128x16xf32, #tpu.memory_space<vmem>>)
      } else {
      }
      %mul3A_136 = arith.constant 8 : i32
      %mul3A_137 = arith.muli %add3A_17, %mul3A_136 : i32
      %add3A_138 = arith.constant 5 : i32
      %add3A_139 = arith.addi %mul3A_137, %add3A_138 : i32
      %lt3A_140 = arith.constant 1280 : i32
      %lt3A_141 = arith.cmpi slt, %add3A_139, %lt3A_140 : i32
      %convert_element_type3A_142 = arith.extui %lt3A_141 : i1 to i32
      %cond3A_143 = arith.constant 0 : i32
      %cond3A_144 = arith.cmpi ne, %convert_element_type3A_142, %cond3A_143 : i32
      scf.if %cond3A_144 {
        %mul3A_307 = arith.constant 128 : i32
        %mul3A_308 = arith.muli %add3A_139, %mul3A_307 : i32
        %dma_wait3A = arith.constant 640 : i32
        %dma_wait3A_309 = arith.constant 0 : i32
        %dma_wait3A_310 = tpu.memref_slice %arg9[%dma_wait3A, %dma_wait3A_309] : memref<1024x16xf32, #tpu.memory_space<vmem>> -> memref<128x16xf32, #tpu.memory_space<vmem>>
        %dma_wait3A_311 = arith.constant 0 : i32
        %dma_wait3A_312 = tpu.memref_slice %arg2[%mul3A_308, %dma_wait3A_311] : memref<163840x16xf32, #tpu.memory_space<hbm>> -> memref<128x16xf32, #tpu.memory_space<hbm>>
        %dma_wait3A_313 = arith.constant 640 : i32
        %dma_wait3A_314 = arith.constant 0 : i32
        %dma_wait3A_315 = tpu.memref_slice %arg9[%dma_wait3A_313, %dma_wait3A_314] : memref<1024x16xf32, #tpu.memory_space<vmem>> -> memref<128x16xf32, #tpu.memory_space<vmem>>
        %dma_wait3A_316 = arith.constant 0 : i32
        %dma_wait3A_317 = tpu.memref_slice %arg2[%mul3A_308, %dma_wait3A_316] : memref<163840x16xf32, #tpu.memory_space<hbm>> -> memref<128x16xf32, #tpu.memory_space<hbm>>
        tpu.wait_dma2 semaphore(%arg13 : memref<!tpu.dma_semaphore, #tpu.memory_space<semaphore_mem>>) src(%dma_wait3A_317 : memref<128x16xf32, #tpu.memory_space<hbm>>) dst(%dma_wait3A_315 : memref<128x16xf32, #tpu.memory_space<vmem>>)
      } else {
      }
      %mul3A_145 = arith.constant 8 : i32
      %mul3A_146 = arith.muli %add3A_17, %mul3A_145 : i32
      %add3A_147 = arith.constant 6 : i32
      %add3A_148 = arith.addi %mul3A_146, %add3A_147 : i32
      %lt3A_149 = arith.constant 1280 : i32
      %lt3A_150 = arith.cmpi slt, %add3A_148, %lt3A_149 : i32
      %convert_element_type3A_151 = arith.extui %lt3A_150 : i1 to i32
      %cond3A_152 = arith.constant 0 : i32
      %cond3A_153 = arith.cmpi ne, %convert_element_type3A_151, %cond3A_152 : i32
      scf.if %cond3A_153 {
        %mul3A_307 = arith.constant 128 : i32
        %mul3A_308 = arith.muli %add3A_148, %mul3A_307 : i32
        %dma_wait3A = arith.constant 768 : i32
        %dma_wait3A_309 = arith.constant 0 : i32
        %dma_wait3A_310 = tpu.memref_slice %arg9[%dma_wait3A, %dma_wait3A_309] : memref<1024x16xf32, #tpu.memory_space<vmem>> -> memref<128x16xf32, #tpu.memory_space<vmem>>
        %dma_wait3A_311 = arith.constant 0 : i32
        %dma_wait3A_312 = tpu.memref_slice %arg2[%mul3A_308, %dma_wait3A_311] : memref<163840x16xf32, #tpu.memory_space<hbm>> -> memref<128x16xf32, #tpu.memory_space<hbm>>
        %dma_wait3A_313 = arith.constant 768 : i32
        %dma_wait3A_314 = arith.constant 0 : i32
        %dma_wait3A_315 = tpu.memref_slice %arg9[%dma_wait3A_313, %dma_wait3A_314] : memref<1024x16xf32, #tpu.memory_space<vmem>> -> memref<128x16xf32, #tpu.memory_space<vmem>>
        %dma_wait3A_316 = arith.constant 0 : i32
        %dma_wait3A_317 = tpu.memref_slice %arg2[%mul3A_308, %dma_wait3A_316] : memref<163840x16xf32, #tpu.memory_space<hbm>> -> memref<128x16xf32, #tpu.memory_space<hbm>>
        tpu.wait_dma2 semaphore(%arg13 : memref<!tpu.dma_semaphore, #tpu.memory_space<semaphore_mem>>) src(%dma_wait3A_317 : memref<128x16xf32, #tpu.memory_space<hbm>>) dst(%dma_wait3A_315 : memref<128x16xf32, #tpu.memory_space<vmem>>)
      } else {
      }
      %mul3A_154 = arith.constant 8 : i32
      %mul3A_155 = arith.muli %add3A_17, %mul3A_154 : i32
      %add3A_156 = arith.constant 7 : i32
      %add3A_157 = arith.addi %mul3A_155, %add3A_156 : i32
      %lt3A_158 = arith.constant 1280 : i32
      %lt3A_159 = arith.cmpi slt, %add3A_157, %lt3A_158 : i32
      %convert_element_type3A_160 = arith.extui %lt3A_159 : i1 to i32
      %cond3A_161 = arith.constant 0 : i32
      %cond3A_162 = arith.cmpi ne, %convert_element_type3A_160, %cond3A_161 : i32
      scf.if %cond3A_162 {
        %mul3A_307 = arith.constant 128 : i32
        %mul3A_308 = arith.muli %add3A_157, %mul3A_307 : i32
        %dma_wait3A = arith.constant 896 : i32
        %dma_wait3A_309 = arith.constant 0 : i32
        %dma_wait3A_310 = tpu.memref_slice %arg9[%dma_wait3A, %dma_wait3A_309] : memref<1024x16xf32, #tpu.memory_space<vmem>> -> memref<128x16xf32, #tpu.memory_space<vmem>>
        %dma_wait3A_311 = arith.constant 0 : i32
        %dma_wait3A_312 = tpu.memref_slice %arg2[%mul3A_308, %dma_wait3A_311] : memref<163840x16xf32, #tpu.memory_space<hbm>> -> memref<128x16xf32, #tpu.memory_space<hbm>>
        %dma_wait3A_313 = arith.constant 896 : i32
        %dma_wait3A_314 = arith.constant 0 : i32
        %dma_wait3A_315 = tpu.memref_slice %arg9[%dma_wait3A_313, %dma_wait3A_314] : memref<1024x16xf32, #tpu.memory_space<vmem>> -> memref<128x16xf32, #tpu.memory_space<vmem>>
        %dma_wait3A_316 = arith.constant 0 : i32
        %dma_wait3A_317 = tpu.memref_slice %arg2[%mul3A_308, %dma_wait3A_316] : memref<163840x16xf32, #tpu.memory_space<hbm>> -> memref<128x16xf32, #tpu.memory_space<hbm>>
        tpu.wait_dma2 semaphore(%arg13 : memref<!tpu.dma_semaphore, #tpu.memory_space<semaphore_mem>>) src(%dma_wait3A_317 : memref<128x16xf32, #tpu.memory_space<hbm>>) dst(%dma_wait3A_315 : memref<128x16xf32, #tpu.memory_space<vmem>>)
      } else {
      }
      %mul3A_163 = arith.constant 8 : i32
      %mul3A_164 = arith.muli %add3A_17, %mul3A_163 : i32
      %add3A_165 = arith.constant 0 : i32
      %add3A_166 = arith.addi %mul3A_164, %add3A_165 : i32
      %lt3A_167 = arith.constant 1280 : i32
      %lt3A_168 = arith.cmpi slt, %add3A_166, %lt3A_167 : i32
      %convert_element_type3A_169 = arith.extui %lt3A_168 : i1 to i32
      %cond3A_170 = arith.constant 0 : i32
      %cond3A_171 = arith.cmpi ne, %convert_element_type3A_169, %cond3A_170 : i32
      scf.if %cond3A_171 {
        %dma_start3A = arith.constant 0 : i32
        %dma_start3A_307 = arith.constant 0 : i32
        %dma_start3A_308 = arith.constant 0 : i32
        %dma_start3A_309 = tpu.memref_slice %arg9[%dma_start3A_307, %dma_start3A_308] : memref<1024x16xf32, #tpu.memory_space<vmem>> -> memref<128x16xf32, #tpu.memory_space<vmem>>
        %dma_start3A_310 = arith.constant 0 : i32
        %dma_start3A_311 = tpu.memref_slice %arg8[%dma_start3A, %dma_start3A_310] : memref<8x128xi32, #tpu.memory_space<vmem>> -> memref<1x128xi32, #tpu.memory_space<vmem>>
        %dma_start3A_312 = tpu.memref_squeeze %dma_start3A_311 : memref<1x128xi32, #tpu.memory_space<vmem>> -> memref<128xi32, #tpu.memory_space<vmem>>
        %dma_start3A_313 = arith.constant 0 : i32
        %dma_start3A_314 = arith.constant 0 : i32
        %dma_start3A_315 = tpu.memref_slice %arg11[%dma_start3A_313, %dma_start3A_314] : memref<10016x16xf32, #tpu.memory_space<vmem_shared>> -> memref<10016x16xf32, #tpu.memory_space<vmem_shared>>
        tpu.enqueue_indirect_dma source(%dma_start3A_309 : memref<128x16xf32, #tpu.memory_space<vmem>>) target(%dma_start3A_315 : memref<10016x16xf32, #tpu.memory_space<vmem_shared>>) offsets(%dma_start3A_312 : memref<128xi32, #tpu.memory_space<vmem>>) semaphore(%arg14 : memref<!tpu.dma_semaphore, #tpu.memory_space<semaphore_mem>>) {add = true}
        %dma_start3A_316 = arith.constant 0 : i32
        %dma_start3A_317 = arith.constant 0 : i32
        %dma_start3A_318 = tpu.memref_slice %arg8[%dma_start3A_316, %dma_start3A_317] : memref<8x128xi32, #tpu.memory_space<vmem>> -> memref<1x128xi32, #tpu.memory_space<vmem>>
        %dma_start3A_319 = tpu.memref_squeeze %dma_start3A_318 : memref<1x128xi32, #tpu.memory_space<vmem>> -> memref<128xi32, #tpu.memory_space<vmem>>
        %dma_start3A_320 = arith.constant 0 : i32
        %dma_start3A_321 = arith.constant 0 : i32
        %dma_start3A_322 = tpu.memref_slice %arg12[%dma_start3A_320, %dma_start3A_321] : memref<10016x16xf32, #tpu.memory_space<vmem_shared>> -> memref<10016x16xf32, #tpu.memory_space<vmem_shared>>
        tpu.enqueue_indirect_dma source(%arg10 : memref<128x16xf32, #tpu.memory_space<vmem>>) target(%dma_start3A_322 : memref<10016x16xf32, #tpu.memory_space<vmem_shared>>) offsets(%dma_start3A_319 : memref<128xi32, #tpu.memory_space<vmem>>) semaphore(%arg14 : memref<!tpu.dma_semaphore, #tpu.memory_space<semaphore_mem>>) {add = true}
      } else {
      }
      %mul3A_172 = arith.constant 8 : i32
      %mul3A_173 = arith.muli %add3A_17, %mul3A_172 : i32
      %add3A_174 = arith.constant 1 : i32
      %add3A_175 = arith.addi %mul3A_173, %add3A_174 : i32
      %lt3A_176 = arith.constant 1280 : i32
      %lt3A_177 = arith.cmpi slt, %add3A_175, %lt3A_176 : i32
      %convert_element_type3A_178 = arith.extui %lt3A_177 : i1 to i32
      %cond3A_179 = arith.constant 0 : i32
      %cond3A_180 = arith.cmpi ne, %convert_element_type3A_178, %cond3A_179 : i32
      scf.if %cond3A_180 {
        %dma_start3A = arith.constant 1 : i32
        %dma_start3A_307 = arith.constant 128 : i32
        %dma_start3A_308 = arith.constant 0 : i32
        %dma_start3A_309 = tpu.memref_slice %arg9[%dma_start3A_307, %dma_start3A_308] : memref<1024x16xf32, #tpu.memory_space<vmem>> -> memref<128x16xf32, #tpu.memory_space<vmem>>
        %dma_start3A_310 = arith.constant 0 : i32
        %dma_start3A_311 = tpu.memref_slice %arg8[%dma_start3A, %dma_start3A_310] : memref<8x128xi32, #tpu.memory_space<vmem>> -> memref<1x128xi32, #tpu.memory_space<vmem>>
        %dma_start3A_312 = tpu.memref_squeeze %dma_start3A_311 : memref<1x128xi32, #tpu.memory_space<vmem>> -> memref<128xi32, #tpu.memory_space<vmem>>
        %dma_start3A_313 = arith.constant 0 : i32
        %dma_start3A_314 = arith.constant 0 : i32
        %dma_start3A_315 = tpu.memref_slice %arg11[%dma_start3A_313, %dma_start3A_314] : memref<10016x16xf32, #tpu.memory_space<vmem_shared>> -> memref<10016x16xf32, #tpu.memory_space<vmem_shared>>
        tpu.enqueue_indirect_dma source(%dma_start3A_309 : memref<128x16xf32, #tpu.memory_space<vmem>>) target(%dma_start3A_315 : memref<10016x16xf32, #tpu.memory_space<vmem_shared>>) offsets(%dma_start3A_312 : memref<128xi32, #tpu.memory_space<vmem>>) semaphore(%arg14 : memref<!tpu.dma_semaphore, #tpu.memory_space<semaphore_mem>>) {add = true}
        %dma_start3A_316 = arith.constant 1 : i32
        %dma_start3A_317 = arith.constant 0 : i32
        %dma_start3A_318 = tpu.memref_slice %arg8[%dma_start3A_316, %dma_start3A_317] : memref<8x128xi32, #tpu.memory_space<vmem>> -> memref<1x128xi32, #tpu.memory_space<vmem>>
        %dma_start3A_319 = tpu.memref_squeeze %dma_start3A_318 : memref<1x128xi32, #tpu.memory_space<vmem>> -> memref<128xi32, #tpu.memory_space<vmem>>
        %dma_start3A_320 = arith.constant 0 : i32
        %dma_start3A_321 = arith.constant 0 : i32
        %dma_start3A_322 = tpu.memref_slice %arg12[%dma_start3A_320, %dma_start3A_321] : memref<10016x16xf32, #tpu.memory_space<vmem_shared>> -> memref<10016x16xf32, #tpu.memory_space<vmem_shared>>
        tpu.enqueue_indirect_dma source(%arg10 : memref<128x16xf32, #tpu.memory_space<vmem>>) target(%dma_start3A_322 : memref<10016x16xf32, #tpu.memory_space<vmem_shared>>) offsets(%dma_start3A_319 : memref<128xi32, #tpu.memory_space<vmem>>) semaphore(%arg14 : memref<!tpu.dma_semaphore, #tpu.memory_space<semaphore_mem>>) {add = true}
      } else {
      }
      %mul3A_181 = arith.constant 8 : i32
      %mul3A_182 = arith.muli %add3A_17, %mul3A_181 : i32
      %add3A_183 = arith.constant 2 : i32
      %add3A_184 = arith.addi %mul3A_182, %add3A_183 : i32
      %lt3A_185 = arith.constant 1280 : i32
      %lt3A_186 = arith.cmpi slt, %add3A_184, %lt3A_185 : i32
      %convert_element_type3A_187 = arith.extui %lt3A_186 : i1 to i32
      %cond3A_188 = arith.constant 0 : i32
      %cond3A_189 = arith.cmpi ne, %convert_element_type3A_187, %cond3A_188 : i32
      scf.if %cond3A_189 {
        %dma_start3A = arith.constant 2 : i32
        %dma_start3A_307 = arith.constant 256 : i32
        %dma_start3A_308 = arith.constant 0 : i32
        %dma_start3A_309 = tpu.memref_slice %arg9[%dma_start3A_307, %dma_start3A_308] : memref<1024x16xf32, #tpu.memory_space<vmem>> -> memref<128x16xf32, #tpu.memory_space<vmem>>
        %dma_start3A_310 = arith.constant 0 : i32
        %dma_start3A_311 = tpu.memref_slice %arg8[%dma_start3A, %dma_start3A_310] : memref<8x128xi32, #tpu.memory_space<vmem>> -> memref<1x128xi32, #tpu.memory_space<vmem>>
        %dma_start3A_312 = tpu.memref_squeeze %dma_start3A_311 : memref<1x128xi32, #tpu.memory_space<vmem>> -> memref<128xi32, #tpu.memory_space<vmem>>
        %dma_start3A_313 = arith.constant 0 : i32
        %dma_start3A_314 = arith.constant 0 : i32
        %dma_start3A_315 = tpu.memref_slice %arg11[%dma_start3A_313, %dma_start3A_314] : memref<10016x16xf32, #tpu.memory_space<vmem_shared>> -> memref<10016x16xf32, #tpu.memory_space<vmem_shared>>
        tpu.enqueue_indirect_dma source(%dma_start3A_309 : memref<128x16xf32, #tpu.memory_space<vmem>>) target(%dma_start3A_315 : memref<10016x16xf32, #tpu.memory_space<vmem_shared>>) offsets(%dma_start3A_312 : memref<128xi32, #tpu.memory_space<vmem>>) semaphore(%arg14 : memref<!tpu.dma_semaphore, #tpu.memory_space<semaphore_mem>>) {add = true}
        %dma_start3A_316 = arith.constant 2 : i32
        %dma_start3A_317 = arith.constant 0 : i32
        %dma_start3A_318 = tpu.memref_slice %arg8[%dma_start3A_316, %dma_start3A_317] : memref<8x128xi32, #tpu.memory_space<vmem>> -> memref<1x128xi32, #tpu.memory_space<vmem>>
        %dma_start3A_319 = tpu.memref_squeeze %dma_start3A_318 : memref<1x128xi32, #tpu.memory_space<vmem>> -> memref<128xi32, #tpu.memory_space<vmem>>
        %dma_start3A_320 = arith.constant 0 : i32
        %dma_start3A_321 = arith.constant 0 : i32
        %dma_start3A_322 = tpu.memref_slice %arg12[%dma_start3A_320, %dma_start3A_321] : memref<10016x16xf32, #tpu.memory_space<vmem_shared>> -> memref<10016x16xf32, #tpu.memory_space<vmem_shared>>
        tpu.enqueue_indirect_dma source(%arg10 : memref<128x16xf32, #tpu.memory_space<vmem>>) target(%dma_start3A_322 : memref<10016x16xf32, #tpu.memory_space<vmem_shared>>) offsets(%dma_start3A_319 : memref<128xi32, #tpu.memory_space<vmem>>) semaphore(%arg14 : memref<!tpu.dma_semaphore, #tpu.memory_space<semaphore_mem>>) {add = true}
      } else {
      }
      %mul3A_190 = arith.constant 8 : i32
      %mul3A_191 = arith.muli %add3A_17, %mul3A_190 : i32
      %add3A_192 = arith.constant 3 : i32
      %add3A_193 = arith.addi %mul3A_191, %add3A_192 : i32
      %lt3A_194 = arith.constant 1280 : i32
      %lt3A_195 = arith.cmpi slt, %add3A_193, %lt3A_194 : i32
      %convert_element_type3A_196 = arith.extui %lt3A_195 : i1 to i32
      %cond3A_197 = arith.constant 0 : i32
      %cond3A_198 = arith.cmpi ne, %convert_element_type3A_196, %cond3A_197 : i32
      scf.if %cond3A_198 {
        %dma_start3A = arith.constant 3 : i32
        %dma_start3A_307 = arith.constant 384 : i32
        %dma_start3A_308 = arith.constant 0 : i32
        %dma_start3A_309 = tpu.memref_slice %arg9[%dma_start3A_307, %dma_start3A_308] : memref<1024x16xf32, #tpu.memory_space<vmem>> -> memref<128x16xf32, #tpu.memory_space<vmem>>
        %dma_start3A_310 = arith.constant 0 : i32
        %dma_start3A_311 = tpu.memref_slice %arg8[%dma_start3A, %dma_start3A_310] : memref<8x128xi32, #tpu.memory_space<vmem>> -> memref<1x128xi32, #tpu.memory_space<vmem>>
        %dma_start3A_312 = tpu.memref_squeeze %dma_start3A_311 : memref<1x128xi32, #tpu.memory_space<vmem>> -> memref<128xi32, #tpu.memory_space<vmem>>
        %dma_start3A_313 = arith.constant 0 : i32
        %dma_start3A_314 = arith.constant 0 : i32
        %dma_start3A_315 = tpu.memref_slice %arg11[%dma_start3A_313, %dma_start3A_314] : memref<10016x16xf32, #tpu.memory_space<vmem_shared>> -> memref<10016x16xf32, #tpu.memory_space<vmem_shared>>
        tpu.enqueue_indirect_dma source(%dma_start3A_309 : memref<128x16xf32, #tpu.memory_space<vmem>>) target(%dma_start3A_315 : memref<10016x16xf32, #tpu.memory_space<vmem_shared>>) offsets(%dma_start3A_312 : memref<128xi32, #tpu.memory_space<vmem>>) semaphore(%arg14 : memref<!tpu.dma_semaphore, #tpu.memory_space<semaphore_mem>>) {add = true}
        %dma_start3A_316 = arith.constant 3 : i32
        %dma_start3A_317 = arith.constant 0 : i32
        %dma_start3A_318 = tpu.memref_slice %arg8[%dma_start3A_316, %dma_start3A_317] : memref<8x128xi32, #tpu.memory_space<vmem>> -> memref<1x128xi32, #tpu.memory_space<vmem>>
        %dma_start3A_319 = tpu.memref_squeeze %dma_start3A_318 : memref<1x128xi32, #tpu.memory_space<vmem>> -> memref<128xi32, #tpu.memory_space<vmem>>
        %dma_start3A_320 = arith.constant 0 : i32
        %dma_start3A_321 = arith.constant 0 : i32
        %dma_start3A_322 = tpu.memref_slice %arg12[%dma_start3A_320, %dma_start3A_321] : memref<10016x16xf32, #tpu.memory_space<vmem_shared>> -> memref<10016x16xf32, #tpu.memory_space<vmem_shared>>
        tpu.enqueue_indirect_dma source(%arg10 : memref<128x16xf32, #tpu.memory_space<vmem>>) target(%dma_start3A_322 : memref<10016x16xf32, #tpu.memory_space<vmem_shared>>) offsets(%dma_start3A_319 : memref<128xi32, #tpu.memory_space<vmem>>) semaphore(%arg14 : memref<!tpu.dma_semaphore, #tpu.memory_space<semaphore_mem>>) {add = true}
      } else {
      }
      %mul3A_199 = arith.constant 8 : i32
      %mul3A_200 = arith.muli %add3A_17, %mul3A_199 : i32
      %add3A_201 = arith.constant 4 : i32
      %add3A_202 = arith.addi %mul3A_200, %add3A_201 : i32
      %lt3A_203 = arith.constant 1280 : i32
      %lt3A_204 = arith.cmpi slt, %add3A_202, %lt3A_203 : i32
      %convert_element_type3A_205 = arith.extui %lt3A_204 : i1 to i32
      %cond3A_206 = arith.constant 0 : i32
      %cond3A_207 = arith.cmpi ne, %convert_element_type3A_205, %cond3A_206 : i32
      scf.if %cond3A_207 {
        %dma_start3A = arith.constant 4 : i32
        %dma_start3A_307 = arith.constant 512 : i32
        %dma_start3A_308 = arith.constant 0 : i32
        %dma_start3A_309 = tpu.memref_slice %arg9[%dma_start3A_307, %dma_start3A_308] : memref<1024x16xf32, #tpu.memory_space<vmem>> -> memref<128x16xf32, #tpu.memory_space<vmem>>
        %dma_start3A_310 = arith.constant 0 : i32
        %dma_start3A_311 = tpu.memref_slice %arg8[%dma_start3A, %dma_start3A_310] : memref<8x128xi32, #tpu.memory_space<vmem>> -> memref<1x128xi32, #tpu.memory_space<vmem>>
        %dma_start3A_312 = tpu.memref_squeeze %dma_start3A_311 : memref<1x128xi32, #tpu.memory_space<vmem>> -> memref<128xi32, #tpu.memory_space<vmem>>
        %dma_start3A_313 = arith.constant 0 : i32
        %dma_start3A_314 = arith.constant 0 : i32
        %dma_start3A_315 = tpu.memref_slice %arg11[%dma_start3A_313, %dma_start3A_314] : memref<10016x16xf32, #tpu.memory_space<vmem_shared>> -> memref<10016x16xf32, #tpu.memory_space<vmem_shared>>
        tpu.enqueue_indirect_dma source(%dma_start3A_309 : memref<128x16xf32, #tpu.memory_space<vmem>>) target(%dma_start3A_315 : memref<10016x16xf32, #tpu.memory_space<vmem_shared>>) offsets(%dma_start3A_312 : memref<128xi32, #tpu.memory_space<vmem>>) semaphore(%arg14 : memref<!tpu.dma_semaphore, #tpu.memory_space<semaphore_mem>>) {add = true}
        %dma_start3A_316 = arith.constant 4 : i32
        %dma_start3A_317 = arith.constant 0 : i32
        %dma_start3A_318 = tpu.memref_slice %arg8[%dma_start3A_316, %dma_start3A_317] : memref<8x128xi32, #tpu.memory_space<vmem>> -> memref<1x128xi32, #tpu.memory_space<vmem>>
        %dma_start3A_319 = tpu.memref_squeeze %dma_start3A_318 : memref<1x128xi32, #tpu.memory_space<vmem>> -> memref<128xi32, #tpu.memory_space<vmem>>
        %dma_start3A_320 = arith.constant 0 : i32
        %dma_start3A_321 = arith.constant 0 : i32
        %dma_start3A_322 = tpu.memref_slice %arg12[%dma_start3A_320, %dma_start3A_321] : memref<10016x16xf32, #tpu.memory_space<vmem_shared>> -> memref<10016x16xf32, #tpu.memory_space<vmem_shared>>
        tpu.enqueue_indirect_dma source(%arg10 : memref<128x16xf32, #tpu.memory_space<vmem>>) target(%dma_start3A_322 : memref<10016x16xf32, #tpu.memory_space<vmem_shared>>) offsets(%dma_start3A_319 : memref<128xi32, #tpu.memory_space<vmem>>) semaphore(%arg14 : memref<!tpu.dma_semaphore, #tpu.memory_space<semaphore_mem>>) {add = true}
      } else {
      }
      %mul3A_208 = arith.constant 8 : i32
      %mul3A_209 = arith.muli %add3A_17, %mul3A_208 : i32
      %add3A_210 = arith.constant 5 : i32
      %add3A_211 = arith.addi %mul3A_209, %add3A_210 : i32
      %lt3A_212 = arith.constant 1280 : i32
      %lt3A_213 = arith.cmpi slt, %add3A_211, %lt3A_212 : i32
      %convert_element_type3A_214 = arith.extui %lt3A_213 : i1 to i32
      %cond3A_215 = arith.constant 0 : i32
      %cond3A_216 = arith.cmpi ne, %convert_element_type3A_214, %cond3A_215 : i32
      scf.if %cond3A_216 {
        %dma_start3A = arith.constant 5 : i32
        %dma_start3A_307 = arith.constant 640 : i32
        %dma_start3A_308 = arith.constant 0 : i32
        %dma_start3A_309 = tpu.memref_slice %arg9[%dma_start3A_307, %dma_start3A_308] : memref<1024x16xf32, #tpu.memory_space<vmem>> -> memref<128x16xf32, #tpu.memory_space<vmem>>
        %dma_start3A_310 = arith.constant 0 : i32
        %dma_start3A_311 = tpu.memref_slice %arg8[%dma_start3A, %dma_start3A_310] : memref<8x128xi32, #tpu.memory_space<vmem>> -> memref<1x128xi32, #tpu.memory_space<vmem>>
        %dma_start3A_312 = tpu.memref_squeeze %dma_start3A_311 : memref<1x128xi32, #tpu.memory_space<vmem>> -> memref<128xi32, #tpu.memory_space<vmem>>
        %dma_start3A_313 = arith.constant 0 : i32
        %dma_start3A_314 = arith.constant 0 : i32
        %dma_start3A_315 = tpu.memref_slice %arg11[%dma_start3A_313, %dma_start3A_314] : memref<10016x16xf32, #tpu.memory_space<vmem_shared>> -> memref<10016x16xf32, #tpu.memory_space<vmem_shared>>
        tpu.enqueue_indirect_dma source(%dma_start3A_309 : memref<128x16xf32, #tpu.memory_space<vmem>>) target(%dma_start3A_315 : memref<10016x16xf32, #tpu.memory_space<vmem_shared>>) offsets(%dma_start3A_312 : memref<128xi32, #tpu.memory_space<vmem>>) semaphore(%arg14 : memref<!tpu.dma_semaphore, #tpu.memory_space<semaphore_mem>>) {add = true}
        %dma_start3A_316 = arith.constant 5 : i32
        %dma_start3A_317 = arith.constant 0 : i32
        %dma_start3A_318 = tpu.memref_slice %arg8[%dma_start3A_316, %dma_start3A_317] : memref<8x128xi32, #tpu.memory_space<vmem>> -> memref<1x128xi32, #tpu.memory_space<vmem>>
        %dma_start3A_319 = tpu.memref_squeeze %dma_start3A_318 : memref<1x128xi32, #tpu.memory_space<vmem>> -> memref<128xi32, #tpu.memory_space<vmem>>
        %dma_start3A_320 = arith.constant 0 : i32
        %dma_start3A_321 = arith.constant 0 : i32
        %dma_start3A_322 = tpu.memref_slice %arg12[%dma_start3A_320, %dma_start3A_321] : memref<10016x16xf32, #tpu.memory_space<vmem_shared>> -> memref<10016x16xf32, #tpu.memory_space<vmem_shared>>
        tpu.enqueue_indirect_dma source(%arg10 : memref<128x16xf32, #tpu.memory_space<vmem>>) target(%dma_start3A_322 : memref<10016x16xf32, #tpu.memory_space<vmem_shared>>) offsets(%dma_start3A_319 : memref<128xi32, #tpu.memory_space<vmem>>) semaphore(%arg14 : memref<!tpu.dma_semaphore, #tpu.memory_space<semaphore_mem>>) {add = true}
      } else {
      }
      %mul3A_217 = arith.constant 8 : i32
      %mul3A_218 = arith.muli %add3A_17, %mul3A_217 : i32
      %add3A_219 = arith.constant 6 : i32
      %add3A_220 = arith.addi %mul3A_218, %add3A_219 : i32
      %lt3A_221 = arith.constant 1280 : i32
      %lt3A_222 = arith.cmpi slt, %add3A_220, %lt3A_221 : i32
      %convert_element_type3A_223 = arith.extui %lt3A_222 : i1 to i32
      %cond3A_224 = arith.constant 0 : i32
      %cond3A_225 = arith.cmpi ne, %convert_element_type3A_223, %cond3A_224 : i32
      scf.if %cond3A_225 {
        %dma_start3A = arith.constant 6 : i32
        %dma_start3A_307 = arith.constant 768 : i32
        %dma_start3A_308 = arith.constant 0 : i32
        %dma_start3A_309 = tpu.memref_slice %arg9[%dma_start3A_307, %dma_start3A_308] : memref<1024x16xf32, #tpu.memory_space<vmem>> -> memref<128x16xf32, #tpu.memory_space<vmem>>
        %dma_start3A_310 = arith.constant 0 : i32
        %dma_start3A_311 = tpu.memref_slice %arg8[%dma_start3A, %dma_start3A_310] : memref<8x128xi32, #tpu.memory_space<vmem>> -> memref<1x128xi32, #tpu.memory_space<vmem>>
        %dma_start3A_312 = tpu.memref_squeeze %dma_start3A_311 : memref<1x128xi32, #tpu.memory_space<vmem>> -> memref<128xi32, #tpu.memory_space<vmem>>
        %dma_start3A_313 = arith.constant 0 : i32
        %dma_start3A_314 = arith.constant 0 : i32
        %dma_start3A_315 = tpu.memref_slice %arg11[%dma_start3A_313, %dma_start3A_314] : memref<10016x16xf32, #tpu.memory_space<vmem_shared>> -> memref<10016x16xf32, #tpu.memory_space<vmem_shared>>
        tpu.enqueue_indirect_dma source(%dma_start3A_309 : memref<128x16xf32, #tpu.memory_space<vmem>>) target(%dma_start3A_315 : memref<10016x16xf32, #tpu.memory_space<vmem_shared>>) offsets(%dma_start3A_312 : memref<128xi32, #tpu.memory_space<vmem>>) semaphore(%arg14 : memref<!tpu.dma_semaphore, #tpu.memory_space<semaphore_mem>>) {add = true}
        %dma_start3A_316 = arith.constant 6 : i32
        %dma_start3A_317 = arith.constant 0 : i32
        %dma_start3A_318 = tpu.memref_slice %arg8[%dma_start3A_316, %dma_start3A_317] : memref<8x128xi32, #tpu.memory_space<vmem>> -> memref<1x128xi32, #tpu.memory_space<vmem>>
        %dma_start3A_319 = tpu.memref_squeeze %dma_start3A_318 : memref<1x128xi32, #tpu.memory_space<vmem>> -> memref<128xi32, #tpu.memory_space<vmem>>
        %dma_start3A_320 = arith.constant 0 : i32
        %dma_start3A_321 = arith.constant 0 : i32
        %dma_start3A_322 = tpu.memref_slice %arg12[%dma_start3A_320, %dma_start3A_321] : memref<10016x16xf32, #tpu.memory_space<vmem_shared>> -> memref<10016x16xf32, #tpu.memory_space<vmem_shared>>
        tpu.enqueue_indirect_dma source(%arg10 : memref<128x16xf32, #tpu.memory_space<vmem>>) target(%dma_start3A_322 : memref<10016x16xf32, #tpu.memory_space<vmem_shared>>) offsets(%dma_start3A_319 : memref<128xi32, #tpu.memory_space<vmem>>) semaphore(%arg14 : memref<!tpu.dma_semaphore, #tpu.memory_space<semaphore_mem>>) {add = true}
      } else {
      }
      %mul3A_226 = arith.constant 8 : i32
      %mul3A_227 = arith.muli %add3A_17, %mul3A_226 : i32
      %add3A_228 = arith.constant 7 : i32
      %add3A_229 = arith.addi %mul3A_227, %add3A_228 : i32
      %lt3A_230 = arith.constant 1280 : i32
      %lt3A_231 = arith.cmpi slt, %add3A_229, %lt3A_230 : i32
      %convert_element_type3A_232 = arith.extui %lt3A_231 : i1 to i32
      %cond3A_233 = arith.constant 0 : i32
      %cond3A_234 = arith.cmpi ne, %convert_element_type3A_232, %cond3A_233 : i32
      scf.if %cond3A_234 {
        %dma_start3A = arith.constant 7 : i32
        %dma_start3A_307 = arith.constant 896 : i32
        %dma_start3A_308 = arith.constant 0 : i32
        %dma_start3A_309 = tpu.memref_slice %arg9[%dma_start3A_307, %dma_start3A_308] : memref<1024x16xf32, #tpu.memory_space<vmem>> -> memref<128x16xf32, #tpu.memory_space<vmem>>
        %dma_start3A_310 = arith.constant 0 : i32
        %dma_start3A_311 = tpu.memref_slice %arg8[%dma_start3A, %dma_start3A_310] : memref<8x128xi32, #tpu.memory_space<vmem>> -> memref<1x128xi32, #tpu.memory_space<vmem>>
        %dma_start3A_312 = tpu.memref_squeeze %dma_start3A_311 : memref<1x128xi32, #tpu.memory_space<vmem>> -> memref<128xi32, #tpu.memory_space<vmem>>
        %dma_start3A_313 = arith.constant 0 : i32
        %dma_start3A_314 = arith.constant 0 : i32
        %dma_start3A_315 = tpu.memref_slice %arg11[%dma_start3A_313, %dma_start3A_314] : memref<10016x16xf32, #tpu.memory_space<vmem_shared>> -> memref<10016x16xf32, #tpu.memory_space<vmem_shared>>
        tpu.enqueue_indirect_dma source(%dma_start3A_309 : memref<128x16xf32, #tpu.memory_space<vmem>>) target(%dma_start3A_315 : memref<10016x16xf32, #tpu.memory_space<vmem_shared>>) offsets(%dma_start3A_312 : memref<128xi32, #tpu.memory_space<vmem>>) semaphore(%arg14 : memref<!tpu.dma_semaphore, #tpu.memory_space<semaphore_mem>>) {add = true}
        %dma_start3A_316 = arith.constant 7 : i32
        %dma_start3A_317 = arith.constant 0 : i32
        %dma_start3A_318 = tpu.memref_slice %arg8[%dma_start3A_316, %dma_start3A_317] : memref<8x128xi32, #tpu.memory_space<vmem>> -> memref<1x128xi32, #tpu.memory_space<vmem>>
        %dma_start3A_319 = tpu.memref_squeeze %dma_start3A_318 : memref<1x128xi32, #tpu.memory_space<vmem>> -> memref<128xi32, #tpu.memory_space<vmem>>
        %dma_start3A_320 = arith.constant 0 : i32
        %dma_start3A_321 = arith.constant 0 : i32
        %dma_start3A_322 = tpu.memref_slice %arg12[%dma_start3A_320, %dma_start3A_321] : memref<10016x16xf32, #tpu.memory_space<vmem_shared>> -> memref<10016x16xf32, #tpu.memory_space<vmem_shared>>
        tpu.enqueue_indirect_dma source(%arg10 : memref<128x16xf32, #tpu.memory_space<vmem>>) target(%dma_start3A_322 : memref<10016x16xf32, #tpu.memory_space<vmem_shared>>) offsets(%dma_start3A_319 : memref<128xi32, #tpu.memory_space<vmem>>) semaphore(%arg14 : memref<!tpu.dma_semaphore, #tpu.memory_space<semaphore_mem>>) {add = true}
      } else {
      }
      %mul3A_235 = arith.constant 8 : i32
      %mul3A_236 = arith.muli %add3A_17, %mul3A_235 : i32
      %add3A_237 = arith.constant 0 : i32
      %add3A_238 = arith.addi %mul3A_236, %add3A_237 : i32
      %lt3A_239 = arith.constant 1280 : i32
      %lt3A_240 = arith.cmpi slt, %add3A_238, %lt3A_239 : i32
      %convert_element_type3A_241 = arith.extui %lt3A_240 : i1 to i32
      %cond3A_242 = arith.constant 0 : i32
      %cond3A_243 = arith.cmpi ne, %convert_element_type3A_241, %cond3A_242 : i32
      scf.if %cond3A_243 {
        %dma_wait3A = arith.constant 0 : i32
        %dma_wait3A_307 = arith.constant 0 : i32
        %dma_wait3A_308 = arith.constant 0 : i32
        %dma_wait3A_309 = tpu.memref_slice %arg9[%dma_wait3A_307, %dma_wait3A_308] : memref<1024x16xf32, #tpu.memory_space<vmem>> -> memref<128x16xf32, #tpu.memory_space<vmem>>
        %dma_wait3A_310 = arith.constant 0 : i32
        %dma_wait3A_311 = tpu.memref_slice %arg8[%dma_wait3A, %dma_wait3A_310] : memref<8x128xi32, #tpu.memory_space<vmem>> -> memref<1x128xi32, #tpu.memory_space<vmem>>
        %dma_wait3A_312 = tpu.memref_squeeze %dma_wait3A_311 : memref<1x128xi32, #tpu.memory_space<vmem>> -> memref<128xi32, #tpu.memory_space<vmem>>
        %dma_wait3A_313 = arith.constant 0 : i32
        %dma_wait3A_314 = arith.constant 0 : i32
        %dma_wait3A_315 = tpu.memref_slice %arg11[%dma_wait3A_313, %dma_wait3A_314] : memref<10016x16xf32, #tpu.memory_space<vmem_shared>> -> memref<10016x16xf32, #tpu.memory_space<vmem_shared>>
        tpu.wait_indirect_dma semaphore(%arg14 : memref<!tpu.dma_semaphore, #tpu.memory_space<semaphore_mem>>) src(%dma_wait3A_309 : memref<128x16xf32, #tpu.memory_space<vmem>>) dst(%dma_wait3A_315 : memref<10016x16xf32, #tpu.memory_space<vmem_shared>>)
        %dma_wait3A_316 = arith.constant 0 : i32
        %dma_wait3A_317 = arith.constant 0 : i32
        %dma_wait3A_318 = tpu.memref_slice %arg8[%dma_wait3A_316, %dma_wait3A_317] : memref<8x128xi32, #tpu.memory_space<vmem>> -> memref<1x128xi32, #tpu.memory_space<vmem>>
        %dma_wait3A_319 = tpu.memref_squeeze %dma_wait3A_318 : memref<1x128xi32, #tpu.memory_space<vmem>> -> memref<128xi32, #tpu.memory_space<vmem>>
        %dma_wait3A_320 = arith.constant 0 : i32
        %dma_wait3A_321 = arith.constant 0 : i32
        %dma_wait3A_322 = tpu.memref_slice %arg12[%dma_wait3A_320, %dma_wait3A_321] : memref<10016x16xf32, #tpu.memory_space<vmem_shared>> -> memref<10016x16xf32, #tpu.memory_space<vmem_shared>>
        tpu.wait_indirect_dma semaphore(%arg14 : memref<!tpu.dma_semaphore, #tpu.memory_space<semaphore_mem>>) src(%arg10 : memref<128x16xf32, #tpu.memory_space<vmem>>) dst(%dma_wait3A_322 : memref<10016x16xf32, #tpu.memory_space<vmem_shared>>)
      } else {
      }
      %mul3A_244 = arith.constant 8 : i32
      %mul3A_245 = arith.muli %add3A_17, %mul3A_244 : i32
      %add3A_246 = arith.constant 1 : i32
      %add3A_247 = arith.addi %mul3A_245, %add3A_246 : i32
      %lt3A_248 = arith.constant 1280 : i32
      %lt3A_249 = arith.cmpi slt, %add3A_247, %lt3A_248 : i32
      %convert_element_type3A_250 = arith.extui %lt3A_249 : i1 to i32
      %cond3A_251 = arith.constant 0 : i32
      %cond3A_252 = arith.cmpi ne, %convert_element_type3A_250, %cond3A_251 : i32
      scf.if %cond3A_252 {
        %dma_wait3A = arith.constant 1 : i32
        %dma_wait3A_307 = arith.constant 128 : i32
        %dma_wait3A_308 = arith.constant 0 : i32
        %dma_wait3A_309 = tpu.memref_slice %arg9[%dma_wait3A_307, %dma_wait3A_308] : memref<1024x16xf32, #tpu.memory_space<vmem>> -> memref<128x16xf32, #tpu.memory_space<vmem>>
        %dma_wait3A_310 = arith.constant 0 : i32
        %dma_wait3A_311 = tpu.memref_slice %arg8[%dma_wait3A, %dma_wait3A_310] : memref<8x128xi32, #tpu.memory_space<vmem>> -> memref<1x128xi32, #tpu.memory_space<vmem>>
        %dma_wait3A_312 = tpu.memref_squeeze %dma_wait3A_311 : memref<1x128xi32, #tpu.memory_space<vmem>> -> memref<128xi32, #tpu.memory_space<vmem>>
        %dma_wait3A_313 = arith.constant 0 : i32
        %dma_wait3A_314 = arith.constant 0 : i32
        %dma_wait3A_315 = tpu.memref_slice %arg11[%dma_wait3A_313, %dma_wait3A_314] : memref<10016x16xf32, #tpu.memory_space<vmem_shared>> -> memref<10016x16xf32, #tpu.memory_space<vmem_shared>>
        tpu.wait_indirect_dma semaphore(%arg14 : memref<!tpu.dma_semaphore, #tpu.memory_space<semaphore_mem>>) src(%dma_wait3A_309 : memref<128x16xf32, #tpu.memory_space<vmem>>) dst(%dma_wait3A_315 : memref<10016x16xf32, #tpu.memory_space<vmem_shared>>)
        %dma_wait3A_316 = arith.constant 1 : i32
        %dma_wait3A_317 = arith.constant 0 : i32
        %dma_wait3A_318 = tpu.memref_slice %arg8[%dma_wait3A_316, %dma_wait3A_317] : memref<8x128xi32, #tpu.memory_space<vmem>> -> memref<1x128xi32, #tpu.memory_space<vmem>>
        %dma_wait3A_319 = tpu.memref_squeeze %dma_wait3A_318 : memref<1x128xi32, #tpu.memory_space<vmem>> -> memref<128xi32, #tpu.memory_space<vmem>>
        %dma_wait3A_320 = arith.constant 0 : i32
        %dma_wait3A_321 = arith.constant 0 : i32
        %dma_wait3A_322 = tpu.memref_slice %arg12[%dma_wait3A_320, %dma_wait3A_321] : memref<10016x16xf32, #tpu.memory_space<vmem_shared>> -> memref<10016x16xf32, #tpu.memory_space<vmem_shared>>
        tpu.wait_indirect_dma semaphore(%arg14 : memref<!tpu.dma_semaphore, #tpu.memory_space<semaphore_mem>>) src(%arg10 : memref<128x16xf32, #tpu.memory_space<vmem>>) dst(%dma_wait3A_322 : memref<10016x16xf32, #tpu.memory_space<vmem_shared>>)
      } else {
      }
      %mul3A_253 = arith.constant 8 : i32
      %mul3A_254 = arith.muli %add3A_17, %mul3A_253 : i32
      %add3A_255 = arith.constant 2 : i32
      %add3A_256 = arith.addi %mul3A_254, %add3A_255 : i32
      %lt3A_257 = arith.constant 1280 : i32
      %lt3A_258 = arith.cmpi slt, %add3A_256, %lt3A_257 : i32
      %convert_element_type3A_259 = arith.extui %lt3A_258 : i1 to i32
      %cond3A_260 = arith.constant 0 : i32
      %cond3A_261 = arith.cmpi ne, %convert_element_type3A_259, %cond3A_260 : i32
      scf.if %cond3A_261 {
        %dma_wait3A = arith.constant 2 : i32
        %dma_wait3A_307 = arith.constant 256 : i32
        %dma_wait3A_308 = arith.constant 0 : i32
        %dma_wait3A_309 = tpu.memref_slice %arg9[%dma_wait3A_307, %dma_wait3A_308] : memref<1024x16xf32, #tpu.memory_space<vmem>> -> memref<128x16xf32, #tpu.memory_space<vmem>>
        %dma_wait3A_310 = arith.constant 0 : i32
        %dma_wait3A_311 = tpu.memref_slice %arg8[%dma_wait3A, %dma_wait3A_310] : memref<8x128xi32, #tpu.memory_space<vmem>> -> memref<1x128xi32, #tpu.memory_space<vmem>>
        %dma_wait3A_312 = tpu.memref_squeeze %dma_wait3A_311 : memref<1x128xi32, #tpu.memory_space<vmem>> -> memref<128xi32, #tpu.memory_space<vmem>>
        %dma_wait3A_313 = arith.constant 0 : i32
        %dma_wait3A_314 = arith.constant 0 : i32
        %dma_wait3A_315 = tpu.memref_slice %arg11[%dma_wait3A_313, %dma_wait3A_314] : memref<10016x16xf32, #tpu.memory_space<vmem_shared>> -> memref<10016x16xf32, #tpu.memory_space<vmem_shared>>
        tpu.wait_indirect_dma semaphore(%arg14 : memref<!tpu.dma_semaphore, #tpu.memory_space<semaphore_mem>>) src(%dma_wait3A_309 : memref<128x16xf32, #tpu.memory_space<vmem>>) dst(%dma_wait3A_315 : memref<10016x16xf32, #tpu.memory_space<vmem_shared>>)
        %dma_wait3A_316 = arith.constant 2 : i32
        %dma_wait3A_317 = arith.constant 0 : i32
        %dma_wait3A_318 = tpu.memref_slice %arg8[%dma_wait3A_316, %dma_wait3A_317] : memref<8x128xi32, #tpu.memory_space<vmem>> -> memref<1x128xi32, #tpu.memory_space<vmem>>
        %dma_wait3A_319 = tpu.memref_squeeze %dma_wait3A_318 : memref<1x128xi32, #tpu.memory_space<vmem>> -> memref<128xi32, #tpu.memory_space<vmem>>
        %dma_wait3A_320 = arith.constant 0 : i32
        %dma_wait3A_321 = arith.constant 0 : i32
        %dma_wait3A_322 = tpu.memref_slice %arg12[%dma_wait3A_320, %dma_wait3A_321] : memref<10016x16xf32, #tpu.memory_space<vmem_shared>> -> memref<10016x16xf32, #tpu.memory_space<vmem_shared>>
        tpu.wait_indirect_dma semaphore(%arg14 : memref<!tpu.dma_semaphore, #tpu.memory_space<semaphore_mem>>) src(%arg10 : memref<128x16xf32, #tpu.memory_space<vmem>>) dst(%dma_wait3A_322 : memref<10016x16xf32, #tpu.memory_space<vmem_shared>>)
      } else {
      }
      %mul3A_262 = arith.constant 8 : i32
      %mul3A_263 = arith.muli %add3A_17, %mul3A_262 : i32
      %add3A_264 = arith.constant 3 : i32
      %add3A_265 = arith.addi %mul3A_263, %add3A_264 : i32
      %lt3A_266 = arith.constant 1280 : i32
      %lt3A_267 = arith.cmpi slt, %add3A_265, %lt3A_266 : i32
      %convert_element_type3A_268 = arith.extui %lt3A_267 : i1 to i32
      %cond3A_269 = arith.constant 0 : i32
      %cond3A_270 = arith.cmpi ne, %convert_element_type3A_268, %cond3A_269 : i32
      scf.if %cond3A_270 {
        %dma_wait3A = arith.constant 3 : i32
        %dma_wait3A_307 = arith.constant 384 : i32
        %dma_wait3A_308 = arith.constant 0 : i32
        %dma_wait3A_309 = tpu.memref_slice %arg9[%dma_wait3A_307, %dma_wait3A_308] : memref<1024x16xf32, #tpu.memory_space<vmem>> -> memref<128x16xf32, #tpu.memory_space<vmem>>
        %dma_wait3A_310 = arith.constant 0 : i32
        %dma_wait3A_311 = tpu.memref_slice %arg8[%dma_wait3A, %dma_wait3A_310] : memref<8x128xi32, #tpu.memory_space<vmem>> -> memref<1x128xi32, #tpu.memory_space<vmem>>
        %dma_wait3A_312 = tpu.memref_squeeze %dma_wait3A_311 : memref<1x128xi32, #tpu.memory_space<vmem>> -> memref<128xi32, #tpu.memory_space<vmem>>
        %dma_wait3A_313 = arith.constant 0 : i32
        %dma_wait3A_314 = arith.constant 0 : i32
        %dma_wait3A_315 = tpu.memref_slice %arg11[%dma_wait3A_313, %dma_wait3A_314] : memref<10016x16xf32, #tpu.memory_space<vmem_shared>> -> memref<10016x16xf32, #tpu.memory_space<vmem_shared>>
        tpu.wait_indirect_dma semaphore(%arg14 : memref<!tpu.dma_semaphore, #tpu.memory_space<semaphore_mem>>) src(%dma_wait3A_309 : memref<128x16xf32, #tpu.memory_space<vmem>>) dst(%dma_wait3A_315 : memref<10016x16xf32, #tpu.memory_space<vmem_shared>>)
        %dma_wait3A_316 = arith.constant 3 : i32
        %dma_wait3A_317 = arith.constant 0 : i32
        %dma_wait3A_318 = tpu.memref_slice %arg8[%dma_wait3A_316, %dma_wait3A_317] : memref<8x128xi32, #tpu.memory_space<vmem>> -> memref<1x128xi32, #tpu.memory_space<vmem>>
        %dma_wait3A_319 = tpu.memref_squeeze %dma_wait3A_318 : memref<1x128xi32, #tpu.memory_space<vmem>> -> memref<128xi32, #tpu.memory_space<vmem>>
        %dma_wait3A_320 = arith.constant 0 : i32
        %dma_wait3A_321 = arith.constant 0 : i32
        %dma_wait3A_322 = tpu.memref_slice %arg12[%dma_wait3A_320, %dma_wait3A_321] : memref<10016x16xf32, #tpu.memory_space<vmem_shared>> -> memref<10016x16xf32, #tpu.memory_space<vmem_shared>>
        tpu.wait_indirect_dma semaphore(%arg14 : memref<!tpu.dma_semaphore, #tpu.memory_space<semaphore_mem>>) src(%arg10 : memref<128x16xf32, #tpu.memory_space<vmem>>) dst(%dma_wait3A_322 : memref<10016x16xf32, #tpu.memory_space<vmem_shared>>)
      } else {
      }
      %mul3A_271 = arith.constant 8 : i32
      %mul3A_272 = arith.muli %add3A_17, %mul3A_271 : i32
      %add3A_273 = arith.constant 4 : i32
      %add3A_274 = arith.addi %mul3A_272, %add3A_273 : i32
      %lt3A_275 = arith.constant 1280 : i32
      %lt3A_276 = arith.cmpi slt, %add3A_274, %lt3A_275 : i32
      %convert_element_type3A_277 = arith.extui %lt3A_276 : i1 to i32
      %cond3A_278 = arith.constant 0 : i32
      %cond3A_279 = arith.cmpi ne, %convert_element_type3A_277, %cond3A_278 : i32
      scf.if %cond3A_279 {
        %dma_wait3A = arith.constant 4 : i32
        %dma_wait3A_307 = arith.constant 512 : i32
        %dma_wait3A_308 = arith.constant 0 : i32
        %dma_wait3A_309 = tpu.memref_slice %arg9[%dma_wait3A_307, %dma_wait3A_308] : memref<1024x16xf32, #tpu.memory_space<vmem>> -> memref<128x16xf32, #tpu.memory_space<vmem>>
        %dma_wait3A_310 = arith.constant 0 : i32
        %dma_wait3A_311 = tpu.memref_slice %arg8[%dma_wait3A, %dma_wait3A_310] : memref<8x128xi32, #tpu.memory_space<vmem>> -> memref<1x128xi32, #tpu.memory_space<vmem>>
        %dma_wait3A_312 = tpu.memref_squeeze %dma_wait3A_311 : memref<1x128xi32, #tpu.memory_space<vmem>> -> memref<128xi32, #tpu.memory_space<vmem>>
        %dma_wait3A_313 = arith.constant 0 : i32
        %dma_wait3A_314 = arith.constant 0 : i32
        %dma_wait3A_315 = tpu.memref_slice %arg11[%dma_wait3A_313, %dma_wait3A_314] : memref<10016x16xf32, #tpu.memory_space<vmem_shared>> -> memref<10016x16xf32, #tpu.memory_space<vmem_shared>>
        tpu.wait_indirect_dma semaphore(%arg14 : memref<!tpu.dma_semaphore, #tpu.memory_space<semaphore_mem>>) src(%dma_wait3A_309 : memref<128x16xf32, #tpu.memory_space<vmem>>) dst(%dma_wait3A_315 : memref<10016x16xf32, #tpu.memory_space<vmem_shared>>)
        %dma_wait3A_316 = arith.constant 4 : i32
        %dma_wait3A_317 = arith.constant 0 : i32
        %dma_wait3A_318 = tpu.memref_slice %arg8[%dma_wait3A_316, %dma_wait3A_317] : memref<8x128xi32, #tpu.memory_space<vmem>> -> memref<1x128xi32, #tpu.memory_space<vmem>>
        %dma_wait3A_319 = tpu.memref_squeeze %dma_wait3A_318 : memref<1x128xi32, #tpu.memory_space<vmem>> -> memref<128xi32, #tpu.memory_space<vmem>>
        %dma_wait3A_320 = arith.constant 0 : i32
        %dma_wait3A_321 = arith.constant 0 : i32
        %dma_wait3A_322 = tpu.memref_slice %arg12[%dma_wait3A_320, %dma_wait3A_321] : memref<10016x16xf32, #tpu.memory_space<vmem_shared>> -> memref<10016x16xf32, #tpu.memory_space<vmem_shared>>
        tpu.wait_indirect_dma semaphore(%arg14 : memref<!tpu.dma_semaphore, #tpu.memory_space<semaphore_mem>>) src(%arg10 : memref<128x16xf32, #tpu.memory_space<vmem>>) dst(%dma_wait3A_322 : memref<10016x16xf32, #tpu.memory_space<vmem_shared>>)
      } else {
      }
      %mul3A_280 = arith.constant 8 : i32
      %mul3A_281 = arith.muli %add3A_17, %mul3A_280 : i32
      %add3A_282 = arith.constant 5 : i32
      %add3A_283 = arith.addi %mul3A_281, %add3A_282 : i32
      %lt3A_284 = arith.constant 1280 : i32
      %lt3A_285 = arith.cmpi slt, %add3A_283, %lt3A_284 : i32
      %convert_element_type3A_286 = arith.extui %lt3A_285 : i1 to i32
      %cond3A_287 = arith.constant 0 : i32
      %cond3A_288 = arith.cmpi ne, %convert_element_type3A_286, %cond3A_287 : i32
      scf.if %cond3A_288 {
        %dma_wait3A = arith.constant 5 : i32
        %dma_wait3A_307 = arith.constant 640 : i32
        %dma_wait3A_308 = arith.constant 0 : i32
        %dma_wait3A_309 = tpu.memref_slice %arg9[%dma_wait3A_307, %dma_wait3A_308] : memref<1024x16xf32, #tpu.memory_space<vmem>> -> memref<128x16xf32, #tpu.memory_space<vmem>>
        %dma_wait3A_310 = arith.constant 0 : i32
        %dma_wait3A_311 = tpu.memref_slice %arg8[%dma_wait3A, %dma_wait3A_310] : memref<8x128xi32, #tpu.memory_space<vmem>> -> memref<1x128xi32, #tpu.memory_space<vmem>>
        %dma_wait3A_312 = tpu.memref_squeeze %dma_wait3A_311 : memref<1x128xi32, #tpu.memory_space<vmem>> -> memref<128xi32, #tpu.memory_space<vmem>>
        %dma_wait3A_313 = arith.constant 0 : i32
        %dma_wait3A_314 = arith.constant 0 : i32
        %dma_wait3A_315 = tpu.memref_slice %arg11[%dma_wait3A_313, %dma_wait3A_314] : memref<10016x16xf32, #tpu.memory_space<vmem_shared>> -> memref<10016x16xf32, #tpu.memory_space<vmem_shared>>
        tpu.wait_indirect_dma semaphore(%arg14 : memref<!tpu.dma_semaphore, #tpu.memory_space<semaphore_mem>>) src(%dma_wait3A_309 : memref<128x16xf32, #tpu.memory_space<vmem>>) dst(%dma_wait3A_315 : memref<10016x16xf32, #tpu.memory_space<vmem_shared>>)
        %dma_wait3A_316 = arith.constant 5 : i32
        %dma_wait3A_317 = arith.constant 0 : i32
        %dma_wait3A_318 = tpu.memref_slice %arg8[%dma_wait3A_316, %dma_wait3A_317] : memref<8x128xi32, #tpu.memory_space<vmem>> -> memref<1x128xi32, #tpu.memory_space<vmem>>
        %dma_wait3A_319 = tpu.memref_squeeze %dma_wait3A_318 : memref<1x128xi32, #tpu.memory_space<vmem>> -> memref<128xi32, #tpu.memory_space<vmem>>
        %dma_wait3A_320 = arith.constant 0 : i32
        %dma_wait3A_321 = arith.constant 0 : i32
        %dma_wait3A_322 = tpu.memref_slice %arg12[%dma_wait3A_320, %dma_wait3A_321] : memref<10016x16xf32, #tpu.memory_space<vmem_shared>> -> memref<10016x16xf32, #tpu.memory_space<vmem_shared>>
        tpu.wait_indirect_dma semaphore(%arg14 : memref<!tpu.dma_semaphore, #tpu.memory_space<semaphore_mem>>) src(%arg10 : memref<128x16xf32, #tpu.memory_space<vmem>>) dst(%dma_wait3A_322 : memref<10016x16xf32, #tpu.memory_space<vmem_shared>>)
      } else {
      }
      %mul3A_289 = arith.constant 8 : i32
      %mul3A_290 = arith.muli %add3A_17, %mul3A_289 : i32
      %add3A_291 = arith.constant 6 : i32
      %add3A_292 = arith.addi %mul3A_290, %add3A_291 : i32
      %lt3A_293 = arith.constant 1280 : i32
      %lt3A_294 = arith.cmpi slt, %add3A_292, %lt3A_293 : i32
      %convert_element_type3A_295 = arith.extui %lt3A_294 : i1 to i32
      %cond3A_296 = arith.constant 0 : i32
      %cond3A_297 = arith.cmpi ne, %convert_element_type3A_295, %cond3A_296 : i32
      scf.if %cond3A_297 {
        %dma_wait3A = arith.constant 6 : i32
        %dma_wait3A_307 = arith.constant 768 : i32
        %dma_wait3A_308 = arith.constant 0 : i32
        %dma_wait3A_309 = tpu.memref_slice %arg9[%dma_wait3A_307, %dma_wait3A_308] : memref<1024x16xf32, #tpu.memory_space<vmem>> -> memref<128x16xf32, #tpu.memory_space<vmem>>
        %dma_wait3A_310 = arith.constant 0 : i32
        %dma_wait3A_311 = tpu.memref_slice %arg8[%dma_wait3A, %dma_wait3A_310] : memref<8x128xi32, #tpu.memory_space<vmem>> -> memref<1x128xi32, #tpu.memory_space<vmem>>
        %dma_wait3A_312 = tpu.memref_squeeze %dma_wait3A_311 : memref<1x128xi32, #tpu.memory_space<vmem>> -> memref<128xi32, #tpu.memory_space<vmem>>
        %dma_wait3A_313 = arith.constant 0 : i32
        %dma_wait3A_314 = arith.constant 0 : i32
        %dma_wait3A_315 = tpu.memref_slice %arg11[%dma_wait3A_313, %dma_wait3A_314] : memref<10016x16xf32, #tpu.memory_space<vmem_shared>> -> memref<10016x16xf32, #tpu.memory_space<vmem_shared>>
        tpu.wait_indirect_dma semaphore(%arg14 : memref<!tpu.dma_semaphore, #tpu.memory_space<semaphore_mem>>) src(%dma_wait3A_309 : memref<128x16xf32, #tpu.memory_space<vmem>>) dst(%dma_wait3A_315 : memref<10016x16xf32, #tpu.memory_space<vmem_shared>>)
        %dma_wait3A_316 = arith.constant 6 : i32
        %dma_wait3A_317 = arith.constant 0 : i32
        %dma_wait3A_318 = tpu.memref_slice %arg8[%dma_wait3A_316, %dma_wait3A_317] : memref<8x128xi32, #tpu.memory_space<vmem>> -> memref<1x128xi32, #tpu.memory_space<vmem>>
        %dma_wait3A_319 = tpu.memref_squeeze %dma_wait3A_318 : memref<1x128xi32, #tpu.memory_space<vmem>> -> memref<128xi32, #tpu.memory_space<vmem>>
        %dma_wait3A_320 = arith.constant 0 : i32
        %dma_wait3A_321 = arith.constant 0 : i32
        %dma_wait3A_322 = tpu.memref_slice %arg12[%dma_wait3A_320, %dma_wait3A_321] : memref<10016x16xf32, #tpu.memory_space<vmem_shared>> -> memref<10016x16xf32, #tpu.memory_space<vmem_shared>>
        tpu.wait_indirect_dma semaphore(%arg14 : memref<!tpu.dma_semaphore, #tpu.memory_space<semaphore_mem>>) src(%arg10 : memref<128x16xf32, #tpu.memory_space<vmem>>) dst(%dma_wait3A_322 : memref<10016x16xf32, #tpu.memory_space<vmem_shared>>)
      } else {
      }
      %mul3A_298 = arith.constant 8 : i32
      %mul3A_299 = arith.muli %add3A_17, %mul3A_298 : i32
      %add3A_300 = arith.constant 7 : i32
      %add3A_301 = arith.addi %mul3A_299, %add3A_300 : i32
      %lt3A_302 = arith.constant 1280 : i32
      %lt3A_303 = arith.cmpi slt, %add3A_301, %lt3A_302 : i32
      %convert_element_type3A_304 = arith.extui %lt3A_303 : i1 to i32
      %cond3A_305 = arith.constant 0 : i32
      %cond3A_306 = arith.cmpi ne, %convert_element_type3A_304, %cond3A_305 : i32
      scf.if %cond3A_306 {
        %dma_wait3A = arith.constant 7 : i32
        %dma_wait3A_307 = arith.constant 896 : i32
        %dma_wait3A_308 = arith.constant 0 : i32
        %dma_wait3A_309 = tpu.memref_slice %arg9[%dma_wait3A_307, %dma_wait3A_308] : memref<1024x16xf32, #tpu.memory_space<vmem>> -> memref<128x16xf32, #tpu.memory_space<vmem>>
        %dma_wait3A_310 = arith.constant 0 : i32
        %dma_wait3A_311 = tpu.memref_slice %arg8[%dma_wait3A, %dma_wait3A_310] : memref<8x128xi32, #tpu.memory_space<vmem>> -> memref<1x128xi32, #tpu.memory_space<vmem>>
        %dma_wait3A_312 = tpu.memref_squeeze %dma_wait3A_311 : memref<1x128xi32, #tpu.memory_space<vmem>> -> memref<128xi32, #tpu.memory_space<vmem>>
        %dma_wait3A_313 = arith.constant 0 : i32
        %dma_wait3A_314 = arith.constant 0 : i32
        %dma_wait3A_315 = tpu.memref_slice %arg11[%dma_wait3A_313, %dma_wait3A_314] : memref<10016x16xf32, #tpu.memory_space<vmem_shared>> -> memref<10016x16xf32, #tpu.memory_space<vmem_shared>>
        tpu.wait_indirect_dma semaphore(%arg14 : memref<!tpu.dma_semaphore, #tpu.memory_space<semaphore_mem>>) src(%dma_wait3A_309 : memref<128x16xf32, #tpu.memory_space<vmem>>) dst(%dma_wait3A_315 : memref<10016x16xf32, #tpu.memory_space<vmem_shared>>)
        %dma_wait3A_316 = arith.constant 7 : i32
        %dma_wait3A_317 = arith.constant 0 : i32
        %dma_wait3A_318 = tpu.memref_slice %arg8[%dma_wait3A_316, %dma_wait3A_317] : memref<8x128xi32, #tpu.memory_space<vmem>> -> memref<1x128xi32, #tpu.memory_space<vmem>>
        %dma_wait3A_319 = tpu.memref_squeeze %dma_wait3A_318 : memref<1x128xi32, #tpu.memory_space<vmem>> -> memref<128xi32, #tpu.memory_space<vmem>>
        %dma_wait3A_320 = arith.constant 0 : i32
        %dma_wait3A_321 = arith.constant 0 : i32
        %dma_wait3A_322 = tpu.memref_slice %arg12[%dma_wait3A_320, %dma_wait3A_321] : memref<10016x16xf32, #tpu.memory_space<vmem_shared>> -> memref<10016x16xf32, #tpu.memory_space<vmem_shared>>
        tpu.wait_indirect_dma semaphore(%arg14 : memref<!tpu.dma_semaphore, #tpu.memory_space<semaphore_mem>>) src(%arg10 : memref<128x16xf32, #tpu.memory_space<vmem>>) dst(%dma_wait3A_322 : memref<10016x16xf32, #tpu.memory_space<vmem_shared>>)
      } else {
      }
    }
    %scan3A_7 = arith.constant 5 : i32
    %barrier3A_8 = arith.constant 0 : index
    tpu.barrier barrier_id(%barrier3A_8)
    %eq3A_9 = arith.constant 0 : i32
    %eq3A_10 = arith.cmpi eq, %arg1, %eq3A_9 : i32
    %convert_element_type3A_11 = arith.extui %eq3A_10 : i1 to i32
    %cond3A_12 = arith.constant 0 : i32
    %cond3A_13 = arith.cmpi ne, %convert_element_type3A_11, %cond3A_12 : i32
    scf.if %cond3A_13 {
      "tpu.region"() ({
        %run_scoped3A = tpu.sem_alloc : memref<!tpu.dma_semaphore, #tpu.memory_space<semaphore_mem>>
        %dma_start3A = arith.constant 0 : i32
        %dma_start3A_14 = arith.constant 0 : i32
        %dma_start3A_15 = tpu.memref_slice %arg6[%arg0, %dma_start3A, %dma_start3A_14] : memref<2x10016x16xf32, #tpu.memory_space<hbm>> -> memref<1x10016x16xf32, #tpu.memory_space<hbm>>
        %dma_start3A_16 = tpu.memref_squeeze %dma_start3A_15 : memref<1x10016x16xf32, #tpu.memory_space<hbm>> -> memref<10016x16xf32, #tpu.memory_space<hbm>>
        tpu.enqueue_dma source(%arg11 : memref<10016x16xf32, #tpu.memory_space<vmem_shared>>) target(%dma_start3A_16 : memref<10016x16xf32, #tpu.memory_space<hbm>>) target_semaphore(%run_scoped3A : memref<!tpu.dma_semaphore, #tpu.memory_space<semaphore_mem>>)
        %dma_wait3A = arith.constant 0 : i32
        %dma_wait3A_17 = arith.constant 0 : i32
        %dma_wait3A_18 = tpu.memref_slice %arg6[%arg0, %dma_wait3A, %dma_wait3A_17] : memref<2x10016x16xf32, #tpu.memory_space<hbm>> -> memref<1x10016x16xf32, #tpu.memory_space<hbm>>
        %dma_wait3A_19 = tpu.memref_squeeze %dma_wait3A_18 : memref<1x10016x16xf32, #tpu.memory_space<hbm>> -> memref<10016x16xf32, #tpu.memory_space<hbm>>
        tpu.wait_dma2 semaphore(%run_scoped3A : memref<!tpu.dma_semaphore, #tpu.memory_space<semaphore_mem>>) src(%arg11 : memref<10016x16xf32, #tpu.memory_space<vmem_shared>>) dst(%dma_wait3A_19 : memref<10016x16xf32, #tpu.memory_space<hbm>>)
        tpu.yield
      }) : () -> ()
      "tpu.region"() ({
        %run_scoped3A = tpu.sem_alloc : memref<!tpu.dma_semaphore, #tpu.memory_space<semaphore_mem>>
        %dma_start3A = arith.constant 0 : i32
        %dma_start3A_14 = arith.constant 0 : i32
        %dma_start3A_15 = tpu.memref_slice %arg7[%arg0, %dma_start3A, %dma_start3A_14] : memref<2x10016x16xf32, #tpu.memory_space<hbm>> -> memref<1x10016x16xf32, #tpu.memory_space<hbm>>
        %dma_start3A_16 = tpu.memref_squeeze %dma_start3A_15 : memref<1x10016x16xf32, #tpu.memory_space<hbm>> -> memref<10016x16xf32, #tpu.memory_space<hbm>>
        tpu.enqueue_dma source(%arg12 : memref<10016x16xf32, #tpu.memory_space<vmem_shared>>) target(%dma_start3A_16 : memref<10016x16xf32, #tpu.memory_space<hbm>>) target_semaphore(%run_scoped3A : memref<!tpu.dma_semaphore, #tpu.memory_space<semaphore_mem>>)
        %dma_wait3A = arith.constant 0 : i32
        %dma_wait3A_17 = arith.constant 0 : i32
        %dma_wait3A_18 = tpu.memref_slice %arg7[%arg0, %dma_wait3A, %dma_wait3A_17] : memref<2x10016x16xf32, #tpu.memory_space<hbm>> -> memref<1x10016x16xf32, #tpu.memory_space<hbm>>
        %dma_wait3A_19 = tpu.memref_squeeze %dma_wait3A_18 : memref<1x10016x16xf32, #tpu.memory_space<hbm>> -> memref<10016x16xf32, #tpu.memory_space<hbm>>
        tpu.wait_dma2 semaphore(%run_scoped3A : memref<!tpu.dma_semaphore, #tpu.memory_space<semaphore_mem>>) src(%arg12 : memref<10016x16xf32, #tpu.memory_space<vmem_shared>>) dst(%dma_wait3A_19 : memref<10016x16xf32, #tpu.memory_space<hbm>>)
        tpu.yield
      }) : () -> ()
    } else {
    }
    return
  }
}

#map = affine_map<(d0, d1) -> (0, 0)>
#map1 = affine_map<(d0, d1) -> (0, 0, 0)>
module attributes {stable_mosaic.version = 14 : i64} {
  func.func @scatter_k(%arg0: i32, %arg1: i32, %arg2: memref<163840x16xf32, #tpu.memory_space<hbm>>, %arg3: memref<1280x128xi32, #tpu.memory_space<hbm>>, %arg4: memref<10016x16xf32, #tpu.memory_space<hbm>>, %arg5: memref<128x16xf32, #tpu.memory_space<hbm>>, %arg6: memref<2x10016x16xf32, #tpu.memory_space<hbm>>, %arg7: memref<8x128xi32, #tpu.memory_space<vmem>>, %arg8: memref<1024x16xf32, #tpu.memory_space<vmem>>, %arg9: memref<128x16xf32, #tpu.memory_space<vmem>>, %arg10: memref<10016x16xf32, #tpu.memory_space<vmem_shared>>, %arg11: memref<10016x16xf32, #tpu.memory_space<vmem_shared>>, %arg12: memref<!tpu.dma_semaphore, #tpu.memory_space<semaphore_mem>>, %arg13: memref<!tpu.dma_semaphore, #tpu.memory_space<semaphore_mem>>) attributes {dimension_semantics = [#tpu.dimension_semantics<core_parallel>, #tpu.dimension_semantics<subcore_parallel>], iteration_bounds = array<i64: 2, 16>, scalar_prefetch = 0 : i64, scratch_operands = 7 : i64, tpu.core_type = #tpu.core_type<sc_vector_subcore>, window_params = [{transform_indices = #map}, {transform_indices = #map}, {transform_indices = #map}, {transform_indices = #map}, {transform_indices = #map1}]} {
    %mul3A = arith.constant 2 : i32
    %mul3A_0 = arith.muli %arg1, %mul3A : i32
    %add3A = arith.addi %mul3A_0, %arg0 : i32
    %eq3A = arith.constant 0 : i32
    %eq3A_1 = arith.cmpi eq, %arg1, %eq3A : i32
    %convert_element_type3A = arith.extui %eq3A_1 : i1 to i32
    %cond3A = arith.constant 0 : i32
    %cond3A_2 = arith.cmpi ne, %convert_element_type3A, %cond3A : i32
    scf.if %cond3A_2 {
      "tpu.region"() ({
        %run_scoped3A = tpu.sem_alloc : memref<!tpu.dma_semaphore, #tpu.memory_space<semaphore_mem>>
        tpu.enqueue_dma source(%arg4 : memref<10016x16xf32, #tpu.memory_space<hbm>>) target(%arg10 : memref<10016x16xf32, #tpu.memory_space<vmem_shared>>) target_semaphore(%run_scoped3A : memref<!tpu.dma_semaphore, #tpu.memory_space<semaphore_mem>>)
        tpu.wait_dma2 semaphore(%run_scoped3A : memref<!tpu.dma_semaphore, #tpu.memory_space<semaphore_mem>>) src(%arg4 : memref<10016x16xf32, #tpu.memory_space<hbm>>) dst(%arg10 : memref<10016x16xf32, #tpu.memory_space<vmem_shared>>)
        tpu.yield
      }) : () -> ()
    } else {
    }
    %barrier3A = arith.constant 0 : index
    tpu.barrier barrier_id(%barrier3A)
    %scan3A = arith.constant 0 : i32
    %scan3A_3 = arith.constant 0 : i32
    %scan3A_4 = arith.constant 5 : i32
    %scan3A_5 = arith.addi %scan3A_3, %scan3A_4 : i32
    %scan3A_6 = arith.constant 1 : i32
    scf.for %scan3A_14 = %scan3A_3 to %scan3A_5 step %scan3A_6  : i32 {
      %mul3A_15 = arith.constant 32 : i32
      %mul3A_16 = arith.muli %scan3A_14, %mul3A_15 : i32
      %add3A_17 = arith.addi %add3A, %mul3A_16 : i32
      %mul3A_18 = arith.constant 8 : i32
      %mul3A_19 = arith.muli %add3A_17, %mul3A_18 : i32
      "tpu.region"() ({
        %run_scoped3A = tpu.sem_alloc : memref<!tpu.dma_semaphore, #tpu.memory_space<semaphore_mem>>
        %dma_start3A = arith.constant 0 : i32
        %dma_start3A_307 = tpu.memref_slice %arg3[%mul3A_19, %dma_start3A] : memref<1280x128xi32, #tpu.memory_space<hbm>> -> memref<8x128xi32, #tpu.memory_space<hbm>>
        %dma_start3A_308 = arith.constant 0 : i32
        %dma_start3A_309 = tpu.memref_slice %arg3[%mul3A_19, %dma_start3A_308] : memref<1280x128xi32, #tpu.memory_space<hbm>> -> memref<8x128xi32, #tpu.memory_space<hbm>>
        tpu.enqueue_dma source(%dma_start3A_309 : memref<8x128xi32, #tpu.memory_space<hbm>>) target(%arg7 : memref<8x128xi32, #tpu.memory_space<vmem>>) target_semaphore(%run_scoped3A : memref<!tpu.dma_semaphore, #tpu.memory_space<semaphore_mem>>)
        %dma_wait3A = arith.constant 0 : i32
        %dma_wait3A_310 = tpu.memref_slice %arg3[%mul3A_19, %dma_wait3A] : memref<1280x128xi32, #tpu.memory_space<hbm>> -> memref<8x128xi32, #tpu.memory_space<hbm>>
        %dma_wait3A_311 = arith.constant 0 : i32
        %dma_wait3A_312 = tpu.memref_slice %arg3[%mul3A_19, %dma_wait3A_311] : memref<1280x128xi32, #tpu.memory_space<hbm>> -> memref<8x128xi32, #tpu.memory_space<hbm>>
        tpu.wait_dma2 semaphore(%run_scoped3A : memref<!tpu.dma_semaphore, #tpu.memory_space<semaphore_mem>>) src(%dma_wait3A_312 : memref<8x128xi32, #tpu.memory_space<hbm>>) dst(%arg7 : memref<8x128xi32, #tpu.memory_space<vmem>>)
        tpu.yield
      }) : () -> ()
      %mul3A_20 = arith.constant 8 : i32
      %mul3A_21 = arith.muli %add3A_17, %mul3A_20 : i32
      %add3A_22 = arith.constant 0 : i32
      %add3A_23 = arith.addi %mul3A_21, %add3A_22 : i32
      %lt3A = arith.constant 1280 : i32
      %lt3A_24 = arith.cmpi slt, %add3A_23, %lt3A : i32
      %convert_element_type3A_25 = arith.extui %lt3A_24 : i1 to i32
      %cond3A_26 = arith.constant 0 : i32
      %cond3A_27 = arith.cmpi ne, %convert_element_type3A_25, %cond3A_26 : i32
      scf.if %cond3A_27 {
        %mul3A_307 = arith.constant 128 : i32
        %mul3A_308 = arith.muli %add3A_23, %mul3A_307 : i32
        %dma_start3A = arith.constant 0 : i32
        %dma_start3A_309 = arith.constant 0 : i32
        %dma_start3A_310 = tpu.memref_slice %arg8[%dma_start3A, %dma_start3A_309] : memref<1024x16xf32, #tpu.memory_space<vmem>> -> memref<128x16xf32, #tpu.memory_space<vmem>>
        %dma_start3A_311 = arith.constant 0 : i32
        %dma_start3A_312 = tpu.memref_slice %arg2[%mul3A_308, %dma_start3A_311] : memref<163840x16xf32, #tpu.memory_space<hbm>> -> memref<128x16xf32, #tpu.memory_space<hbm>>
        %dma_start3A_313 = arith.constant 0 : i32
        %dma_start3A_314 = arith.constant 0 : i32
        %dma_start3A_315 = tpu.memref_slice %arg8[%dma_start3A_313, %dma_start3A_314] : memref<1024x16xf32, #tpu.memory_space<vmem>> -> memref<128x16xf32, #tpu.memory_space<vmem>>
        %dma_start3A_316 = arith.constant 0 : i32
        %dma_start3A_317 = tpu.memref_slice %arg2[%mul3A_308, %dma_start3A_316] : memref<163840x16xf32, #tpu.memory_space<hbm>> -> memref<128x16xf32, #tpu.memory_space<hbm>>
        tpu.enqueue_dma source(%dma_start3A_317 : memref<128x16xf32, #tpu.memory_space<hbm>>) target(%dma_start3A_315 : memref<128x16xf32, #tpu.memory_space<vmem>>) target_semaphore(%arg12 : memref<!tpu.dma_semaphore, #tpu.memory_space<semaphore_mem>>)
      } else {
      }
      %mul3A_28 = arith.constant 8 : i32
      %mul3A_29 = arith.muli %add3A_17, %mul3A_28 : i32
      %add3A_30 = arith.constant 1 : i32
      %add3A_31 = arith.addi %mul3A_29, %add3A_30 : i32
      %lt3A_32 = arith.constant 1280 : i32
      %lt3A_33 = arith.cmpi slt, %add3A_31, %lt3A_32 : i32
      %convert_element_type3A_34 = arith.extui %lt3A_33 : i1 to i32
      %cond3A_35 = arith.constant 0 : i32
      %cond3A_36 = arith.cmpi ne, %convert_element_type3A_34, %cond3A_35 : i32
      scf.if %cond3A_36 {
        %mul3A_307 = arith.constant 128 : i32
        %mul3A_308 = arith.muli %add3A_31, %mul3A_307 : i32
        %dma_start3A = arith.constant 128 : i32
        %dma_start3A_309 = arith.constant 0 : i32
        %dma_start3A_310 = tpu.memref_slice %arg8[%dma_start3A, %dma_start3A_309] : memref<1024x16xf32, #tpu.memory_space<vmem>> -> memref<128x16xf32, #tpu.memory_space<vmem>>
        %dma_start3A_311 = arith.constant 0 : i32
        %dma_start3A_312 = tpu.memref_slice %arg2[%mul3A_308, %dma_start3A_311] : memref<163840x16xf32, #tpu.memory_space<hbm>> -> memref<128x16xf32, #tpu.memory_space<hbm>>
        %dma_start3A_313 = arith.constant 128 : i32
        %dma_start3A_314 = arith.constant 0 : i32
        %dma_start3A_315 = tpu.memref_slice %arg8[%dma_start3A_313, %dma_start3A_314] : memref<1024x16xf32, #tpu.memory_space<vmem>> -> memref<128x16xf32, #tpu.memory_space<vmem>>
        %dma_start3A_316 = arith.constant 0 : i32
        %dma_start3A_317 = tpu.memref_slice %arg2[%mul3A_308, %dma_start3A_316] : memref<163840x16xf32, #tpu.memory_space<hbm>> -> memref<128x16xf32, #tpu.memory_space<hbm>>
        tpu.enqueue_dma source(%dma_start3A_317 : memref<128x16xf32, #tpu.memory_space<hbm>>) target(%dma_start3A_315 : memref<128x16xf32, #tpu.memory_space<vmem>>) target_semaphore(%arg12 : memref<!tpu.dma_semaphore, #tpu.memory_space<semaphore_mem>>)
      } else {
      }
      %mul3A_37 = arith.constant 8 : i32
      %mul3A_38 = arith.muli %add3A_17, %mul3A_37 : i32
      %add3A_39 = arith.constant 2 : i32
      %add3A_40 = arith.addi %mul3A_38, %add3A_39 : i32
      %lt3A_41 = arith.constant 1280 : i32
      %lt3A_42 = arith.cmpi slt, %add3A_40, %lt3A_41 : i32
      %convert_element_type3A_43 = arith.extui %lt3A_42 : i1 to i32
      %cond3A_44 = arith.constant 0 : i32
      %cond3A_45 = arith.cmpi ne, %convert_element_type3A_43, %cond3A_44 : i32
      scf.if %cond3A_45 {
        %mul3A_307 = arith.constant 128 : i32
        %mul3A_308 = arith.muli %add3A_40, %mul3A_307 : i32
        %dma_start3A = arith.constant 256 : i32
        %dma_start3A_309 = arith.constant 0 : i32
        %dma_start3A_310 = tpu.memref_slice %arg8[%dma_start3A, %dma_start3A_309] : memref<1024x16xf32, #tpu.memory_space<vmem>> -> memref<128x16xf32, #tpu.memory_space<vmem>>
        %dma_start3A_311 = arith.constant 0 : i32
        %dma_start3A_312 = tpu.memref_slice %arg2[%mul3A_308, %dma_start3A_311] : memref<163840x16xf32, #tpu.memory_space<hbm>> -> memref<128x16xf32, #tpu.memory_space<hbm>>
        %dma_start3A_313 = arith.constant 256 : i32
        %dma_start3A_314 = arith.constant 0 : i32
        %dma_start3A_315 = tpu.memref_slice %arg8[%dma_start3A_313, %dma_start3A_314] : memref<1024x16xf32, #tpu.memory_space<vmem>> -> memref<128x16xf32, #tpu.memory_space<vmem>>
        %dma_start3A_316 = arith.constant 0 : i32
        %dma_start3A_317 = tpu.memref_slice %arg2[%mul3A_308, %dma_start3A_316] : memref<163840x16xf32, #tpu.memory_space<hbm>> -> memref<128x16xf32, #tpu.memory_space<hbm>>
        tpu.enqueue_dma source(%dma_start3A_317 : memref<128x16xf32, #tpu.memory_space<hbm>>) target(%dma_start3A_315 : memref<128x16xf32, #tpu.memory_space<vmem>>) target_semaphore(%arg12 : memref<!tpu.dma_semaphore, #tpu.memory_space<semaphore_mem>>)
      } else {
      }
      %mul3A_46 = arith.constant 8 : i32
      %mul3A_47 = arith.muli %add3A_17, %mul3A_46 : i32
      %add3A_48 = arith.constant 3 : i32
      %add3A_49 = arith.addi %mul3A_47, %add3A_48 : i32
      %lt3A_50 = arith.constant 1280 : i32
      %lt3A_51 = arith.cmpi slt, %add3A_49, %lt3A_50 : i32
      %convert_element_type3A_52 = arith.extui %lt3A_51 : i1 to i32
      %cond3A_53 = arith.constant 0 : i32
      %cond3A_54 = arith.cmpi ne, %convert_element_type3A_52, %cond3A_53 : i32
      scf.if %cond3A_54 {
        %mul3A_307 = arith.constant 128 : i32
        %mul3A_308 = arith.muli %add3A_49, %mul3A_307 : i32
        %dma_start3A = arith.constant 384 : i32
        %dma_start3A_309 = arith.constant 0 : i32
        %dma_start3A_310 = tpu.memref_slice %arg8[%dma_start3A, %dma_start3A_309] : memref<1024x16xf32, #tpu.memory_space<vmem>> -> memref<128x16xf32, #tpu.memory_space<vmem>>
        %dma_start3A_311 = arith.constant 0 : i32
        %dma_start3A_312 = tpu.memref_slice %arg2[%mul3A_308, %dma_start3A_311] : memref<163840x16xf32, #tpu.memory_space<hbm>> -> memref<128x16xf32, #tpu.memory_space<hbm>>
        %dma_start3A_313 = arith.constant 384 : i32
        %dma_start3A_314 = arith.constant 0 : i32
        %dma_start3A_315 = tpu.memref_slice %arg8[%dma_start3A_313, %dma_start3A_314] : memref<1024x16xf32, #tpu.memory_space<vmem>> -> memref<128x16xf32, #tpu.memory_space<vmem>>
        %dma_start3A_316 = arith.constant 0 : i32
        %dma_start3A_317 = tpu.memref_slice %arg2[%mul3A_308, %dma_start3A_316] : memref<163840x16xf32, #tpu.memory_space<hbm>> -> memref<128x16xf32, #tpu.memory_space<hbm>>
        tpu.enqueue_dma source(%dma_start3A_317 : memref<128x16xf32, #tpu.memory_space<hbm>>) target(%dma_start3A_315 : memref<128x16xf32, #tpu.memory_space<vmem>>) target_semaphore(%arg12 : memref<!tpu.dma_semaphore, #tpu.memory_space<semaphore_mem>>)
      } else {
      }
      %mul3A_55 = arith.constant 8 : i32
      %mul3A_56 = arith.muli %add3A_17, %mul3A_55 : i32
      %add3A_57 = arith.constant 4 : i32
      %add3A_58 = arith.addi %mul3A_56, %add3A_57 : i32
      %lt3A_59 = arith.constant 1280 : i32
      %lt3A_60 = arith.cmpi slt, %add3A_58, %lt3A_59 : i32
      %convert_element_type3A_61 = arith.extui %lt3A_60 : i1 to i32
      %cond3A_62 = arith.constant 0 : i32
      %cond3A_63 = arith.cmpi ne, %convert_element_type3A_61, %cond3A_62 : i32
      scf.if %cond3A_63 {
        %mul3A_307 = arith.constant 128 : i32
        %mul3A_308 = arith.muli %add3A_58, %mul3A_307 : i32
        %dma_start3A = arith.constant 512 : i32
        %dma_start3A_309 = arith.constant 0 : i32
        %dma_start3A_310 = tpu.memref_slice %arg8[%dma_start3A, %dma_start3A_309] : memref<1024x16xf32, #tpu.memory_space<vmem>> -> memref<128x16xf32, #tpu.memory_space<vmem>>
        %dma_start3A_311 = arith.constant 0 : i32
        %dma_start3A_312 = tpu.memref_slice %arg2[%mul3A_308, %dma_start3A_311] : memref<163840x16xf32, #tpu.memory_space<hbm>> -> memref<128x16xf32, #tpu.memory_space<hbm>>
        %dma_start3A_313 = arith.constant 512 : i32
        %dma_start3A_314 = arith.constant 0 : i32
        %dma_start3A_315 = tpu.memref_slice %arg8[%dma_start3A_313, %dma_start3A_314] : memref<1024x16xf32, #tpu.memory_space<vmem>> -> memref<128x16xf32, #tpu.memory_space<vmem>>
        %dma_start3A_316 = arith.constant 0 : i32
        %dma_start3A_317 = tpu.memref_slice %arg2[%mul3A_308, %dma_start3A_316] : memref<163840x16xf32, #tpu.memory_space<hbm>> -> memref<128x16xf32, #tpu.memory_space<hbm>>
        tpu.enqueue_dma source(%dma_start3A_317 : memref<128x16xf32, #tpu.memory_space<hbm>>) target(%dma_start3A_315 : memref<128x16xf32, #tpu.memory_space<vmem>>) target_semaphore(%arg12 : memref<!tpu.dma_semaphore, #tpu.memory_space<semaphore_mem>>)
      } else {
      }
      %mul3A_64 = arith.constant 8 : i32
      %mul3A_65 = arith.muli %add3A_17, %mul3A_64 : i32
      %add3A_66 = arith.constant 5 : i32
      %add3A_67 = arith.addi %mul3A_65, %add3A_66 : i32
      %lt3A_68 = arith.constant 1280 : i32
      %lt3A_69 = arith.cmpi slt, %add3A_67, %lt3A_68 : i32
      %convert_element_type3A_70 = arith.extui %lt3A_69 : i1 to i32
      %cond3A_71 = arith.constant 0 : i32
      %cond3A_72 = arith.cmpi ne, %convert_element_type3A_70, %cond3A_71 : i32
      scf.if %cond3A_72 {
        %mul3A_307 = arith.constant 128 : i32
        %mul3A_308 = arith.muli %add3A_67, %mul3A_307 : i32
        %dma_start3A = arith.constant 640 : i32
        %dma_start3A_309 = arith.constant 0 : i32
        %dma_start3A_310 = tpu.memref_slice %arg8[%dma_start3A, %dma_start3A_309] : memref<1024x16xf32, #tpu.memory_space<vmem>> -> memref<128x16xf32, #tpu.memory_space<vmem>>
        %dma_start3A_311 = arith.constant 0 : i32
        %dma_start3A_312 = tpu.memref_slice %arg2[%mul3A_308, %dma_start3A_311] : memref<163840x16xf32, #tpu.memory_space<hbm>> -> memref<128x16xf32, #tpu.memory_space<hbm>>
        %dma_start3A_313 = arith.constant 640 : i32
        %dma_start3A_314 = arith.constant 0 : i32
        %dma_start3A_315 = tpu.memref_slice %arg8[%dma_start3A_313, %dma_start3A_314] : memref<1024x16xf32, #tpu.memory_space<vmem>> -> memref<128x16xf32, #tpu.memory_space<vmem>>
        %dma_start3A_316 = arith.constant 0 : i32
        %dma_start3A_317 = tpu.memref_slice %arg2[%mul3A_308, %dma_start3A_316] : memref<163840x16xf32, #tpu.memory_space<hbm>> -> memref<128x16xf32, #tpu.memory_space<hbm>>
        tpu.enqueue_dma source(%dma_start3A_317 : memref<128x16xf32, #tpu.memory_space<hbm>>) target(%dma_start3A_315 : memref<128x16xf32, #tpu.memory_space<vmem>>) target_semaphore(%arg12 : memref<!tpu.dma_semaphore, #tpu.memory_space<semaphore_mem>>)
      } else {
      }
      %mul3A_73 = arith.constant 8 : i32
      %mul3A_74 = arith.muli %add3A_17, %mul3A_73 : i32
      %add3A_75 = arith.constant 6 : i32
      %add3A_76 = arith.addi %mul3A_74, %add3A_75 : i32
      %lt3A_77 = arith.constant 1280 : i32
      %lt3A_78 = arith.cmpi slt, %add3A_76, %lt3A_77 : i32
      %convert_element_type3A_79 = arith.extui %lt3A_78 : i1 to i32
      %cond3A_80 = arith.constant 0 : i32
      %cond3A_81 = arith.cmpi ne, %convert_element_type3A_79, %cond3A_80 : i32
      scf.if %cond3A_81 {
        %mul3A_307 = arith.constant 128 : i32
        %mul3A_308 = arith.muli %add3A_76, %mul3A_307 : i32
        %dma_start3A = arith.constant 768 : i32
        %dma_start3A_309 = arith.constant 0 : i32
        %dma_start3A_310 = tpu.memref_slice %arg8[%dma_start3A, %dma_start3A_309] : memref<1024x16xf32, #tpu.memory_space<vmem>> -> memref<128x16xf32, #tpu.memory_space<vmem>>
        %dma_start3A_311 = arith.constant 0 : i32
        %dma_start3A_312 = tpu.memref_slice %arg2[%mul3A_308, %dma_start3A_311] : memref<163840x16xf32, #tpu.memory_space<hbm>> -> memref<128x16xf32, #tpu.memory_space<hbm>>
        %dma_start3A_313 = arith.constant 768 : i32
        %dma_start3A_314 = arith.constant 0 : i32
        %dma_start3A_315 = tpu.memref_slice %arg8[%dma_start3A_313, %dma_start3A_314] : memref<1024x16xf32, #tpu.memory_space<vmem>> -> memref<128x16xf32, #tpu.memory_space<vmem>>
        %dma_start3A_316 = arith.constant 0 : i32
        %dma_start3A_317 = tpu.memref_slice %arg2[%mul3A_308, %dma_start3A_316] : memref<163840x16xf32, #tpu.memory_space<hbm>> -> memref<128x16xf32, #tpu.memory_space<hbm>>
        tpu.enqueue_dma source(%dma_start3A_317 : memref<128x16xf32, #tpu.memory_space<hbm>>) target(%dma_start3A_315 : memref<128x16xf32, #tpu.memory_space<vmem>>) target_semaphore(%arg12 : memref<!tpu.dma_semaphore, #tpu.memory_space<semaphore_mem>>)
      } else {
      }
      %mul3A_82 = arith.constant 8 : i32
      %mul3A_83 = arith.muli %add3A_17, %mul3A_82 : i32
      %add3A_84 = arith.constant 7 : i32
      %add3A_85 = arith.addi %mul3A_83, %add3A_84 : i32
      %lt3A_86 = arith.constant 1280 : i32
      %lt3A_87 = arith.cmpi slt, %add3A_85, %lt3A_86 : i32
      %convert_element_type3A_88 = arith.extui %lt3A_87 : i1 to i32
      %cond3A_89 = arith.constant 0 : i32
      %cond3A_90 = arith.cmpi ne, %convert_element_type3A_88, %cond3A_89 : i32
      scf.if %cond3A_90 {
        %mul3A_307 = arith.constant 128 : i32
        %mul3A_308 = arith.muli %add3A_85, %mul3A_307 : i32
        %dma_start3A = arith.constant 896 : i32
        %dma_start3A_309 = arith.constant 0 : i32
        %dma_start3A_310 = tpu.memref_slice %arg8[%dma_start3A, %dma_start3A_309] : memref<1024x16xf32, #tpu.memory_space<vmem>> -> memref<128x16xf32, #tpu.memory_space<vmem>>
        %dma_start3A_311 = arith.constant 0 : i32
        %dma_start3A_312 = tpu.memref_slice %arg2[%mul3A_308, %dma_start3A_311] : memref<163840x16xf32, #tpu.memory_space<hbm>> -> memref<128x16xf32, #tpu.memory_space<hbm>>
        %dma_start3A_313 = arith.constant 896 : i32
        %dma_start3A_314 = arith.constant 0 : i32
        %dma_start3A_315 = tpu.memref_slice %arg8[%dma_start3A_313, %dma_start3A_314] : memref<1024x16xf32, #tpu.memory_space<vmem>> -> memref<128x16xf32, #tpu.memory_space<vmem>>
        %dma_start3A_316 = arith.constant 0 : i32
        %dma_start3A_317 = tpu.memref_slice %arg2[%mul3A_308, %dma_start3A_316] : memref<163840x16xf32, #tpu.memory_space<hbm>> -> memref<128x16xf32, #tpu.memory_space<hbm>>
        tpu.enqueue_dma source(%dma_start3A_317 : memref<128x16xf32, #tpu.memory_space<hbm>>) target(%dma_start3A_315 : memref<128x16xf32, #tpu.memory_space<vmem>>) target_semaphore(%arg12 : memref<!tpu.dma_semaphore, #tpu.memory_space<semaphore_mem>>)
      } else {
      }
      %mul3A_91 = arith.constant 8 : i32
      %mul3A_92 = arith.muli %add3A_17, %mul3A_91 : i32
      %add3A_93 = arith.constant 0 : i32
      %add3A_94 = arith.addi %mul3A_92, %add3A_93 : i32
      %lt3A_95 = arith.constant 1280 : i32
      %lt3A_96 = arith.cmpi slt, %add3A_94, %lt3A_95 : i32
      %convert_element_type3A_97 = arith.extui %lt3A_96 : i1 to i32
      %cond3A_98 = arith.constant 0 : i32
      %cond3A_99 = arith.cmpi ne, %convert_element_type3A_97, %cond3A_98 : i32
      scf.if %cond3A_99 {
        %mul3A_307 = arith.constant 128 : i32
        %mul3A_308 = arith.muli %add3A_94, %mul3A_307 : i32
        %dma_wait3A = arith.constant 0 : i32
        %dma_wait3A_309 = arith.constant 0 : i32
        %dma_wait3A_310 = tpu.memref_slice %arg8[%dma_wait3A, %dma_wait3A_309] : memref<1024x16xf32, #tpu.memory_space<vmem>> -> memref<128x16xf32, #tpu.memory_space<vmem>>
        %dma_wait3A_311 = arith.constant 0 : i32
        %dma_wait3A_312 = tpu.memref_slice %arg2[%mul3A_308, %dma_wait3A_311] : memref<163840x16xf32, #tpu.memory_space<hbm>> -> memref<128x16xf32, #tpu.memory_space<hbm>>
        %dma_wait3A_313 = arith.constant 0 : i32
        %dma_wait3A_314 = arith.constant 0 : i32
        %dma_wait3A_315 = tpu.memref_slice %arg8[%dma_wait3A_313, %dma_wait3A_314] : memref<1024x16xf32, #tpu.memory_space<vmem>> -> memref<128x16xf32, #tpu.memory_space<vmem>>
        %dma_wait3A_316 = arith.constant 0 : i32
        %dma_wait3A_317 = tpu.memref_slice %arg2[%mul3A_308, %dma_wait3A_316] : memref<163840x16xf32, #tpu.memory_space<hbm>> -> memref<128x16xf32, #tpu.memory_space<hbm>>
        tpu.wait_dma2 semaphore(%arg12 : memref<!tpu.dma_semaphore, #tpu.memory_space<semaphore_mem>>) src(%dma_wait3A_317 : memref<128x16xf32, #tpu.memory_space<hbm>>) dst(%dma_wait3A_315 : memref<128x16xf32, #tpu.memory_space<vmem>>)
      } else {
      }
      %mul3A_100 = arith.constant 8 : i32
      %mul3A_101 = arith.muli %add3A_17, %mul3A_100 : i32
      %add3A_102 = arith.constant 1 : i32
      %add3A_103 = arith.addi %mul3A_101, %add3A_102 : i32
      %lt3A_104 = arith.constant 1280 : i32
      %lt3A_105 = arith.cmpi slt, %add3A_103, %lt3A_104 : i32
      %convert_element_type3A_106 = arith.extui %lt3A_105 : i1 to i32
      %cond3A_107 = arith.constant 0 : i32
      %cond3A_108 = arith.cmpi ne, %convert_element_type3A_106, %cond3A_107 : i32
      scf.if %cond3A_108 {
        %mul3A_307 = arith.constant 128 : i32
        %mul3A_308 = arith.muli %add3A_103, %mul3A_307 : i32
        %dma_wait3A = arith.constant 128 : i32
        %dma_wait3A_309 = arith.constant 0 : i32
        %dma_wait3A_310 = tpu.memref_slice %arg8[%dma_wait3A, %dma_wait3A_309] : memref<1024x16xf32, #tpu.memory_space<vmem>> -> memref<128x16xf32, #tpu.memory_space<vmem>>
        %dma_wait3A_311 = arith.constant 0 : i32
        %dma_wait3A_312 = tpu.memref_slice %arg2[%mul3A_308, %dma_wait3A_311] : memref<163840x16xf32, #tpu.memory_space<hbm>> -> memref<128x16xf32, #tpu.memory_space<hbm>>
        %dma_wait3A_313 = arith.constant 128 : i32
        %dma_wait3A_314 = arith.constant 0 : i32
        %dma_wait3A_315 = tpu.memref_slice %arg8[%dma_wait3A_313, %dma_wait3A_314] : memref<1024x16xf32, #tpu.memory_space<vmem>> -> memref<128x16xf32, #tpu.memory_space<vmem>>
        %dma_wait3A_316 = arith.constant 0 : i32
        %dma_wait3A_317 = tpu.memref_slice %arg2[%mul3A_308, %dma_wait3A_316] : memref<163840x16xf32, #tpu.memory_space<hbm>> -> memref<128x16xf32, #tpu.memory_space<hbm>>
        tpu.wait_dma2 semaphore(%arg12 : memref<!tpu.dma_semaphore, #tpu.memory_space<semaphore_mem>>) src(%dma_wait3A_317 : memref<128x16xf32, #tpu.memory_space<hbm>>) dst(%dma_wait3A_315 : memref<128x16xf32, #tpu.memory_space<vmem>>)
      } else {
      }
      %mul3A_109 = arith.constant 8 : i32
      %mul3A_110 = arith.muli %add3A_17, %mul3A_109 : i32
      %add3A_111 = arith.constant 2 : i32
      %add3A_112 = arith.addi %mul3A_110, %add3A_111 : i32
      %lt3A_113 = arith.constant 1280 : i32
      %lt3A_114 = arith.cmpi slt, %add3A_112, %lt3A_113 : i32
      %convert_element_type3A_115 = arith.extui %lt3A_114 : i1 to i32
      %cond3A_116 = arith.constant 0 : i32
      %cond3A_117 = arith.cmpi ne, %convert_element_type3A_115, %cond3A_116 : i32
      scf.if %cond3A_117 {
        %mul3A_307 = arith.constant 128 : i32
        %mul3A_308 = arith.muli %add3A_112, %mul3A_307 : i32
        %dma_wait3A = arith.constant 256 : i32
        %dma_wait3A_309 = arith.constant 0 : i32
        %dma_wait3A_310 = tpu.memref_slice %arg8[%dma_wait3A, %dma_wait3A_309] : memref<1024x16xf32, #tpu.memory_space<vmem>> -> memref<128x16xf32, #tpu.memory_space<vmem>>
        %dma_wait3A_311 = arith.constant 0 : i32
        %dma_wait3A_312 = tpu.memref_slice %arg2[%mul3A_308, %dma_wait3A_311] : memref<163840x16xf32, #tpu.memory_space<hbm>> -> memref<128x16xf32, #tpu.memory_space<hbm>>
        %dma_wait3A_313 = arith.constant 256 : i32
        %dma_wait3A_314 = arith.constant 0 : i32
        %dma_wait3A_315 = tpu.memref_slice %arg8[%dma_wait3A_313, %dma_wait3A_314] : memref<1024x16xf32, #tpu.memory_space<vmem>> -> memref<128x16xf32, #tpu.memory_space<vmem>>
        %dma_wait3A_316 = arith.constant 0 : i32
        %dma_wait3A_317 = tpu.memref_slice %arg2[%mul3A_308, %dma_wait3A_316] : memref<163840x16xf32, #tpu.memory_space<hbm>> -> memref<128x16xf32, #tpu.memory_space<hbm>>
        tpu.wait_dma2 semaphore(%arg12 : memref<!tpu.dma_semaphore, #tpu.memory_space<semaphore_mem>>) src(%dma_wait3A_317 : memref<128x16xf32, #tpu.memory_space<hbm>>) dst(%dma_wait3A_315 : memref<128x16xf32, #tpu.memory_space<vmem>>)
      } else {
      }
      %mul3A_118 = arith.constant 8 : i32
      %mul3A_119 = arith.muli %add3A_17, %mul3A_118 : i32
      %add3A_120 = arith.constant 3 : i32
      %add3A_121 = arith.addi %mul3A_119, %add3A_120 : i32
      %lt3A_122 = arith.constant 1280 : i32
      %lt3A_123 = arith.cmpi slt, %add3A_121, %lt3A_122 : i32
      %convert_element_type3A_124 = arith.extui %lt3A_123 : i1 to i32
      %cond3A_125 = arith.constant 0 : i32
      %cond3A_126 = arith.cmpi ne, %convert_element_type3A_124, %cond3A_125 : i32
      scf.if %cond3A_126 {
        %mul3A_307 = arith.constant 128 : i32
        %mul3A_308 = arith.muli %add3A_121, %mul3A_307 : i32
        %dma_wait3A = arith.constant 384 : i32
        %dma_wait3A_309 = arith.constant 0 : i32
        %dma_wait3A_310 = tpu.memref_slice %arg8[%dma_wait3A, %dma_wait3A_309] : memref<1024x16xf32, #tpu.memory_space<vmem>> -> memref<128x16xf32, #tpu.memory_space<vmem>>
        %dma_wait3A_311 = arith.constant 0 : i32
        %dma_wait3A_312 = tpu.memref_slice %arg2[%mul3A_308, %dma_wait3A_311] : memref<163840x16xf32, #tpu.memory_space<hbm>> -> memref<128x16xf32, #tpu.memory_space<hbm>>
        %dma_wait3A_313 = arith.constant 384 : i32
        %dma_wait3A_314 = arith.constant 0 : i32
        %dma_wait3A_315 = tpu.memref_slice %arg8[%dma_wait3A_313, %dma_wait3A_314] : memref<1024x16xf32, #tpu.memory_space<vmem>> -> memref<128x16xf32, #tpu.memory_space<vmem>>
        %dma_wait3A_316 = arith.constant 0 : i32
        %dma_wait3A_317 = tpu.memref_slice %arg2[%mul3A_308, %dma_wait3A_316] : memref<163840x16xf32, #tpu.memory_space<hbm>> -> memref<128x16xf32, #tpu.memory_space<hbm>>
        tpu.wait_dma2 semaphore(%arg12 : memref<!tpu.dma_semaphore, #tpu.memory_space<semaphore_mem>>) src(%dma_wait3A_317 : memref<128x16xf32, #tpu.memory_space<hbm>>) dst(%dma_wait3A_315 : memref<128x16xf32, #tpu.memory_space<vmem>>)
      } else {
      }
      %mul3A_127 = arith.constant 8 : i32
      %mul3A_128 = arith.muli %add3A_17, %mul3A_127 : i32
      %add3A_129 = arith.constant 4 : i32
      %add3A_130 = arith.addi %mul3A_128, %add3A_129 : i32
      %lt3A_131 = arith.constant 1280 : i32
      %lt3A_132 = arith.cmpi slt, %add3A_130, %lt3A_131 : i32
      %convert_element_type3A_133 = arith.extui %lt3A_132 : i1 to i32
      %cond3A_134 = arith.constant 0 : i32
      %cond3A_135 = arith.cmpi ne, %convert_element_type3A_133, %cond3A_134 : i32
      scf.if %cond3A_135 {
        %mul3A_307 = arith.constant 128 : i32
        %mul3A_308 = arith.muli %add3A_130, %mul3A_307 : i32
        %dma_wait3A = arith.constant 512 : i32
        %dma_wait3A_309 = arith.constant 0 : i32
        %dma_wait3A_310 = tpu.memref_slice %arg8[%dma_wait3A, %dma_wait3A_309] : memref<1024x16xf32, #tpu.memory_space<vmem>> -> memref<128x16xf32, #tpu.memory_space<vmem>>
        %dma_wait3A_311 = arith.constant 0 : i32
        %dma_wait3A_312 = tpu.memref_slice %arg2[%mul3A_308, %dma_wait3A_311] : memref<163840x16xf32, #tpu.memory_space<hbm>> -> memref<128x16xf32, #tpu.memory_space<hbm>>
        %dma_wait3A_313 = arith.constant 512 : i32
        %dma_wait3A_314 = arith.constant 0 : i32
        %dma_wait3A_315 = tpu.memref_slice %arg8[%dma_wait3A_313, %dma_wait3A_314] : memref<1024x16xf32, #tpu.memory_space<vmem>> -> memref<128x16xf32, #tpu.memory_space<vmem>>
        %dma_wait3A_316 = arith.constant 0 : i32
        %dma_wait3A_317 = tpu.memref_slice %arg2[%mul3A_308, %dma_wait3A_316] : memref<163840x16xf32, #tpu.memory_space<hbm>> -> memref<128x16xf32, #tpu.memory_space<hbm>>
        tpu.wait_dma2 semaphore(%arg12 : memref<!tpu.dma_semaphore, #tpu.memory_space<semaphore_mem>>) src(%dma_wait3A_317 : memref<128x16xf32, #tpu.memory_space<hbm>>) dst(%dma_wait3A_315 : memref<128x16xf32, #tpu.memory_space<vmem>>)
      } else {
      }
      %mul3A_136 = arith.constant 8 : i32
      %mul3A_137 = arith.muli %add3A_17, %mul3A_136 : i32
      %add3A_138 = arith.constant 5 : i32
      %add3A_139 = arith.addi %mul3A_137, %add3A_138 : i32
      %lt3A_140 = arith.constant 1280 : i32
      %lt3A_141 = arith.cmpi slt, %add3A_139, %lt3A_140 : i32
      %convert_element_type3A_142 = arith.extui %lt3A_141 : i1 to i32
      %cond3A_143 = arith.constant 0 : i32
      %cond3A_144 = arith.cmpi ne, %convert_element_type3A_142, %cond3A_143 : i32
      scf.if %cond3A_144 {
        %mul3A_307 = arith.constant 128 : i32
        %mul3A_308 = arith.muli %add3A_139, %mul3A_307 : i32
        %dma_wait3A = arith.constant 640 : i32
        %dma_wait3A_309 = arith.constant 0 : i32
        %dma_wait3A_310 = tpu.memref_slice %arg8[%dma_wait3A, %dma_wait3A_309] : memref<1024x16xf32, #tpu.memory_space<vmem>> -> memref<128x16xf32, #tpu.memory_space<vmem>>
        %dma_wait3A_311 = arith.constant 0 : i32
        %dma_wait3A_312 = tpu.memref_slice %arg2[%mul3A_308, %dma_wait3A_311] : memref<163840x16xf32, #tpu.memory_space<hbm>> -> memref<128x16xf32, #tpu.memory_space<hbm>>
        %dma_wait3A_313 = arith.constant 640 : i32
        %dma_wait3A_314 = arith.constant 0 : i32
        %dma_wait3A_315 = tpu.memref_slice %arg8[%dma_wait3A_313, %dma_wait3A_314] : memref<1024x16xf32, #tpu.memory_space<vmem>> -> memref<128x16xf32, #tpu.memory_space<vmem>>
        %dma_wait3A_316 = arith.constant 0 : i32
        %dma_wait3A_317 = tpu.memref_slice %arg2[%mul3A_308, %dma_wait3A_316] : memref<163840x16xf32, #tpu.memory_space<hbm>> -> memref<128x16xf32, #tpu.memory_space<hbm>>
        tpu.wait_dma2 semaphore(%arg12 : memref<!tpu.dma_semaphore, #tpu.memory_space<semaphore_mem>>) src(%dma_wait3A_317 : memref<128x16xf32, #tpu.memory_space<hbm>>) dst(%dma_wait3A_315 : memref<128x16xf32, #tpu.memory_space<vmem>>)
      } else {
      }
      %mul3A_145 = arith.constant 8 : i32
      %mul3A_146 = arith.muli %add3A_17, %mul3A_145 : i32
      %add3A_147 = arith.constant 6 : i32
      %add3A_148 = arith.addi %mul3A_146, %add3A_147 : i32
      %lt3A_149 = arith.constant 1280 : i32
      %lt3A_150 = arith.cmpi slt, %add3A_148, %lt3A_149 : i32
      %convert_element_type3A_151 = arith.extui %lt3A_150 : i1 to i32
      %cond3A_152 = arith.constant 0 : i32
      %cond3A_153 = arith.cmpi ne, %convert_element_type3A_151, %cond3A_152 : i32
      scf.if %cond3A_153 {
        %mul3A_307 = arith.constant 128 : i32
        %mul3A_308 = arith.muli %add3A_148, %mul3A_307 : i32
        %dma_wait3A = arith.constant 768 : i32
        %dma_wait3A_309 = arith.constant 0 : i32
        %dma_wait3A_310 = tpu.memref_slice %arg8[%dma_wait3A, %dma_wait3A_309] : memref<1024x16xf32, #tpu.memory_space<vmem>> -> memref<128x16xf32, #tpu.memory_space<vmem>>
        %dma_wait3A_311 = arith.constant 0 : i32
        %dma_wait3A_312 = tpu.memref_slice %arg2[%mul3A_308, %dma_wait3A_311] : memref<163840x16xf32, #tpu.memory_space<hbm>> -> memref<128x16xf32, #tpu.memory_space<hbm>>
        %dma_wait3A_313 = arith.constant 768 : i32
        %dma_wait3A_314 = arith.constant 0 : i32
        %dma_wait3A_315 = tpu.memref_slice %arg8[%dma_wait3A_313, %dma_wait3A_314] : memref<1024x16xf32, #tpu.memory_space<vmem>> -> memref<128x16xf32, #tpu.memory_space<vmem>>
        %dma_wait3A_316 = arith.constant 0 : i32
        %dma_wait3A_317 = tpu.memref_slice %arg2[%mul3A_308, %dma_wait3A_316] : memref<163840x16xf32, #tpu.memory_space<hbm>> -> memref<128x16xf32, #tpu.memory_space<hbm>>
        tpu.wait_dma2 semaphore(%arg12 : memref<!tpu.dma_semaphore, #tpu.memory_space<semaphore_mem>>) src(%dma_wait3A_317 : memref<128x16xf32, #tpu.memory_space<hbm>>) dst(%dma_wait3A_315 : memref<128x16xf32, #tpu.memory_space<vmem>>)
      } else {
      }
      %mul3A_154 = arith.constant 8 : i32
      %mul3A_155 = arith.muli %add3A_17, %mul3A_154 : i32
      %add3A_156 = arith.constant 7 : i32
      %add3A_157 = arith.addi %mul3A_155, %add3A_156 : i32
      %lt3A_158 = arith.constant 1280 : i32
      %lt3A_159 = arith.cmpi slt, %add3A_157, %lt3A_158 : i32
      %convert_element_type3A_160 = arith.extui %lt3A_159 : i1 to i32
      %cond3A_161 = arith.constant 0 : i32
      %cond3A_162 = arith.cmpi ne, %convert_element_type3A_160, %cond3A_161 : i32
      scf.if %cond3A_162 {
        %mul3A_307 = arith.constant 128 : i32
        %mul3A_308 = arith.muli %add3A_157, %mul3A_307 : i32
        %dma_wait3A = arith.constant 896 : i32
        %dma_wait3A_309 = arith.constant 0 : i32
        %dma_wait3A_310 = tpu.memref_slice %arg8[%dma_wait3A, %dma_wait3A_309] : memref<1024x16xf32, #tpu.memory_space<vmem>> -> memref<128x16xf32, #tpu.memory_space<vmem>>
        %dma_wait3A_311 = arith.constant 0 : i32
        %dma_wait3A_312 = tpu.memref_slice %arg2[%mul3A_308, %dma_wait3A_311] : memref<163840x16xf32, #tpu.memory_space<hbm>> -> memref<128x16xf32, #tpu.memory_space<hbm>>
        %dma_wait3A_313 = arith.constant 896 : i32
        %dma_wait3A_314 = arith.constant 0 : i32
        %dma_wait3A_315 = tpu.memref_slice %arg8[%dma_wait3A_313, %dma_wait3A_314] : memref<1024x16xf32, #tpu.memory_space<vmem>> -> memref<128x16xf32, #tpu.memory_space<vmem>>
        %dma_wait3A_316 = arith.constant 0 : i32
        %dma_wait3A_317 = tpu.memref_slice %arg2[%mul3A_308, %dma_wait3A_316] : memref<163840x16xf32, #tpu.memory_space<hbm>> -> memref<128x16xf32, #tpu.memory_space<hbm>>
        tpu.wait_dma2 semaphore(%arg12 : memref<!tpu.dma_semaphore, #tpu.memory_space<semaphore_mem>>) src(%dma_wait3A_317 : memref<128x16xf32, #tpu.memory_space<hbm>>) dst(%dma_wait3A_315 : memref<128x16xf32, #tpu.memory_space<vmem>>)
      } else {
      }
      %mul3A_163 = arith.constant 8 : i32
      %mul3A_164 = arith.muli %add3A_17, %mul3A_163 : i32
      %add3A_165 = arith.constant 0 : i32
      %add3A_166 = arith.addi %mul3A_164, %add3A_165 : i32
      %lt3A_167 = arith.constant 1280 : i32
      %lt3A_168 = arith.cmpi slt, %add3A_166, %lt3A_167 : i32
      %convert_element_type3A_169 = arith.extui %lt3A_168 : i1 to i32
      %cond3A_170 = arith.constant 0 : i32
      %cond3A_171 = arith.cmpi ne, %convert_element_type3A_169, %cond3A_170 : i32
      scf.if %cond3A_171 {
        %dma_start3A = arith.constant 0 : i32
        %dma_start3A_307 = arith.constant 0 : i32
        %dma_start3A_308 = arith.constant 0 : i32
        %dma_start3A_309 = tpu.memref_slice %arg8[%dma_start3A_307, %dma_start3A_308] : memref<1024x16xf32, #tpu.memory_space<vmem>> -> memref<128x16xf32, #tpu.memory_space<vmem>>
        %dma_start3A_310 = arith.constant 0 : i32
        %dma_start3A_311 = tpu.memref_slice %arg7[%dma_start3A, %dma_start3A_310] : memref<8x128xi32, #tpu.memory_space<vmem>> -> memref<1x128xi32, #tpu.memory_space<vmem>>
        %dma_start3A_312 = tpu.memref_squeeze %dma_start3A_311 : memref<1x128xi32, #tpu.memory_space<vmem>> -> memref<128xi32, #tpu.memory_space<vmem>>
        %dma_start3A_313 = arith.constant 0 : i32
        %dma_start3A_314 = arith.constant 0 : i32
        %dma_start3A_315 = tpu.memref_slice %arg10[%dma_start3A_313, %dma_start3A_314] : memref<10016x16xf32, #tpu.memory_space<vmem_shared>> -> memref<10016x16xf32, #tpu.memory_space<vmem_shared>>
        tpu.enqueue_indirect_dma source(%dma_start3A_309 : memref<128x16xf32, #tpu.memory_space<vmem>>) target(%dma_start3A_315 : memref<10016x16xf32, #tpu.memory_space<vmem_shared>>) offsets(%dma_start3A_312 : memref<128xi32, #tpu.memory_space<vmem>>) semaphore(%arg13 : memref<!tpu.dma_semaphore, #tpu.memory_space<semaphore_mem>>) {add = true}
      } else {
      }
      %mul3A_172 = arith.constant 8 : i32
      %mul3A_173 = arith.muli %add3A_17, %mul3A_172 : i32
      %add3A_174 = arith.constant 1 : i32
      %add3A_175 = arith.addi %mul3A_173, %add3A_174 : i32
      %lt3A_176 = arith.constant 1280 : i32
      %lt3A_177 = arith.cmpi slt, %add3A_175, %lt3A_176 : i32
      %convert_element_type3A_178 = arith.extui %lt3A_177 : i1 to i32
      %cond3A_179 = arith.constant 0 : i32
      %cond3A_180 = arith.cmpi ne, %convert_element_type3A_178, %cond3A_179 : i32
      scf.if %cond3A_180 {
        %dma_start3A = arith.constant 1 : i32
        %dma_start3A_307 = arith.constant 128 : i32
        %dma_start3A_308 = arith.constant 0 : i32
        %dma_start3A_309 = tpu.memref_slice %arg8[%dma_start3A_307, %dma_start3A_308] : memref<1024x16xf32, #tpu.memory_space<vmem>> -> memref<128x16xf32, #tpu.memory_space<vmem>>
        %dma_start3A_310 = arith.constant 0 : i32
        %dma_start3A_311 = tpu.memref_slice %arg7[%dma_start3A, %dma_start3A_310] : memref<8x128xi32, #tpu.memory_space<vmem>> -> memref<1x128xi32, #tpu.memory_space<vmem>>
        %dma_start3A_312 = tpu.memref_squeeze %dma_start3A_311 : memref<1x128xi32, #tpu.memory_space<vmem>> -> memref<128xi32, #tpu.memory_space<vmem>>
        %dma_start3A_313 = arith.constant 0 : i32
        %dma_start3A_314 = arith.constant 0 : i32
        %dma_start3A_315 = tpu.memref_slice %arg10[%dma_start3A_313, %dma_start3A_314] : memref<10016x16xf32, #tpu.memory_space<vmem_shared>> -> memref<10016x16xf32, #tpu.memory_space<vmem_shared>>
        tpu.enqueue_indirect_dma source(%dma_start3A_309 : memref<128x16xf32, #tpu.memory_space<vmem>>) target(%dma_start3A_315 : memref<10016x16xf32, #tpu.memory_space<vmem_shared>>) offsets(%dma_start3A_312 : memref<128xi32, #tpu.memory_space<vmem>>) semaphore(%arg13 : memref<!tpu.dma_semaphore, #tpu.memory_space<semaphore_mem>>) {add = true}
      } else {
      }
      %mul3A_181 = arith.constant 8 : i32
      %mul3A_182 = arith.muli %add3A_17, %mul3A_181 : i32
      %add3A_183 = arith.constant 2 : i32
      %add3A_184 = arith.addi %mul3A_182, %add3A_183 : i32
      %lt3A_185 = arith.constant 1280 : i32
      %lt3A_186 = arith.cmpi slt, %add3A_184, %lt3A_185 : i32
      %convert_element_type3A_187 = arith.extui %lt3A_186 : i1 to i32
      %cond3A_188 = arith.constant 0 : i32
      %cond3A_189 = arith.cmpi ne, %convert_element_type3A_187, %cond3A_188 : i32
      scf.if %cond3A_189 {
        %dma_start3A = arith.constant 2 : i32
        %dma_start3A_307 = arith.constant 256 : i32
        %dma_start3A_308 = arith.constant 0 : i32
        %dma_start3A_309 = tpu.memref_slice %arg8[%dma_start3A_307, %dma_start3A_308] : memref<1024x16xf32, #tpu.memory_space<vmem>> -> memref<128x16xf32, #tpu.memory_space<vmem>>
        %dma_start3A_310 = arith.constant 0 : i32
        %dma_start3A_311 = tpu.memref_slice %arg7[%dma_start3A, %dma_start3A_310] : memref<8x128xi32, #tpu.memory_space<vmem>> -> memref<1x128xi32, #tpu.memory_space<vmem>>
        %dma_start3A_312 = tpu.memref_squeeze %dma_start3A_311 : memref<1x128xi32, #tpu.memory_space<vmem>> -> memref<128xi32, #tpu.memory_space<vmem>>
        %dma_start3A_313 = arith.constant 0 : i32
        %dma_start3A_314 = arith.constant 0 : i32
        %dma_start3A_315 = tpu.memref_slice %arg10[%dma_start3A_313, %dma_start3A_314] : memref<10016x16xf32, #tpu.memory_space<vmem_shared>> -> memref<10016x16xf32, #tpu.memory_space<vmem_shared>>
        tpu.enqueue_indirect_dma source(%dma_start3A_309 : memref<128x16xf32, #tpu.memory_space<vmem>>) target(%dma_start3A_315 : memref<10016x16xf32, #tpu.memory_space<vmem_shared>>) offsets(%dma_start3A_312 : memref<128xi32, #tpu.memory_space<vmem>>) semaphore(%arg13 : memref<!tpu.dma_semaphore, #tpu.memory_space<semaphore_mem>>) {add = true}
      } else {
      }
      %mul3A_190 = arith.constant 8 : i32
      %mul3A_191 = arith.muli %add3A_17, %mul3A_190 : i32
      %add3A_192 = arith.constant 3 : i32
      %add3A_193 = arith.addi %mul3A_191, %add3A_192 : i32
      %lt3A_194 = arith.constant 1280 : i32
      %lt3A_195 = arith.cmpi slt, %add3A_193, %lt3A_194 : i32
      %convert_element_type3A_196 = arith.extui %lt3A_195 : i1 to i32
      %cond3A_197 = arith.constant 0 : i32
      %cond3A_198 = arith.cmpi ne, %convert_element_type3A_196, %cond3A_197 : i32
      scf.if %cond3A_198 {
        %dma_start3A = arith.constant 3 : i32
        %dma_start3A_307 = arith.constant 384 : i32
        %dma_start3A_308 = arith.constant 0 : i32
        %dma_start3A_309 = tpu.memref_slice %arg8[%dma_start3A_307, %dma_start3A_308] : memref<1024x16xf32, #tpu.memory_space<vmem>> -> memref<128x16xf32, #tpu.memory_space<vmem>>
        %dma_start3A_310 = arith.constant 0 : i32
        %dma_start3A_311 = tpu.memref_slice %arg7[%dma_start3A, %dma_start3A_310] : memref<8x128xi32, #tpu.memory_space<vmem>> -> memref<1x128xi32, #tpu.memory_space<vmem>>
        %dma_start3A_312 = tpu.memref_squeeze %dma_start3A_311 : memref<1x128xi32, #tpu.memory_space<vmem>> -> memref<128xi32, #tpu.memory_space<vmem>>
        %dma_start3A_313 = arith.constant 0 : i32
        %dma_start3A_314 = arith.constant 0 : i32
        %dma_start3A_315 = tpu.memref_slice %arg10[%dma_start3A_313, %dma_start3A_314] : memref<10016x16xf32, #tpu.memory_space<vmem_shared>> -> memref<10016x16xf32, #tpu.memory_space<vmem_shared>>
        tpu.enqueue_indirect_dma source(%dma_start3A_309 : memref<128x16xf32, #tpu.memory_space<vmem>>) target(%dma_start3A_315 : memref<10016x16xf32, #tpu.memory_space<vmem_shared>>) offsets(%dma_start3A_312 : memref<128xi32, #tpu.memory_space<vmem>>) semaphore(%arg13 : memref<!tpu.dma_semaphore, #tpu.memory_space<semaphore_mem>>) {add = true}
      } else {
      }
      %mul3A_199 = arith.constant 8 : i32
      %mul3A_200 = arith.muli %add3A_17, %mul3A_199 : i32
      %add3A_201 = arith.constant 4 : i32
      %add3A_202 = arith.addi %mul3A_200, %add3A_201 : i32
      %lt3A_203 = arith.constant 1280 : i32
      %lt3A_204 = arith.cmpi slt, %add3A_202, %lt3A_203 : i32
      %convert_element_type3A_205 = arith.extui %lt3A_204 : i1 to i32
      %cond3A_206 = arith.constant 0 : i32
      %cond3A_207 = arith.cmpi ne, %convert_element_type3A_205, %cond3A_206 : i32
      scf.if %cond3A_207 {
        %dma_start3A = arith.constant 4 : i32
        %dma_start3A_307 = arith.constant 512 : i32
        %dma_start3A_308 = arith.constant 0 : i32
        %dma_start3A_309 = tpu.memref_slice %arg8[%dma_start3A_307, %dma_start3A_308] : memref<1024x16xf32, #tpu.memory_space<vmem>> -> memref<128x16xf32, #tpu.memory_space<vmem>>
        %dma_start3A_310 = arith.constant 0 : i32
        %dma_start3A_311 = tpu.memref_slice %arg7[%dma_start3A, %dma_start3A_310] : memref<8x128xi32, #tpu.memory_space<vmem>> -> memref<1x128xi32, #tpu.memory_space<vmem>>
        %dma_start3A_312 = tpu.memref_squeeze %dma_start3A_311 : memref<1x128xi32, #tpu.memory_space<vmem>> -> memref<128xi32, #tpu.memory_space<vmem>>
        %dma_start3A_313 = arith.constant 0 : i32
        %dma_start3A_314 = arith.constant 0 : i32
        %dma_start3A_315 = tpu.memref_slice %arg10[%dma_start3A_313, %dma_start3A_314] : memref<10016x16xf32, #tpu.memory_space<vmem_shared>> -> memref<10016x16xf32, #tpu.memory_space<vmem_shared>>
        tpu.enqueue_indirect_dma source(%dma_start3A_309 : memref<128x16xf32, #tpu.memory_space<vmem>>) target(%dma_start3A_315 : memref<10016x16xf32, #tpu.memory_space<vmem_shared>>) offsets(%dma_start3A_312 : memref<128xi32, #tpu.memory_space<vmem>>) semaphore(%arg13 : memref<!tpu.dma_semaphore, #tpu.memory_space<semaphore_mem>>) {add = true}
      } else {
      }
      %mul3A_208 = arith.constant 8 : i32
      %mul3A_209 = arith.muli %add3A_17, %mul3A_208 : i32
      %add3A_210 = arith.constant 5 : i32
      %add3A_211 = arith.addi %mul3A_209, %add3A_210 : i32
      %lt3A_212 = arith.constant 1280 : i32
      %lt3A_213 = arith.cmpi slt, %add3A_211, %lt3A_212 : i32
      %convert_element_type3A_214 = arith.extui %lt3A_213 : i1 to i32
      %cond3A_215 = arith.constant 0 : i32
      %cond3A_216 = arith.cmpi ne, %convert_element_type3A_214, %cond3A_215 : i32
      scf.if %cond3A_216 {
        %dma_start3A = arith.constant 5 : i32
        %dma_start3A_307 = arith.constant 640 : i32
        %dma_start3A_308 = arith.constant 0 : i32
        %dma_start3A_309 = tpu.memref_slice %arg8[%dma_start3A_307, %dma_start3A_308] : memref<1024x16xf32, #tpu.memory_space<vmem>> -> memref<128x16xf32, #tpu.memory_space<vmem>>
        %dma_start3A_310 = arith.constant 0 : i32
        %dma_start3A_311 = tpu.memref_slice %arg7[%dma_start3A, %dma_start3A_310] : memref<8x128xi32, #tpu.memory_space<vmem>> -> memref<1x128xi32, #tpu.memory_space<vmem>>
        %dma_start3A_312 = tpu.memref_squeeze %dma_start3A_311 : memref<1x128xi32, #tpu.memory_space<vmem>> -> memref<128xi32, #tpu.memory_space<vmem>>
        %dma_start3A_313 = arith.constant 0 : i32
        %dma_start3A_314 = arith.constant 0 : i32
        %dma_start3A_315 = tpu.memref_slice %arg10[%dma_start3A_313, %dma_start3A_314] : memref<10016x16xf32, #tpu.memory_space<vmem_shared>> -> memref<10016x16xf32, #tpu.memory_space<vmem_shared>>
        tpu.enqueue_indirect_dma source(%dma_start3A_309 : memref<128x16xf32, #tpu.memory_space<vmem>>) target(%dma_start3A_315 : memref<10016x16xf32, #tpu.memory_space<vmem_shared>>) offsets(%dma_start3A_312 : memref<128xi32, #tpu.memory_space<vmem>>) semaphore(%arg13 : memref<!tpu.dma_semaphore, #tpu.memory_space<semaphore_mem>>) {add = true}
      } else {
      }
      %mul3A_217 = arith.constant 8 : i32
      %mul3A_218 = arith.muli %add3A_17, %mul3A_217 : i32
      %add3A_219 = arith.constant 6 : i32
      %add3A_220 = arith.addi %mul3A_218, %add3A_219 : i32
      %lt3A_221 = arith.constant 1280 : i32
      %lt3A_222 = arith.cmpi slt, %add3A_220, %lt3A_221 : i32
      %convert_element_type3A_223 = arith.extui %lt3A_222 : i1 to i32
      %cond3A_224 = arith.constant 0 : i32
      %cond3A_225 = arith.cmpi ne, %convert_element_type3A_223, %cond3A_224 : i32
      scf.if %cond3A_225 {
        %dma_start3A = arith.constant 6 : i32
        %dma_start3A_307 = arith.constant 768 : i32
        %dma_start3A_308 = arith.constant 0 : i32
        %dma_start3A_309 = tpu.memref_slice %arg8[%dma_start3A_307, %dma_start3A_308] : memref<1024x16xf32, #tpu.memory_space<vmem>> -> memref<128x16xf32, #tpu.memory_space<vmem>>
        %dma_start3A_310 = arith.constant 0 : i32
        %dma_start3A_311 = tpu.memref_slice %arg7[%dma_start3A, %dma_start3A_310] : memref<8x128xi32, #tpu.memory_space<vmem>> -> memref<1x128xi32, #tpu.memory_space<vmem>>
        %dma_start3A_312 = tpu.memref_squeeze %dma_start3A_311 : memref<1x128xi32, #tpu.memory_space<vmem>> -> memref<128xi32, #tpu.memory_space<vmem>>
        %dma_start3A_313 = arith.constant 0 : i32
        %dma_start3A_314 = arith.constant 0 : i32
        %dma_start3A_315 = tpu.memref_slice %arg10[%dma_start3A_313, %dma_start3A_314] : memref<10016x16xf32, #tpu.memory_space<vmem_shared>> -> memref<10016x16xf32, #tpu.memory_space<vmem_shared>>
        tpu.enqueue_indirect_dma source(%dma_start3A_309 : memref<128x16xf32, #tpu.memory_space<vmem>>) target(%dma_start3A_315 : memref<10016x16xf32, #tpu.memory_space<vmem_shared>>) offsets(%dma_start3A_312 : memref<128xi32, #tpu.memory_space<vmem>>) semaphore(%arg13 : memref<!tpu.dma_semaphore, #tpu.memory_space<semaphore_mem>>) {add = true}
      } else {
      }
      %mul3A_226 = arith.constant 8 : i32
      %mul3A_227 = arith.muli %add3A_17, %mul3A_226 : i32
      %add3A_228 = arith.constant 7 : i32
      %add3A_229 = arith.addi %mul3A_227, %add3A_228 : i32
      %lt3A_230 = arith.constant 1280 : i32
      %lt3A_231 = arith.cmpi slt, %add3A_229, %lt3A_230 : i32
      %convert_element_type3A_232 = arith.extui %lt3A_231 : i1 to i32
      %cond3A_233 = arith.constant 0 : i32
      %cond3A_234 = arith.cmpi ne, %convert_element_type3A_232, %cond3A_233 : i32
      scf.if %cond3A_234 {
        %dma_start3A = arith.constant 7 : i32
        %dma_start3A_307 = arith.constant 896 : i32
        %dma_start3A_308 = arith.constant 0 : i32
        %dma_start3A_309 = tpu.memref_slice %arg8[%dma_start3A_307, %dma_start3A_308] : memref<1024x16xf32, #tpu.memory_space<vmem>> -> memref<128x16xf32, #tpu.memory_space<vmem>>
        %dma_start3A_310 = arith.constant 0 : i32
        %dma_start3A_311 = tpu.memref_slice %arg7[%dma_start3A, %dma_start3A_310] : memref<8x128xi32, #tpu.memory_space<vmem>> -> memref<1x128xi32, #tpu.memory_space<vmem>>
        %dma_start3A_312 = tpu.memref_squeeze %dma_start3A_311 : memref<1x128xi32, #tpu.memory_space<vmem>> -> memref<128xi32, #tpu.memory_space<vmem>>
        %dma_start3A_313 = arith.constant 0 : i32
        %dma_start3A_314 = arith.constant 0 : i32
        %dma_start3A_315 = tpu.memref_slice %arg10[%dma_start3A_313, %dma_start3A_314] : memref<10016x16xf32, #tpu.memory_space<vmem_shared>> -> memref<10016x16xf32, #tpu.memory_space<vmem_shared>>
        tpu.enqueue_indirect_dma source(%dma_start3A_309 : memref<128x16xf32, #tpu.memory_space<vmem>>) target(%dma_start3A_315 : memref<10016x16xf32, #tpu.memory_space<vmem_shared>>) offsets(%dma_start3A_312 : memref<128xi32, #tpu.memory_space<vmem>>) semaphore(%arg13 : memref<!tpu.dma_semaphore, #tpu.memory_space<semaphore_mem>>) {add = true}
      } else {
      }
      %mul3A_235 = arith.constant 8 : i32
      %mul3A_236 = arith.muli %add3A_17, %mul3A_235 : i32
      %add3A_237 = arith.constant 0 : i32
      %add3A_238 = arith.addi %mul3A_236, %add3A_237 : i32
      %lt3A_239 = arith.constant 1280 : i32
      %lt3A_240 = arith.cmpi slt, %add3A_238, %lt3A_239 : i32
      %convert_element_type3A_241 = arith.extui %lt3A_240 : i1 to i32
      %cond3A_242 = arith.constant 0 : i32
      %cond3A_243 = arith.cmpi ne, %convert_element_type3A_241, %cond3A_242 : i32
      scf.if %cond3A_243 {
        %dma_wait3A = arith.constant 0 : i32
        %dma_wait3A_307 = arith.constant 0 : i32
        %dma_wait3A_308 = arith.constant 0 : i32
        %dma_wait3A_309 = tpu.memref_slice %arg8[%dma_wait3A_307, %dma_wait3A_308] : memref<1024x16xf32, #tpu.memory_space<vmem>> -> memref<128x16xf32, #tpu.memory_space<vmem>>
        %dma_wait3A_310 = arith.constant 0 : i32
        %dma_wait3A_311 = tpu.memref_slice %arg7[%dma_wait3A, %dma_wait3A_310] : memref<8x128xi32, #tpu.memory_space<vmem>> -> memref<1x128xi32, #tpu.memory_space<vmem>>
        %dma_wait3A_312 = tpu.memref_squeeze %dma_wait3A_311 : memref<1x128xi32, #tpu.memory_space<vmem>> -> memref<128xi32, #tpu.memory_space<vmem>>
        %dma_wait3A_313 = arith.constant 0 : i32
        %dma_wait3A_314 = arith.constant 0 : i32
        %dma_wait3A_315 = tpu.memref_slice %arg10[%dma_wait3A_313, %dma_wait3A_314] : memref<10016x16xf32, #tpu.memory_space<vmem_shared>> -> memref<10016x16xf32, #tpu.memory_space<vmem_shared>>
        tpu.wait_indirect_dma semaphore(%arg13 : memref<!tpu.dma_semaphore, #tpu.memory_space<semaphore_mem>>) src(%dma_wait3A_309 : memref<128x16xf32, #tpu.memory_space<vmem>>) dst(%dma_wait3A_315 : memref<10016x16xf32, #tpu.memory_space<vmem_shared>>)
      } else {
      }
      %mul3A_244 = arith.constant 8 : i32
      %mul3A_245 = arith.muli %add3A_17, %mul3A_244 : i32
      %add3A_246 = arith.constant 1 : i32
      %add3A_247 = arith.addi %mul3A_245, %add3A_246 : i32
      %lt3A_248 = arith.constant 1280 : i32
      %lt3A_249 = arith.cmpi slt, %add3A_247, %lt3A_248 : i32
      %convert_element_type3A_250 = arith.extui %lt3A_249 : i1 to i32
      %cond3A_251 = arith.constant 0 : i32
      %cond3A_252 = arith.cmpi ne, %convert_element_type3A_250, %cond3A_251 : i32
      scf.if %cond3A_252 {
        %dma_wait3A = arith.constant 1 : i32
        %dma_wait3A_307 = arith.constant 128 : i32
        %dma_wait3A_308 = arith.constant 0 : i32
        %dma_wait3A_309 = tpu.memref_slice %arg8[%dma_wait3A_307, %dma_wait3A_308] : memref<1024x16xf32, #tpu.memory_space<vmem>> -> memref<128x16xf32, #tpu.memory_space<vmem>>
        %dma_wait3A_310 = arith.constant 0 : i32
        %dma_wait3A_311 = tpu.memref_slice %arg7[%dma_wait3A, %dma_wait3A_310] : memref<8x128xi32, #tpu.memory_space<vmem>> -> memref<1x128xi32, #tpu.memory_space<vmem>>
        %dma_wait3A_312 = tpu.memref_squeeze %dma_wait3A_311 : memref<1x128xi32, #tpu.memory_space<vmem>> -> memref<128xi32, #tpu.memory_space<vmem>>
        %dma_wait3A_313 = arith.constant 0 : i32
        %dma_wait3A_314 = arith.constant 0 : i32
        %dma_wait3A_315 = tpu.memref_slice %arg10[%dma_wait3A_313, %dma_wait3A_314] : memref<10016x16xf32, #tpu.memory_space<vmem_shared>> -> memref<10016x16xf32, #tpu.memory_space<vmem_shared>>
        tpu.wait_indirect_dma semaphore(%arg13 : memref<!tpu.dma_semaphore, #tpu.memory_space<semaphore_mem>>) src(%dma_wait3A_309 : memref<128x16xf32, #tpu.memory_space<vmem>>) dst(%dma_wait3A_315 : memref<10016x16xf32, #tpu.memory_space<vmem_shared>>)
      } else {
      }
      %mul3A_253 = arith.constant 8 : i32
      %mul3A_254 = arith.muli %add3A_17, %mul3A_253 : i32
      %add3A_255 = arith.constant 2 : i32
      %add3A_256 = arith.addi %mul3A_254, %add3A_255 : i32
      %lt3A_257 = arith.constant 1280 : i32
      %lt3A_258 = arith.cmpi slt, %add3A_256, %lt3A_257 : i32
      %convert_element_type3A_259 = arith.extui %lt3A_258 : i1 to i32
      %cond3A_260 = arith.constant 0 : i32
      %cond3A_261 = arith.cmpi ne, %convert_element_type3A_259, %cond3A_260 : i32
      scf.if %cond3A_261 {
        %dma_wait3A = arith.constant 2 : i32
        %dma_wait3A_307 = arith.constant 256 : i32
        %dma_wait3A_308 = arith.constant 0 : i32
        %dma_wait3A_309 = tpu.memref_slice %arg8[%dma_wait3A_307, %dma_wait3A_308] : memref<1024x16xf32, #tpu.memory_space<vmem>> -> memref<128x16xf32, #tpu.memory_space<vmem>>
        %dma_wait3A_310 = arith.constant 0 : i32
        %dma_wait3A_311 = tpu.memref_slice %arg7[%dma_wait3A, %dma_wait3A_310] : memref<8x128xi32, #tpu.memory_space<vmem>> -> memref<1x128xi32, #tpu.memory_space<vmem>>
        %dma_wait3A_312 = tpu.memref_squeeze %dma_wait3A_311 : memref<1x128xi32, #tpu.memory_space<vmem>> -> memref<128xi32, #tpu.memory_space<vmem>>
        %dma_wait3A_313 = arith.constant 0 : i32
        %dma_wait3A_314 = arith.constant 0 : i32
        %dma_wait3A_315 = tpu.memref_slice %arg10[%dma_wait3A_313, %dma_wait3A_314] : memref<10016x16xf32, #tpu.memory_space<vmem_shared>> -> memref<10016x16xf32, #tpu.memory_space<vmem_shared>>
        tpu.wait_indirect_dma semaphore(%arg13 : memref<!tpu.dma_semaphore, #tpu.memory_space<semaphore_mem>>) src(%dma_wait3A_309 : memref<128x16xf32, #tpu.memory_space<vmem>>) dst(%dma_wait3A_315 : memref<10016x16xf32, #tpu.memory_space<vmem_shared>>)
      } else {
      }
      %mul3A_262 = arith.constant 8 : i32
      %mul3A_263 = arith.muli %add3A_17, %mul3A_262 : i32
      %add3A_264 = arith.constant 3 : i32
      %add3A_265 = arith.addi %mul3A_263, %add3A_264 : i32
      %lt3A_266 = arith.constant 1280 : i32
      %lt3A_267 = arith.cmpi slt, %add3A_265, %lt3A_266 : i32
      %convert_element_type3A_268 = arith.extui %lt3A_267 : i1 to i32
      %cond3A_269 = arith.constant 0 : i32
      %cond3A_270 = arith.cmpi ne, %convert_element_type3A_268, %cond3A_269 : i32
      scf.if %cond3A_270 {
        %dma_wait3A = arith.constant 3 : i32
        %dma_wait3A_307 = arith.constant 384 : i32
        %dma_wait3A_308 = arith.constant 0 : i32
        %dma_wait3A_309 = tpu.memref_slice %arg8[%dma_wait3A_307, %dma_wait3A_308] : memref<1024x16xf32, #tpu.memory_space<vmem>> -> memref<128x16xf32, #tpu.memory_space<vmem>>
        %dma_wait3A_310 = arith.constant 0 : i32
        %dma_wait3A_311 = tpu.memref_slice %arg7[%dma_wait3A, %dma_wait3A_310] : memref<8x128xi32, #tpu.memory_space<vmem>> -> memref<1x128xi32, #tpu.memory_space<vmem>>
        %dma_wait3A_312 = tpu.memref_squeeze %dma_wait3A_311 : memref<1x128xi32, #tpu.memory_space<vmem>> -> memref<128xi32, #tpu.memory_space<vmem>>
        %dma_wait3A_313 = arith.constant 0 : i32
        %dma_wait3A_314 = arith.constant 0 : i32
        %dma_wait3A_315 = tpu.memref_slice %arg10[%dma_wait3A_313, %dma_wait3A_314] : memref<10016x16xf32, #tpu.memory_space<vmem_shared>> -> memref<10016x16xf32, #tpu.memory_space<vmem_shared>>
        tpu.wait_indirect_dma semaphore(%arg13 : memref<!tpu.dma_semaphore, #tpu.memory_space<semaphore_mem>>) src(%dma_wait3A_309 : memref<128x16xf32, #tpu.memory_space<vmem>>) dst(%dma_wait3A_315 : memref<10016x16xf32, #tpu.memory_space<vmem_shared>>)
      } else {
      }
      %mul3A_271 = arith.constant 8 : i32
      %mul3A_272 = arith.muli %add3A_17, %mul3A_271 : i32
      %add3A_273 = arith.constant 4 : i32
      %add3A_274 = arith.addi %mul3A_272, %add3A_273 : i32
      %lt3A_275 = arith.constant 1280 : i32
      %lt3A_276 = arith.cmpi slt, %add3A_274, %lt3A_275 : i32
      %convert_element_type3A_277 = arith.extui %lt3A_276 : i1 to i32
      %cond3A_278 = arith.constant 0 : i32
      %cond3A_279 = arith.cmpi ne, %convert_element_type3A_277, %cond3A_278 : i32
      scf.if %cond3A_279 {
        %dma_wait3A = arith.constant 4 : i32
        %dma_wait3A_307 = arith.constant 512 : i32
        %dma_wait3A_308 = arith.constant 0 : i32
        %dma_wait3A_309 = tpu.memref_slice %arg8[%dma_wait3A_307, %dma_wait3A_308] : memref<1024x16xf32, #tpu.memory_space<vmem>> -> memref<128x16xf32, #tpu.memory_space<vmem>>
        %dma_wait3A_310 = arith.constant 0 : i32
        %dma_wait3A_311 = tpu.memref_slice %arg7[%dma_wait3A, %dma_wait3A_310] : memref<8x128xi32, #tpu.memory_space<vmem>> -> memref<1x128xi32, #tpu.memory_space<vmem>>
        %dma_wait3A_312 = tpu.memref_squeeze %dma_wait3A_311 : memref<1x128xi32, #tpu.memory_space<vmem>> -> memref<128xi32, #tpu.memory_space<vmem>>
        %dma_wait3A_313 = arith.constant 0 : i32
        %dma_wait3A_314 = arith.constant 0 : i32
        %dma_wait3A_315 = tpu.memref_slice %arg10[%dma_wait3A_313, %dma_wait3A_314] : memref<10016x16xf32, #tpu.memory_space<vmem_shared>> -> memref<10016x16xf32, #tpu.memory_space<vmem_shared>>
        tpu.wait_indirect_dma semaphore(%arg13 : memref<!tpu.dma_semaphore, #tpu.memory_space<semaphore_mem>>) src(%dma_wait3A_309 : memref<128x16xf32, #tpu.memory_space<vmem>>) dst(%dma_wait3A_315 : memref<10016x16xf32, #tpu.memory_space<vmem_shared>>)
      } else {
      }
      %mul3A_280 = arith.constant 8 : i32
      %mul3A_281 = arith.muli %add3A_17, %mul3A_280 : i32
      %add3A_282 = arith.constant 5 : i32
      %add3A_283 = arith.addi %mul3A_281, %add3A_282 : i32
      %lt3A_284 = arith.constant 1280 : i32
      %lt3A_285 = arith.cmpi slt, %add3A_283, %lt3A_284 : i32
      %convert_element_type3A_286 = arith.extui %lt3A_285 : i1 to i32
      %cond3A_287 = arith.constant 0 : i32
      %cond3A_288 = arith.cmpi ne, %convert_element_type3A_286, %cond3A_287 : i32
      scf.if %cond3A_288 {
        %dma_wait3A = arith.constant 5 : i32
        %dma_wait3A_307 = arith.constant 640 : i32
        %dma_wait3A_308 = arith.constant 0 : i32
        %dma_wait3A_309 = tpu.memref_slice %arg8[%dma_wait3A_307, %dma_wait3A_308] : memref<1024x16xf32, #tpu.memory_space<vmem>> -> memref<128x16xf32, #tpu.memory_space<vmem>>
        %dma_wait3A_310 = arith.constant 0 : i32
        %dma_wait3A_311 = tpu.memref_slice %arg7[%dma_wait3A, %dma_wait3A_310] : memref<8x128xi32, #tpu.memory_space<vmem>> -> memref<1x128xi32, #tpu.memory_space<vmem>>
        %dma_wait3A_312 = tpu.memref_squeeze %dma_wait3A_311 : memref<1x128xi32, #tpu.memory_space<vmem>> -> memref<128xi32, #tpu.memory_space<vmem>>
        %dma_wait3A_313 = arith.constant 0 : i32
        %dma_wait3A_314 = arith.constant 0 : i32
        %dma_wait3A_315 = tpu.memref_slice %arg10[%dma_wait3A_313, %dma_wait3A_314] : memref<10016x16xf32, #tpu.memory_space<vmem_shared>> -> memref<10016x16xf32, #tpu.memory_space<vmem_shared>>
        tpu.wait_indirect_dma semaphore(%arg13 : memref<!tpu.dma_semaphore, #tpu.memory_space<semaphore_mem>>) src(%dma_wait3A_309 : memref<128x16xf32, #tpu.memory_space<vmem>>) dst(%dma_wait3A_315 : memref<10016x16xf32, #tpu.memory_space<vmem_shared>>)
      } else {
      }
      %mul3A_289 = arith.constant 8 : i32
      %mul3A_290 = arith.muli %add3A_17, %mul3A_289 : i32
      %add3A_291 = arith.constant 6 : i32
      %add3A_292 = arith.addi %mul3A_290, %add3A_291 : i32
      %lt3A_293 = arith.constant 1280 : i32
      %lt3A_294 = arith.cmpi slt, %add3A_292, %lt3A_293 : i32
      %convert_element_type3A_295 = arith.extui %lt3A_294 : i1 to i32
      %cond3A_296 = arith.constant 0 : i32
      %cond3A_297 = arith.cmpi ne, %convert_element_type3A_295, %cond3A_296 : i32
      scf.if %cond3A_297 {
        %dma_wait3A = arith.constant 6 : i32
        %dma_wait3A_307 = arith.constant 768 : i32
        %dma_wait3A_308 = arith.constant 0 : i32
        %dma_wait3A_309 = tpu.memref_slice %arg8[%dma_wait3A_307, %dma_wait3A_308] : memref<1024x16xf32, #tpu.memory_space<vmem>> -> memref<128x16xf32, #tpu.memory_space<vmem>>
        %dma_wait3A_310 = arith.constant 0 : i32
        %dma_wait3A_311 = tpu.memref_slice %arg7[%dma_wait3A, %dma_wait3A_310] : memref<8x128xi32, #tpu.memory_space<vmem>> -> memref<1x128xi32, #tpu.memory_space<vmem>>
        %dma_wait3A_312 = tpu.memref_squeeze %dma_wait3A_311 : memref<1x128xi32, #tpu.memory_space<vmem>> -> memref<128xi32, #tpu.memory_space<vmem>>
        %dma_wait3A_313 = arith.constant 0 : i32
        %dma_wait3A_314 = arith.constant 0 : i32
        %dma_wait3A_315 = tpu.memref_slice %arg10[%dma_wait3A_313, %dma_wait3A_314] : memref<10016x16xf32, #tpu.memory_space<vmem_shared>> -> memref<10016x16xf32, #tpu.memory_space<vmem_shared>>
        tpu.wait_indirect_dma semaphore(%arg13 : memref<!tpu.dma_semaphore, #tpu.memory_space<semaphore_mem>>) src(%dma_wait3A_309 : memref<128x16xf32, #tpu.memory_space<vmem>>) dst(%dma_wait3A_315 : memref<10016x16xf32, #tpu.memory_space<vmem_shared>>)
      } else {
      }
      %mul3A_298 = arith.constant 8 : i32
      %mul3A_299 = arith.muli %add3A_17, %mul3A_298 : i32
      %add3A_300 = arith.constant 7 : i32
      %add3A_301 = arith.addi %mul3A_299, %add3A_300 : i32
      %lt3A_302 = arith.constant 1280 : i32
      %lt3A_303 = arith.cmpi slt, %add3A_301, %lt3A_302 : i32
      %convert_element_type3A_304 = arith.extui %lt3A_303 : i1 to i32
      %cond3A_305 = arith.constant 0 : i32
      %cond3A_306 = arith.cmpi ne, %convert_element_type3A_304, %cond3A_305 : i32
      scf.if %cond3A_306 {
        %dma_wait3A = arith.constant 7 : i32
        %dma_wait3A_307 = arith.constant 896 : i32
        %dma_wait3A_308 = arith.constant 0 : i32
        %dma_wait3A_309 = tpu.memref_slice %arg8[%dma_wait3A_307, %dma_wait3A_308] : memref<1024x16xf32, #tpu.memory_space<vmem>> -> memref<128x16xf32, #tpu.memory_space<vmem>>
        %dma_wait3A_310 = arith.constant 0 : i32
        %dma_wait3A_311 = tpu.memref_slice %arg7[%dma_wait3A, %dma_wait3A_310] : memref<8x128xi32, #tpu.memory_space<vmem>> -> memref<1x128xi32, #tpu.memory_space<vmem>>
        %dma_wait3A_312 = tpu.memref_squeeze %dma_wait3A_311 : memref<1x128xi32, #tpu.memory_space<vmem>> -> memref<128xi32, #tpu.memory_space<vmem>>
        %dma_wait3A_313 = arith.constant 0 : i32
        %dma_wait3A_314 = arith.constant 0 : i32
        %dma_wait3A_315 = tpu.memref_slice %arg10[%dma_wait3A_313, %dma_wait3A_314] : memref<10016x16xf32, #tpu.memory_space<vmem_shared>> -> memref<10016x16xf32, #tpu.memory_space<vmem_shared>>
        tpu.wait_indirect_dma semaphore(%arg13 : memref<!tpu.dma_semaphore, #tpu.memory_space<semaphore_mem>>) src(%dma_wait3A_309 : memref<128x16xf32, #tpu.memory_space<vmem>>) dst(%dma_wait3A_315 : memref<10016x16xf32, #tpu.memory_space<vmem_shared>>)
      } else {
      }
    }
    %scan3A_7 = arith.constant 5 : i32
    %barrier3A_8 = arith.constant 0 : index
    tpu.barrier barrier_id(%barrier3A_8)
    %eq3A_9 = arith.constant 0 : i32
    %eq3A_10 = arith.cmpi eq, %arg1, %eq3A_9 : i32
    %convert_element_type3A_11 = arith.extui %eq3A_10 : i1 to i32
    %cond3A_12 = arith.constant 0 : i32
    %cond3A_13 = arith.cmpi ne, %convert_element_type3A_11, %cond3A_12 : i32
    scf.if %cond3A_13 {
      "tpu.region"() ({
        %run_scoped3A = tpu.sem_alloc : memref<!tpu.dma_semaphore, #tpu.memory_space<semaphore_mem>>
        %dma_start3A = arith.constant 0 : i32
        %dma_start3A_14 = arith.constant 0 : i32
        %dma_start3A_15 = tpu.memref_slice %arg6[%arg0, %dma_start3A, %dma_start3A_14] : memref<2x10016x16xf32, #tpu.memory_space<hbm>> -> memref<1x10016x16xf32, #tpu.memory_space<hbm>>
        %dma_start3A_16 = tpu.memref_squeeze %dma_start3A_15 : memref<1x10016x16xf32, #tpu.memory_space<hbm>> -> memref<10016x16xf32, #tpu.memory_space<hbm>>
        tpu.enqueue_dma source(%arg10 : memref<10016x16xf32, #tpu.memory_space<vmem_shared>>) target(%dma_start3A_16 : memref<10016x16xf32, #tpu.memory_space<hbm>>) target_semaphore(%run_scoped3A : memref<!tpu.dma_semaphore, #tpu.memory_space<semaphore_mem>>)
        %dma_wait3A = arith.constant 0 : i32
        %dma_wait3A_17 = arith.constant 0 : i32
        %dma_wait3A_18 = tpu.memref_slice %arg6[%arg0, %dma_wait3A, %dma_wait3A_17] : memref<2x10016x16xf32, #tpu.memory_space<hbm>> -> memref<1x10016x16xf32, #tpu.memory_space<hbm>>
        %dma_wait3A_19 = tpu.memref_squeeze %dma_wait3A_18 : memref<1x10016x16xf32, #tpu.memory_space<hbm>> -> memref<10016x16xf32, #tpu.memory_space<hbm>>
        tpu.wait_dma2 semaphore(%run_scoped3A : memref<!tpu.dma_semaphore, #tpu.memory_space<semaphore_mem>>) src(%arg10 : memref<10016x16xf32, #tpu.memory_space<vmem_shared>>) dst(%dma_wait3A_19 : memref<10016x16xf32, #tpu.memory_space<hbm>>)
        tpu.yield
      }) : () -> ()
    } else {
    }
    return
  }
}

module attributes {stable_mosaic.version = 14 : i64} {
  func.func @_gram_body(%arg0: i32, %arg1: memref<16x32000xf32, #tpu.memory_space<vmem>>, %arg2: memref<16x16xf32, #tpu.memory_space<vmem>>, %arg3: memref<16x1xf32, #tpu.memory_space<vmem>>, %arg4: memref<16x16xf32, #tpu.memory_space<vmem>>, %arg5: memref<16x1xf32, #tpu.memory_space<vmem>>) attributes {dimension_semantics = [#tpu.dimension_semantics<arbitrary>], iteration_bounds = array<i64: 5>, scalar_prefetch = 0 : i64, scratch_operands = 2 : i64, tpu.core_type = #tpu.core_type<tc>, window_params = [{transform_indices = @transform_0, window_bounds = array<i64: 16, 32000>}, {pipeline_mode = #tpu.pipeline_mode<synchronous>, transform_indices = @transform_1, window_bounds = array<i64: 16, 16>}, {pipeline_mode = #tpu.pipeline_mode<synchronous>, transform_indices = @transform_2, window_bounds = array<i64: 16, 1>}]} {
    %eq3A = arith.constant 0 : i32
    %eq3A_0 = arith.cmpi eq, %arg0, %eq3A : i32
    %convert_element_type3A = arith.extui %eq3A_0 : i1 to i32
    %cond3A = arith.constant 0 : i32
    %cond3A_1 = arith.cmpi ne, %convert_element_type3A, %cond3A : i32
    scf.if %cond3A_1 {
      %broadcast_in_dim3A_23 = arith.constant 0.000000e+00 : f32
      %broadcast_in_dim3A_24 = vector.broadcast %broadcast_in_dim3A_23 : f32 to vector<16x16xf32>
      %swap3A_25 = arith.constant 0 : index
      %swap3A_26 = arith.constant 0 : index
      %swap3A_27 = vector.load %arg4[%swap3A_25, %swap3A_26] : memref<16x16xf32, #tpu.memory_space<vmem>>, vector<16x16xf32>
      tpu.vector_store %arg4[%swap3A_25, %swap3A_26], %broadcast_in_dim3A_24 {strides = array<i32>} : memref<16x16xf32, #tpu.memory_space<vmem>>, vector<16x16xf32>,
      %broadcast_in_dim3A_28 = arith.constant 0.000000e+00 : f32
      %broadcast_in_dim3A_29 = vector.broadcast %broadcast_in_dim3A_28 : f32 to vector<16x1xf32>
      %swap3A_30 = arith.constant 0 : index
      %swap3A_31 = arith.constant 0 : index
      %swap3A_32 = vector.load %arg5[%swap3A_30, %swap3A_31] : memref<16x1xf32, #tpu.memory_space<vmem>>, vector<16x1xf32>
      tpu.vector_store %arg5[%swap3A_30, %swap3A_31], %broadcast_in_dim3A_29 {strides = array<i32>} : memref<16x1xf32, #tpu.memory_space<vmem>>, vector<16x1xf32>,
    } else {
    }
    %get3A = arith.constant 0 : index
    %get3A_2 = arith.constant 0 : index
    %get3A_3 = vector.load %arg1[%get3A, %get3A_2] : memref<16x32000xf32, #tpu.memory_space<vmem>>, vector<16x32000xf32>
    %get3A_4 = arith.constant 0 : index
    %get3A_5 = arith.constant 0 : index
    %get3A_6 = vector.load %arg4[%get3A_4, %get3A_5] : memref<16x16xf32, #tpu.memory_space<vmem>>, vector<16x16xf32>
    %dot_general3A = arith.constant dense<0.000000e+00> : vector<16x16xf32>
    %dot_general3A_7 = tpu.matmul %get3A_3, %get3A_3, %dot_general3A {dimension_numbers = #tpu.dot_dimension_numbers<[1], [1], [0], [0], [0, 0, 1, 0], [], []>, transpose_lhs_hint = false} : vector<16x32000xf32>, vector<16x32000xf32>, vector<16x16xf32> -> vector<16x16xf32>
    %add3A = arith.addf %get3A_6, %dot_general3A_7 : vector<16x16xf32>
    %swap3A = arith.constant 0 : index
    %swap3A_8 = arith.constant 0 : index
    %swap3A_9 = vector.load %arg4[%swap3A, %swap3A_8] : memref<16x16xf32, #tpu.memory_space<vmem>>, vector<16x16xf32>
    tpu.vector_store %arg4[%swap3A, %swap3A_8], %add3A {strides = array<i32>} : memref<16x16xf32, #tpu.memory_space<vmem>>, vector<16x16xf32>,
    %get3A_10 = arith.constant 0 : index
    %get3A_11 = arith.constant 0 : index
    %get3A_12 = vector.load %arg5[%get3A_10, %get3A_11] : memref<16x1xf32, #tpu.memory_space<vmem>>, vector<16x1xf32>
    %reduce_sum3A = arith.constant dense<0.000000e+00> : vector<16xf32>
    %reduce_sum3A_13 = vector.multi_reduction <add>, %get3A_3, %reduce_sum3A [1] : vector<16x32000xf32> to vector<16xf32>
    %broadcast_in_dim3A = vector.shape_cast %reduce_sum3A_13 : vector<16xf32> to vector<16x1xf32>
    %add3A_14 = arith.addf %get3A_12, %broadcast_in_dim3A : vector<16x1xf32>
    %swap3A_15 = arith.constant 0 : index
    %swap3A_16 = arith.constant 0 : index
    %swap3A_17 = vector.load %arg5[%swap3A_15, %swap3A_16] : memref<16x1xf32, #tpu.memory_space<vmem>>, vector<16x1xf32>
    tpu.vector_store %arg5[%swap3A_15, %swap3A_16], %add3A_14 {strides = array<i32>} : memref<16x1xf32, #tpu.memory_space<vmem>>, vector<16x1xf32>,
    %eq3A_18 = arith.constant 4 : i32
    %eq3A_19 = arith.cmpi eq, %arg0, %eq3A_18 : i32
    %convert_element_type3A_20 = arith.extui %eq3A_19 : i1 to i32
    %cond3A_21 = arith.constant 0 : i32
    %cond3A_22 = arith.cmpi ne, %convert_element_type3A_20, %cond3A_21 : i32
    scf.if %cond3A_22 {
      %get3A_23 = arith.constant 0 : index
      %get3A_24 = arith.constant 0 : index
      %get3A_25 = vector.load %arg4[%get3A_23, %get3A_24] : memref<16x16xf32, #tpu.memory_space<vmem>>, vector<16x16xf32>
      %swap3A_26 = arith.constant 0 : index
      %swap3A_27 = arith.constant 0 : index
      %swap3A_28 = vector.load %arg2[%swap3A_26, %swap3A_27] : memref<16x16xf32, #tpu.memory_space<vmem>>, vector<16x16xf32>
      tpu.vector_store %arg2[%swap3A_26, %swap3A_27], %get3A_25 {strides = array<i32>} : memref<16x16xf32, #tpu.memory_space<vmem>>, vector<16x16xf32>,
      %get3A_29 = arith.constant 0 : index
      %get3A_30 = arith.constant 0 : index
      %get3A_31 = vector.load %arg5[%get3A_29, %get3A_30] : memref<16x1xf32, #tpu.memory_space<vmem>>, vector<16x1xf32>
      %swap3A_32 = arith.constant 0 : index
      %swap3A_33 = arith.constant 0 : index
      %swap3A_34 = vector.load %arg3[%swap3A_32, %swap3A_33] : memref<16x1xf32, #tpu.memory_space<vmem>>, vector<16x1xf32>
      tpu.vector_store %arg3[%swap3A_32, %swap3A_33], %get3A_31 {strides = array<i32>} : memref<16x1xf32, #tpu.memory_space<vmem>>, vector<16x1xf32>,
    } else {
    }
    return
  }
  func.func @transform_0(%arg0: i32) -> (i32, i32) {
    %c0_i32 = arith.constant 0 : i32
    %c0_i32_0 = arith.constant 0 : i32
    return %c0_i32, %arg0 : i32, i32
  }
  func.func @transform_1(%arg0: i32) -> (i32, i32) {
    %c0_i32 = arith.constant 0 : i32
    %c0_i32_0 = arith.constant 0 : i32
    %c0_i32_1 = arith.constant 0 : i32
    return %c0_i32, %c0_i32_0 : i32, i32
  }
  func.func @transform_2(%arg0: i32) -> (i32, i32) {
    %c0_i32 = arith.constant 0 : i32
    %c0_i32_0 = arith.constant 0 : i32
    %c0_i32_1 = arith.constant 0 : i32
    return %c0_i32, %c0_i32_0 : i32, i32
  }
}

module attributes {stable_mosaic.version = 14 : i64} {
  func.func @_edge_body(%arg0: i32, %arg1: memref<16x1280xf32, #tpu.memory_space<vmem>>, %arg2: memref<16x1280xf32, #tpu.memory_space<vmem>>, %arg3: memref<16x1280xf32, #tpu.memory_space<vmem>>, %arg4: memref<16x1280xf32, #tpu.memory_space<vmem>>, %arg5: memref<16x1280xf32, #tpu.memory_space<vmem>>, %arg6: memref<16x1280xf32, #tpu.memory_space<vmem>>, %arg7: memref<16x1280xf32, #tpu.memory_space<vmem>>, %arg8: memref<16x1280xf32, #tpu.memory_space<vmem>>, %arg9: memref<1280x128xf32, #tpu.memory_space<vmem>>, %arg10: memref<1280x128xf32, #tpu.memory_space<vmem>>, %arg11: memref<16x256xf32, #tpu.memory_space<vmem>>, %arg12: memref<1x256xf32, #tpu.memory_space<vmem>>, %arg13: memref<128x1024xf32, #tpu.memory_space<vmem>>, %arg14: memref<1024x64xf32, #tpu.memory_space<vmem>>, %arg15: memref<128x64xf32, #tpu.memory_space<vmem>>, %arg16: memref<1280x128xf32, #tpu.memory_space<vmem>>) attributes {dimension_semantics = [#tpu.dimension_semantics<arbitrary>], iteration_bounds = array<i64: 16>, scalar_prefetch = 0 : i64, scratch_operands = 0 : i64, tpu.core_type = #tpu.core_type<tc>, window_params = [{transform_indices = @transform_0, window_bounds = array<i64: 16, 1280>}, {transform_indices = @transform_1, window_bounds = array<i64: 16, 1280>}, {transform_indices = @transform_2, window_bounds = array<i64: 16, 1280>}, {transform_indices = @transform_3, window_bounds = array<i64: 16, 1280>}, {transform_indices = @transform_4, window_bounds = array<i64: 16, 1280>}, {transform_indices = @transform_5, window_bounds = array<i64: 16, 1280>}, {transform_indices = @transform_6, window_bounds = array<i64: 16, 1280>}, {transform_indices = @transform_7, window_bounds = array<i64: 16, 1280>}, {transform_indices = @transform_8, window_bounds = array<i64: 1280, 128>}, {transform_indices = @transform_9, window_bounds = array<i64: 1280, 128>}, {pipeline_mode = #tpu.pipeline_mode<synchronous>, transform_indices = @transform_10, window_bounds = array<i64: 16, 256>}, {pipeline_mode = #tpu.pipeline_mode<synchronous>, transform_indices = @transform_11, window_bounds = array<i64: 1, 256>}, {pipeline_mode = #tpu.pipeline_mode<synchronous>, transform_indices = @transform_12, window_bounds = array<i64: 128, 1024>}, {pipeline_mode = #tpu.pipeline_mode<synchronous>, transform_indices = @transform_13, window_bounds = array<i64: 1024, 64>}, {pipeline_mode = #tpu.pipeline_mode<synchronous>, transform_indices = @transform_14, window_bounds = array<i64: 128, 64>}, {transform_indices = @transform_15, window_bounds = array<i64: 1280, 128>}]} {
    %get3A = arith.constant 0 : index
    %get3A_0 = arith.constant 0 : index
    %get3A_1 = vector.load %arg9[%get3A, %get3A_0] : memref<1280x128xf32, #tpu.memory_space<vmem>>, vector<1280x128xf32>
    %get3A_2 = arith.constant 0 : index
    %get3A_3 = arith.constant 0 : index
    %get3A_4 = vector.load %arg13[%get3A_2, %get3A_3] : memref<128x1024xf32, #tpu.memory_space<vmem>>, vector<128x1024xf32>
    %dot_general3A = arith.constant dense<0.000000e+00> : vector<1280x1024xf32>
    %dot_general3A_5 = tpu.matmul %get3A_1, %get3A_4, %dot_general3A {dimension_numbers = #tpu.dot_dimension_numbers<[1], [0], [0], [1], [0, 0, 1, 1], [], []>, transpose_lhs_hint = false} : vector<1280x128xf32>, vector<128x1024xf32>, vector<1280x1024xf32> -> vector<1280x1024xf32>
    %get3A_6 = arith.constant 0 : index
    %get3A_7 = arith.constant 0 : index
    %get3A_8 = vector.load %arg1[%get3A_6, %get3A_7] : memref<16x1280xf32, #tpu.memory_space<vmem>>, vector<16x1280xf32>
    %get3A_9 = arith.constant 0 : index
    %get3A_10 = arith.constant 0 : index
    %get3A_11 = vector.load %arg11[%get3A_9, %get3A_10] : memref<16x256xf32, #tpu.memory_space<vmem>>, vector<16x256xf32>
    %dot_general3A_12 = arith.constant dense<0.000000e+00> : vector<1280x256xf32>
    %dot_general3A_13 = tpu.matmul %get3A_8, %get3A_11, %dot_general3A_12 {dimension_numbers = #tpu.dot_dimension_numbers<[0], [0], [1], [1], [0, 1, 1, 1], [], []>, transpose_lhs_hint = false} : vector<16x1280xf32>, vector<16x256xf32>, vector<1280x256xf32> -> vector<1280x256xf32>
    %get3A_14 = arith.constant 0 : index
    %get3A_15 = arith.constant 0 : index
    %get3A_16 = vector.load %arg12[%get3A_14, %get3A_15] : memref<1x256xf32, #tpu.memory_space<vmem>>, vector<1x256xf32>
    %add3A = vector.broadcast %get3A_16 : vector<1x256xf32> to vector<1280x256xf32>
    %add3A_17 = arith.addf %dot_general3A_13, %add3A : vector<1280x256xf32>
    %max3A = arith.constant 0.000000e+00 : f32
    %max3A_18 = vector.broadcast %max3A : f32 to vector<1280x256xf32>
    %max3A_19 = arith.maximumf %add3A_17, %max3A_18 : vector<1280x256xf32>
    %get3A_20 = arith.constant 0 : index
    %get3A_21 = arith.constant 0 : index
    %get3A_22 = vector.load %arg2[%get3A_20, %get3A_21] : memref<16x1280xf32, #tpu.memory_space<vmem>>, vector<16x1280xf32>
    %get3A_23 = arith.constant 0 : index
    %get3A_24 = arith.constant 0 : index
    %get3A_25 = vector.load %arg11[%get3A_23, %get3A_24] : memref<16x256xf32, #tpu.memory_space<vmem>>, vector<16x256xf32>
    %dot_general3A_26 = arith.constant dense<0.000000e+00> : vector<1280x256xf32>
    %dot_general3A_27 = tpu.matmul %get3A_22, %get3A_25, %dot_general3A_26 {dimension_numbers = #tpu.dot_dimension_numbers<[0], [0], [1], [1], [0, 1, 1, 1], [], []>, transpose_lhs_hint = false} : vector<16x1280xf32>, vector<16x256xf32>, vector<1280x256xf32> -> vector<1280x256xf32>
    %get3A_28 = arith.constant 0 : index
    %get3A_29 = arith.constant 0 : index
    %get3A_30 = vector.load %arg12[%get3A_28, %get3A_29] : memref<1x256xf32, #tpu.memory_space<vmem>>, vector<1x256xf32>
    %add3A_31 = vector.broadcast %get3A_30 : vector<1x256xf32> to vector<1280x256xf32>
    %add3A_32 = arith.addf %dot_general3A_27, %add3A_31 : vector<1280x256xf32>
    %max3A_33 = arith.constant 0.000000e+00 : f32
    %max3A_34 = vector.broadcast %max3A_33 : f32 to vector<1280x256xf32>
    %max3A_35 = arith.maximumf %add3A_32, %max3A_34 : vector<1280x256xf32>
    %get3A_36 = arith.constant 0 : index
    %get3A_37 = arith.constant 0 : index
    %get3A_38 = vector.load %arg3[%get3A_36, %get3A_37] : memref<16x1280xf32, #tpu.memory_space<vmem>>, vector<16x1280xf32>
    %get3A_39 = arith.constant 0 : index
    %get3A_40 = arith.constant 0 : index
    %get3A_41 = vector.load %arg11[%get3A_39, %get3A_40] : memref<16x256xf32, #tpu.memory_space<vmem>>, vector<16x256xf32>
    %dot_general3A_42 = arith.constant dense<0.000000e+00> : vector<1280x256xf32>
    %dot_general3A_43 = tpu.matmul %get3A_38, %get3A_41, %dot_general3A_42 {dimension_numbers = #tpu.dot_dimension_numbers<[0], [0], [1], [1], [0, 1, 1, 1], [], []>, transpose_lhs_hint = false} : vector<16x1280xf32>, vector<16x256xf32>, vector<1280x256xf32> -> vector<1280x256xf32>
    %get3A_44 = arith.constant 0 : index
    %get3A_45 = arith.constant 0 : index
    %get3A_46 = vector.load %arg12[%get3A_44, %get3A_45] : memref<1x256xf32, #tpu.memory_space<vmem>>, vector<1x256xf32>
    %add3A_47 = vector.broadcast %get3A_46 : vector<1x256xf32> to vector<1280x256xf32>
    %add3A_48 = arith.addf %dot_general3A_43, %add3A_47 : vector<1280x256xf32>
    %max3A_49 = arith.constant 0.000000e+00 : f32
    %max3A_50 = vector.broadcast %max3A_49 : f32 to vector<1280x256xf32>
    %max3A_51 = arith.maximumf %add3A_48, %max3A_50 : vector<1280x256xf32>
    %get3A_52 = arith.constant 0 : index
    %get3A_53 = arith.constant 0 : index
    %get3A_54 = vector.load %arg4[%get3A_52, %get3A_53] : memref<16x1280xf32, #tpu.memory_space<vmem>>, vector<16x1280xf32>
    %get3A_55 = arith.constant 0 : index
    %get3A_56 = arith.constant 0 : index
    %get3A_57 = vector.load %arg11[%get3A_55, %get3A_56] : memref<16x256xf32, #tpu.memory_space<vmem>>, vector<16x256xf32>
    %dot_general3A_58 = arith.constant dense<0.000000e+00> : vector<1280x256xf32>
    %dot_general3A_59 = tpu.matmul %get3A_54, %get3A_57, %dot_general3A_58 {dimension_numbers = #tpu.dot_dimension_numbers<[0], [0], [1], [1], [0, 1, 1, 1], [], []>, transpose_lhs_hint = false} : vector<16x1280xf32>, vector<16x256xf32>, vector<1280x256xf32> -> vector<1280x256xf32>
    %get3A_60 = arith.constant 0 : index
    %get3A_61 = arith.constant 0 : index
    %get3A_62 = vector.load %arg12[%get3A_60, %get3A_61] : memref<1x256xf32, #tpu.memory_space<vmem>>, vector<1x256xf32>
    %add3A_63 = vector.broadcast %get3A_62 : vector<1x256xf32> to vector<1280x256xf32>
    %add3A_64 = arith.addf %dot_general3A_59, %add3A_63 : vector<1280x256xf32>
    %max3A_65 = arith.constant 0.000000e+00 : f32
    %max3A_66 = vector.broadcast %max3A_65 : f32 to vector<1280x256xf32>
    %max3A_67 = arith.maximumf %add3A_64, %max3A_66 : vector<1280x256xf32>
    %concatenate3A = tpu.concatenate %max3A_19, %max3A_35, %max3A_51, %max3A_67 in 1 : vector<1280x256xf32>, vector<1280x256xf32>, vector<1280x256xf32>, vector<1280x256xf32> -> vector<1280x1024xf32>
    %mul3A = arith.mulf %concatenate3A, %dot_general3A_5 : vector<1280x1024xf32>
    %get3A_68 = arith.constant 0 : index
    %get3A_69 = arith.constant 0 : index
    %get3A_70 = vector.load %arg14[%get3A_68, %get3A_69] : memref<1024x64xf32, #tpu.memory_space<vmem>>, vector<1024x64xf32>
    %dot_general3A_71 = arith.constant dense<0.000000e+00> : vector<1280x64xf32>
    %dot_general3A_72 = tpu.matmul %mul3A, %get3A_70, %dot_general3A_71 {dimension_numbers = #tpu.dot_dimension_numbers<[1], [0], [0], [1], [0, 0, 1, 1], [], []>, transpose_lhs_hint = false} : vector<1280x1024xf32>, vector<1024x64xf32>, vector<1280x64xf32> -> vector<1280x64xf32>
    %get3A_73 = arith.constant 0 : index
    %get3A_74 = arith.constant 0 : index
    %get3A_75 = vector.load %arg15[%get3A_73, %get3A_74] : memref<128x64xf32, #tpu.memory_space<vmem>>, vector<128x64xf32>
    %dot_general3A_76 = arith.constant dense<0.000000e+00> : vector<1280x64xf32>
    %dot_general3A_77 = tpu.matmul %get3A_1, %get3A_75, %dot_general3A_76 {dimension_numbers = #tpu.dot_dimension_numbers<[1], [0], [0], [1], [0, 0, 1, 1], [], []>, transpose_lhs_hint = false} : vector<1280x128xf32>, vector<128x64xf32>, vector<1280x64xf32> -> vector<1280x64xf32>
    %add3A_78 = arith.addf %dot_general3A_72, %dot_general3A_77 : vector<1280x64xf32>
    %get3A_79 = arith.constant 0 : index
    %get3A_80 = arith.constant 0 : index
    %get3A_81 = vector.load %arg10[%get3A_79, %get3A_80] : memref<1280x128xf32, #tpu.memory_space<vmem>>, vector<1280x128xf32>
    %get3A_82 = arith.constant 0 : index
    %get3A_83 = arith.constant 0 : index
    %get3A_84 = vector.load %arg13[%get3A_82, %get3A_83] : memref<128x1024xf32, #tpu.memory_space<vmem>>, vector<128x1024xf32>
    %dot_general3A_85 = arith.constant dense<0.000000e+00> : vector<1280x1024xf32>
    %dot_general3A_86 = tpu.matmul %get3A_81, %get3A_84, %dot_general3A_85 {dimension_numbers = #tpu.dot_dimension_numbers<[1], [0], [0], [1], [0, 0, 1, 1], [], []>, transpose_lhs_hint = false} : vector<1280x128xf32>, vector<128x1024xf32>, vector<1280x1024xf32> -> vector<1280x1024xf32>
    %get3A_87 = arith.constant 0 : index
    %get3A_88 = arith.constant 0 : index
    %get3A_89 = vector.load %arg5[%get3A_87, %get3A_88] : memref<16x1280xf32, #tpu.memory_space<vmem>>, vector<16x1280xf32>
    %get3A_90 = arith.constant 0 : index
    %get3A_91 = arith.constant 0 : index
    %get3A_92 = vector.load %arg11[%get3A_90, %get3A_91] : memref<16x256xf32, #tpu.memory_space<vmem>>, vector<16x256xf32>
    %dot_general3A_93 = arith.constant dense<0.000000e+00> : vector<1280x256xf32>
    %dot_general3A_94 = tpu.matmul %get3A_89, %get3A_92, %dot_general3A_93 {dimension_numbers = #tpu.dot_dimension_numbers<[0], [0], [1], [1], [0, 1, 1, 1], [], []>, transpose_lhs_hint = false} : vector<16x1280xf32>, vector<16x256xf32>, vector<1280x256xf32> -> vector<1280x256xf32>
    %get3A_95 = arith.constant 0 : index
    %get3A_96 = arith.constant 0 : index
    %get3A_97 = vector.load %arg12[%get3A_95, %get3A_96] : memref<1x256xf32, #tpu.memory_space<vmem>>, vector<1x256xf32>
    %add3A_98 = vector.broadcast %get3A_97 : vector<1x256xf32> to vector<1280x256xf32>
    %add3A_99 = arith.addf %dot_general3A_94, %add3A_98 : vector<1280x256xf32>
    %max3A_100 = arith.constant 0.000000e+00 : f32
    %max3A_101 = vector.broadcast %max3A_100 : f32 to vector<1280x256xf32>
    %max3A_102 = arith.maximumf %add3A_99, %max3A_101 : vector<1280x256xf32>
    %get3A_103 = arith.constant 0 : index
    %get3A_104 = arith.constant 0 : index
    %get3A_105 = vector.load %arg6[%get3A_103, %get3A_104] : memref<16x1280xf32, #tpu.memory_space<vmem>>, vector<16x1280xf32>
    %get3A_106 = arith.constant 0 : index
    %get3A_107 = arith.constant 0 : index
    %get3A_108 = vector.load %arg11[%get3A_106, %get3A_107] : memref<16x256xf32, #tpu.memory_space<vmem>>, vector<16x256xf32>
    %dot_general3A_109 = arith.constant dense<0.000000e+00> : vector<1280x256xf32>
    %dot_general3A_110 = tpu.matmul %get3A_105, %get3A_108, %dot_general3A_109 {dimension_numbers = #tpu.dot_dimension_numbers<[0], [0], [1], [1], [0, 1, 1, 1], [], []>, transpose_lhs_hint = false} : vector<16x1280xf32>, vector<16x256xf32>, vector<1280x256xf32> -> vector<1280x256xf32>
    %get3A_111 = arith.constant 0 : index
    %get3A_112 = arith.constant 0 : index
    %get3A_113 = vector.load %arg12[%get3A_111, %get3A_112] : memref<1x256xf32, #tpu.memory_space<vmem>>, vector<1x256xf32>
    %add3A_114 = vector.broadcast %get3A_113 : vector<1x256xf32> to vector<1280x256xf32>
    %add3A_115 = arith.addf %dot_general3A_110, %add3A_114 : vector<1280x256xf32>
    %max3A_116 = arith.constant 0.000000e+00 : f32
    %max3A_117 = vector.broadcast %max3A_116 : f32 to vector<1280x256xf32>
    %max3A_118 = arith.maximumf %add3A_115, %max3A_117 : vector<1280x256xf32>
    %get3A_119 = arith.constant 0 : index
    %get3A_120 = arith.constant 0 : index
    %get3A_121 = vector.load %arg7[%get3A_119, %get3A_120] : memref<16x1280xf32, #tpu.memory_space<vmem>>, vector<16x1280xf32>
    %get3A_122 = arith.constant 0 : index
    %get3A_123 = arith.constant 0 : index
    %get3A_124 = vector.load %arg11[%get3A_122, %get3A_123] : memref<16x256xf32, #tpu.memory_space<vmem>>, vector<16x256xf32>
    %dot_general3A_125 = arith.constant dense<0.000000e+00> : vector<1280x256xf32>
    %dot_general3A_126 = tpu.matmul %get3A_121, %get3A_124, %dot_general3A_125 {dimension_numbers = #tpu.dot_dimension_numbers<[0], [0], [1], [1], [0, 1, 1, 1], [], []>, transpose_lhs_hint = false} : vector<16x1280xf32>, vector<16x256xf32>, vector<1280x256xf32> -> vector<1280x256xf32>
    %get3A_127 = arith.constant 0 : index
    %get3A_128 = arith.constant 0 : index
    %get3A_129 = vector.load %arg12[%get3A_127, %get3A_128] : memref<1x256xf32, #tpu.memory_space<vmem>>, vector<1x256xf32>
    %add3A_130 = vector.broadcast %get3A_129 : vector<1x256xf32> to vector<1280x256xf32>
    %add3A_131 = arith.addf %dot_general3A_126, %add3A_130 : vector<1280x256xf32>
    %max3A_132 = arith.constant 0.000000e+00 : f32
    %max3A_133 = vector.broadcast %max3A_132 : f32 to vector<1280x256xf32>
    %max3A_134 = arith.maximumf %add3A_131, %max3A_133 : vector<1280x256xf32>
    %get3A_135 = arith.constant 0 : index
    %get3A_136 = arith.constant 0 : index
    %get3A_137 = vector.load %arg8[%get3A_135, %get3A_136] : memref<16x1280xf32, #tpu.memory_space<vmem>>, vector<16x1280xf32>
    %get3A_138 = arith.constant 0 : index
    %get3A_139 = arith.constant 0 : index
    %get3A_140 = vector.load %arg11[%get3A_138, %get3A_139] : memref<16x256xf32, #tpu.memory_space<vmem>>, vector<16x256xf32>
    %dot_general3A_141 = arith.constant dense<0.000000e+00> : vector<1280x256xf32>
    %dot_general3A_142 = tpu.matmul %get3A_137, %get3A_140, %dot_general3A_141 {dimension_numbers = #tpu.dot_dimension_numbers<[0], [0], [1], [1], [0, 1, 1, 1], [], []>, transpose_lhs_hint = false} : vector<16x1280xf32>, vector<16x256xf32>, vector<1280x256xf32> -> vector<1280x256xf32>
    %get3A_143 = arith.constant 0 : index
    %get3A_144 = arith.constant 0 : index
    %get3A_145 = vector.load %arg12[%get3A_143, %get3A_144] : memref<1x256xf32, #tpu.memory_space<vmem>>, vector<1x256xf32>
    %add3A_146 = vector.broadcast %get3A_145 : vector<1x256xf32> to vector<1280x256xf32>
    %add3A_147 = arith.addf %dot_general3A_142, %add3A_146 : vector<1280x256xf32>
    %max3A_148 = arith.constant 0.000000e+00 : f32
    %max3A_149 = vector.broadcast %max3A_148 : f32 to vector<1280x256xf32>
    %max3A_150 = arith.maximumf %add3A_147, %max3A_149 : vector<1280x256xf32>
    %concatenate3A_151 = tpu.concatenate %max3A_102, %max3A_118, %max3A_134, %max3A_150 in 1 : vector<1280x256xf32>, vector<1280x256xf32>, vector<1280x256xf32>, vector<1280x256xf32> -> vector<1280x1024xf32>
    %mul3A_152 = arith.mulf %concatenate3A_151, %dot_general3A_86 : vector<1280x1024xf32>
    %get3A_153 = arith.constant 0 : index
    %get3A_154 = arith.constant 0 : index
    %get3A_155 = vector.load %arg14[%get3A_153, %get3A_154] : memref<1024x64xf32, #tpu.memory_space<vmem>>, vector<1024x64xf32>
    %dot_general3A_156 = arith.constant dense<0.000000e+00> : vector<1280x64xf32>
    %dot_general3A_157 = tpu.matmul %mul3A_152, %get3A_155, %dot_general3A_156 {dimension_numbers = #tpu.dot_dimension_numbers<[1], [0], [0], [1], [0, 0, 1, 1], [], []>, transpose_lhs_hint = false} : vector<1280x1024xf32>, vector<1024x64xf32>, vector<1280x64xf32> -> vector<1280x64xf32>
    %get3A_158 = arith.constant 0 : index
    %get3A_159 = arith.constant 0 : index
    %get3A_160 = vector.load %arg15[%get3A_158, %get3A_159] : memref<128x64xf32, #tpu.memory_space<vmem>>, vector<128x64xf32>
    %dot_general3A_161 = arith.constant dense<0.000000e+00> : vector<1280x64xf32>
    %dot_general3A_162 = tpu.matmul %get3A_81, %get3A_160, %dot_general3A_161 {dimension_numbers = #tpu.dot_dimension_numbers<[1], [0], [0], [1], [0, 0, 1, 1], [], []>, transpose_lhs_hint = false} : vector<1280x128xf32>, vector<128x64xf32>, vector<1280x64xf32> -> vector<1280x64xf32>
    %add3A_163 = arith.addf %dot_general3A_157, %dot_general3A_162 : vector<1280x64xf32>
    %concatenate3A_164 = tpu.concatenate %add3A_78, %add3A_163 in 1 : vector<1280x64xf32>, vector<1280x64xf32> -> vector<1280x128xf32>
    %swap3A = arith.constant 0 : index
    %swap3A_165 = arith.constant 0 : index
    %swap3A_166 = vector.load %arg16[%swap3A, %swap3A_165] : memref<1280x128xf32, #tpu.memory_space<vmem>>, vector<1280x128xf32>
    tpu.vector_store %arg16[%swap3A, %swap3A_165], %concatenate3A_164 {strides = array<i32>} : memref<1280x128xf32, #tpu.memory_space<vmem>>, vector<1280x128xf32>,
    return
  }
  func.func @transform_0(%arg0: i32) -> (i32, i32) {
    %add3A = arith.constant 0 : i32
    %add3A_0 = arith.addi %add3A, %arg0 : i32
    %min3A = arith.constant 124 : i32
    %min3A_1 = arith.minsi %add3A_0, %min3A : i32
    %c0_i32 = arith.constant 0 : i32
    %c0_i32_2 = arith.constant 0 : i32
    return %c0_i32, %min3A_1 : i32, i32
  }
  func.func @transform_1(%arg0: i32) -> (i32, i32) {
    %add3A = arith.constant 16 : i32
    %add3A_0 = arith.addi %add3A, %arg0 : i32
    %min3A = arith.constant 124 : i32
    %min3A_1 = arith.minsi %add3A_0, %min3A : i32
    %c0_i32 = arith.constant 0 : i32
    %c0_i32_2 = arith.constant 0 : i32
    return %c0_i32, %min3A_1 : i32, i32
  }
  func.func @transform_2(%arg0: i32) -> (i32, i32) {
    %add3A = arith.constant 32 : i32
    %add3A_0 = arith.addi %add3A, %arg0 : i32
    %min3A = arith.constant 124 : i32
    %min3A_1 = arith.minsi %add3A_0, %min3A : i32
    %c0_i32 = arith.constant 0 : i32
    %c0_i32_2 = arith.constant 0 : i32
    return %c0_i32, %min3A_1 : i32, i32
  }
  func.func @transform_3(%arg0: i32) -> (i32, i32) {
    %add3A = arith.constant 48 : i32
    %add3A_0 = arith.addi %add3A, %arg0 : i32
    %min3A = arith.constant 124 : i32
    %min3A_1 = arith.minsi %add3A_0, %min3A : i32
    %c0_i32 = arith.constant 0 : i32
    %c0_i32_2 = arith.constant 0 : i32
    return %c0_i32, %min3A_1 : i32, i32
  }
  func.func @transform_4(%arg0: i32) -> (i32, i32) {
    %add3A = arith.constant 64 : i32
    %add3A_0 = arith.addi %add3A, %arg0 : i32
    %min3A = arith.constant 124 : i32
    %min3A_1 = arith.minsi %add3A_0, %min3A : i32
    %c0_i32 = arith.constant 0 : i32
    %c0_i32_2 = arith.constant 0 : i32
    return %c0_i32, %min3A_1 : i32, i32
  }
  func.func @transform_5(%arg0: i32) -> (i32, i32) {
    %add3A = arith.constant 80 : i32
    %add3A_0 = arith.addi %add3A, %arg0 : i32
    %min3A = arith.constant 124 : i32
    %min3A_1 = arith.minsi %add3A_0, %min3A : i32
    %c0_i32 = arith.constant 0 : i32
    %c0_i32_2 = arith.constant 0 : i32
    return %c0_i32, %min3A_1 : i32, i32
  }
  func.func @transform_6(%arg0: i32) -> (i32, i32) {
    %add3A = arith.constant 96 : i32
    %add3A_0 = arith.addi %add3A, %arg0 : i32
    %min3A = arith.constant 124 : i32
    %min3A_1 = arith.minsi %add3A_0, %min3A : i32
    %c0_i32 = arith.constant 0 : i32
    %c0_i32_2 = arith.constant 0 : i32
    return %c0_i32, %min3A_1 : i32, i32
  }
  func.func @transform_7(%arg0: i32) -> (i32, i32) {
    %add3A = arith.constant 112 : i32
    %add3A_0 = arith.addi %add3A, %arg0 : i32
    %min3A = arith.constant 124 : i32
    %min3A_1 = arith.minsi %add3A_0, %min3A : i32
    %c0_i32 = arith.constant 0 : i32
    %c0_i32_2 = arith.constant 0 : i32
    return %c0_i32, %min3A_1 : i32, i32
  }
  func.func @transform_8(%arg0: i32) -> (i32, i32) {
    %add3A = arith.constant 0 : i32
    %add3A_0 = arith.addi %add3A, %arg0 : i32
    %c0_i32 = arith.constant 0 : i32
    %c0_i32_1 = arith.constant 0 : i32
    return %add3A_0, %c0_i32 : i32, i32
  }
  func.func @transform_9(%arg0: i32) -> (i32, i32) {
    %add3A = arith.constant 16 : i32
    %add3A_0 = arith.addi %add3A, %arg0 : i32
    %c0_i32 = arith.constant 0 : i32
    %c0_i32_1 = arith.constant 0 : i32
    return %add3A_0, %c0_i32 : i32, i32
  }
  func.func @transform_10(%arg0: i32) -> (i32, i32) {
    %c0_i32 = arith.constant 0 : i32
    %c0_i32_0 = arith.constant 0 : i32
    %c0_i32_1 = arith.constant 0 : i32
    return %c0_i32, %c0_i32_0 : i32, i32
  }
  func.func @transform_11(%arg0: i32) -> (i32, i32) {
    %c0_i32 = arith.constant 0 : i32
    %c0_i32_0 = arith.constant 0 : i32
    %c0_i32_1 = arith.constant 0 : i32
    return %c0_i32, %c0_i32_0 : i32, i32
  }
  func.func @transform_12(%arg0: i32) -> (i32, i32) {
    %c0_i32 = arith.constant 0 : i32
    %c0_i32_0 = arith.constant 0 : i32
    %c0_i32_1 = arith.constant 0 : i32
    return %c0_i32, %c0_i32_0 : i32, i32
  }
  func.func @transform_13(%arg0: i32) -> (i32, i32) {
    %c0_i32 = arith.constant 0 : i32
    %c0_i32_0 = arith.constant 0 : i32
    %c0_i32_1 = arith.constant 0 : i32
    return %c0_i32, %c0_i32_0 : i32, i32
  }
  func.func @transform_14(%arg0: i32) -> (i32, i32) {
    %c0_i32 = arith.constant 0 : i32
    %c0_i32_0 = arith.constant 0 : i32
    %c0_i32_1 = arith.constant 0 : i32
    return %c0_i32, %c0_i32_0 : i32, i32
  }
  func.func @transform_15(%arg0: i32) -> (i32, i32) {
    %c0_i32 = arith.constant 0 : i32
    %c0_i32_0 = arith.constant 0 : i32
    return %arg0, %c0_i32 : i32, i32
  }
}

module attributes {stable_mosaic.version = 14 : i64} {
  func.func @_combine_body(%arg0: i32, %arg1: memref<10000x16xf32, #tpu.memory_space<vmem>>, %arg2: memref<10000x16xf32, #tpu.memory_space<vmem>>, %arg3: memref<10000x16xf32, #tpu.memory_space<vmem>>, %arg4: memref<10000x16xf32, #tpu.memory_space<vmem>>, %arg5: memref<10000x32xf32, #tpu.memory_space<vmem>>, %arg6: memref<32x16xf32, #tpu.memory_space<vmem>>, %arg7: memref<1x16xf32, #tpu.memory_space<vmem>>, %arg8: memref<1x16xf32, #tpu.memory_space<vmem>>, %arg9: memref<1x16xf32, #tpu.memory_space<vmem>>, %arg10: memref<10000x16xf32, #tpu.memory_space<vmem>>) attributes {dimension_semantics = [#tpu.dimension_semantics<arbitrary>], iteration_bounds = array<i64: 1>, scalar_prefetch = 0 : i64, scratch_operands = 0 : i64, tpu.core_type = #tpu.core_type<tc>, window_params = [{transform_indices = @transform_0, window_bounds = array<i64: 10000, 16>}, {transform_indices = @transform_1, window_bounds = array<i64: 10000, 16>}, {transform_indices = @transform_2, window_bounds = array<i64: 10000, 16>}, {transform_indices = @transform_3, window_bounds = array<i64: 10000, 16>}, {pipeline_mode = #tpu.pipeline_mode<synchronous>, transform_indices = @transform_4, window_bounds = array<i64: 10000, 32>}, {pipeline_mode = #tpu.pipeline_mode<synchronous>, transform_indices = @transform_5, window_bounds = array<i64: 32, 16>}, {pipeline_mode = #tpu.pipeline_mode<synchronous>, transform_indices = @transform_6, window_bounds = array<i64: 1, 16>}, {pipeline_mode = #tpu.pipeline_mode<synchronous>, transform_indices = @transform_7, window_bounds = array<i64: 1, 16>}, {pipeline_mode = #tpu.pipeline_mode<synchronous>, transform_indices = @transform_8, window_bounds = array<i64: 1, 16>}, {pipeline_mode = #tpu.pipeline_mode<synchronous>, transform_indices = @transform_9, window_bounds = array<i64: 10000, 16>}]} {
    %get3A = arith.constant 0 : index
    %get3A_0 = arith.constant 0 : index
    %get3A_1 = vector.load %arg1[%get3A, %get3A_0] : memref<10000x16xf32, #tpu.memory_space<vmem>>, vector<10000x16xf32>
    %get3A_2 = arith.constant 0 : index
    %get3A_3 = arith.constant 0 : index
    %get3A_4 = vector.load %arg2[%get3A_2, %get3A_3] : memref<10000x16xf32, #tpu.memory_space<vmem>>, vector<10000x16xf32>
    %add3A = arith.addf %get3A_1, %get3A_4 : vector<10000x16xf32>
    %get3A_5 = arith.constant 0 : index
    %get3A_6 = arith.constant 0 : index
    %get3A_7 = vector.load %arg3[%get3A_5, %get3A_6] : memref<10000x16xf32, #tpu.memory_space<vmem>>, vector<10000x16xf32>
    %get3A_8 = arith.constant 0 : index
    %get3A_9 = arith.constant 0 : index
    %get3A_10 = vector.load %arg4[%get3A_8, %get3A_9] : memref<10000x16xf32, #tpu.memory_space<vmem>>, vector<10000x16xf32>
    %add3A_11 = arith.addf %get3A_7, %get3A_10 : vector<10000x16xf32>
    %slice3A = vector.extract_strided_slice %add3A_11 {offsets = [0, 0], sizes = [10000, 1], strides = [1, 1]} : vector<10000x16xf32> to vector<10000x1xf32>
    %max3A = arith.constant 1.000000e+00 : f32
    %max3A_12 = vector.broadcast %max3A : f32 to vector<10000x1xf32>
    %max3A_13 = arith.maximumf %slice3A, %max3A_12 : vector<10000x1xf32>
    %div3A = vector.broadcast %max3A_13 : vector<10000x1xf32> to vector<10000x16xf32>
    %div3A_14 = arith.divf %add3A, %div3A : vector<10000x16xf32>
    %get3A_15 = arith.constant 0 : index
    %get3A_16 = arith.constant 0 : index
    %get3A_17 = vector.load %arg5[%get3A_15, %get3A_16] : memref<10000x32xf32, #tpu.memory_space<vmem>>, vector<10000x32xf32>
    %get3A_18 = arith.constant 0 : index
    %get3A_19 = arith.constant 0 : index
    %get3A_20 = vector.load %arg6[%get3A_18, %get3A_19] : memref<32x16xf32, #tpu.memory_space<vmem>>, vector<32x16xf32>
    %dot_general3A = arith.constant dense<0.000000e+00> : vector<10000x16xf32>
    %dot_general3A_21 = tpu.matmul %get3A_17, %get3A_20, %dot_general3A {dimension_numbers = #tpu.dot_dimension_numbers<[1], [0], [0], [1], [0, 0, 1, 1], [], []>, transpose_lhs_hint = false} : vector<10000x32xf32>, vector<32x16xf32>, vector<10000x16xf32> -> vector<10000x16xf32>
    %add3A_22 = arith.addf %div3A_14, %dot_general3A_21 : vector<10000x16xf32>
    %get3A_23 = arith.constant 0 : index
    %get3A_24 = arith.constant 0 : index
    %get3A_25 = vector.load %arg7[%get3A_23, %get3A_24] : memref<1x16xf32, #tpu.memory_space<vmem>>, vector<1x16xf32>
    %add3A_26 = vector.broadcast %get3A_25 : vector<1x16xf32> to vector<10000x16xf32>
    %add3A_27 = arith.addf %add3A_22, %add3A_26 : vector<10000x16xf32>
    %reduce_sum3A = arith.constant dense<0.000000e+00> : vector<16xf32>
    %reduce_sum3A_28 = vector.multi_reduction <add>, %add3A_27, %reduce_sum3A [0] : vector<10000x16xf32> to vector<16xf32>
    %broadcast_in_dim3A = vector.shape_cast %reduce_sum3A_28 : vector<16xf32> to vector<1x16xf32>
    %div3A_29 = arith.constant 1.000000e+04 : f32
    %div3A_30 = vector.broadcast %div3A_29 : f32 to vector<1x16xf32>
    %div3A_31 = arith.divf %broadcast_in_dim3A, %div3A_30 : vector<1x16xf32>
    %sub3A = vector.broadcast %div3A_31 : vector<1x16xf32> to vector<10000x16xf32>
    %sub3A_32 = arith.subf %add3A_27, %sub3A : vector<10000x16xf32>
    %integer_pow3A = arith.mulf %sub3A_32, %sub3A_32 : vector<10000x16xf32>
    %reduce_sum3A_33 = arith.constant dense<0.000000e+00> : vector<16xf32>
    %reduce_sum3A_34 = vector.multi_reduction <add>, %integer_pow3A, %reduce_sum3A_33 [0] : vector<10000x16xf32> to vector<16xf32>
    %broadcast_in_dim3A_35 = vector.shape_cast %reduce_sum3A_34 : vector<16xf32> to vector<1x16xf32>
    %div3A_36 = arith.constant 1.000000e+04 : f32
    %div3A_37 = vector.broadcast %div3A_36 : f32 to vector<1x16xf32>
    %div3A_38 = arith.divf %broadcast_in_dim3A_35, %div3A_37 : vector<1x16xf32>
    %get3A_39 = arith.constant 0 : index
    %get3A_40 = arith.constant 0 : index
    %get3A_41 = vector.load %arg8[%get3A_39, %get3A_40] : memref<1x16xf32, #tpu.memory_space<vmem>>, vector<1x16xf32>
    %sub3A_42 = vector.broadcast %div3A_31 : vector<1x16xf32> to vector<10000x16xf32>
    %sub3A_43 = arith.subf %add3A_27, %sub3A_42 : vector<10000x16xf32>
    %mul3A = vector.broadcast %get3A_41 : vector<1x16xf32> to vector<10000x16xf32>
    %mul3A_44 = arith.mulf %mul3A, %sub3A_43 : vector<10000x16xf32>
    %add3A_45 = arith.constant 9.99999974E-6 : f32
    %add3A_46 = vector.broadcast %add3A_45 : f32 to vector<1x16xf32>
    %add3A_47 = arith.addf %div3A_38, %add3A_46 : vector<1x16xf32>
    %rsqrt3A = math.rsqrt %add3A_47 : vector<1x16xf32>
    %mul3A_48 = vector.broadcast %rsqrt3A : vector<1x16xf32> to vector<10000x16xf32>
    %mul3A_49 = arith.mulf %mul3A_44, %mul3A_48 : vector<10000x16xf32>
    %get3A_50 = arith.constant 0 : index
    %get3A_51 = arith.constant 0 : index
    %get3A_52 = vector.load %arg9[%get3A_50, %get3A_51] : memref<1x16xf32, #tpu.memory_space<vmem>>, vector<1x16xf32>
    %add3A_53 = vector.broadcast %get3A_52 : vector<1x16xf32> to vector<10000x16xf32>
    %add3A_54 = arith.addf %mul3A_49, %add3A_53 : vector<10000x16xf32>
    %max3A_55 = arith.constant 0.000000e+00 : f32
    %max3A_56 = vector.broadcast %max3A_55 : f32 to vector<10000x16xf32>
    %max3A_57 = arith.maximumf %add3A_54, %max3A_56 : vector<10000x16xf32>
    %swap3A = arith.constant 0 : index
    %swap3A_58 = arith.constant 0 : index
    %swap3A_59 = vector.load %arg10[%swap3A, %swap3A_58] : memref<10000x16xf32, #tpu.memory_space<vmem>>, vector<10000x16xf32>
    tpu.vector_store %arg10[%swap3A, %swap3A_58], %max3A_57 {strides = array<i32>} : memref<10000x16xf32, #tpu.memory_space<vmem>>, vector<10000x16xf32>,
    return
  }
  func.func @transform_0(%arg0: i32) -> (i32, i32) {
    %c0_i32 = arith.constant 0 : i32
    %c0_i32_0 = arith.constant 0 : i32
    %c0_i32_1 = arith.constant 0 : i32
    return %c0_i32, %c0_i32_0 : i32, i32
  }
  func.func @transform_1(%arg0: i32) -> (i32, i32) {
    %c0_i32 = arith.constant 0 : i32
    %c0_i32_0 = arith.constant 0 : i32
    %c0_i32_1 = arith.constant 0 : i32
    return %c0_i32, %c0_i32_0 : i32, i32
  }
  func.func @transform_2(%arg0: i32) -> (i32, i32) {
    %c0_i32 = arith.constant 0 : i32
    %c0_i32_0 = arith.constant 0 : i32
    %c0_i32_1 = arith.constant 0 : i32
    return %c0_i32, %c0_i32_0 : i32, i32
  }
  func.func @transform_3(%arg0: i32) -> (i32, i32) {
    %c0_i32 = arith.constant 0 : i32
    %c0_i32_0 = arith.constant 0 : i32
    %c0_i32_1 = arith.constant 0 : i32
    return %c0_i32, %c0_i32_0 : i32, i32
  }
  func.func @transform_4(%arg0: i32) -> (i32, i32) {
    %c0_i32 = arith.constant 0 : i32
    %c0_i32_0 = arith.constant 0 : i32
    %c0_i32_1 = arith.constant 0 : i32
    return %c0_i32, %c0_i32_0 : i32, i32
  }
  func.func @transform_5(%arg0: i32) -> (i32, i32) {
    %c0_i32 = arith.constant 0 : i32
    %c0_i32_0 = arith.constant 0 : i32
    %c0_i32_1 = arith.constant 0 : i32
    return %c0_i32, %c0_i32_0 : i32, i32
  }
  func.func @transform_6(%arg0: i32) -> (i32, i32) {
    %c0_i32 = arith.constant 0 : i32
    %c0_i32_0 = arith.constant 0 : i32
    %c0_i32_1 = arith.constant 0 : i32
    return %c0_i32, %c0_i32_0 : i32, i32
  }
  func.func @transform_7(%arg0: i32) -> (i32, i32) {
    %c0_i32 = arith.constant 0 : i32
    %c0_i32_0 = arith.constant 0 : i32
    %c0_i32_1 = arith.constant 0 : i32
    return %c0_i32, %c0_i32_0 : i32, i32
  }
  func.func @transform_8(%arg0: i32) -> (i32, i32) {
    %c0_i32 = arith.constant 0 : i32
    %c0_i32_0 = arith.constant 0 : i32
    %c0_i32_1 = arith.constant 0 : i32
    return %c0_i32, %c0_i32_0 : i32, i32
  }
  func.func @transform_9(%arg0: i32) -> (i32, i32) {
    %c0_i32 = arith.constant 0 : i32
    %c0_i32_0 = arith.constant 0 : i32
    %c0_i32_1 = arith.constant 0 : i32
    return %c0_i32, %c0_i32_0 : i32, i32
  }
}

module attributes {stable_mosaic.version = 14 : i64} {
  func.func @_edge_body(%arg0: i32, %arg1: memref<16x1280xf32, #tpu.memory_space<vmem>>, %arg2: memref<16x1280xf32, #tpu.memory_space<vmem>>, %arg3: memref<16x1280xf32, #tpu.memory_space<vmem>>, %arg4: memref<16x1280xf32, #tpu.memory_space<vmem>>, %arg5: memref<16x1280xf32, #tpu.memory_space<vmem>>, %arg6: memref<16x1280xf32, #tpu.memory_space<vmem>>, %arg7: memref<16x1280xf32, #tpu.memory_space<vmem>>, %arg8: memref<16x1280xf32, #tpu.memory_space<vmem>>, %arg9: memref<1280x128xf32, #tpu.memory_space<vmem>>, %arg10: memref<16x256xf32, #tpu.memory_space<vmem>>, %arg11: memref<1x256xf32, #tpu.memory_space<vmem>>, %arg12: memref<128x2048xf32, #tpu.memory_space<vmem>>, %arg13: memref<2048x128xf32, #tpu.memory_space<vmem>>, %arg14: memref<128x128xf32, #tpu.memory_space<vmem>>, %arg15: memref<1280x128xf32, #tpu.memory_space<vmem>>) attributes {dimension_semantics = [#tpu.dimension_semantics<arbitrary>], iteration_bounds = array<i64: 16>, scalar_prefetch = 0 : i64, scratch_operands = 0 : i64, tpu.core_type = #tpu.core_type<tc>, window_params = [{transform_indices = @transform_0, window_bounds = array<i64: 16, 1280>}, {transform_indices = @transform_1, window_bounds = array<i64: 16, 1280>}, {transform_indices = @transform_2, window_bounds = array<i64: 16, 1280>}, {transform_indices = @transform_3, window_bounds = array<i64: 16, 1280>}, {transform_indices = @transform_4, window_bounds = array<i64: 16, 1280>}, {transform_indices = @transform_5, window_bounds = array<i64: 16, 1280>}, {transform_indices = @transform_6, window_bounds = array<i64: 16, 1280>}, {transform_indices = @transform_7, window_bounds = array<i64: 16, 1280>}, {transform_indices = @transform_8, window_bounds = array<i64: 1280, 128>}, {pipeline_mode = #tpu.pipeline_mode<synchronous>, transform_indices = @transform_9, window_bounds = array<i64: 16, 256>}, {pipeline_mode = #tpu.pipeline_mode<synchronous>, transform_indices = @transform_10, window_bounds = array<i64: 1, 256>}, {pipeline_mode = #tpu.pipeline_mode<synchronous>, transform_indices = @transform_11, window_bounds = array<i64: 128, 2048>}, {pipeline_mode = #tpu.pipeline_mode<synchronous>, transform_indices = @transform_12, window_bounds = array<i64: 2048, 128>}, {pipeline_mode = #tpu.pipeline_mode<synchronous>, transform_indices = @transform_13, window_bounds = array<i64: 128, 128>}, {transform_indices = @transform_14, window_bounds = array<i64: 1280, 128>}]} {
    %get3A = arith.constant 0 : index
    %get3A_0 = arith.constant 0 : index
    %get3A_1 = vector.load %arg9[%get3A, %get3A_0] : memref<1280x128xf32, #tpu.memory_space<vmem>>, vector<1280x128xf32>
    %get3A_2 = arith.constant 0 : index
    %get3A_3 = arith.constant 0 : index
    %get3A_4 = vector.load %arg12[%get3A_2, %get3A_3] : memref<128x2048xf32, #tpu.memory_space<vmem>>, vector<128x2048xf32>
    %dot_general3A = arith.constant dense<0.000000e+00> : vector<1280x2048xf32>
    %dot_general3A_5 = tpu.matmul %get3A_1, %get3A_4, %dot_general3A {dimension_numbers = #tpu.dot_dimension_numbers<[1], [0], [0], [1], [0, 0, 1, 1], [], []>, transpose_lhs_hint = false} : vector<1280x128xf32>, vector<128x2048xf32>, vector<1280x2048xf32> -> vector<1280x2048xf32>
    %get3A_6 = arith.constant 0 : index
    %get3A_7 = arith.constant 0 : index
    %get3A_8 = vector.load %arg1[%get3A_6, %get3A_7] : memref<16x1280xf32, #tpu.memory_space<vmem>>, vector<16x1280xf32>
    %get3A_9 = arith.constant 0 : index
    %get3A_10 = arith.constant 0 : index
    %get3A_11 = vector.load %arg10[%get3A_9, %get3A_10] : memref<16x256xf32, #tpu.memory_space<vmem>>, vector<16x256xf32>
    %dot_general3A_12 = arith.constant dense<0.000000e+00> : vector<1280x256xf32>
    %dot_general3A_13 = tpu.matmul %get3A_8, %get3A_11, %dot_general3A_12 {dimension_numbers = #tpu.dot_dimension_numbers<[0], [0], [1], [1], [0, 1, 1, 1], [], []>, transpose_lhs_hint = false} : vector<16x1280xf32>, vector<16x256xf32>, vector<1280x256xf32> -> vector<1280x256xf32>
    %get3A_14 = arith.constant 0 : index
    %get3A_15 = arith.constant 0 : index
    %get3A_16 = vector.load %arg11[%get3A_14, %get3A_15] : memref<1x256xf32, #tpu.memory_space<vmem>>, vector<1x256xf32>
    %add3A = vector.broadcast %get3A_16 : vector<1x256xf32> to vector<1280x256xf32>
    %add3A_17 = arith.addf %dot_general3A_13, %add3A : vector<1280x256xf32>
    %max3A = arith.constant 0.000000e+00 : f32
    %max3A_18 = vector.broadcast %max3A : f32 to vector<1280x256xf32>
    %max3A_19 = arith.maximumf %add3A_17, %max3A_18 : vector<1280x256xf32>
    %get3A_20 = arith.constant 0 : index
    %get3A_21 = arith.constant 0 : index
    %get3A_22 = vector.load %arg2[%get3A_20, %get3A_21] : memref<16x1280xf32, #tpu.memory_space<vmem>>, vector<16x1280xf32>
    %get3A_23 = arith.constant 0 : index
    %get3A_24 = arith.constant 0 : index
    %get3A_25 = vector.load %arg10[%get3A_23, %get3A_24] : memref<16x256xf32, #tpu.memory_space<vmem>>, vector<16x256xf32>
    %dot_general3A_26 = arith.constant dense<0.000000e+00> : vector<1280x256xf32>
    %dot_general3A_27 = tpu.matmul %get3A_22, %get3A_25, %dot_general3A_26 {dimension_numbers = #tpu.dot_dimension_numbers<[0], [0], [1], [1], [0, 1, 1, 1], [], []>, transpose_lhs_hint = false} : vector<16x1280xf32>, vector<16x256xf32>, vector<1280x256xf32> -> vector<1280x256xf32>
    %get3A_28 = arith.constant 0 : index
    %get3A_29 = arith.constant 0 : index
    %get3A_30 = vector.load %arg11[%get3A_28, %get3A_29] : memref<1x256xf32, #tpu.memory_space<vmem>>, vector<1x256xf32>
    %add3A_31 = vector.broadcast %get3A_30 : vector<1x256xf32> to vector<1280x256xf32>
    %add3A_32 = arith.addf %dot_general3A_27, %add3A_31 : vector<1280x256xf32>
    %max3A_33 = arith.constant 0.000000e+00 : f32
    %max3A_34 = vector.broadcast %max3A_33 : f32 to vector<1280x256xf32>
    %max3A_35 = arith.maximumf %add3A_32, %max3A_34 : vector<1280x256xf32>
    %get3A_36 = arith.constant 0 : index
    %get3A_37 = arith.constant 0 : index
    %get3A_38 = vector.load %arg3[%get3A_36, %get3A_37] : memref<16x1280xf32, #tpu.memory_space<vmem>>, vector<16x1280xf32>
    %get3A_39 = arith.constant 0 : index
    %get3A_40 = arith.constant 0 : index
    %get3A_41 = vector.load %arg10[%get3A_39, %get3A_40] : memref<16x256xf32, #tpu.memory_space<vmem>>, vector<16x256xf32>
    %dot_general3A_42 = arith.constant dense<0.000000e+00> : vector<1280x256xf32>
    %dot_general3A_43 = tpu.matmul %get3A_38, %get3A_41, %dot_general3A_42 {dimension_numbers = #tpu.dot_dimension_numbers<[0], [0], [1], [1], [0, 1, 1, 1], [], []>, transpose_lhs_hint = false} : vector<16x1280xf32>, vector<16x256xf32>, vector<1280x256xf32> -> vector<1280x256xf32>
    %get3A_44 = arith.constant 0 : index
    %get3A_45 = arith.constant 0 : index
    %get3A_46 = vector.load %arg11[%get3A_44, %get3A_45] : memref<1x256xf32, #tpu.memory_space<vmem>>, vector<1x256xf32>
    %add3A_47 = vector.broadcast %get3A_46 : vector<1x256xf32> to vector<1280x256xf32>
    %add3A_48 = arith.addf %dot_general3A_43, %add3A_47 : vector<1280x256xf32>
    %max3A_49 = arith.constant 0.000000e+00 : f32
    %max3A_50 = vector.broadcast %max3A_49 : f32 to vector<1280x256xf32>
    %max3A_51 = arith.maximumf %add3A_48, %max3A_50 : vector<1280x256xf32>
    %get3A_52 = arith.constant 0 : index
    %get3A_53 = arith.constant 0 : index
    %get3A_54 = vector.load %arg4[%get3A_52, %get3A_53] : memref<16x1280xf32, #tpu.memory_space<vmem>>, vector<16x1280xf32>
    %get3A_55 = arith.constant 0 : index
    %get3A_56 = arith.constant 0 : index
    %get3A_57 = vector.load %arg10[%get3A_55, %get3A_56] : memref<16x256xf32, #tpu.memory_space<vmem>>, vector<16x256xf32>
    %dot_general3A_58 = arith.constant dense<0.000000e+00> : vector<1280x256xf32>
    %dot_general3A_59 = tpu.matmul %get3A_54, %get3A_57, %dot_general3A_58 {dimension_numbers = #tpu.dot_dimension_numbers<[0], [0], [1], [1], [0, 1, 1, 1], [], []>, transpose_lhs_hint = false} : vector<16x1280xf32>, vector<16x256xf32>, vector<1280x256xf32> -> vector<1280x256xf32>
    %get3A_60 = arith.constant 0 : index
    %get3A_61 = arith.constant 0 : index
    %get3A_62 = vector.load %arg11[%get3A_60, %get3A_61] : memref<1x256xf32, #tpu.memory_space<vmem>>, vector<1x256xf32>
    %add3A_63 = vector.broadcast %get3A_62 : vector<1x256xf32> to vector<1280x256xf32>
    %add3A_64 = arith.addf %dot_general3A_59, %add3A_63 : vector<1280x256xf32>
    %max3A_65 = arith.constant 0.000000e+00 : f32
    %max3A_66 = vector.broadcast %max3A_65 : f32 to vector<1280x256xf32>
    %max3A_67 = arith.maximumf %add3A_64, %max3A_66 : vector<1280x256xf32>
    %get3A_68 = arith.constant 0 : index
    %get3A_69 = arith.constant 0 : index
    %get3A_70 = vector.load %arg5[%get3A_68, %get3A_69] : memref<16x1280xf32, #tpu.memory_space<vmem>>, vector<16x1280xf32>
    %get3A_71 = arith.constant 0 : index
    %get3A_72 = arith.constant 0 : index
    %get3A_73 = vector.load %arg10[%get3A_71, %get3A_72] : memref<16x256xf32, #tpu.memory_space<vmem>>, vector<16x256xf32>
    %dot_general3A_74 = arith.constant dense<0.000000e+00> : vector<1280x256xf32>
    %dot_general3A_75 = tpu.matmul %get3A_70, %get3A_73, %dot_general3A_74 {dimension_numbers = #tpu.dot_dimension_numbers<[0], [0], [1], [1], [0, 1, 1, 1], [], []>, transpose_lhs_hint = false} : vector<16x1280xf32>, vector<16x256xf32>, vector<1280x256xf32> -> vector<1280x256xf32>
    %get3A_76 = arith.constant 0 : index
    %get3A_77 = arith.constant 0 : index
    %get3A_78 = vector.load %arg11[%get3A_76, %get3A_77] : memref<1x256xf32, #tpu.memory_space<vmem>>, vector<1x256xf32>
    %add3A_79 = vector.broadcast %get3A_78 : vector<1x256xf32> to vector<1280x256xf32>
    %add3A_80 = arith.addf %dot_general3A_75, %add3A_79 : vector<1280x256xf32>
    %max3A_81 = arith.constant 0.000000e+00 : f32
    %max3A_82 = vector.broadcast %max3A_81 : f32 to vector<1280x256xf32>
    %max3A_83 = arith.maximumf %add3A_80, %max3A_82 : vector<1280x256xf32>
    %get3A_84 = arith.constant 0 : index
    %get3A_85 = arith.constant 0 : index
    %get3A_86 = vector.load %arg6[%get3A_84, %get3A_85] : memref<16x1280xf32, #tpu.memory_space<vmem>>, vector<16x1280xf32>
    %get3A_87 = arith.constant 0 : index
    %get3A_88 = arith.constant 0 : index
    %get3A_89 = vector.load %arg10[%get3A_87, %get3A_88] : memref<16x256xf32, #tpu.memory_space<vmem>>, vector<16x256xf32>
    %dot_general3A_90 = arith.constant dense<0.000000e+00> : vector<1280x256xf32>
    %dot_general3A_91 = tpu.matmul %get3A_86, %get3A_89, %dot_general3A_90 {dimension_numbers = #tpu.dot_dimension_numbers<[0], [0], [1], [1], [0, 1, 1, 1], [], []>, transpose_lhs_hint = false} : vector<16x1280xf32>, vector<16x256xf32>, vector<1280x256xf32> -> vector<1280x256xf32>
    %get3A_92 = arith.constant 0 : index
    %get3A_93 = arith.constant 0 : index
    %get3A_94 = vector.load %arg11[%get3A_92, %get3A_93] : memref<1x256xf32, #tpu.memory_space<vmem>>, vector<1x256xf32>
    %add3A_95 = vector.broadcast %get3A_94 : vector<1x256xf32> to vector<1280x256xf32>
    %add3A_96 = arith.addf %dot_general3A_91, %add3A_95 : vector<1280x256xf32>
    %max3A_97 = arith.constant 0.000000e+00 : f32
    %max3A_98 = vector.broadcast %max3A_97 : f32 to vector<1280x256xf32>
    %max3A_99 = arith.maximumf %add3A_96, %max3A_98 : vector<1280x256xf32>
    %get3A_100 = arith.constant 0 : index
    %get3A_101 = arith.constant 0 : index
    %get3A_102 = vector.load %arg7[%get3A_100, %get3A_101] : memref<16x1280xf32, #tpu.memory_space<vmem>>, vector<16x1280xf32>
    %get3A_103 = arith.constant 0 : index
    %get3A_104 = arith.constant 0 : index
    %get3A_105 = vector.load %arg10[%get3A_103, %get3A_104] : memref<16x256xf32, #tpu.memory_space<vmem>>, vector<16x256xf32>
    %dot_general3A_106 = arith.constant dense<0.000000e+00> : vector<1280x256xf32>
    %dot_general3A_107 = tpu.matmul %get3A_102, %get3A_105, %dot_general3A_106 {dimension_numbers = #tpu.dot_dimension_numbers<[0], [0], [1], [1], [0, 1, 1, 1], [], []>, transpose_lhs_hint = false} : vector<16x1280xf32>, vector<16x256xf32>, vector<1280x256xf32> -> vector<1280x256xf32>
    %get3A_108 = arith.constant 0 : index
    %get3A_109 = arith.constant 0 : index
    %get3A_110 = vector.load %arg11[%get3A_108, %get3A_109] : memref<1x256xf32, #tpu.memory_space<vmem>>, vector<1x256xf32>
    %add3A_111 = vector.broadcast %get3A_110 : vector<1x256xf32> to vector<1280x256xf32>
    %add3A_112 = arith.addf %dot_general3A_107, %add3A_111 : vector<1280x256xf32>
    %max3A_113 = arith.constant 0.000000e+00 : f32
    %max3A_114 = vector.broadcast %max3A_113 : f32 to vector<1280x256xf32>
    %max3A_115 = arith.maximumf %add3A_112, %max3A_114 : vector<1280x256xf32>
    %get3A_116 = arith.constant 0 : index
    %get3A_117 = arith.constant 0 : index
    %get3A_118 = vector.load %arg8[%get3A_116, %get3A_117] : memref<16x1280xf32, #tpu.memory_space<vmem>>, vector<16x1280xf32>
    %get3A_119 = arith.constant 0 : index
    %get3A_120 = arith.constant 0 : index
    %get3A_121 = vector.load %arg10[%get3A_119, %get3A_120] : memref<16x256xf32, #tpu.memory_space<vmem>>, vector<16x256xf32>
    %dot_general3A_122 = arith.constant dense<0.000000e+00> : vector<1280x256xf32>
    %dot_general3A_123 = tpu.matmul %get3A_118, %get3A_121, %dot_general3A_122 {dimension_numbers = #tpu.dot_dimension_numbers<[0], [0], [1], [1], [0, 1, 1, 1], [], []>, transpose_lhs_hint = false} : vector<16x1280xf32>, vector<16x256xf32>, vector<1280x256xf32> -> vector<1280x256xf32>
    %get3A_124 = arith.constant 0 : index
    %get3A_125 = arith.constant 0 : index
    %get3A_126 = vector.load %arg11[%get3A_124, %get3A_125] : memref<1x256xf32, #tpu.memory_space<vmem>>, vector<1x256xf32>
    %add3A_127 = vector.broadcast %get3A_126 : vector<1x256xf32> to vector<1280x256xf32>
    %add3A_128 = arith.addf %dot_general3A_123, %add3A_127 : vector<1280x256xf32>
    %max3A_129 = arith.constant 0.000000e+00 : f32
    %max3A_130 = vector.broadcast %max3A_129 : f32 to vector<1280x256xf32>
    %max3A_131 = arith.maximumf %add3A_128, %max3A_130 : vector<1280x256xf32>
    %concatenate3A = tpu.concatenate %max3A_19, %max3A_35, %max3A_51, %max3A_67, %max3A_83, %max3A_99, %max3A_115, %max3A_131 in 1 : vector<1280x256xf32>, vector<1280x256xf32>, vector<1280x256xf32>, vector<1280x256xf32>, vector<1280x256xf32>, vector<1280x256xf32>, vector<1280x256xf32>, vector<1280x256xf32> -> vector<1280x2048xf32>
    %mul3A = arith.mulf %concatenate3A, %dot_general3A_5 : vector<1280x2048xf32>
    %get3A_132 = arith.constant 0 : index
    %get3A_133 = arith.constant 0 : index
    %get3A_134 = vector.load %arg13[%get3A_132, %get3A_133] : memref<2048x128xf32, #tpu.memory_space<vmem>>, vector<2048x128xf32>
    %dot_general3A_135 = arith.constant dense<0.000000e+00> : vector<1280x128xf32>
    %dot_general3A_136 = tpu.matmul %mul3A, %get3A_134, %dot_general3A_135 {dimension_numbers = #tpu.dot_dimension_numbers<[1], [0], [0], [1], [0, 0, 1, 1], [], []>, transpose_lhs_hint = false} : vector<1280x2048xf32>, vector<2048x128xf32>, vector<1280x128xf32> -> vector<1280x128xf32>
    %get3A_137 = arith.constant 0 : index
    %get3A_138 = arith.constant 0 : index
    %get3A_139 = vector.load %arg14[%get3A_137, %get3A_138] : memref<128x128xf32, #tpu.memory_space<vmem>>, vector<128x128xf32>
    %dot_general3A_140 = arith.constant dense<0.000000e+00> : vector<1280x128xf32>
    %dot_general3A_141 = tpu.matmul %get3A_1, %get3A_139, %dot_general3A_140 {dimension_numbers = #tpu.dot_dimension_numbers<[1], [0], [0], [1], [0, 0, 1, 1], [], []>, transpose_lhs_hint = false} : vector<1280x128xf32>, vector<128x128xf32>, vector<1280x128xf32> -> vector<1280x128xf32>
    %add3A_142 = arith.addf %dot_general3A_136, %dot_general3A_141 : vector<1280x128xf32>
    %swap3A = arith.constant 0 : index
    %swap3A_143 = arith.constant 0 : index
    %swap3A_144 = vector.load %arg15[%swap3A, %swap3A_143] : memref<1280x128xf32, #tpu.memory_space<vmem>>, vector<1280x128xf32>
    tpu.vector_store %arg15[%swap3A, %swap3A_143], %add3A_142 {strides = array<i32>} : memref<1280x128xf32, #tpu.memory_space<vmem>>, vector<1280x128xf32>,
    return
  }
  func.func @transform_0(%arg0: i32) -> (i32, i32) {
    %add3A = arith.constant 0 : i32
    %add3A_0 = arith.addi %add3A, %arg0 : i32
    %min3A = arith.constant 124 : i32
    %min3A_1 = arith.minsi %add3A_0, %min3A : i32
    %c0_i32 = arith.constant 0 : i32
    %c0_i32_2 = arith.constant 0 : i32
    return %c0_i32, %min3A_1 : i32, i32
  }
  func.func @transform_1(%arg0: i32) -> (i32, i32) {
    %add3A = arith.constant 16 : i32
    %add3A_0 = arith.addi %add3A, %arg0 : i32
    %min3A = arith.constant 124 : i32
    %min3A_1 = arith.minsi %add3A_0, %min3A : i32
    %c0_i32 = arith.constant 0 : i32
    %c0_i32_2 = arith.constant 0 : i32
    return %c0_i32, %min3A_1 : i32, i32
  }
  func.func @transform_2(%arg0: i32) -> (i32, i32) {
    %add3A = arith.constant 32 : i32
    %add3A_0 = arith.addi %add3A, %arg0 : i32
    %min3A = arith.constant 124 : i32
    %min3A_1 = arith.minsi %add3A_0, %min3A : i32
    %c0_i32 = arith.constant 0 : i32
    %c0_i32_2 = arith.constant 0 : i32
    return %c0_i32, %min3A_1 : i32, i32
  }
  func.func @transform_3(%arg0: i32) -> (i32, i32) {
    %add3A = arith.constant 48 : i32
    %add3A_0 = arith.addi %add3A, %arg0 : i32
    %min3A = arith.constant 124 : i32
    %min3A_1 = arith.minsi %add3A_0, %min3A : i32
    %c0_i32 = arith.constant 0 : i32
    %c0_i32_2 = arith.constant 0 : i32
    return %c0_i32, %min3A_1 : i32, i32
  }
  func.func @transform_4(%arg0: i32) -> (i32, i32) {
    %add3A = arith.constant 64 : i32
    %add3A_0 = arith.addi %add3A, %arg0 : i32
    %min3A = arith.constant 124 : i32
    %min3A_1 = arith.minsi %add3A_0, %min3A : i32
    %c0_i32 = arith.constant 0 : i32
    %c0_i32_2 = arith.constant 0 : i32
    return %c0_i32, %min3A_1 : i32, i32
  }
  func.func @transform_5(%arg0: i32) -> (i32, i32) {
    %add3A = arith.constant 80 : i32
    %add3A_0 = arith.addi %add3A, %arg0 : i32
    %min3A = arith.constant 124 : i32
    %min3A_1 = arith.minsi %add3A_0, %min3A : i32
    %c0_i32 = arith.constant 0 : i32
    %c0_i32_2 = arith.constant 0 : i32
    return %c0_i32, %min3A_1 : i32, i32
  }
  func.func @transform_6(%arg0: i32) -> (i32, i32) {
    %add3A = arith.constant 96 : i32
    %add3A_0 = arith.addi %add3A, %arg0 : i32
    %min3A = arith.constant 124 : i32
    %min3A_1 = arith.minsi %add3A_0, %min3A : i32
    %c0_i32 = arith.constant 0 : i32
    %c0_i32_2 = arith.constant 0 : i32
    return %c0_i32, %min3A_1 : i32, i32
  }
  func.func @transform_7(%arg0: i32) -> (i32, i32) {
    %add3A = arith.constant 112 : i32
    %add3A_0 = arith.addi %add3A, %arg0 : i32
    %min3A = arith.constant 124 : i32
    %min3A_1 = arith.minsi %add3A_0, %min3A : i32
    %c0_i32 = arith.constant 0 : i32
    %c0_i32_2 = arith.constant 0 : i32
    return %c0_i32, %min3A_1 : i32, i32
  }
  func.func @transform_8(%arg0: i32) -> (i32, i32) {
    %add3A = arith.constant 0 : i32
    %add3A_0 = arith.addi %add3A, %arg0 : i32
    %c0_i32 = arith.constant 0 : i32
    %c0_i32_1 = arith.constant 0 : i32
    return %add3A_0, %c0_i32 : i32, i32
  }
  func.func @transform_9(%arg0: i32) -> (i32, i32) {
    %c0_i32 = arith.constant 0 : i32
    %c0_i32_0 = arith.constant 0 : i32
    %c0_i32_1 = arith.constant 0 : i32
    return %c0_i32, %c0_i32_0 : i32, i32
  }
  func.func @transform_10(%arg0: i32) -> (i32, i32) {
    %c0_i32 = arith.constant 0 : i32
    %c0_i32_0 = arith.constant 0 : i32
    %c0_i32_1 = arith.constant 0 : i32
    return %c0_i32, %c0_i32_0 : i32, i32
  }
  func.func @transform_11(%arg0: i32) -> (i32, i32) {
    %c0_i32 = arith.constant 0 : i32
    %c0_i32_0 = arith.constant 0 : i32
    %c0_i32_1 = arith.constant 0 : i32
    return %c0_i32, %c0_i32_0 : i32, i32
  }
  func.func @transform_12(%arg0: i32) -> (i32, i32) {
    %c0_i32 = arith.constant 0 : i32
    %c0_i32_0 = arith.constant 0 : i32
    %c0_i32_1 = arith.constant 0 : i32
    return %c0_i32, %c0_i32_0 : i32, i32
  }
  func.func @transform_13(%arg0: i32) -> (i32, i32) {
    %c0_i32 = arith.constant 0 : i32
    %c0_i32_0 = arith.constant 0 : i32
    %c0_i32_1 = arith.constant 0 : i32
    return %c0_i32, %c0_i32_0 : i32, i32
  }
  func.func @transform_14(%arg0: i32) -> (i32, i32) {
    %c0_i32 = arith.constant 0 : i32
    %c0_i32_0 = arith.constant 0 : i32
    return %arg0, %c0_i32 : i32, i32
  }
}

module attributes {stable_mosaic.version = 14 : i64} {
  func.func @_combine_body(%arg0: i32, %arg1: memref<10000x16xf32, #tpu.memory_space<vmem>>, %arg2: memref<10000x16xf32, #tpu.memory_space<vmem>>, %arg3: memref<10000x16xf32, #tpu.memory_space<vmem>>, %arg4: memref<10000x16xf32, #tpu.memory_space<vmem>>, %arg5: memref<10000x16xf32, #tpu.memory_space<vmem>>, %arg6: memref<16x16xf32, #tpu.memory_space<vmem>>, %arg7: memref<1x16xf32, #tpu.memory_space<vmem>>, %arg8: memref<1x16xf32, #tpu.memory_space<vmem>>, %arg9: memref<1x16xf32, #tpu.memory_space<vmem>>, %arg10: memref<10000x16xf32, #tpu.memory_space<vmem>>) attributes {dimension_semantics = [#tpu.dimension_semantics<arbitrary>], iteration_bounds = array<i64: 1>, scalar_prefetch = 0 : i64, scratch_operands = 0 : i64, tpu.core_type = #tpu.core_type<tc>, window_params = [{transform_indices = @transform_0, window_bounds = array<i64: 10000, 16>}, {transform_indices = @transform_1, window_bounds = array<i64: 10000, 16>}, {transform_indices = @transform_2, window_bounds = array<i64: 10000, 16>}, {transform_indices = @transform_3, window_bounds = array<i64: 10000, 16>}, {pipeline_mode = #tpu.pipeline_mode<synchronous>, transform_indices = @transform_4, window_bounds = array<i64: 10000, 16>}, {pipeline_mode = #tpu.pipeline_mode<synchronous>, transform_indices = @transform_5, window_bounds = array<i64: 16, 16>}, {pipeline_mode = #tpu.pipeline_mode<synchronous>, transform_indices = @transform_6, window_bounds = array<i64: 1, 16>}, {pipeline_mode = #tpu.pipeline_mode<synchronous>, transform_indices = @transform_7, window_bounds = array<i64: 1, 16>}, {pipeline_mode = #tpu.pipeline_mode<synchronous>, transform_indices = @transform_8, window_bounds = array<i64: 1, 16>}, {pipeline_mode = #tpu.pipeline_mode<synchronous>, transform_indices = @transform_9, window_bounds = array<i64: 10000, 16>}]} {
    %get3A = arith.constant 0 : index
    %get3A_0 = arith.constant 0 : index
    %get3A_1 = vector.load %arg1[%get3A, %get3A_0] : memref<10000x16xf32, #tpu.memory_space<vmem>>, vector<10000x16xf32>
    %get3A_2 = arith.constant 0 : index
    %get3A_3 = arith.constant 0 : index
    %get3A_4 = vector.load %arg2[%get3A_2, %get3A_3] : memref<10000x16xf32, #tpu.memory_space<vmem>>, vector<10000x16xf32>
    %add3A = arith.addf %get3A_1, %get3A_4 : vector<10000x16xf32>
    %get3A_5 = arith.constant 0 : index
    %get3A_6 = arith.constant 0 : index
    %get3A_7 = vector.load %arg3[%get3A_5, %get3A_6] : memref<10000x16xf32, #tpu.memory_space<vmem>>, vector<10000x16xf32>
    %get3A_8 = arith.constant 0 : index
    %get3A_9 = arith.constant 0 : index
    %get3A_10 = vector.load %arg4[%get3A_8, %get3A_9] : memref<10000x16xf32, #tpu.memory_space<vmem>>, vector<10000x16xf32>
    %add3A_11 = arith.addf %get3A_7, %get3A_10 : vector<10000x16xf32>
    %slice3A = vector.extract_strided_slice %add3A_11 {offsets = [0, 0], sizes = [10000, 1], strides = [1, 1]} : vector<10000x16xf32> to vector<10000x1xf32>
    %max3A = arith.constant 1.000000e+00 : f32
    %max3A_12 = vector.broadcast %max3A : f32 to vector<10000x1xf32>
    %max3A_13 = arith.maximumf %slice3A, %max3A_12 : vector<10000x1xf32>
    %div3A = vector.broadcast %max3A_13 : vector<10000x1xf32> to vector<10000x16xf32>
    %div3A_14 = arith.divf %add3A, %div3A : vector<10000x16xf32>
    %get3A_15 = arith.constant 0 : index
    %get3A_16 = arith.constant 0 : index
    %get3A_17 = vector.load %arg5[%get3A_15, %get3A_16] : memref<10000x16xf32, #tpu.memory_space<vmem>>, vector<10000x16xf32>
    %get3A_18 = arith.constant 0 : index
    %get3A_19 = arith.constant 0 : index
    %get3A_20 = vector.load %arg6[%get3A_18, %get3A_19] : memref<16x16xf32, #tpu.memory_space<vmem>>, vector<16x16xf32>
    %dot_general3A = arith.constant dense<0.000000e+00> : vector<10000x16xf32>
    %dot_general3A_21 = tpu.matmul %get3A_17, %get3A_20, %dot_general3A {dimension_numbers = #tpu.dot_dimension_numbers<[1], [0], [0], [1], [0, 0, 1, 1], [], []>, transpose_lhs_hint = false} : vector<10000x16xf32>, vector<16x16xf32>, vector<10000x16xf32> -> vector<10000x16xf32>
    %add3A_22 = arith.addf %div3A_14, %dot_general3A_21 : vector<10000x16xf32>
    %get3A_23 = arith.constant 0 : index
    %get3A_24 = arith.constant 0 : index
    %get3A_25 = vector.load %arg7[%get3A_23, %get3A_24] : memref<1x16xf32, #tpu.memory_space<vmem>>, vector<1x16xf32>
    %add3A_26 = vector.broadcast %get3A_25 : vector<1x16xf32> to vector<10000x16xf32>
    %add3A_27 = arith.addf %add3A_22, %add3A_26 : vector<10000x16xf32>
    %swap3A = arith.constant 0 : index
    %swap3A_28 = arith.constant 0 : index
    %swap3A_29 = vector.load %arg10[%swap3A, %swap3A_28] : memref<10000x16xf32, #tpu.memory_space<vmem>>, vector<10000x16xf32>
    tpu.vector_store %arg10[%swap3A, %swap3A_28], %add3A_27 {strides = array<i32>} : memref<10000x16xf32, #tpu.memory_space<vmem>>, vector<10000x16xf32>,
    return
  }
  func.func @transform_0(%arg0: i32) -> (i32, i32) {
    %c0_i32 = arith.constant 0 : i32
    %c0_i32_0 = arith.constant 0 : i32
    %c0_i32_1 = arith.constant 0 : i32
    return %c0_i32, %c0_i32_0 : i32, i32
  }
  func.func @transform_1(%arg0: i32) -> (i32, i32) {
    %c0_i32 = arith.constant 0 : i32
    %c0_i32_0 = arith.constant 0 : i32
    %c0_i32_1 = arith.constant 0 : i32
    return %c0_i32, %c0_i32_0 : i32, i32
  }
  func.func @transform_2(%arg0: i32) -> (i32, i32) {
    %c0_i32 = arith.constant 0 : i32
    %c0_i32_0 = arith.constant 0 : i32
    %c0_i32_1 = arith.constant 0 : i32
    return %c0_i32, %c0_i32_0 : i32, i32
  }
  func.func @transform_3(%arg0: i32) -> (i32, i32) {
    %c0_i32 = arith.constant 0 : i32
    %c0_i32_0 = arith.constant 0 : i32
    %c0_i32_1 = arith.constant 0 : i32
    return %c0_i32, %c0_i32_0 : i32, i32
  }
  func.func @transform_4(%arg0: i32) -> (i32, i32) {
    %c0_i32 = arith.constant 0 : i32
    %c0_i32_0 = arith.constant 0 : i32
    %c0_i32_1 = arith.constant 0 : i32
    return %c0_i32, %c0_i32_0 : i32, i32
  }
  func.func @transform_5(%arg0: i32) -> (i32, i32) {
    %c0_i32 = arith.constant 0 : i32
    %c0_i32_0 = arith.constant 0 : i32
    %c0_i32_1 = arith.constant 0 : i32
    return %c0_i32, %c0_i32_0 : i32, i32
  }
  func.func @transform_6(%arg0: i32) -> (i32, i32) {
    %c0_i32 = arith.constant 0 : i32
    %c0_i32_0 = arith.constant 0 : i32
    %c0_i32_1 = arith.constant 0 : i32
    return %c0_i32, %c0_i32_0 : i32, i32
  }
  func.func @transform_7(%arg0: i32) -> (i32, i32) {
    %c0_i32 = arith.constant 0 : i32
    %c0_i32_0 = arith.constant 0 : i32
    %c0_i32_1 = arith.constant 0 : i32
    return %c0_i32, %c0_i32_0 : i32, i32
  }
  func.func @transform_8(%arg0: i32) -> (i32, i32) {
    %c0_i32 = arith.constant 0 : i32
    %c0_i32_0 = arith.constant 0 : i32
    %c0_i32_1 = arith.constant 0 : i32
    return %c0_i32, %c0_i32_0 : i32, i32
  }
  func.func @transform_9(%arg0: i32) -> (i32, i32) {
    %c0_i32 = arith.constant 0 : i32
    %c0_i32_0 = arith.constant 0 : i32
    %c0_i32_1 = arith.constant 0 : i32
    return %c0_i32, %c0_i32_0 : i32, i32
  }
}

</mosaic_0001>

<sc_bundles>
// kernel: kernel.11.cloned.1.call-start
scs
__scs_entry_jumppad:
0x0: {  	(pc) =	sbr.rel $0x88, $3  }
0x1: {  	(tag) =	ssettag $0x0;
	lr =	simm.s32 $0x1  }
0x2: {  	[smem:$0x3F8C] =	sst lr;
	_ =	strace $0xD0000000  }
0x3: {  	_ = 	snop  }
0x4: {  	_ = 	snop  }
0x5: {  	_ = 	snop  }
0x6: {  	_ = 	snop  }
0x7: {  	_ = 	snop  }
__scs_overlays_trampoline_lowered:
0x8: {  	[smem:$0x3F9B] =	sst s0  }
0x9: {  	[smem:$0x3F9C] =	sst s1  }
0xa: {  	[smem:$0x3F9D] =	sst s2  }
0xb: {  	[smem:$0x3F9E] =	sst s3  }
0xc: {  	[smem:$0x3F9F] =	sst s4  }
0xd: {  	[smem:$0x3FA0] =	sst s5  }
0xe: {  	[smem:$0x3FA1] =	sst s6  }
0xf: {  	[smem:$0x3FA2] =	sst s7  }
0x10: {  	[smem:$0x3FA3] =	sst s8  }
0x11: {  	[smem:$0x3FA4] =	sst s9;
	s0 =	simm.s32 @!p0 $0x0  }
0x12: {  	s1 =	sld [smem:$0x3F8A];
	s0 =	simm.s32 @p0 $0x1  }
0x13: {  	[smem:$0x3FA5] =	sst s0;
	s0 =	simm.s32 @!p1 $0x0  }
0x14: {  	s2 =	sld [smem:$0x3F89];
	s0 =	simm.s32 @p1 $0x1  }
0x15: {  	[smem:$0x3FA6] =	sst s0;
	s0 =	simm.s32 @!p2 $0x0  }
0x16: {  	s3 =	sld [smem:$0x3FDB];
	s0 =	simm.s32 @p2 $0x1  }
0x17: {  	s4 =	simm.s32 $0x1BF5;
	[smem:$0x3FA8] =	sst s0  }
0x18: {  	s0 =	sld [smem:$0x3F8B];
	_ =	swait.ge [sflag:s4], $0x0  }
0x19: {  	s7 =	sld [smem:$0x3F8C]  }
0x1a: {  	s8 =	sadd.s32 $0xFFFFE003, lr  }
0x1b: {  	s9 =	sadd.s32 $0xFFFFFEF7, lr;
	s5 =	simm.s32 $0xFFFFFFFF;
	p2 =	slt.u32 s8, $0xFFFFF086  }
0x1c: {  	p1 =	slt.u32 s9, $0xF7A;
	s5 =	simm.s32 @!p2 $0x0  }
0x1d: {  	s5 =	simm.s32 @p1 $0x1;
	p0 =	seq.s32 s7, s2  }
0x1e: {  	s7 =	smul.u32 @!p0 $0xF7A, s2;
	p2 =	seq.s32 @!p0 s5, $0x0  }
0x1f: {  	s9 =	smul.u32 $0xF7A, s1;
	s8 =	simm.s32 @!p0 $0x1BF5;
	p2 =	por !p2, p0  }
0x20: {  	[sflag:s8] =	ssyncset.s32 @!p0 $0xFFFFF086;
	s6 =	sadd.s32 @!p0 s3, s7;
	s7 =	simm.s32 @!p0 $0x108  }
0x21: {  	s3 =	sadd.s32 s3, s9;
	s6 =	sadd.s32 @!p0 $0x88, s6;
	s7 =	simm.s32 @p2 $0x1082  }
0x22: {  	[simem:s7], [sflag:s8] =	dma.local @!p0 [hbm:s6], $0xF7A  }
0x23: {  	s9 =	sor.u32 $0xD0000000, s2;
	s6 =	simm.s32 $0x108;
	_ =	swait.ge @!p0 [sflag:s8], $0x0  }
0x24: {  	s3 =	sadd.s32 $0x88, s3;
	s6 =	simm.s32 @!p1 $0x1082;
	[sflag:s4] =	ssyncset.s32 $0xFFFFF086  }
0x25: {  	[simem:s6], [sflag:s4] =	dma.local [hbm:s3], $0xF7A  }
0x26: {  	[smem:$0x3F8C] =	sst s1;
	(tag) =	ssettag s2;
	_ =	strace s9  }
0x27: {  	s1 =	sld [smem:$0x3F9C]  }
0x28: {  	s2 =	sld [smem:$0x3F9D]  }
0x29: {  	s4 =	sld [smem:$0x3F9F]  }
0x2a: {  	p0 =	seq.s32 s5, $0x0;
	s5 =	sld [smem:$0x3FA0]  }
0x2b: {  	s6 =	sld [smem:$0x3FA1]  }
0x2c: {  	s7 =	sld [smem:$0x3FA2]  }
0x2d: {  	s3 =	simm.s32 $0x108;
	s8 =	sld [smem:$0x3FA3]  }
0x2e: {  	s3 =	simm.s32 @!p0 $0x1082;
	s9 =	sld [smem:$0x3FA4]  }
0x2f: {  	lr =	sadd.s32 s0, s3;
	s0 =	sld [smem:$0x3F9B]  }
0x30: {  	s3 =	sld [smem:$0x3F9E]  }
0x31: {  	[smem:$0x3FA7] =	sst s10  }
0x32: {  	s10 =	sld [smem:$0x3FA5];
	_ =	sdelay $0x3  }
0x33: {  	p0 =	seq.s32 s10, $0x1;
	s10 =	sld [smem:$0x3FA7];
	_ =	sdelay $0x3  }
0x34: {  	[smem:$0x3FA7] =	sst s10  }
0x35: {  	s10 =	sld [smem:$0x3FA6];
	_ =	sdelay $0x3  }
0x36: {  	p1 =	seq.s32 s10, $0x1;
	s10 =	sld [smem:$0x3FA7];
	_ =	sdelay $0x3  }
0x37: {  	[smem:$0x3FA7] =	sst s10  }
0x38: {  	s10 =	sld [smem:$0x3FA8]  }
0x39: {  	_ = 	snop;
	(pc) =	sbr.ind lr, $3  }
0x3a: {  	_ = 	snop  }
0x3b: {  	_ = 	snop  }
0x3c: {  	p2 =	seq.s32 s10, $0x1;
	s10 =	sld [smem:$0x3FA7]  }
0x3d: {  	_ =	shalt  }
0x3e: {  	_ =	shalt  }
0x3f: {  	_ =	shalt  }
0x40: {  	_ =	shalt  }
0x41: {  	_ =	shalt  }
0x42: {  	_ =	shalt  }
0x43: {  	_ =	shalt  }
0x44: {  	_ =	shalt  }
0x45: {  	_ =	shalt  }
0x46: {  	_ =	shalt  }
0x47: {  	_ =	shalt  }
0x48: {  	_ =	shalt  }
0x49: {  	_ =	shalt  }
0x4a: {  	_ =	shalt  }
0x4b: {  	_ =	shalt  }
0x4c: {  	_ =	shalt  }
0x4d: {  	_ =	shalt  }
0x4e: {  	_ =	shalt  }
0x4f: {  	_ =	shalt  }
0x50: {  	_ =	shalt  }
0x51: {  	_ =	shalt  }
0x52: {  	_ =	shalt  }
0x53: {  	_ =	shalt  }
0x54: {  	_ =	shalt  }
0x55: {  	_ =	shalt  }
0x56: {  	_ =	shalt  }
0x57: {  	_ =	shalt  }
0x58: {  	_ =	shalt  }
0x59: {  	_ =	shalt  }
0x5a: {  	_ =	shalt  }
0x5b: {  	_ =	shalt  }
0x5c: {  	_ =	shalt  }
0x5d: {  	_ =	shalt  }
0x5e: {  	_ =	shalt  }
0x5f: {  	_ =	shalt  }
0x60: {  	_ =	shalt  }
0x61: {  	_ =	shalt  }
0x62: {  	_ =	shalt  }
0x63: {  	_ =	shalt  }
0x64: {  	_ =	shalt  }
0x65: {  	_ =	shalt  }
0x66: {  	_ =	shalt  }
0x67: {  	_ =	shalt  }
0x68: {  	_ =	shalt  }
0x69: {  	_ =	shalt  }
0x6a: {  	_ =	shalt  }
0x6b: {  	_ =	shalt  }
0x6c: {  	_ =	shalt  }
0x6d: {  	_ =	shalt  }
0x6e: {  	_ =	shalt  }
0x6f: {  	_ =	shalt  }
0x70: {  	_ =	shalt  }
0x71: {  	_ =	shalt  }
0x72: {  	_ =	shalt  }
0x73: {  	_ =	shalt  }
0x74: {  	_ =	shalt  }
0x75: {  	_ =	shalt  }
0x76: {  	_ =	shalt  }
0x77: {  	_ =	shalt  }
0x78: {  	_ =	shalt  }
0x79: {  	_ =	shalt  }
0x7a: {  	_ =	shalt  }
0x7b: {  	_ =	shalt  }
0x7c: {  	_ =	shalt  }
0x7d: {  	_ =	shalt  }
0x7e: {  	_ =	shalt  }
0x7f: {  	_ =	shalt  }
0x80: {  	_ =	shalt  }
0x81: {  	_ =	shalt  }
0x82: {  	_ =	shalt  }
0x83: {  	_ =	shalt  }
0x84: {  	_ =	shalt  }
0x85: {  	_ =	shalt  }
0x86: {  	_ =	shalt  }
0x87: {  	_ =	shalt  }
.Lfunc_end0:
.L_simem_size_0:
called_computation_lowered:
.L_overlay_start_0:
0x88: {  	s2 =	sld [smem:$0x3FD9]  }
0x89: {  	s3 =	sld [smem:$0x3FFE];
	_ =	sdelay $0x1  }
0x8a: {  	s1 =	srdreg.scid  }
0x8b: {  	s0 =	sand.u32 $0x1, s1  }
0x8c: {  	s16 =	sshll.u32 s0, $0xA;
	s2 =	sadd.s32 s3, s2  }
0x8d: {  	s2 =	sadd.s32 s2, s16  }
0x8e: {  	[smem:$0x3FB3] =	sst s2  }
0x8f: {  	_ = 	snop  }
0x90: {  	(tm) =	ssettm $0x1  }
0x91: {  	s17 =	sld [smem:$0x3FFB];
	_ =	sdelay $0x3  }
0x92: {  	_ =	strace s17  }
0x93: {  	s2 =	sld [smem:$0x3FFC];
	_ =	sdelay $0x3  }
0x94: {  	_ =	strace s2  }
0x95: {  	s2 =	sld [smem:$0x3FFD];
	_ =	sdelay $0x3  }
0x96: {  	_ =	strace s2  }
0x97: {  	_ =	strace $0x8FFFFFFF  }
0x98: {  	s18 =	sld [smem:$0x3FDB];
	_ =	sdelay $0x1  }
0x99: {  	s19 =	simm.s32 $_scs_section_size  }
0x9a: {  	s4 =	simm.s32 $_size__tile_overlayer_lowered;
	s5 =	simm.s32 $_tile_overlayer_lowered  }
0x9b: {  	s22 =	simm.s32 $0x1BFF;
	s21 =	sshll.u32 s5, $0x1;
	s2 =	sadd.s32 s19, s18  }
0x9c: {  	s6 =	simm.s32 $0x0;
	s20 =	sshll.u32 s4, $0x1;
	s4 =	sadd.s32 s21, s2  }
0x9d: {  	[timem:s6], [sflag:s22] =	dma.local [hbm:s4], s20  }
0x9e: {  	_ =	swait.ge [sflag:s22], s20  }
0x9f: {  	s3 =	ssub.s32 $0x0, s20;
	[sflag:s22] =	ssyncset.done $0x0  }
0xa0: {  	[sflag:s22] =	ssyncadd.s32 s3;
	_ =	sdelay $0x1  }
0xa1: {  	s23 =	simm.s32 $0x1B8B  }
0xa2: {  	_ =	swait.ge [sflag:s23], $0x1  }
0xa3: {  	[sflag:s23] =	ssyncset.done $0x0  }
0xa4: {  	s25 =	simm.s32 $0x1B8E;
	s24 =	sld [smem:$0x3FFE];
	[sflag:s23] =	ssyncadd.s32 $0xFFFFFFFF  }
0xa5: {  	s26 =	simm.s32 $execute0_lowered;
	[smem:$0x3FD2] =	sst s25  }
0xa6: {  	s4 =	sshll.u32 s26, $0x1;
	_ =	strace $0x80000046;
	[dreg:$0x1] =	wrdreg $0xFFFFFFFF  }
0xa7: {  	s28 =	simm.s32 $_size_execute0_lowered;
	s2 =	sadd.s32 s2, s4;
	[dreg:$0x0] =	wrdreg $0x0  }
0xa8: {  	s4 =	sshll.u32 s28, $0x1;
	[dreg:$0x2] =	wrdreg s2  }
0xa9: {  	[dreg:$0x3] =	wrdreg s4  }
0xaa: {  	[dreg:$0x4] =	wrdreg $0xC0  }
0xab: {  	_ =	task [dreg:s6], $0x5FFFF  }
0xac: {  	[dreg:$0x1] =	wrdreg $0xFFFFFFFF  }
0xad: {  	[dreg:$0x0] =	wrdreg $0x60  }
0xae: {  	[dreg:$0x2] =	wrdreg s24  }
0xaf: {  	[dreg:$0x3] =	wrdreg $0x9  }
0xb0: {  	_ =	task.clear_ibuf [dreg:s6], $0x4FFFF;
	_ =	strace $0x90000046  }
0xb1: {  	s29 =	simm.s32 $0x9;
	_ =	strace $0x80000048  }
0xb2: {  	_ =	swait.ge [sflag:s29], $0x1  }
0xb3: {  	[sflag:s29] =	ssyncadd.s32 $0xFFFFFFFF  }
0xb4: {  	_ =	strace $0x90000048  }
0xb5: {  	_ =	sfence  }
0xb6: {  	s30 =	sld [smem:$0x0];
	_ =	sdelay $0x2  }
0xb7: {  	s31 =	sshll.u32 s1, $0xD;
	s1 =	sshrl.u32 s1, $0x2  }
0xb8: {  	s3 =	sand.u32 $0x4000, s31;
	s1 =	sadd.s32 s1, s30  }
0xb9: {  	s0 =	sor.u32 s3, s0;
	s1 =	sshll.u32 s1, $0x11  }
0xba: {  	s0 =	sor.u32 s1, s0  }
0xbb: {  	s0 =	sadd.s32 $0x8F2B, s0  }
0xbc: {  	[sflag:s0] =	ssyncadd.remote.s32 $0x1  }
0xbd: {  	_ =	sfence.sel $0xFFFF  }
0xbe: {  	[dreg:$0x0] =	wrdreg $0xFFFFFFFF;
	(pc) =	sbr.abs _section_cstart, $3  }
0xbf: {  	[dreg:$0x1] =	wrdreg $0xFFFFFFFF  }
0xc0: {  	_ =	task.clear_ibuf [dreg:s6], $0x2FFFF;
	_ =	strace $0x9FFFFFFF  }
0xc1: {  	(tm) =	ssettm $0x7FFFFFFF  }
tec
execute0_lowered:
.L_overlay_start_1:
0x0: {  	(tag) =	ssettag $0x1  }
0x1: {  	s4 =	rddreg [dreg:$0x0]  }
0x2: {  	s0 =	rddreg [dreg:$0x1];
	s2 =	simm.s32 $0x0;
	s1 =	stileid.u32  }
0x3: {  	s5 =	srdreg.scid;
	s10 =	simm.s32 $0x100;
	s11 =	simm.s32 $0x2400  }
0x4: {  	s12 =	simm.s32 $0x180;
	s13 =	simm.s32 $0x3400;
	s14 =	simm.s32 $0x200  }
0x5: {  	s15 =	simm.s32 $0x4400;
	s16 =	simm.s32 $0x280;
	s17 =	simm.s32 $0x5400  }
0x6: {  	s18 =	simm.s32 $0x300;
	s19 =	simm.s32 $0x6400;
	s20 =	simm.s32 $0x380  }
0x7: {  	s21 =	simm.s32 $0x7400;
	s22 =	simm.s32 $0x1;
	s23 =	simm.s32 $0x2  }
0x8: {  	s24 =	simm.s32 $0x0;
	[smem:$0x7FF] =	sst s2;
	s3 =	sadd.s32 $0x30E00, s4  }
0x9: {  	s6 =	sshll.u32 s1, $0x8;
	s5 =	sand.u32 $0x1, s5;
	s7 =	sshll.u32 s1, $0xD  }
0xa: {  	_ =	strace $0x80000047;
	s6 =	sadd.s32 s6, s4;
	s8 =	ssub.s32 $0x2, s5  }
0xb: {  	s4 =	sadd.s32 s7, s4;
	s9 =	sshll.u32 s5, $0xC;
	s5 =	sshll.u32 s5, $0x7  }
0xc: {  	s29 =	sshrl.u32 s8, $0x1;
	s30 =	sadd.s32 s9, s4;
	s5 =	sadd.s32 s5, s6  }
0xd: {  	s6 =	simm.s32 $0x3;
	s9 =	simm.s32 $0x1400;
	s7 =	ssub.s32 s8, s29  }
0xe: {  	s31 =	sadd.s32 $0x3AC00, s30;
	s5 =	sadd.s32 $0x4C00, s5;
	s8 =	simm.s32 $0x400  }
0xf: {  	s4 =	smax.u32 s7, $0x1;
	[dreg:$0x2] =	wrdreg s31;
	s7 =	simm.s32 $0x80  }
.LBB2_1:
0x10: {  	[tilespmem:s2], [sflag:$0x3] =	stream.linear.gather [hbm4b:s5+s2], $0x400, $0x38;
	[tilespmem:$0x8400] =	vst v63  }
0x11: {  	_ =	swait.ge [sflag:s6], $0x400  }
0x12: {  	p0 =	por $0x1, $0x1;
	[sflag:s6] =	ssyncset.done $0x0  }
0x13: {  	s25 =	simm.s32 @!p0 $0x2;
	[sflag:s6] =	ssyncadd.s32 $0xFFFFFC00  }
0x14: {  	_ =	swait.ge @!p0 [sflag:s25], $0x1000  }
0x15: {  	[sflag:s25] =	ssyncset.done @!p0 $0x0  }
0x16: {  	[sflag:s25] =	ssyncadd.s32 @!p0 $0xFFFFF000  }
0x17: {  	_ =	swait.ge @!p0 [sflag:s25], $0x1000  }
0x18: {  	[sflag:s25] =	ssyncset.done @!p0 $0x0  }
0x19: {  	[sflag:s25] =	ssyncadd.s32 @!p0 $0xFFFFF000  }
0x1a: {  	_ =	swait.ge @!p0 [sflag:s25], $0x1000  }
0x1b: {  	[sflag:s25] =	ssyncset.done @!p0 $0x0  }
0x1c: {  	[sflag:s25] =	ssyncadd.s32 @!p0 $0xFFFFF000  }
0x1d: {  	_ =	swait.ge @!p0 [sflag:s25], $0x1000  }
0x1e: {  	[sflag:s25] =	ssyncset.done @!p0 $0x0  }
0x1f: {  	[sflag:s25] =	ssyncadd.s32 @!p0 $0xFFFFF000  }
0x20: {  	_ =	swait.ge @!p0 [sflag:s25], $0x1000  }
0x21: {  	[sflag:s25] =	ssyncset.done @!p0 $0x0  }
0x22: {  	[sflag:s25] =	ssyncadd.s32 @!p0 $0xFFFFF000  }
0x23: {  	_ =	swait.ge @!p0 [sflag:s25], $0x1000  }
0x24: {  	[sflag:s25] =	ssyncset.done @!p0 $0x0  }
0x25: {  	[sflag:s25] =	ssyncadd.s32 @!p0 $0xFFFFF000  }
0x26: {  	_ =	swait.ge @!p0 [sflag:s25], $0x1000  }
0x27: {  	[sflag:s25] =	ssyncset.done @!p0 $0x0  }
0x28: {  	[sflag:s25] =	ssyncadd.s32 @!p0 $0xFFFFF000  }
0x29: {  	_ =	swait.ge @!p0 [sflag:s25], $0x1000  }
0x2a: {  	[sflag:s25] =	ssyncset.done @!p0 $0x0  }
0x2b: {  	[sflag:s25] =	ssyncadd.s32 @!p0 $0xFFFFF000  }
0x2c: {  	[tilespmem:s8], [sflag:$0x1] =	stream.indirect.gather [hbm4b:s3+s7], $0x20, s2, s7, $0xb8;
	[tilespmem:$0x8400] =	vst v63  }
0x2d: {  	_ = 	snop  }
0x2e: {  	[tilespmem:s9], [sflag:$0x1] =	stream.indirect.gather [hbm4b:s3+s7], $0x20, s7, s7, $0xb8;
	[tilespmem:$0x8400] =	vst v63  }
0x2f: {  	_ = 	snop  }
0x30: {  	[tilespmem:s11], [sflag:$0x1] =	stream.indirect.gather [hbm4b:s3+s7], $0x20, s10, s7, $0xb8;
	[tilespmem:$0x8400] =	vst v63  }
0x31: {  	_ = 	snop  }
0x32: {  	[tilespmem:s13], [sflag:$0x1] =	stream.indirect.gather [hbm4b:s3+s7], $0x20, s12, s7, $0xb8;
	[tilespmem:$0x8400] =	vst v63  }
0x33: {  	_ = 	snop  }
0x34: {  	[tilespmem:s15], [sflag:$0x1] =	stream.indirect.gather [hbm4b:s3+s7], $0x20, s14, s7, $0xb8;
	[tilespmem:$0x8400] =	vst v63  }
0x35: {  	_ = 	snop  }
0x36: {  	[tilespmem:s17], [sflag:$0x1] =	stream.indirect.gather [hbm4b:s3+s7], $0x20, s16, s7, $0xb8;
	[tilespmem:$0x8400] =	vst v63  }
0x37: {  	_ = 	snop  }
0x38: {  	[tilespmem:s19], [sflag:$0x1] =	stream.indirect.gather [hbm4b:s3+s7], $0x20, s18, s7, $0xb8;
	[tilespmem:$0x8400] =	vst v63  }
0x39: {  	_ = 	snop  }
0x3a: {  	[tilespmem:s21], [sflag:$0x1] =	stream.indirect.gather [hbm4b:s3+s7], $0x20, s20, s7, $0xb8;
	[tilespmem:$0x8400] =	vst v63  }
0x3b: {  	_ =	swait.ge [sflag:s22], $0x1000  }
0x3c: {  	[sflag:s22] =	ssyncset.done $0x0  }
0x3d: {  	[sflag:s22] =	ssyncadd.s32 $0xFFFFF000  }
0x3e: {  	_ =	swait.ge [sflag:s22], $0x1000  }
0x3f: {  	[sflag:s22] =	ssyncset.done $0x0  }
0x40: {  	[sflag:s22] =	ssyncadd.s32 $0xFFFFF000  }
0x41: {  	_ =	swait.ge [sflag:s22], $0x1000  }
0x42: {  	[sflag:s22] =	ssyncset.done $0x0  }
0x43: {  	[sflag:s22] =	ssyncadd.s32 $0xFFFFF000  }
0x44: {  	_ =	swait.ge [sflag:s22], $0x1000  }
0x45: {  	[sflag:s22] =	ssyncset.done $0x0  }
0x46: {  	[sflag:s22] =	ssyncadd.s32 $0xFFFFF000  }
0x47: {  	_ =	swait.ge [sflag:s22], $0x1000  }
0x48: {  	[sflag:s22] =	ssyncset.done $0x0  }
0x49: {  	[sflag:s22] =	ssyncadd.s32 $0xFFFFF000  }
0x4a: {  	_ =	swait.ge [sflag:s22], $0x1000  }
0x4b: {  	[sflag:s22] =	ssyncset.done $0x0  }
0x4c: {  	[sflag:s22] =	ssyncadd.s32 $0xFFFFF000  }
0x4d: {  	_ =	swait.ge [sflag:s22], $0x1000  }
0x4e: {  	[sflag:s22] =	ssyncset.done $0x0  }
0x4f: {  	[sflag:s22] =	ssyncadd.s32 $0xFFFFF000  }
0x50: {  	_ =	swait.ge [sflag:s22], $0x1000  }
0x51: {  	s29 =	rddreg [dreg:$0x2];
	[sflag:s22] =	ssyncset.done $0x0  }
0x52: {  	[sflag:s22] =	ssyncadd.s32 $0xFFFFF000;
	s26 =	sadd.s32 $0x0, s29  }
0x53: {  	[hbm4b:s26+s2] =	stream.linear.scatter [tilespmem:s8], [sflag:$0x2], $0x1000, $0x38;
	[tilespmem:$0x8400] =	vst v63  }
0x54: {  	s25 =	sadd.s32 $0x200, s26  }
0x55: {  	[hbm4b:s25+s2] =	stream.linear.scatter [tilespmem:s9], [sflag:$0x2], $0x1000, $0x38;
	[tilespmem:$0x8400] =	vst v63  }
0x56: {  	s30 =	sadd.s32 $0x400, s26  }
0x57: {  	[hbm4b:s30+s2] =	stream.linear.scatter [tilespmem:s11], [sflag:$0x2], $0x1000, $0x38;
	[tilespmem:$0x8400] =	vst v63  }
0x58: {  	s31 =	sadd.s32 $0x600, s26  }
0x59: {  	[hbm4b:s31+s2] =	stream.linear.scatter [tilespmem:s13], [sflag:$0x2], $0x1000, $0x38;
	[tilespmem:$0x8400] =	vst v63  }
0x5a: {  	s29 =	sadd.s32 $0x800, s26  }
0x5b: {  	[hbm4b:s29+s2] =	stream.linear.scatter [tilespmem:s15], [sflag:$0x2], $0x1000, $0x38;
	[tilespmem:$0x8400] =	vst v63  }
0x5c: {  	s28 =	sadd.s32 $0xE00, s26;
	s30 =	sadd.s32 $0xA00, s26  }
0x5d: {  	[hbm4b:s30+s2] =	stream.linear.scatter [tilespmem:s17], [sflag:$0x2], $0x1000, $0x38;
	[tilespmem:$0x8400] =	vst v63  }
0x5e: {  	s25 =	simm.s32 $0x20000;
	s31 =	sadd.s32 $0xC00, s26;
	s26 =	sadd.s32 $0x1000, s5  }
0x5f: {  	[hbm4b:s31+s2] =	stream.linear.scatter [tilespmem:s19], [sflag:$0x2], $0x1000, $0x38;
	[tilespmem:$0x8400] =	vst v63  }
.LBB2_2:
0x60: {  	[hbm4b:s28+s2] =	stream.linear.scatter [tilespmem:s21], [sflag:$0x2], $0x1000, $0x38;
	[tilespmem:$0x8400] =	vst v63  }
0x61: {  	_ = 	snop  }
0x62: {  	[tilespmem:s2], [sflag:$0x3] =	stream.linear.gather [hbm4b:s26+s2], $0x400, $0x38;
	[tilespmem:$0x8400] =	vst v63  }
0x63: {  	s28 =	smov.u32 s25;
	_ =	swait.ge [sflag:s6], $0x400  }
0x64: {  	p1 =	seq.s32 s28, $0x0;
	[sflag:s6] =	ssyncset.done $0x0  }
0x65: {  	s29 =	simm.s32 @!p1 $0x2;
	[sflag:s6] =	ssyncadd.s32 $0xFFFFFC00  }
0x66: {  	_ =	swait.ge @!p1 [sflag:s29], $0x1000  }
0x67: {  	[sflag:s29] =	ssyncset.done @!p1 $0x0  }
0x68: {  	[sflag:s29] =	ssyncadd.s32 @!p1 $0xFFFFF000  }
0x69: {  	_ =	swait.ge @!p1 [sflag:s29], $0x1000  }
0x6a: {  	[sflag:s29] =	ssyncset.done @!p1 $0x0  }
0x6b: {  	[sflag:s29] =	ssyncadd.s32 @!p1 $0xFFFFF000  }
0x6c: {  	_ =	swait.ge @!p1 [sflag:s29], $0x1000  }
0x6d: {  	[sflag:s29] =	ssyncset.done @!p1 $0x0  }
0x6e: {  	[sflag:s29] =	ssyncadd.s32 @!p1 $0xFFFFF000  }
0x6f: {  	_ =	swait.ge @!p1 [sflag:s29], $0x1000  }
0x70: {  	[sflag:s29] =	ssyncset.done @!p1 $0x0  }
0x71: {  	[sflag:s29] =	ssyncadd.s32 @!p1 $0xFFFFF000  }
0x72: {  	_ =	swait.ge @!p1 [sflag:s29], $0x1000  }
0x73: {  	[sflag:s29] =	ssyncset.done @!p1 $0x0  }
0x74: {  	[sflag:s29] =	ssyncadd.s32 @!p1 $0xFFFFF000  }
0x75: {  	_ =	swait.ge @!p1 [sflag:s29], $0x1000  }
0x76: {  	[sflag:s29] =	ssyncset.done @!p1 $0x0  }
0x77: {  	[sflag:s29] =	ssyncadd.s32 @!p1 $0xFFFFF000  }
0x78: {  	_ =	swait.ge @!p1 [sflag:s29], $0x1000  }
0x79: {  	[sflag:s29] =	ssyncset.done @!p1 $0x0  }
0x7a: {  	[sflag:s29] =	ssyncadd.s32 @!p1 $0xFFFFF000  }
0x7b: {  	_ =	swait.ge @!p1 [sflag:s29], $0x1000  }
0x7c: {  	[sflag:s29] =	ssyncset.done @!p1 $0x0  }
0x7d: {  	[sflag:s29] =	ssyncadd.s32 @!p1 $0xFFFFF000  }
0x7e: {  	[tilespmem:s8], [sflag:$0x1] =	stream.indirect.gather [hbm4b:s3+s7], $0x20, s2, s7, $0xb8;
	[tilespmem:$0x8400] =	vst v63  }
0x7f: {  	_ = 	snop  }
0x80: {  	[tilespmem:s9], [sflag:$0x1] =	stream.indirect.gather [hbm4b:s3+s7], $0x20, s7, s7, $0xb8;
	[tilespmem:$0x8400] =	vst v63  }
0x81: {  	_ = 	snop  }
0x82: {  	[tilespmem:s11], [sflag:$0x1] =	stream.indirect.gather [hbm4b:s3+s7], $0x20, s10, s7, $0xb8;
	[tilespmem:$0x8400] =	vst v63  }
0x83: {  	_ = 	snop  }
0x84: {  	[tilespmem:s13], [sflag:$0x1] =	stream.indirect.gather [hbm4b:s3+s7], $0x20, s12, s7, $0xb8;
	[tilespmem:$0x8400] =	vst v63  }
0x85: {  	_ = 	snop  }
0x86: {  	[tilespmem:s15], [sflag:$0x1] =	stream.indirect.gather [hbm4b:s3+s7], $0x20, s14, s7, $0xb8;
	[tilespmem:$0x8400] =	vst v63  }
0x87: {  	_ = 	snop  }
0x88: {  	[tilespmem:s17], [sflag:$0x1] =	stream.indirect.gather [hbm4b:s3+s7], $0x20, s16, s7, $0xb8;
	[tilespmem:$0x8400] =	vst v63  }
0x89: {  	_ = 	snop  }
0x8a: {  	[tilespmem:s19], [sflag:$0x1] =	stream.indirect.gather [hbm4b:s3+s7], $0x20, s18, s7, $0xb8;
	[tilespmem:$0x8400] =	vst v63  }
0x8b: {  	_ = 	snop  }
0x8c: {  	[tilespmem:s21], [sflag:$0x1] =	stream.indirect.gather [hbm4b:s3+s7], $0x20, s20, s7, $0xb8;
	[tilespmem:$0x8400] =	vst v63  }
0x8d: {  	_ =	swait.ge [sflag:s22], $0x1000  }
0x8e: {  	[sflag:s22] =	ssyncset.done $0x0  }
0x8f: {  	[sflag:s22] =	ssyncadd.s32 $0xFFFFF000  }
0x90: {  	_ =	swait.ge [sflag:s22], $0x1000  }
0x91: {  	[sflag:s22] =	ssyncset.done $0x0  }
0x92: {  	[sflag:s22] =	ssyncadd.s32 $0xFFFFF000  }
0x93: {  	_ =	swait.ge [sflag:s22], $0x1000  }
0x94: {  	[sflag:s22] =	ssyncset.done $0x0  }
0x95: {  	[sflag:s22] =	ssyncadd.s32 $0xFFFFF000  }
0x96: {  	_ =	swait.ge [sflag:s22], $0x1000  }
0x97: {  	[sflag:s22] =	ssyncset.done $0x0  }
0x98: {  	[sflag:s22] =	ssyncadd.s32 $0xFFFFF000  }
0x99: {  	_ =	swait.ge [sflag:s22], $0x1000  }
0x9a: {  	[sflag:s22] =	ssyncset.done $0x0  }
0x9b: {  	[sflag:s22] =	ssyncadd.s32 $0xFFFFF000  }
0x9c: {  	_ =	swait.ge [sflag:s22], $0x1000  }
0x9d: {  	[sflag:s22] =	ssyncset.done $0x0  }
0x9e: {  	[sflag:s22] =	ssyncadd.s32 $0xFFFFF000  }
0x9f: {  	_ =	swait.ge [sflag:s22], $0x1000  }
0xa0: {  	[sflag:s22] =	ssyncset.done $0x0  }
0xa1: {  	[sflag:s22] =	ssyncadd.s32 $0xFFFFF000  }
0xa2: {  	_ =	swait.ge [sflag:s22], $0x1000  }
0xa3: {  	s30 =	rddreg [dreg:$0x2];
	[sflag:s22] =	ssyncset.done $0x0  }
0xa4: {  	[sflag:s22] =	ssyncadd.s32 $0xFFFFF000;
	s28 =	sadd.s32 s28, s30  }
0xa5: {  	[hbm4b:s28+s2] =	stream.linear.scatter [tilespmem:s8], [sflag:$0x2], $0x1000, $0x38;
	[tilespmem:$0x8400] =	vst v63  }
0xa6: {  	s29 =	sadd.s32 $0x200, s28  }
0xa7: {  	[hbm4b:s29+s2] =	stream.linear.scatter [tilespmem:s9], [sflag:$0x2], $0x1000, $0x38;
	[tilespmem:$0x8400] =	vst v63  }
0xa8: {  	s31 =	sadd.s32 $0x400, s28  }
0xa9: {  	[hbm4b:s31+s2] =	stream.linear.scatter [tilespmem:s11], [sflag:$0x2], $0x1000, $0x38;
	[tilespmem:$0x8400] =	vst v63  }
0xaa: {  	s25 =	sadd.s32 $0x20000, s25;
	s30 =	sadd.s32 $0x600, s28  }
0xab: {  	[hbm4b:s30+s2] =	stream.linear.scatter [tilespmem:s13], [sflag:$0x2], $0x1000, $0x38;
	[tilespmem:$0x8400] =	vst v63  }
0xac: {  	p0 =	sne.s32 s25, $0xA0000;
	s31 =	sadd.s32 $0x800, s28  }
0xad: {  	[hbm4b:s31+s2] =	stream.linear.scatter [tilespmem:s15], [sflag:$0x2], $0x1000, $0x38;
	[tilespmem:$0x8400] =	vst v63  }
.Ltmp0:
0xae: {  	_ = 	snop;
	(pc) =	sbr.rel @p0 .LBB2_2-.Ltmp0, $4  }
0xaf: {  	s30 =	sadd.s32 $0xA00, s28  }
0xb0: {  	[hbm4b:s30+s2] =	stream.linear.scatter [tilespmem:s17], [sflag:$0x2], $0x1000, $0x38;
	[tilespmem:$0x8400] =	vst v63  }
0xb1: {  	s26 =	sadd.s32 $0x1000, s26;
	s31 =	sadd.s32 $0xC00, s28;
	s28 =	sadd.s32 $0xE00, s28  }
0xb2: {  	[hbm4b:s31+s2] =	stream.linear.scatter [tilespmem:s19], [sflag:$0x2], $0x1000, $0x38;
	[tilespmem:$0x8400] =	vst v63  }
0xb3: {  	[hbm4b:s28+s2] =	stream.linear.scatter [tilespmem:s21], [sflag:$0x2], $0x1000, $0x38;
	[tilespmem:$0x8400] =	vst v63  }
0xb4: {  	_ =	swait.ge [sflag:s23], $0x1000  }
0xb5: {  	[sflag:s23] =	ssyncset.done $0x0  }
0xb6: {  	[sflag:s23] =	ssyncadd.s32 $0xFFFFF000  }
0xb7: {  	_ =	swait.ge [sflag:s23], $0x1000  }
0xb8: {  	[sflag:s23] =	ssyncset.done $0x0  }
0xb9: {  	[sflag:s23] =	ssyncadd.s32 $0xFFFFF000  }
0xba: {  	_ =	swait.ge [sflag:s23], $0x1000  }
0xbb: {  	[sflag:s23] =	ssyncset.done $0x0  }
0xbc: {  	[sflag:s23] =	ssyncadd.s32 $0xFFFFF000  }
0xbd: {  	_ =	swait.ge [sflag:s23], $0x1000  }
0xbe: {  	[sflag:s23] =	ssyncset.done $0x0  }
0xbf: {  	[sflag:s23] =	ssyncadd.s32 $0xFFFFF000  }
0xc0: {  	_ =	swait.ge [sflag:s23], $0x1000  }
0xc1: {  	[sflag:s23] =	ssyncset.done $0x0  }
0xc2: {  	[sflag:s23] =	ssyncadd.s32 $0xFFFFF000  }
0xc3: {  	_ =	swait.ge [sflag:s23], $0x1000  }
0xc4: {  	[sflag:s23] =	ssyncset.done $0x0  }
0xc5: {  	s24 =	sadd.s32 $0x1, s24;
	[sflag:s23] =	ssyncadd.s32 $0xFFFFF000  }
0xc6: {  	p0 =	sne.s32 s24, s4;
	_ =	swait.ge [sflag:s23], $0x1000  }
.Ltmp1:
0xc7: {  	[sflag:s23] =	ssyncset.done $0x0;
	(pc) =	sbr.rel @p0 .LBB2_1-.Ltmp1, $4  }
0xc8: {  	[sflag:s23] =	ssyncadd.s32 $0xFFFFF000  }
0xc9: {  	_ =	swait.ge [sflag:s23], $0x1000  }
0xca: {  	[sflag:s23] =	ssyncset.done $0x0  }
0xcb: {  	[sflag:s23] =	ssyncadd.s32 $0xFFFFF000  }
0xcc: {  	_ =	sfence.sel $0x180000  }
0xcd: {  	[bflag:$0x0] =	sbarrier.arrive $0xFFFF  }
0xce: {  	p0 =	sne.s32 s1, $0x0;
	_ =	strace $0x90000047  }
0xcf: {  	s0 =	sadd.s32 @!p0 $0x100000, s0;
	[bflag:$0x2] =	sbarrier.arrive $0xFFFF  }
0xd0: {  	[sflag:s0] =	ssyncadd.tile.s32 @!p0 $0x1;
	_ =	shalt  }
.Lfunc_end2:
_tile_overlayer_lowered:
.L_overlay_start_2:
0xd1: {  	(tag) =	ssettag $0x2  }
0xd2: {  	s0 =	rddreg [dreg:$0x0];
	s2 =	stileid.u32  }
0xd3: {  	s1 =	rddreg [dreg:$0x1];
	p0 =	sne.s32 s2, $0x0  }
0xd4: {  	s3 =	rddreg [dreg:$0x2];
	[bflag:$0x3] =	sbarrier.arrive $0xFFFF;
	s2 =	simm.s32 @!p0 $0x1C03  }
0xd5: {  	[timem:s3], [sflag:s2] =	dma.local @!p0 [hbm:s0], s1  }
0xd6: {  	s0 =	simm.s32 @!p0 $0x3  }
0xd7: {  	_ =	swait.ge @!p0 [sflag:s0], s1  }
0xd8: {  	s1 =	ssub.s32 @!p0 $0x0, s1;
	[sflag:s0] =	ssyncset.done @!p0 $0x0  }
0xd9: {  	[sflag:s0] =	ssyncadd.s32 @!p0 s1  }
0xda: {  	[bflag:$0x3] =	sbarrier.arrive $0xFFFF  }
0xdb: {  	_ =	shalt  }

// kernel: kernel.14.cloned.1.call-start
scs
__scs_entry_jumppad:
0x0: {  	(pc) =	sbr.rel $0x88, $3  }
0x1: {  	(tag) =	ssettag $0x0;
	lr =	simm.s32 $0x1  }
0x2: {  	[smem:$0x3F8C] =	sst lr;
	_ =	strace $0xD0000000  }
0x3: {  	_ = 	snop  }
0x4: {  	_ = 	snop  }
0x5: {  	_ = 	snop  }
0x6: {  	_ = 	snop  }
0x7: {  	_ = 	snop  }
__scs_overlays_trampoline_lowered:
0x8: {  	[smem:$0x3F9B] =	sst s0  }
0x9: {  	[smem:$0x3F9C] =	sst s1  }
0xa: {  	[smem:$0x3F9D] =	sst s2  }
0xb: {  	[smem:$0x3F9E] =	sst s3  }
0xc: {  	[smem:$0x3F9F] =	sst s4  }
0xd: {  	[smem:$0x3FA0] =	sst s5  }
0xe: {  	[smem:$0x3FA1] =	sst s6  }
0xf: {  	[smem:$0x3FA2] =	sst s7  }
0x10: {  	[smem:$0x3FA3] =	sst s8  }
0x11: {  	[smem:$0x3FA4] =	sst s9;
	s0 =	simm.s32 @!p0 $0x0  }
0x12: {  	s1 =	sld [smem:$0x3F8A];
	s0 =	simm.s32 @p0 $0x1  }
0x13: {  	[smem:$0x3FA5] =	sst s0;
	s0 =	simm.s32 @!p1 $0x0  }
0x14: {  	s2 =	sld [smem:$0x3F89];
	s0 =	simm.s32 @p1 $0x1  }
0x15: {  	[smem:$0x3FA6] =	sst s0;
	s0 =	simm.s32 @!p2 $0x0  }
0x16: {  	s3 =	sld [smem:$0x3FDB];
	s0 =	simm.s32 @p2 $0x1  }
0x17: {  	s4 =	simm.s32 $0x1BF5;
	[smem:$0x3FA8] =	sst s0  }
0x18: {  	s0 =	sld [smem:$0x3F8B];
	_ =	swait.ge [sflag:s4], $0x0  }
0x19: {  	s7 =	sld [smem:$0x3F8C]  }
0x1a: {  	s8 =	sadd.s32 $0xFFFFE003, lr  }
0x1b: {  	s9 =	sadd.s32 $0xFFFFFEF7, lr;
	s5 =	simm.s32 $0xFFFFFFFF;
	p2 =	slt.u32 s8, $0xFFFFF086  }
0x1c: {  	p1 =	slt.u32 s9, $0xF7A;
	s5 =	simm.s32 @!p2 $0x0  }
0x1d: {  	s5 =	simm.s32 @p1 $0x1;
	p0 =	seq.s32 s7, s2  }
0x1e: {  	s7 =	smul.u32 @!p0 $0xF7A, s2;
	p2 =	seq.s32 @!p0 s5, $0x0  }
0x1f: {  	s9 =	smul.u32 $0xF7A, s1;
	s8 =	simm.s32 @!p0 $0x1BF5;
	p2 =	por !p2, p0  }
0x20: {  	[sflag:s8] =	ssyncset.s32 @!p0 $0xFFFFF086;
	s6 =	sadd.s32 @!p0 s3, s7;
	s7 =	simm.s32 @!p0 $0x108  }
0x21: {  	s3 =	sadd.s32 s3, s9;
	s6 =	sadd.s32 @!p0 $0x88, s6;
	s7 =	simm.s32 @p2 $0x1082  }
0x22: {  	[simem:s7], [sflag:s8] =	dma.local @!p0 [hbm:s6], $0xF7A  }
0x23: {  	s9 =	sor.u32 $0xD0000000, s2;
	s6 =	simm.s32 $0x108;
	_ =	swait.ge @!p0 [sflag:s8], $0x0  }
0x24: {  	s3 =	sadd.s32 $0x88, s3;
	s6 =	simm.s32 @!p1 $0x1082;
	[sflag:s4] =	ssyncset.s32 $0xFFFFF086  }
0x25: {  	[simem:s6], [sflag:s4] =	dma.local [hbm:s3], $0xF7A  }
0x26: {  	[smem:$0x3F8C] =	sst s1;
	(tag) =	ssettag s2;
	_ =	strace s9  }
0x27: {  	s1 =	sld [smem:$0x3F9C]  }
0x28: {  	s2 =	sld [smem:$0x3F9D]  }
0x29: {  	s4 =	sld [smem:$0x3F9F]  }
0x2a: {  	p0 =	seq.s32 s5, $0x0;
	s5 =	sld [smem:$0x3FA0]  }
0x2b: {  	s6 =	sld [smem:$0x3FA1]  }
0x2c: {  	s7 =	sld [smem:$0x3FA2]  }
0x2d: {  	s3 =	simm.s32 $0x108;
	s8 =	sld [smem:$0x3FA3]  }
0x2e: {  	s3 =	simm.s32 @!p0 $0x1082;
	s9 =	sld [smem:$0x3FA4]  }
0x2f: {  	lr =	sadd.s32 s0, s3;
	s0 =	sld [smem:$0x3F9B]  }
0x30: {  	s3 =	sld [smem:$0x3F9E]  }
0x31: {  	[smem:$0x3FA7] =	sst s10  }
0x32: {  	s10 =	sld [smem:$0x3FA5];
	_ =	sdelay $0x3  }
0x33: {  	p0 =	seq.s32 s10, $0x1;
	s10 =	sld [smem:$0x3FA7];
	_ =	sdelay $0x3  }
0x34: {  	[smem:$0x3FA7] =	sst s10  }
0x35: {  	s10 =	sld [smem:$0x3FA6];
	_ =	sdelay $0x3  }
0x36: {  	p1 =	seq.s32 s10, $0x1;
	s10 =	sld [smem:$0x3FA7];
	_ =	sdelay $0x3  }
0x37: {  	[smem:$0x3FA7] =	sst s10  }
0x38: {  	s10 =	sld [smem:$0x3FA8]  }
0x39: {  	_ = 	snop;
	(pc) =	sbr.ind lr, $3  }
0x3a: {  	_ = 	snop  }
0x3b: {  	_ = 	snop  }
0x3c: {  	p2 =	seq.s32 s10, $0x1;
	s10 =	sld [smem:$0x3FA7]  }
0x3d: {  	_ =	shalt  }
0x3e: {  	_ =	shalt  }
0x3f: {  	_ =	shalt  }
0x40: {  	_ =	shalt  }
0x41: {  	_ =	shalt  }
0x42: {  	_ =	shalt  }
0x43: {  	_ =	shalt  }
0x44: {  	_ =	shalt  }
0x45: {  	_ =	shalt  }
0x46: {  	_ =	shalt  }
0x47: {  	_ =	shalt  }
0x48: {  	_ =	shalt  }
0x49: {  	_ =	shalt  }
0x4a: {  	_ =	shalt  }
0x4b: {  	_ =	shalt  }
0x4c: {  	_ =	shalt  }
0x4d: {  	_ =	shalt  }
0x4e: {  	_ =	shalt  }
0x4f: {  	_ =	shalt  }
0x50: {  	_ =	shalt  }
0x51: {  	_ =	shalt  }
0x52: {  	_ =	shalt  }
0x53: {  	_ =	shalt  }
0x54: {  	_ =	shalt  }
0x55: {  	_ =	shalt  }
0x56: {  	_ =	shalt  }
0x57: {  	_ =	shalt  }
0x58: {  	_ =	shalt  }
0x59: {  	_ =	shalt  }
0x5a: {  	_ =	shalt  }
0x5b: {  	_ =	shalt  }
0x5c: {  	_ =	shalt  }
0x5d: {  	_ =	shalt  }
0x5e: {  	_ =	shalt  }
0x5f: {  	_ =	shalt  }
0x60: {  	_ =	shalt  }
0x61: {  	_ =	shalt  }
0x62: {  	_ =	shalt  }
0x63: {  	_ =	shalt  }
0x64: {  	_ =	shalt  }
0x65: {  	_ =	shalt  }
0x66: {  	_ =	shalt  }
0x67: {  	_ =	shalt  }
0x68: {  	_ =	shalt  }
0x69: {  	_ =	shalt  }
0x6a: {  	_ =	shalt  }
0x6b: {  	_ =	shalt  }
0x6c: {  	_ =	shalt  }
0x6d: {  	_ =	shalt  }
0x6e: {  	_ =	shalt  }
0x6f: {  	_ =	shalt  }
0x70: {  	_ =	shalt  }
0x71: {  	_ =	shalt  }
0x72: {  	_ =	shalt  }
0x73: {  	_ =	shalt  }
0x74: {  	_ =	shalt  }
0x75: {  	_ =	shalt  }
0x76: {  	_ =	shalt  }
0x77: {  	_ =	shalt  }
0x78: {  	_ =	shalt  }
0x79: {  	_ =	shalt  }
0x7a: {  	_ =	shalt  }
0x7b: {  	_ =	shalt  }
0x7c: {  	_ =	shalt  }
0x7d: {  	_ =	shalt  }
0x7e: {  	_ =	shalt  }
0x7f: {  	_ =	shalt  }
0x80: {  	_ =	shalt  }
0x81: {  	_ =	shalt  }
0x82: {  	_ =	shalt  }
0x83: {  	_ =	shalt  }
0x84: {  	_ =	shalt  }
0x85: {  	_ =	shalt  }
0x86: {  	_ =	shalt  }
0x87: {  	_ =	shalt  }
.Lfunc_end0:
.L_simem_size_0:
called_computation.1_lowered:
.L_overlay_start_0:
0x88: {  	s2 =	sld [smem:$0x3FD9]  }
0x89: {  	s3 =	sld [smem:$0x3FFE];
	_ =	sdelay $0x1  }
0x8a: {  	s1 =	srdreg.scid  }
0x8b: {  	s0 =	sand.u32 $0x1, s1  }
0x8c: {  	s17 =	sshll.u32 s0, $0xA;
	s2 =	sadd.s32 s3, s2  }
0x8d: {  	s2 =	sadd.s32 s2, s17  }
0x8e: {  	[smem:$0x3FB3] =	sst s2  }
0x8f: {  	_ = 	snop  }
0x90: {  	s2 =	sld [smem:$0x3FD0];
	(tm) =	ssettm $0x1  }
0x91: {  	s18 =	sld [smem:$0x3FFB];
	_ =	sdelay $0x3  }
0x92: {  	_ =	strace s18  }
0x93: {  	s3 =	sld [smem:$0x3FFC];
	_ =	sdelay $0x3  }
0x94: {  	_ =	strace s3  }
0x95: {  	s3 =	sld [smem:$0x3FFD];
	_ =	sdelay $0x3  }
0x96: {  	_ =	strace s3  }
0x97: {  	_ =	strace $0x8FFFFFFF  }
0x98: {  	s19 =	sld [smem:$0x3FDB];
	_ =	sdelay $0x1  }
0x99: {  	s4 =	simm.s32 $_scs_section_size  }
0x9a: {  	s5 =	simm.s32 $_size__tile_overlayer_lowered;
	s6 =	simm.s32 $_tile_overlayer_lowered  }
0x9b: {  	s22 =	simm.s32 $0x1BFF;
	s21 =	sshll.u32 s6, $0x1;
	s3 =	sadd.s32 s4, s19  }
0x9c: {  	s7 =	simm.s32 $0x0;
	s20 =	sshll.u32 s5, $0x1;
	s5 =	sadd.s32 s21, s3  }
0x9d: {  	[timem:s7], [sflag:s22] =	dma.local [hbm:s5], s20  }
0x9e: {  	_ =	swait.ge [sflag:s22], s20  }
0x9f: {  	s4 =	ssub.s32 $0x0, s20;
	[sflag:s22] =	ssyncset.done $0x0  }
0xa0: {  	[sflag:s22] =	ssyncadd.s32 s4;
	_ =	sdelay $0x1  }
0xa1: {  	s23 =	simm.s32 $0x1B8B  }
0xa2: {  	_ =	swait.ge [sflag:s23], $0x1  }
0xa3: {  	[sflag:s23] =	ssyncset.done $0x0  }
0xa4: {  	s25 =	simm.s32 $0x1B8E;
	s24 =	sld [smem:$0x3FFE];
	[sflag:s23] =	ssyncadd.s32 $0xFFFFFFFF  }
0xa5: {  	s26 =	simm.s32 $execute0_lowered;
	[smem:$0x3FD2] =	sst s25  }
0xa6: {  	s5 =	sshll.u32 s26, $0x1;
	_ =	strace $0x80000049;
	[dreg:$0x1] =	wrdreg $0xFFFFFFFF  }
0xa7: {  	s28 =	simm.s32 $_size_execute0_lowered;
	s3 =	sadd.s32 s3, s5;
	[dreg:$0x0] =	wrdreg $0x0  }
0xa8: {  	s5 =	sshll.u32 s28, $0x1;
	[dreg:$0x2] =	wrdreg s3  }
0xa9: {  	[dreg:$0x3] =	wrdreg s5  }
0xaa: {  	[dreg:$0x4] =	wrdreg $0xC0  }
0xab: {  	_ =	task [dreg:s7], $0x5FFFF  }
0xac: {  	[dreg:$0x1] =	wrdreg $0xFFFFFFFF  }
0xad: {  	[dreg:$0x0] =	wrdreg $0x60  }
0xae: {  	[dreg:$0x2] =	wrdreg s24  }
0xaf: {  	[dreg:$0x3] =	wrdreg s2  }
0xb0: {  	[dreg:$0x4] =	wrdreg $0x4C000  }
0xb1: {  	[dreg:$0x5] =	wrdreg $0x73200  }
0xb2: {  	[dreg:$0x6] =	wrdreg $0x9  }
0xb3: {  	_ =	task.clear_ibuf [dreg:s7], $0x7FFFF;
	_ =	strace $0x90000049  }
0xb4: {  	s29 =	simm.s32 $0x9;
	_ =	strace $0x8000004B  }
0xb5: {  	_ =	swait.ge [sflag:s29], $0x1  }
0xb6: {  	[sflag:s29] =	ssyncadd.s32 $0xFFFFFFFF  }
0xb7: {  	_ =	strace $0x9000004B  }
0xb8: {  	_ =	sfence  }
0xb9: {  	s30 =	sld [smem:$0x0];
	_ =	sdelay $0x2  }
0xba: {  	s31 =	sshll.u32 s1, $0xD;
	s1 =	sshrl.u32 s1, $0x2  }
0xbb: {  	s3 =	sand.u32 $0x4000, s31;
	s1 =	sadd.s32 s1, s30  }
0xbc: {  	s0 =	sor.u32 s3, s0;
	s1 =	sshll.u32 s1, $0x11  }
0xbd: {  	s0 =	sor.u32 s1, s0  }
0xbe: {  	s0 =	sadd.s32 $0x8F2B, s0  }
0xbf: {  	[sflag:s0] =	ssyncadd.remote.s32 $0x1  }
0xc0: {  	_ =	sfence.sel $0xFFFF  }
0xc1: {  	[dreg:$0x0] =	wrdreg $0xFFFFFFFF;
	(pc) =	sbr.abs _section_cstart, $3  }
0xc2: {  	[dreg:$0x1] =	wrdreg $0xFFFFFFFF  }
0xc3: {  	_ =	task.clear_ibuf [dreg:s7], $0x2FFFF;
	_ =	strace $0x9FFFFFFF  }
0xc4: {  	(tm) =	ssettm $0x7FFFFFFF  }
0xc5: {  	_ =	shalt  }
tec
execute0_lowered:
.L_overlay_start_1:
0x0: {  	(tag) =	ssettag $0x1  }
0x1: {  	s0 =	rddreg [dreg:$0x0]  }
0x2: {  	s2 =	rddreg [dreg:$0x2]  }
0x3: {  	s3 =	rddreg [dreg:$0x3];
	s4 =	simm.s32 $0x0  }
0x4: {  	s1 =	stileid.u32;
	s5 =	srdreg.scid;
	s12 =	simm.s32 $0x4400  }
0x5: {  	s13 =	simm.s32 $0x3;
	s14 =	simm.s32 $0x400;
	s15 =	simm.s32 $0xC00  }
0x6: {  	s16 =	simm.s32 $0x1400;
	s17 =	simm.s32 $0x1C00;
	s18 =	simm.s32 $0x2400  }
0x7: {  	s19 =	simm.s32 $0x2C00;
	s20 =	simm.s32 $0x3400;
	s21 =	simm.s32 $0x3C00  }
0x8: {  	s28 =	simm.s32 $0x280;
	s29 =	simm.s32 $0x300;
	s30 =	simm.s32 $0x380  }
0x9: {  	s31 =	simm.s32 $0x2;
	[smem:$0x7FF] =	sst s4;
	s6 =	sshll.u32 s1, $0xC  }
0xa: {  	s5 =	sand.u32 $0x1, s5;
	s7 =	sshll.u32 s1, $0x8;
	s23 =	sadd.s32 $0x4C00, s0  }
0xb: {  	p0 =	sne.s32 s1, $0x0;
	_ =	strace $0x8000004A;
	s8 =	smul.u32 $0x4E40, s5  }
0xc: {  	s9 =	ssub.s32 $0x2, s5;
	s10 =	sadd.s32 s6, s0;
	s11 =	sadd.s32 s7, s0  }
0xd: {  	[dreg:$0x6] =	wrdreg s23;
	s26 =	sshll.u32 s5, $0xB;
	s5 =	sshll.u32 s5, $0x7  }
0xe: {  	s23 =	simm.s32 $0x80;
	s22 =	sshrl.u32 s9, $0x1;
	s5 =	sadd.s32 s5, s11  }
0xf: {  	s11 =	sshrl.u32 @!p0 s3, $0x3;
	s0 =	sadd.s32 s8, s0;
	s24 =	ssub.s32 s9, s22  }
0x10: {  	s5 =	sadd.s32 $0xDAC00, s5;
	s22 =	simm.s32 $0x1;
	s25 =	sadd.s32 $0x8AC00, s0  }
0x11: {  	s0 =	sadd.s32 $0x80E00, s0;
	s8 =	smax.u32 s24, $0x1;
	[dreg:$0x7] =	wrdreg s25  }
0x12: {  	s24 =	simm.s32 $0x100;
	[dreg:$0x8] =	wrdreg s0;
	s0 =	sadd.s32 s26, s10  }
0x13: {  	s10 =	sshrl.u32 @!p0 s2, $0x3;
	s25 =	simm.s32 $0x180;
	s0 =	sadd.s32 $0x30E00, s0  }
0x14: {  	s26 =	simm.s32 $0x200;
	[dreg:$0x5] =	wrdreg s0;
	s0 =	simm.s32 $0x0  }
.LBB2_1:
0x15: {  	s1 =	simm.s32 @!p0 $0x1C03;
	s6 =	rddreg [dreg:$0x1];
	s9 =	simm.s32 @!p0 $0x3  }
0x16: {  	[spmem:s10], [sflag:s1] =	dma.local @!p0 [hbm:s6], $0x4E40  }
0x17: {  	_ =	swait.ge @!p0 [sflag:s9], $0x4E40  }
0x18: {  	[sflag:s9] =	ssyncset.done @!p0 $0x0  }
0x19: {  	[sflag:s9] =	ssyncadd.s32 @!p0 $0xFFFFB1C0  }
0x1a: {  	[spmem:s11], [sflag:s1] =	dma.local @!p0 [hbm:s6], $0x4E40  }
0x1b: {  	_ =	swait.ge @!p0 [sflag:s9], $0x4E40  }
0x1c: {  	[sflag:s9] =	ssyncset.done @!p0 $0x0  }
0x1d: {  	s7 =	rddreg [dreg:$0x6];
	[sflag:s9] =	ssyncadd.s32 @!p0 $0xFFFFB1C0  }
0x1e: {  	[tilespmem:s12], [sflag:$0x3] =	stream.linear.gather [hbm4b:s7+s4], $0x800, $0x38;
	[tilespmem:$0x9A40] =	vst v63  }
0x1f: {  	_ =	swait.ge [sflag:s13], $0x800  }
0x20: {  	[sflag:s13] =	ssyncset.done $0x0  }
0x21: {  	[sflag:s13] =	ssyncadd.s32 $0xFFFFF800  }
0x22: {  	[bflag:$0x0] =	sbarrier.arrive $0xFFFF  }
0x23: {  	[tilespmem:s4], [sflag:$0x3] =	stream.linear.gather [hbm4b:s5+s4], $0x400, $0x38;
	[tilespmem:$0x9A40] =	vst v63  }
0x24: {  	_ =	swait.ge [sflag:s13], $0x400  }
0x25: {  	s9 =	rddreg [dreg:$0x5];
	[sflag:s13] =	ssyncset.done $0x0  }
0x26: {  	[sflag:s13] =	ssyncadd.s32 $0xFFFFFC00;
	s1 =	sadd.s32 $0x0, s9  }
0x27: {  	[tilespmem:s14], [sflag:$0x1] =	stream.linear.gather [hbm4b:s1+s4], $0x800, $0x38;
	[tilespmem:$0x9A40] =	vst v63  }
0x28: {  	s6 =	sadd.s32 $0x100, s1  }
0x29: {  	[tilespmem:s15], [sflag:$0x1] =	stream.linear.gather [hbm4b:s6+s4], $0x800, $0x38;
	[tilespmem:$0x9A40] =	vst v63  }
0x2a: {  	s7 =	sadd.s32 $0x200, s1  }
0x2b: {  	[tilespmem:s16], [sflag:$0x1] =	stream.linear.gather [hbm4b:s7+s4], $0x800, $0x38;
	[tilespmem:$0x9A40] =	vst v63  }
0x2c: {  	s6 =	sadd.s32 $0x300, s1  }
0x2d: {  	[tilespmem:s17], [sflag:$0x1] =	stream.linear.gather [hbm4b:s6+s4], $0x800, $0x38;
	[tilespmem:$0x9A40] =	vst v63  }
0x2e: {  	s7 =	sadd.s32 $0x400, s1  }
0x2f: {  	[tilespmem:s18], [sflag:$0x1] =	stream.linear.gather [hbm4b:s7+s4], $0x800, $0x38;
	[tilespmem:$0x9A40] =	vst v63  }
0x30: {  	s6 =	sadd.s32 $0x500, s1  }
0x31: {  	[tilespmem:s19], [sflag:$0x1] =	stream.linear.gather [hbm4b:s6+s4], $0x800, $0x38;
	[tilespmem:$0x9A40] =	vst v63  }
0x32: {  	s7 =	sadd.s32 $0x600, s1  }
0x33: {  	[tilespmem:s20], [sflag:$0x1] =	stream.linear.gather [hbm4b:s7+s4], $0x800, $0x38;
	[tilespmem:$0x9A40] =	vst v63  }
0x34: {  	s1 =	sadd.s32 $0x700, s1  }
0x35: {  	[tilespmem:s21], [sflag:$0x1] =	stream.linear.gather [hbm4b:s1+s4], $0x800, $0x38;
	[tilespmem:$0x9A40] =	vst v63  }
0x36: {  	_ =	swait.ge [sflag:s22], $0x800  }
0x37: {  	[sflag:s22] =	ssyncset.done $0x0  }
0x38: {  	[sflag:s22] =	ssyncadd.s32 $0xFFFFF800  }
0x39: {  	_ =	swait.ge [sflag:s22], $0x800  }
0x3a: {  	[sflag:s22] =	ssyncset.done $0x0  }
0x3b: {  	[sflag:s22] =	ssyncadd.s32 $0xFFFFF800  }
0x3c: {  	_ =	swait.ge [sflag:s22], $0x800  }
0x3d: {  	[sflag:s22] =	ssyncset.done $0x0  }
0x3e: {  	[sflag:s22] =	ssyncadd.s32 $0xFFFFF800  }
0x3f: {  	_ =	swait.ge [sflag:s22], $0x800  }
0x40: {  	[sflag:s22] =	ssyncset.done $0x0  }
0x41: {  	[sflag:s22] =	ssyncadd.s32 $0xFFFFF800  }
0x42: {  	_ =	swait.ge [sflag:s22], $0x800  }
0x43: {  	[sflag:s22] =	ssyncset.done $0x0  }
0x44: {  	[sflag:s22] =	ssyncadd.s32 $0xFFFFF800  }
0x45: {  	_ =	swait.ge [sflag:s22], $0x800  }
0x46: {  	[sflag:s22] =	ssyncset.done $0x0  }
0x47: {  	[sflag:s22] =	ssyncadd.s32 $0xFFFFF800  }
0x48: {  	_ =	swait.ge [sflag:s22], $0x800  }
0x49: {  	[sflag:s22] =	ssyncset.done $0x0  }
0x4a: {  	[sflag:s22] =	ssyncadd.s32 $0xFFFFF800  }
0x4b: {  	_ =	swait.ge [sflag:s22], $0x800  }
0x4c: {  	[sflag:s22] =	ssyncset.done $0x0  }
0x4d: {  	[sflag:s22] =	ssyncadd.s32 $0xFFFFF800  }
0x4e: {  	[spmem:s2] =	stream.indirect.scatter.add.f32 [tilespmem:s14], [sflag:$0x2], $0x10, s4, s23, $0xb8;
	[tilespmem:$0x9A40] =	vst v63  }
0x4f: {  	_ = 	snop  }
0x50: {  	[spmem:s3] =	stream.indirect.scatter.add.f32 [tilespmem:s12], [sflag:$0x2], $0x10, s4, s23, $0xb8;
	[tilespmem:$0x9A40] =	vst v63  }
0x51: {  	_ = 	snop  }
0x52: {  	[spmem:s2] =	stream.indirect.scatter.add.f32 [tilespmem:s15], [sflag:$0x2], $0x10, s23, s23, $0xb8;
	[tilespmem:$0x9A40] =	vst v63  }
0x53: {  	_ = 	snop  }
0x54: {  	[spmem:s3] =	stream.indirect.scatter.add.f32 [tilespmem:s12], [sflag:$0x2], $0x10, s23, s23, $0xb8;
	[tilespmem:$0x9A40] =	vst v63  }
0x55: {  	_ = 	snop  }
0x56: {  	[spmem:s2] =	stream.indirect.scatter.add.f32 [tilespmem:s16], [sflag:$0x2], $0x10, s24, s23, $0xb8;
	[tilespmem:$0x9A40] =	vst v63  }
0x57: {  	_ = 	snop  }
0x58: {  	[spmem:s3] =	stream.indirect.scatter.add.f32 [tilespmem:s12], [sflag:$0x2], $0x10, s24, s23, $0xb8;
	[tilespmem:$0x9A40] =	vst v63  }
0x59: {  	_ = 	snop  }
0x5a: {  	[spmem:s2] =	stream.indirect.scatter.add.f32 [tilespmem:s17], [sflag:$0x2], $0x10, s25, s23, $0xb8;
	[tilespmem:$0x9A40] =	vst v63  }
0x5b: {  	_ = 	snop  }
0x5c: {  	[spmem:s3] =	stream.indirect.scatter.add.f32 [tilespmem:s12], [sflag:$0x2], $0x10, s25, s23, $0xb8;
	[tilespmem:$0x9A40] =	vst v63  }
0x5d: {  	_ = 	snop  }
0x5e: {  	[spmem:s2] =	stream.indirect.scatter.add.f32 [tilespmem:s18], [sflag:$0x2], $0x10, s26, s23, $0xb8;
	[tilespmem:$0x9A40] =	vst v63  }
0x5f: {  	_ = 	snop  }
0x60: {  	[spmem:s3] =	stream.indirect.scatter.add.f32 [tilespmem:s12], [sflag:$0x2], $0x10, s26, s23, $0xb8;
	[tilespmem:$0x9A40] =	vst v63  }
0x61: {  	_ = 	snop  }
0x62: {  	[spmem:s2] =	stream.indirect.scatter.add.f32 [tilespmem:s19], [sflag:$0x2], $0x10, s28, s23, $0xb8;
	[tilespmem:$0x9A40] =	vst v63  }
0x63: {  	_ = 	snop  }
0x64: {  	[spmem:s3] =	stream.indirect.scatter.add.f32 [tilespmem:s12], [sflag:$0x2], $0x10, s28, s23, $0xb8;
	[tilespmem:$0x9A40] =	vst v63  }
0x65: {  	_ = 	snop  }
0x66: {  	[spmem:s2] =	stream.indirect.scatter.add.f32 [tilespmem:s20], [sflag:$0x2], $0x10, s29, s23, $0xb8;
	[tilespmem:$0x9A40] =	vst v63  }
0x67: {  	_ = 	snop  }
0x68: {  	[spmem:s3] =	stream.indirect.scatter.add.f32 [tilespmem:s12], [sflag:$0x2], $0x10, s29, s23, $0xb8;
	[tilespmem:$0x9A40] =	vst v63  }
0x69: {  	_ = 	snop  }
0x6a: {  	[spmem:s2] =	stream.indirect.scatter.add.f32 [tilespmem:s21], [sflag:$0x2], $0x10, s30, s23, $0xb8;
	[tilespmem:$0x9A40] =	vst v63  }
0x6b: {  	_ = 	snop  }
0x6c: {  	[spmem:s3] =	stream.indirect.scatter.add.f32 [tilespmem:s12], [sflag:$0x2], $0x10, s30, s23, $0xb8;
	[tilespmem:$0x9A40] =	vst v63  }
0x6d: {  	_ =	swait.ge [sflag:s31], $0x800  }
0x6e: {  	[sflag:s31] =	ssyncset.done $0x0  }
0x6f: {  	[sflag:s31] =	ssyncadd.s32 $0xFFFFF800  }
0x70: {  	_ =	swait.ge [sflag:s31], $0x800  }
0x71: {  	[sflag:s31] =	ssyncset.done $0x0  }
0x72: {  	[sflag:s31] =	ssyncadd.s32 $0xFFFFF800  }
0x73: {  	_ =	swait.ge [sflag:s31], $0x800  }
0x74: {  	[sflag:s31] =	ssyncset.done $0x0  }
0x75: {  	[sflag:s31] =	ssyncadd.s32 $0xFFFFF800  }
0x76: {  	_ =	swait.ge [sflag:s31], $0x800  }
0x77: {  	[sflag:s31] =	ssyncset.done $0x0  }
0x78: {  	[sflag:s31] =	ssyncadd.s32 $0xFFFFF800  }
0x79: {  	_ =	swait.ge [sflag:s31], $0x800  }
0x7a: {  	[sflag:s31] =	ssyncset.done $0x0  }
0x7b: {  	[sflag:s31] =	ssyncadd.s32 $0xFFFFF800  }
0x7c: {  	_ =	swait.ge [sflag:s31], $0x800  }
0x7d: {  	[sflag:s31] =	ssyncset.done $0x0  }
0x7e: {  	[sflag:s31] =	ssyncadd.s32 $0xFFFFF800  }
0x7f: {  	_ =	swait.ge [sflag:s31], $0x800  }
0x80: {  	[sflag:s31] =	ssyncset.done $0x0  }
0x81: {  	[sflag:s31] =	ssyncadd.s32 $0xFFFFF800  }
0x82: {  	_ =	swait.ge [sflag:s31], $0x800  }
0x83: {  	[sflag:s31] =	ssyncset.done $0x0  }
0x84: {  	[sflag:s31] =	ssyncadd.s32 $0xFFFFF800  }
0x85: {  	_ =	swait.ge [sflag:s31], $0x800  }
0x86: {  	[sflag:s31] =	ssyncset.done $0x0  }
0x87: {  	[sflag:s31] =	ssyncadd.s32 $0xFFFFF800  }
0x88: {  	_ =	swait.ge [sflag:s31], $0x800  }
0x89: {  	[sflag:s31] =	ssyncset.done $0x0  }
0x8a: {  	[sflag:s31] =	ssyncadd.s32 $0xFFFFF800  }
0x8b: {  	_ =	swait.ge [sflag:s31], $0x800  }
0x8c: {  	[sflag:s31] =	ssyncset.done $0x0  }
0x8d: {  	[sflag:s31] =	ssyncadd.s32 $0xFFFFF800  }
0x8e: {  	_ =	swait.ge [sflag:s31], $0x800  }
0x8f: {  	[sflag:s31] =	ssyncset.done $0x0  }
0x90: {  	[sflag:s31] =	ssyncadd.s32 $0xFFFFF800  }
0x91: {  	_ =	swait.ge [sflag:s31], $0x800  }
0x92: {  	[sflag:s31] =	ssyncset.done $0x0  }
0x93: {  	[sflag:s31] =	ssyncadd.s32 $0xFFFFF800  }
0x94: {  	_ =	swait.ge [sflag:s31], $0x800  }
0x95: {  	[sflag:s31] =	ssyncset.done $0x0  }
0x96: {  	[sflag:s31] =	ssyncadd.s32 $0xFFFFF800  }
0x97: {  	_ =	swait.ge [sflag:s31], $0x800  }
0x98: {  	[sflag:s31] =	ssyncset.done $0x0  }
0x99: {  	[sflag:s31] =	ssyncadd.s32 $0xFFFFF800  }
0x9a: {  	_ =	swait.ge [sflag:s31], $0x800  }
0x9b: {  	s9 =	smov.u32 s5;
	s1 =	simm.s32 $0x10000;
	[sflag:s31] =	ssyncset.done $0x0  }
.LBB2_2:
0x9c: {  	[sflag:s31] =	ssyncadd.s32 $0xFFFFF800;
	s9 =	sadd.s32 $0x1000, s9  }
0x9d: {  	[tilespmem:s4], [sflag:$0x3] =	stream.linear.gather [hbm4b:s9+s4], $0x400, $0x38;
	[tilespmem:$0x9A40] =	vst v63  }
0x9e: {  	_ =	swait.ge [sflag:s13], $0x400  }
0x9f: {  	s6 =	smov.u32 s1;
	s7 =	rddreg [dreg:$0x5];
	[sflag:s13] =	ssyncset.done $0x0  }
0xa0: {  	[sflag:s13] =	ssyncadd.s32 $0xFFFFFC00;
	s6 =	sadd.s32 s6, s7  }
0xa1: {  	[tilespmem:s14], [sflag:$0x1] =	stream.linear.gather [hbm4b:s6+s4], $0x800, $0x38;
	[tilespmem:$0x9A40] =	vst v63  }
0xa2: {  	s7 =	sadd.s32 $0x100, s6  }
0xa3: {  	[tilespmem:s15], [sflag:$0x1] =	stream.linear.gather [hbm4b:s7+s4], $0x800, $0x38;
	[tilespmem:$0x9A40] =	vst v63  }
0xa4: {  	s7 =	sadd.s32 $0x200, s6  }
0xa5: {  	[tilespmem:s16], [sflag:$0x1] =	stream.linear.gather [hbm4b:s7+s4], $0x800, $0x38;
	[tilespmem:$0x9A40] =	vst v63  }
0xa6: {  	s7 =	sadd.s32 $0x300, s6  }
0xa7: {  	[tilespmem:s17], [sflag:$0x1] =	stream.linear.gather [hbm4b:s7+s4], $0x800, $0x38;
	[tilespmem:$0x9A40] =	vst v63  }
0xa8: {  	s7 =	sadd.s32 $0x400, s6  }
0xa9: {  	[tilespmem:s18], [sflag:$0x1] =	stream.linear.gather [hbm4b:s7+s4], $0x800, $0x38;
	[tilespmem:$0x9A40] =	vst v63  }
0xaa: {  	s7 =	sadd.s32 $0x500, s6  }
0xab: {  	[tilespmem:s19], [sflag:$0x1] =	stream.linear.gather [hbm4b:s7+s4], $0x800, $0x38;
	[tilespmem:$0x9A40] =	vst v63  }
0xac: {  	s7 =	sadd.s32 $0x600, s6  }
0xad: {  	[tilespmem:s20], [sflag:$0x1] =	stream.linear.gather [hbm4b:s7+s4], $0x800, $0x38;
	[tilespmem:$0x9A40] =	vst v63  }
0xae: {  	s6 =	sadd.s32 $0x700, s6  }
0xaf: {  	[tilespmem:s21], [sflag:$0x1] =	stream.linear.gather [hbm4b:s6+s4], $0x800, $0x38;
	[tilespmem:$0x9A40] =	vst v63  }
0xb0: {  	_ =	swait.ge [sflag:s22], $0x800  }
0xb1: {  	[sflag:s22] =	ssyncset.done $0x0  }
0xb2: {  	[sflag:s22] =	ssyncadd.s32 $0xFFFFF800  }
0xb3: {  	_ =	swait.ge [sflag:s22], $0x800  }
0xb4: {  	[sflag:s22] =	ssyncset.done $0x0  }
0xb5: {  	[sflag:s22] =	ssyncadd.s32 $0xFFFFF800  }
0xb6: {  	_ =	swait.ge [sflag:s22], $0x800  }
0xb7: {  	[sflag:s22] =	ssyncset.done $0x0  }
0xb8: {  	[sflag:s22] =	ssyncadd.s32 $0xFFFFF800  }
0xb9: {  	_ =	swait.ge [sflag:s22], $0x800  }
0xba: {  	[sflag:s22] =	ssyncset.done $0x0  }
0xbb: {  	[sflag:s22] =	ssyncadd.s32 $0xFFFFF800  }
0xbc: {  	_ =	swait.ge [sflag:s22], $0x800  }
0xbd: {  	[sflag:s22] =	ssyncset.done $0x0  }
0xbe: {  	[sflag:s22] =	ssyncadd.s32 $0xFFFFF800  }
0xbf: {  	_ =	swait.ge [sflag:s22], $0x800  }
0xc0: {  	[sflag:s22] =	ssyncset.done $0x0  }
0xc1: {  	[sflag:s22] =	ssyncadd.s32 $0xFFFFF800  }
0xc2: {  	_ =	swait.ge [sflag:s22], $0x800  }
0xc3: {  	[sflag:s22] =	ssyncset.done $0x0  }
0xc4: {  	[sflag:s22] =	ssyncadd.s32 $0xFFFFF800  }
0xc5: {  	_ =	swait.ge [sflag:s22], $0x800  }
0xc6: {  	[sflag:s22] =	ssyncset.done $0x0  }
0xc7: {  	[sflag:s22] =	ssyncadd.s32 $0xFFFFF800  }
0xc8: {  	[spmem:s2] =	stream.indirect.scatter.add.f32 [tilespmem:s14], [sflag:$0x2], $0x10, s4, s23, $0xb8;
	[tilespmem:$0x9A40] =	vst v63  }
0xc9: {  	_ = 	snop  }
0xca: {  	[spmem:s3] =	stream.indirect.scatter.add.f32 [tilespmem:s12], [sflag:$0x2], $0x10, s4, s23, $0xb8;
	[tilespmem:$0x9A40] =	vst v63  }
0xcb: {  	_ = 	snop  }
0xcc: {  	[spmem:s2] =	stream.indirect.scatter.add.f32 [tilespmem:s15], [sflag:$0x2], $0x10, s23, s23, $0xb8;
	[tilespmem:$0x9A40] =	vst v63  }
0xcd: {  	_ = 	snop  }
0xce: {  	[spmem:s3] =	stream.indirect.scatter.add.f32 [tilespmem:s12], [sflag:$0x2], $0x10, s23, s23, $0xb8;
	[tilespmem:$0x9A40] =	vst v63  }
0xcf: {  	_ = 	snop  }
0xd0: {  	[spmem:s2] =	stream.indirect.scatter.add.f32 [tilespmem:s16], [sflag:$0x2], $0x10, s24, s23, $0xb8;
	[tilespmem:$0x9A40] =	vst v63  }
0xd1: {  	_ = 	snop  }
0xd2: {  	[spmem:s3] =	stream.indirect.scatter.add.f32 [tilespmem:s12], [sflag:$0x2], $0x10, s24, s23, $0xb8;
	[tilespmem:$0x9A40] =	vst v63  }
0xd3: {  	_ = 	snop  }
0xd4: {  	[spmem:s2] =	stream.indirect.scatter.add.f32 [tilespmem:s17], [sflag:$0x2], $0x10, s25, s23, $0xb8;
	[tilespmem:$0x9A40] =	vst v63  }
0xd5: {  	_ = 	snop  }
0xd6: {  	[spmem:s3] =	stream.indirect.scatter.add.f32 [tilespmem:s12], [sflag:$0x2], $0x10, s25, s23, $0xb8;
	[tilespmem:$0x9A40] =	vst v63  }
0xd7: {  	_ = 	snop  }
0xd8: {  	[spmem:s2] =	stream.indirect.scatter.add.f32 [tilespmem:s18], [sflag:$0x2], $0x10, s26, s23, $0xb8;
	[tilespmem:$0x9A40] =	vst v63  }
0xd9: {  	_ = 	snop  }
0xda: {  	[spmem:s3] =	stream.indirect.scatter.add.f32 [tilespmem:s12], [sflag:$0x2], $0x10, s26, s23, $0xb8;
	[tilespmem:$0x9A40] =	vst v63  }
0xdb: {  	_ = 	snop  }
0xdc: {  	[spmem:s2] =	stream.indirect.scatter.add.f32 [tilespmem:s19], [sflag:$0x2], $0x10, s28, s23, $0xb8;
	[tilespmem:$0x9A40] =	vst v63  }
0xdd: {  	_ = 	snop  }
0xde: {  	[spmem:s3] =	stream.indirect.scatter.add.f32 [tilespmem:s12], [sflag:$0x2], $0x10, s28, s23, $0xb8;
	[tilespmem:$0x9A40] =	vst v63  }
0xdf: {  	_ = 	snop  }
0xe0: {  	[spmem:s2] =	stream.indirect.scatter.add.f32 [tilespmem:s20], [sflag:$0x2], $0x10, s29, s23, $0xb8;
	[tilespmem:$0x9A40] =	vst v63  }
0xe1: {  	_ = 	snop  }
0xe2: {  	[spmem:s3] =	stream.indirect.scatter.add.f32 [tilespmem:s12], [sflag:$0x2], $0x10, s29, s23, $0xb8;
	[tilespmem:$0x9A40] =	vst v63  }
0xe3: {  	_ = 	snop  }
0xe4: {  	[spmem:s2] =	stream.indirect.scatter.add.f32 [tilespmem:s21], [sflag:$0x2], $0x10, s30, s23, $0xb8;
	[tilespmem:$0x9A40] =	vst v63  }
0xe5: {  	_ = 	snop  }
0xe6: {  	[spmem:s3] =	stream.indirect.scatter.add.f32 [tilespmem:s12], [sflag:$0x2], $0x10, s30, s23, $0xb8;
	[tilespmem:$0x9A40] =	vst v63  }
0xe7: {  	_ =	swait.ge [sflag:s31], $0x800  }
0xe8: {  	[sflag:s31] =	ssyncset.done $0x0  }
0xe9: {  	[sflag:s31] =	ssyncadd.s32 $0xFFFFF800  }
0xea: {  	_ =	swait.ge [sflag:s31], $0x800  }
0xeb: {  	[sflag:s31] =	ssyncset.done $0x0  }
0xec: {  	[sflag:s31] =	ssyncadd.s32 $0xFFFFF800  }
0xed: {  	_ =	swait.ge [sflag:s31], $0x800  }
0xee: {  	[sflag:s31] =	ssyncset.done $0x0  }
0xef: {  	[sflag:s31] =	ssyncadd.s32 $0xFFFFF800  }
0xf0: {  	_ =	swait.ge [sflag:s31], $0x800  }
0xf1: {  	[sflag:s31] =	ssyncset.done $0x0  }
0xf2: {  	[sflag:s31] =	ssyncadd.s32 $0xFFFFF800  }
0xf3: {  	_ =	swait.ge [sflag:s31], $0x800  }
0xf4: {  	[sflag:s31] =	ssyncset.done $0x0  }
0xf5: {  	[sflag:s31] =	ssyncadd.s32 $0xFFFFF800  }
0xf6: {  	_ =	swait.ge [sflag:s31], $0x800  }
0xf7: {  	[sflag:s31] =	ssyncset.done $0x0  }
0xf8: {  	[sflag:s31] =	ssyncadd.s32 $0xFFFFF800  }
0xf9: {  	_ =	swait.ge [sflag:s31], $0x800  }
0xfa: {  	[sflag:s31] =	ssyncset.done $0x0  }
0xfb: {  	[sflag:s31] =	ssyncadd.s32 $0xFFFFF800  }
0xfc: {  	_ =	swait.ge [sflag:s31], $0x800  }
0xfd: {  	[sflag:s31] =	ssyncset.done $0x0  }
0xfe: {  	[sflag:s31] =	ssyncadd.s32 $0xFFFFF800  }
0xff: {  	_ =	swait.ge [sflag:s31], $0x800  }
0x100: {  	[sflag:s31] =	ssyncset.done $0x0  }
0x101: {  	[sflag:s31] =	ssyncadd.s32 $0xFFFFF800  }
0x102: {  	_ =	swait.ge [sflag:s31], $0x800  }
0x103: {  	[sflag:s31] =	ssyncset.done $0x0  }
0x104: {  	[sflag:s31] =	ssyncadd.s32 $0xFFFFF800  }
0x105: {  	_ =	swait.ge [sflag:s31], $0x800  }
0x106: {  	[sflag:s31] =	ssyncset.done $0x0  }
0x107: {  	[sflag:s31] =	ssyncadd.s32 $0xFFFFF800  }
0x108: {  	_ =	swait.ge [sflag:s31], $0x800  }
0x109: {  	[sflag:s31] =	ssyncset.done $0x0  }
0x10a: {  	[sflag:s31] =	ssyncadd.s32 $0xFFFFF800  }
0x10b: {  	_ =	swait.ge [sflag:s31], $0x800  }
0x10c: {  	[sflag:s31] =	ssyncset.done $0x0  }
0x10d: {  	[sflag:s31] =	ssyncadd.s32 $0xFFFFF800  }
0x10e: {  	_ =	swait.ge [sflag:s31], $0x800  }
0x10f: {  	[sflag:s31] =	ssyncset.done $0x0  }
0x110: {  	p1 =	sne.s32 s1, $0x40000;
	[sflag:s31] =	ssyncadd.s32 $0xFFFFF800  }
.Ltmp0:
0x111: {  	_ =	swait.ge [sflag:s31], $0x800;
	(pc) =	sbr.rel @p1 .LBB2_2-.Ltmp0, $4  }
0x112: {  	[sflag:s31] =	ssyncset.done $0x0  }
0x113: {  	[sflag:s31] =	ssyncadd.s32 $0xFFFFF800  }
0x114: {  	_ =	swait.ge [sflag:s31], $0x800  }
0x115: {  	s1 =	sadd.s32 $0x10000, s1;
	[sflag:s31] =	ssyncset.done $0x0  }
0x116: {  	[sflag:s31] =	ssyncadd.s32 $0xFFFFF800  }
0x117: {  	[bflag:$0x0] =	sbarrier.arrive $0xFFFF  }
0x118: {  	s1 =	simm.s32 @!p0 $0x1C03;
	s6 =	rddreg [dreg:$0x7]  }
0x119: {  	[hbm:s6], [sflag:s1] =	dma.local @!p0 [spmem:s10], $0x4E40  }
0x11a: {  	s6 =	simm.s32 @!p0 $0x3  }
0x11b: {  	s0 =	sadd.s32 $0x1, s0;
	_ =	swait.ge @!p0 [sflag:s6], $0x4E40  }
0x11c: {  	p1 =	sne.s32 s0, s8;
	[sflag:s6] =	ssyncset.done @!p0 $0x0  }
.Ltmp1:
0x11d: {  	s7 =	rddreg [dreg:$0x8];
	[sflag:s6] =	ssyncadd.s32 @!p0 $0xFFFFB1C0;
	(pc) =	sbr.rel @p1 .LBB2_1-.Ltmp1, $4  }
0x11e: {  	[hbm:s7], [sflag:s1] =	dma.local @!p0 [spmem:s11], $0x4E40  }
0x11f: {  	_ =	swait.ge @!p0 [sflag:s6], $0x4E40  }
0x120: {  	[sflag:s6] =	ssyncset.done @!p0 $0x0  }
0x121: {  	[sflag:s6] =	ssyncadd.s32 @!p0 $0xFFFFB1C0  }
0x122: {  	_ =	sfence.sel $0x180000  }
0x123: {  	[bflag:$0x0] =	sbarrier.arrive $0xFFFF  }
0x124: {  	_ =	strace $0x9000004A  }
0x125: {  	[bflag:$0x2] =	sbarrier.arrive $0xFFFF  }
0x126: {  	s0 =	rddreg [dreg:$0x4]  }
0x127: {  	s0 =	sadd.s32 @!p0 $0x100000, s0  }
0x128: {  	[sflag:s0] =	ssyncadd.tile.s32 @!p0 $0x1;
	_ =	shalt  }
.Lfunc_end2:
_tile_overlayer_lowered:
.L_overlay_start_2:
0x129: {  	(tag) =	ssettag $0x2  }
0x12a: {  	s0 =	rddreg [dreg:$0x0];
	s2 =	stileid.u32  }
0x12b: {  	s1 =	rddreg [dreg:$0x1];
	p0 =	sne.s32 s2, $0x0  }
0x12c: {  	s3 =	rddreg [dreg:$0x2];
	[bflag:$0x3] =	sbarrier.arrive $0xFFFF;
	s2 =	simm.s32 @!p0 $0x1C03  }
0x12d: {  	[timem:s3], [sflag:s2] =	dma.local @!p0 [hbm:s0], s1  }
0x12e: {  	s0 =	simm.s32 @!p0 $0x3  }
0x12f: {  	_ =	swait.ge @!p0 [sflag:s0], s1  }
0x130: {  	s1 =	ssub.s32 @!p0 $0x0, s1;
	[sflag:s0] =	ssyncset.done @!p0 $0x0  }
0x131: {  	[sflag:s0] =	ssyncadd.s32 @!p0 s1  }
0x132: {  	[bflag:$0x3] =	sbarrier.arrive $0xFFFF  }
0x133: {  	_ =	shalt  }

// kernel: kernel.17.cloned.1.call-start
scs
__scs_entry_jumppad:
0x0: {  	(pc) =	sbr.rel $0x88, $3  }
0x1: {  	(tag) =	ssettag $0x0;
	lr =	simm.s32 $0x1  }
0x2: {  	[smem:$0x3F8C] =	sst lr;
	_ =	strace $0xD0000000  }
0x3: {  	_ = 	snop  }
0x4: {  	_ = 	snop  }
0x5: {  	_ = 	snop  }
0x6: {  	_ = 	snop  }
0x7: {  	_ = 	snop  }
__scs_overlays_trampoline_lowered:
0x8: {  	[smem:$0x3F9B] =	sst s0  }
0x9: {  	[smem:$0x3F9C] =	sst s1  }
0xa: {  	[smem:$0x3F9D] =	sst s2  }
0xb: {  	[smem:$0x3F9E] =	sst s3  }
0xc: {  	[smem:$0x3F9F] =	sst s4  }
0xd: {  	[smem:$0x3FA0] =	sst s5  }
0xe: {  	[smem:$0x3FA1] =	sst s6  }
0xf: {  	[smem:$0x3FA2] =	sst s7  }
0x10: {  	[smem:$0x3FA3] =	sst s8  }
0x11: {  	[smem:$0x3FA4] =	sst s9;
	s0 =	simm.s32 @!p0 $0x0  }
0x12: {  	s1 =	sld [smem:$0x3F8A];
	s0 =	simm.s32 @p0 $0x1  }
0x13: {  	[smem:$0x3FA5] =	sst s0;
	s0 =	simm.s32 @!p1 $0x0  }
0x14: {  	s2 =	sld [smem:$0x3F89];
	s0 =	simm.s32 @p1 $0x1  }
0x15: {  	[smem:$0x3FA6] =	sst s0;
	s0 =	simm.s32 @!p2 $0x0  }
0x16: {  	s3 =	sld [smem:$0x3FDB];
	s0 =	simm.s32 @p2 $0x1  }
0x17: {  	s4 =	simm.s32 $0x1BF5;
	[smem:$0x3FA8] =	sst s0  }
0x18: {  	s0 =	sld [smem:$0x3F8B];
	_ =	swait.ge [sflag:s4], $0x0  }
0x19: {  	s7 =	sld [smem:$0x3F8C]  }
0x1a: {  	s8 =	sadd.s32 $0xFFFFE003, lr  }
0x1b: {  	s9 =	sadd.s32 $0xFFFFFEF7, lr;
	s5 =	simm.s32 $0xFFFFFFFF;
	p2 =	slt.u32 s8, $0xFFFFF086  }
0x1c: {  	p1 =	slt.u32 s9, $0xF7A;
	s5 =	simm.s32 @!p2 $0x0  }
0x1d: {  	s5 =	simm.s32 @p1 $0x1;
	p0 =	seq.s32 s7, s2  }
0x1e: {  	s7 =	smul.u32 @!p0 $0xF7A, s2;
	p2 =	seq.s32 @!p0 s5, $0x0  }
0x1f: {  	s9 =	smul.u32 $0xF7A, s1;
	s8 =	simm.s32 @!p0 $0x1BF5;
	p2 =	por !p2, p0  }
0x20: {  	[sflag:s8] =	ssyncset.s32 @!p0 $0xFFFFF086;
	s6 =	sadd.s32 @!p0 s3, s7;
	s7 =	simm.s32 @!p0 $0x108  }
0x21: {  	s3 =	sadd.s32 s3, s9;
	s6 =	sadd.s32 @!p0 $0x88, s6;
	s7 =	simm.s32 @p2 $0x1082  }
0x22: {  	[simem:s7], [sflag:s8] =	dma.local @!p0 [hbm:s6], $0xF7A  }
0x23: {  	s9 =	sor.u32 $0xD0000000, s2;
	s6 =	simm.s32 $0x108;
	_ =	swait.ge @!p0 [sflag:s8], $0x0  }
0x24: {  	s3 =	sadd.s32 $0x88, s3;
	s6 =	simm.s32 @!p1 $0x1082;
	[sflag:s4] =	ssyncset.s32 $0xFFFFF086  }
0x25: {  	[simem:s6], [sflag:s4] =	dma.local [hbm:s3], $0xF7A  }
0x26: {  	[smem:$0x3F8C] =	sst s1;
	(tag) =	ssettag s2;
	_ =	strace s9  }
0x27: {  	s1 =	sld [smem:$0x3F9C]  }
0x28: {  	s2 =	sld [smem:$0x3F9D]  }
0x29: {  	s4 =	sld [smem:$0x3F9F]  }
0x2a: {  	p0 =	seq.s32 s5, $0x0;
	s5 =	sld [smem:$0x3FA0]  }
0x2b: {  	s6 =	sld [smem:$0x3FA1]  }
0x2c: {  	s7 =	sld [smem:$0x3FA2]  }
0x2d: {  	s3 =	simm.s32 $0x108;
	s8 =	sld [smem:$0x3FA3]  }
0x2e: {  	s3 =	simm.s32 @!p0 $0x1082;
	s9 =	sld [smem:$0x3FA4]  }
0x2f: {  	lr =	sadd.s32 s0, s3;
	s0 =	sld [smem:$0x3F9B]  }
0x30: {  	s3 =	sld [smem:$0x3F9E]  }
0x31: {  	[smem:$0x3FA7] =	sst s10  }
0x32: {  	s10 =	sld [smem:$0x3FA5];
	_ =	sdelay $0x3  }
0x33: {  	p0 =	seq.s32 s10, $0x1;
	s10 =	sld [smem:$0x3FA7];
	_ =	sdelay $0x3  }
0x34: {  	[smem:$0x3FA7] =	sst s10  }
0x35: {  	s10 =	sld [smem:$0x3FA6];
	_ =	sdelay $0x3  }
0x36: {  	p1 =	seq.s32 s10, $0x1;
	s10 =	sld [smem:$0x3FA7];
	_ =	sdelay $0x3  }
0x37: {  	[smem:$0x3FA7] =	sst s10  }
0x38: {  	s10 =	sld [smem:$0x3FA8]  }
0x39: {  	_ = 	snop;
	(pc) =	sbr.ind lr, $3  }
0x3a: {  	_ = 	snop  }
0x3b: {  	_ = 	snop  }
0x3c: {  	p2 =	seq.s32 s10, $0x1;
	s10 =	sld [smem:$0x3FA7]  }
0x3d: {  	_ =	shalt  }
0x3e: {  	_ =	shalt  }
0x3f: {  	_ =	shalt  }
0x40: {  	_ =	shalt  }
0x41: {  	_ =	shalt  }
0x42: {  	_ =	shalt  }
0x43: {  	_ =	shalt  }
0x44: {  	_ =	shalt  }
0x45: {  	_ =	shalt  }
0x46: {  	_ =	shalt  }
0x47: {  	_ =	shalt  }
0x48: {  	_ =	shalt  }
0x49: {  	_ =	shalt  }
0x4a: {  	_ =	shalt  }
0x4b: {  	_ =	shalt  }
0x4c: {  	_ =	shalt  }
0x4d: {  	_ =	shalt  }
0x4e: {  	_ =	shalt  }
0x4f: {  	_ =	shalt  }
0x50: {  	_ =	shalt  }
0x51: {  	_ =	shalt  }
0x52: {  	_ =	shalt  }
0x53: {  	_ =	shalt  }
0x54: {  	_ =	shalt  }
0x55: {  	_ =	shalt  }
0x56: {  	_ =	shalt  }
0x57: {  	_ =	shalt  }
0x58: {  	_ =	shalt  }
0x59: {  	_ =	shalt  }
0x5a: {  	_ =	shalt  }
0x5b: {  	_ =	shalt  }
0x5c: {  	_ =	shalt  }
0x5d: {  	_ =	shalt  }
0x5e: {  	_ =	shalt  }
0x5f: {  	_ =	shalt  }
0x60: {  	_ =	shalt  }
0x61: {  	_ =	shalt  }
0x62: {  	_ =	shalt  }
0x63: {  	_ =	shalt  }
0x64: {  	_ =	shalt  }
0x65: {  	_ =	shalt  }
0x66: {  	_ =	shalt  }
0x67: {  	_ =	shalt  }
0x68: {  	_ =	shalt  }
0x69: {  	_ =	shalt  }
0x6a: {  	_ =	shalt  }
0x6b: {  	_ =	shalt  }
0x6c: {  	_ =	shalt  }
0x6d: {  	_ =	shalt  }
0x6e: {  	_ =	shalt  }
0x6f: {  	_ =	shalt  }
0x70: {  	_ =	shalt  }
0x71: {  	_ =	shalt  }
0x72: {  	_ =	shalt  }
0x73: {  	_ =	shalt  }
0x74: {  	_ =	shalt  }
0x75: {  	_ =	shalt  }
0x76: {  	_ =	shalt  }
0x77: {  	_ =	shalt  }
0x78: {  	_ =	shalt  }
0x79: {  	_ =	shalt  }
0x7a: {  	_ =	shalt  }
0x7b: {  	_ =	shalt  }
0x7c: {  	_ =	shalt  }
0x7d: {  	_ =	shalt  }
0x7e: {  	_ =	shalt  }
0x7f: {  	_ =	shalt  }
0x80: {  	_ =	shalt  }
0x81: {  	_ =	shalt  }
0x82: {  	_ =	shalt  }
0x83: {  	_ =	shalt  }
0x84: {  	_ =	shalt  }
0x85: {  	_ =	shalt  }
0x86: {  	_ =	shalt  }
0x87: {  	_ =	shalt  }
.Lfunc_end0:
.L_simem_size_0:
called_computation.2_lowered:
.L_overlay_start_0:
0x88: {  	s2 =	sld [smem:$0x3FD9]  }
0x89: {  	s3 =	sld [smem:$0x3FFE];
	_ =	sdelay $0x1  }
0x8a: {  	s1 =	srdreg.scid  }
0x8b: {  	s0 =	sand.u32 $0x1, s1  }
0x8c: {  	s16 =	sshll.u32 s0, $0xA;
	s2 =	sadd.s32 s3, s2  }
0x8d: {  	s2 =	sadd.s32 s2, s16  }
0x8e: {  	[smem:$0x3FB3] =	sst s2  }
0x8f: {  	_ = 	snop  }
0x90: {  	(tm) =	ssettm $0x1  }
0x91: {  	s17 =	sld [smem:$0x3FFB];
	_ =	sdelay $0x3  }
0x92: {  	_ =	strace s17  }
0x93: {  	s2 =	sld [smem:$0x3FFC];
	_ =	sdelay $0x3  }
0x94: {  	_ =	strace s2  }
0x95: {  	s2 =	sld [smem:$0x3FFD];
	_ =	sdelay $0x3  }
0x96: {  	_ =	strace s2  }
0x97: {  	_ =	strace $0x8FFFFFFF  }
0x98: {  	s18 =	sld [smem:$0x3FDB];
	_ =	sdelay $0x1  }
0x99: {  	s19 =	simm.s32 $_scs_section_size  }
0x9a: {  	s4 =	simm.s32 $_size__tile_overlayer_lowered;
	s5 =	simm.s32 $_tile_overlayer_lowered  }
0x9b: {  	s22 =	simm.s32 $0x1BFF;
	s21 =	sshll.u32 s5, $0x1;
	s2 =	sadd.s32 s19, s18  }
0x9c: {  	s6 =	simm.s32 $0x0;
	s20 =	sshll.u32 s4, $0x1;
	s4 =	sadd.s32 s21, s2  }
0x9d: {  	[timem:s6], [sflag:s22] =	dma.local [hbm:s4], s20  }
0x9e: {  	_ =	swait.ge [sflag:s22], s20  }
0x9f: {  	s3 =	ssub.s32 $0x0, s20;
	[sflag:s22] =	ssyncset.done $0x0  }
0xa0: {  	[sflag:s22] =	ssyncadd.s32 s3;
	_ =	sdelay $0x1  }
0xa1: {  	s23 =	simm.s32 $0x1B8B  }
0xa2: {  	_ =	swait.ge [sflag:s23], $0x1  }
0xa3: {  	[sflag:s23] =	ssyncset.done $0x0  }
0xa4: {  	s25 =	simm.s32 $0x1B8E;
	s24 =	sld [smem:$0x3FFE];
	[sflag:s23] =	ssyncadd.s32 $0xFFFFFFFF  }
0xa5: {  	s26 =	simm.s32 $execute0_lowered;
	[smem:$0x3FD2] =	sst s25  }
0xa6: {  	s4 =	sshll.u32 s26, $0x1;
	_ =	strace $0x8000004C;
	[dreg:$0x1] =	wrdreg $0xFFFFFFFF  }
0xa7: {  	s28 =	simm.s32 $_size_execute0_lowered;
	s2 =	sadd.s32 s2, s4;
	[dreg:$0x0] =	wrdreg $0x0  }
0xa8: {  	s4 =	sshll.u32 s28, $0x1;
	[dreg:$0x2] =	wrdreg s2  }
0xa9: {  	[dreg:$0x3] =	wrdreg s4  }
0xaa: {  	[dreg:$0x4] =	wrdreg $0xC0  }
0xab: {  	_ =	task [dreg:s6], $0x5FFFF  }
0xac: {  	[dreg:$0x1] =	wrdreg $0xFFFFFFFF  }
0xad: {  	[dreg:$0x0] =	wrdreg $0x60  }
0xae: {  	[dreg:$0x2] =	wrdreg s24  }
0xaf: {  	[dreg:$0x3] =	wrdreg $0x9  }
0xb0: {  	_ =	task.clear_ibuf [dreg:s6], $0x4FFFF;
	_ =	strace $0x9000004C  }
0xb1: {  	s29 =	simm.s32 $0x9;
	_ =	strace $0x8000004E  }
0xb2: {  	_ =	swait.ge [sflag:s29], $0x1  }
0xb3: {  	[sflag:s29] =	ssyncadd.s32 $0xFFFFFFFF  }
0xb4: {  	_ =	strace $0x9000004E  }
0xb5: {  	_ =	sfence  }
0xb6: {  	s30 =	sld [smem:$0x0];
	_ =	sdelay $0x2  }
0xb7: {  	s31 =	sshll.u32 s1, $0xD;
	s1 =	sshrl.u32 s1, $0x2  }
0xb8: {  	s3 =	sand.u32 $0x4000, s31;
	s1 =	sadd.s32 s1, s30  }
0xb9: {  	s0 =	sor.u32 s3, s0;
	s1 =	sshll.u32 s1, $0x11  }
0xba: {  	s0 =	sor.u32 s1, s0  }
0xbb: {  	s0 =	sadd.s32 $0x8F2B, s0  }
0xbc: {  	[sflag:s0] =	ssyncadd.remote.s32 $0x1  }
0xbd: {  	_ =	sfence.sel $0xFFFF  }
0xbe: {  	[dreg:$0x0] =	wrdreg $0xFFFFFFFF;
	(pc) =	sbr.abs _section_cstart, $3  }
0xbf: {  	[dreg:$0x1] =	wrdreg $0xFFFFFFFF  }
0xc0: {  	_ =	task.clear_ibuf [dreg:s6], $0x2FFFF;
	_ =	strace $0x9FFFFFFF  }
0xc1: {  	(tm) =	ssettm $0x7FFFFFFF  }
tec
execute0_lowered:
.L_overlay_start_1:
0x0: {  	(tag) =	ssettag $0x1  }
0x1: {  	s4 =	rddreg [dreg:$0x0]  }
0x2: {  	s0 =	rddreg [dreg:$0x1];
	s2 =	simm.s32 $0x0;
	s1 =	stileid.u32  }
0x3: {  	s5 =	srdreg.scid;
	s10 =	simm.s32 $0x100;
	s11 =	simm.s32 $0x1400  }
0x4: {  	s12 =	simm.s32 $0x180;
	s13 =	simm.s32 $0x1C00;
	s14 =	simm.s32 $0x200  }
0x5: {  	s15 =	simm.s32 $0x2400;
	s16 =	simm.s32 $0x280;
	s17 =	simm.s32 $0x2C00  }
0x6: {  	s18 =	simm.s32 $0x300;
	s19 =	simm.s32 $0x3400;
	s20 =	simm.s32 $0x380  }
0x7: {  	s21 =	simm.s32 $0x3C00;
	s22 =	simm.s32 $0x1;
	s23 =	simm.s32 $0x2  }
0x8: {  	s24 =	simm.s32 $0x0;
	[smem:$0x7FF] =	sst s2;
	s3 =	sadd.s32 $0xC0C00, s4  }
0x9: {  	s6 =	sshll.u32 s1, $0x8;
	s5 =	sand.u32 $0x1, s5;
	s7 =	sshll.u32 s1, $0xC  }
0xa: {  	_ =	strace $0x8000004D;
	s6 =	sadd.s32 s6, s4;
	s8 =	ssub.s32 $0x2, s5  }
0xb: {  	s4 =	sadd.s32 s7, s4;
	s9 =	sshll.u32 s5, $0xB;
	s5 =	sshll.u32 s5, $0x7  }
0xc: {  	s29 =	sshrl.u32 s8, $0x1;
	s30 =	sadd.s32 s9, s4;
	s5 =	sadd.s32 s5, s6  }
0xd: {  	s6 =	simm.s32 $0x3;
	s9 =	simm.s32 $0xC00;
	s7 =	ssub.s32 s8, s29  }
0xe: {  	s31 =	sadd.s32 $0x4E00, s30;
	s5 =	sadd.s32 $0x94A00, s5;
	s8 =	simm.s32 $0x400  }
0xf: {  	s4 =	smax.u32 s7, $0x1;
	[dreg:$0x2] =	wrdreg s31;
	s7 =	simm.s32 $0x80  }
.LBB2_1:
0x10: {  	[tilespmem:s2], [sflag:$0x3] =	stream.linear.gather [hbm4b:s5+s2], $0x400, $0x38;
	[tilespmem:$0x4400] =	vst v63  }
0x11: {  	_ =	swait.ge [sflag:s6], $0x400  }
0x12: {  	p0 =	por $0x1, $0x1;
	[sflag:s6] =	ssyncset.done $0x0  }
0x13: {  	s25 =	simm.s32 @!p0 $0x2;
	[sflag:s6] =	ssyncadd.s32 $0xFFFFFC00  }
0x14: {  	_ =	swait.ge @!p0 [sflag:s25], $0x800  }
0x15: {  	[sflag:s25] =	ssyncset.done @!p0 $0x0  }
0x16: {  	[sflag:s25] =	ssyncadd.s32 @!p0 $0xFFFFF800  }
0x17: {  	_ =	swait.ge @!p0 [sflag:s25], $0x800  }
0x18: {  	[sflag:s25] =	ssyncset.done @!p0 $0x0  }
0x19: {  	[sflag:s25] =	ssyncadd.s32 @!p0 $0xFFFFF800  }
0x1a: {  	_ =	swait.ge @!p0 [sflag:s25], $0x800  }
0x1b: {  	[sflag:s25] =	ssyncset.done @!p0 $0x0  }
0x1c: {  	[sflag:s25] =	ssyncadd.s32 @!p0 $0xFFFFF800  }
0x1d: {  	_ =	swait.ge @!p0 [sflag:s25], $0x800  }
0x1e: {  	[sflag:s25] =	ssyncset.done @!p0 $0x0  }
0x1f: {  	[sflag:s25] =	ssyncadd.s32 @!p0 $0xFFFFF800  }
0x20: {  	_ =	swait.ge @!p0 [sflag:s25], $0x800  }
0x21: {  	[sflag:s25] =	ssyncset.done @!p0 $0x0  }
0x22: {  	[sflag:s25] =	ssyncadd.s32 @!p0 $0xFFFFF800  }
0x23: {  	_ =	swait.ge @!p0 [sflag:s25], $0x800  }
0x24: {  	[sflag:s25] =	ssyncset.done @!p0 $0x0  }
0x25: {  	[sflag:s25] =	ssyncadd.s32 @!p0 $0xFFFFF800  }
0x26: {  	_ =	swait.ge @!p0 [sflag:s25], $0x800  }
0x27: {  	[sflag:s25] =	ssyncset.done @!p0 $0x0  }
0x28: {  	[sflag:s25] =	ssyncadd.s32 @!p0 $0xFFFFF800  }
0x29: {  	_ =	swait.ge @!p0 [sflag:s25], $0x800  }
0x2a: {  	[sflag:s25] =	ssyncset.done @!p0 $0x0  }
0x2b: {  	[sflag:s25] =	ssyncadd.s32 @!p0 $0xFFFFF800  }
0x2c: {  	[tilespmem:s8], [sflag:$0x1] =	stream.indirect.gather [hbm4b:s3+s7], $0x10, s2, s7, $0xb8;
	[tilespmem:$0x4400] =	vst v63  }
0x2d: {  	_ = 	snop  }
0x2e: {  	[tilespmem:s9], [sflag:$0x1] =	stream.indirect.gather [hbm4b:s3+s7], $0x10, s7, s7, $0xb8;
	[tilespmem:$0x4400] =	vst v63  }
0x2f: {  	_ = 	snop  }
0x30: {  	[tilespmem:s11], [sflag:$0x1] =	stream.indirect.gather [hbm4b:s3+s7], $0x10, s10, s7, $0xb8;
	[tilespmem:$0x4400] =	vst v63  }
0x31: {  	_ = 	snop  }
0x32: {  	[tilespmem:s13], [sflag:$0x1] =	stream.indirect.gather [hbm4b:s3+s7], $0x10, s12, s7, $0xb8;
	[tilespmem:$0x4400] =	vst v63  }
0x33: {  	_ = 	snop  }
0x34: {  	[tilespmem:s15], [sflag:$0x1] =	stream.indirect.gather [hbm4b:s3+s7], $0x10, s14, s7, $0xb8;
	[tilespmem:$0x4400] =	vst v63  }
0x35: {  	_ = 	snop  }
0x36: {  	[tilespmem:s17], [sflag:$0x1] =	stream.indirect.gather [hbm4b:s3+s7], $0x10, s16, s7, $0xb8;
	[tilespmem:$0x4400] =	vst v63  }
0x37: {  	_ = 	snop  }
0x38: {  	[tilespmem:s19], [sflag:$0x1] =	stream.indirect.gather [hbm4b:s3+s7], $0x10, s18, s7, $0xb8;
	[tilespmem:$0x4400] =	vst v63  }
0x39: {  	_ = 	snop  }
0x3a: {  	[tilespmem:s21], [sflag:$0x1] =	stream.indirect.gather [hbm4b:s3+s7], $0x10, s20, s7, $0xb8;
	[tilespmem:$0x4400] =	vst v63  }
0x3b: {  	_ =	swait.ge [sflag:s22], $0x800  }
0x3c: {  	[sflag:s22] =	ssyncset.done $0x0  }
0x3d: {  	[sflag:s22] =	ssyncadd.s32 $0xFFFFF800  }
0x3e: {  	_ =	swait.ge [sflag:s22], $0x800  }
0x3f: {  	[sflag:s22] =	ssyncset.done $0x0  }
0x40: {  	[sflag:s22] =	ssyncadd.s32 $0xFFFFF800  }
0x41: {  	_ =	swait.ge [sflag:s22], $0x800  }
0x42: {  	[sflag:s22] =	ssyncset.done $0x0  }
0x43: {  	[sflag:s22] =	ssyncadd.s32 $0xFFFFF800  }
0x44: {  	_ =	swait.ge [sflag:s22], $0x800  }
0x45: {  	[sflag:s22] =	ssyncset.done $0x0  }
0x46: {  	[sflag:s22] =	ssyncadd.s32 $0xFFFFF800  }
0x47: {  	_ =	swait.ge [sflag:s22], $0x800  }
0x48: {  	[sflag:s22] =	ssyncset.done $0x0  }
0x49: {  	[sflag:s22] =	ssyncadd.s32 $0xFFFFF800  }
0x4a: {  	_ =	swait.ge [sflag:s22], $0x800  }
0x4b: {  	[sflag:s22] =	ssyncset.done $0x0  }
0x4c: {  	[sflag:s22] =	ssyncadd.s32 $0xFFFFF800  }
0x4d: {  	_ =	swait.ge [sflag:s22], $0x800  }
0x4e: {  	[sflag:s22] =	ssyncset.done $0x0  }
0x4f: {  	[sflag:s22] =	ssyncadd.s32 $0xFFFFF800  }
0x50: {  	_ =	swait.ge [sflag:s22], $0x800  }
0x51: {  	s29 =	rddreg [dreg:$0x2];
	[sflag:s22] =	ssyncset.done $0x0  }
0x52: {  	[sflag:s22] =	ssyncadd.s32 $0xFFFFF800;
	s26 =	sadd.s32 $0x0, s29  }
0x53: {  	[hbm4b:s26+s2] =	stream.linear.scatter [tilespmem:s8], [sflag:$0x2], $0x800, $0x38;
	[tilespmem:$0x4400] =	vst v63  }
0x54: {  	s25 =	sadd.s32 $0x100, s26  }
0x55: {  	[hbm4b:s25+s2] =	stream.linear.scatter [tilespmem:s9], [sflag:$0x2], $0x800, $0x38;
	[tilespmem:$0x4400] =	vst v63  }
0x56: {  	s30 =	sadd.s32 $0x200, s26  }
0x57: {  	[hbm4b:s30+s2] =	stream.linear.scatter [tilespmem:s11], [sflag:$0x2], $0x800, $0x38;
	[tilespmem:$0x4400] =	vst v63  }
0x58: {  	s31 =	sadd.s32 $0x300, s26  }
0x59: {  	[hbm4b:s31+s2] =	stream.linear.scatter [tilespmem:s13], [sflag:$0x2], $0x800, $0x38;
	[tilespmem:$0x4400] =	vst v63  }
0x5a: {  	s29 =	sadd.s32 $0x400, s26  }
0x5b: {  	[hbm4b:s29+s2] =	stream.linear.scatter [tilespmem:s15], [sflag:$0x2], $0x800, $0x38;
	[tilespmem:$0x4400] =	vst v63  }
0x5c: {  	s28 =	sadd.s32 $0x700, s26;
	s30 =	sadd.s32 $0x500, s26  }
0x5d: {  	[hbm4b:s30+s2] =	stream.linear.scatter [tilespmem:s17], [sflag:$0x2], $0x800, $0x38;
	[tilespmem:$0x4400] =	vst v63  }
0x5e: {  	s25 =	simm.s32 $0x10000;
	s31 =	sadd.s32 $0x600, s26;
	s26 =	sadd.s32 $0x1000, s5  }
0x5f: {  	[hbm4b:s31+s2] =	stream.linear.scatter [tilespmem:s19], [sflag:$0x2], $0x800, $0x38;
	[tilespmem:$0x4400] =	vst v63  }
.LBB2_2:
0x60: {  	[hbm4b:s28+s2] =	stream.linear.scatter [tilespmem:s21], [sflag:$0x2], $0x800, $0x38;
	[tilespmem:$0x4400] =	vst v63  }
0x61: {  	_ = 	snop  }
0x62: {  	[tilespmem:s2], [sflag:$0x3] =	stream.linear.gather [hbm4b:s26+s2], $0x400, $0x38;
	[tilespmem:$0x4400] =	vst v63  }
0x63: {  	s28 =	smov.u32 s25;
	_ =	swait.ge [sflag:s6], $0x400  }
0x64: {  	p1 =	seq.s32 s28, $0x0;
	[sflag:s6] =	ssyncset.done $0x0  }
0x65: {  	s29 =	simm.s32 @!p1 $0x2;
	[sflag:s6] =	ssyncadd.s32 $0xFFFFFC00  }
0x66: {  	_ =	swait.ge @!p1 [sflag:s29], $0x800  }
0x67: {  	[sflag:s29] =	ssyncset.done @!p1 $0x0  }
0x68: {  	[sflag:s29] =	ssyncadd.s32 @!p1 $0xFFFFF800  }
0x69: {  	_ =	swait.ge @!p1 [sflag:s29], $0x800  }
0x6a: {  	[sflag:s29] =	ssyncset.done @!p1 $0x0  }
0x6b: {  	[sflag:s29] =	ssyncadd.s32 @!p1 $0xFFFFF800  }
0x6c: {  	_ =	swait.ge @!p1 [sflag:s29], $0x800  }
0x6d: {  	[sflag:s29] =	ssyncset.done @!p1 $0x0  }
0x6e: {  	[sflag:s29] =	ssyncadd.s32 @!p1 $0xFFFFF800  }
0x6f: {  	_ =	swait.ge @!p1 [sflag:s29], $0x800  }
0x70: {  	[sflag:s29] =	ssyncset.done @!p1 $0x0  }
0x71: {  	[sflag:s29] =	ssyncadd.s32 @!p1 $0xFFFFF800  }
0x72: {  	_ =	swait.ge @!p1 [sflag:s29], $0x800  }
0x73: {  	[sflag:s29] =	ssyncset.done @!p1 $0x0  }
0x74: {  	[sflag:s29] =	ssyncadd.s32 @!p1 $0xFFFFF800  }
0x75: {  	_ =	swait.ge @!p1 [sflag:s29], $0x800  }
0x76: {  	[sflag:s29] =	ssyncset.done @!p1 $0x0  }
0x77: {  	[sflag:s29] =	ssyncadd.s32 @!p1 $0xFFFFF800  }
0x78: {  	_ =	swait.ge @!p1 [sflag:s29], $0x800  }
0x79: {  	[sflag:s29] =	ssyncset.done @!p1 $0x0  }
0x7a: {  	[sflag:s29] =	ssyncadd.s32 @!p1 $0xFFFFF800  }
0x7b: {  	_ =	swait.ge @!p1 [sflag:s29], $0x800  }
0x7c: {  	[sflag:s29] =	ssyncset.done @!p1 $0x0  }
0x7d: {  	[sflag:s29] =	ssyncadd.s32 @!p1 $0xFFFFF800  }
0x7e: {  	[tilespmem:s8], [sflag:$0x1] =	stream.indirect.gather [hbm4b:s3+s7], $0x10, s2, s7, $0xb8;
	[tilespmem:$0x4400] =	vst v63  }
0x7f: {  	_ = 	snop  }
0x80: {  	[tilespmem:s9], [sflag:$0x1] =	stream.indirect.gather [hbm4b:s3+s7], $0x10, s7, s7, $0xb8;
	[tilespmem:$0x4400] =	vst v63  }
0x81: {  	_ = 	snop  }
0x82: {  	[tilespmem:s11], [sflag:$0x1] =	stream.indirect.gather [hbm4b:s3+s7], $0x10, s10, s7, $0xb8;
	[tilespmem:$0x4400] =	vst v63  }
0x83: {  	_ = 	snop  }
0x84: {  	[tilespmem:s13], [sflag:$0x1] =	stream.indirect.gather [hbm4b:s3+s7], $0x10, s12, s7, $0xb8;
	[tilespmem:$0x4400] =	vst v63  }
0x85: {  	_ = 	snop  }
0x86: {  	[tilespmem:s15], [sflag:$0x1] =	stream.indirect.gather [hbm4b:s3+s7], $0x10, s14, s7, $0xb8;
	[tilespmem:$0x4400] =	vst v63  }
0x87: {  	_ = 	snop  }
0x88: {  	[tilespmem:s17], [sflag:$0x1] =	stream.indirect.gather [hbm4b:s3+s7], $0x10, s16, s7, $0xb8;
	[tilespmem:$0x4400] =	vst v63  }
0x89: {  	_ = 	snop  }
0x8a: {  	[tilespmem:s19], [sflag:$0x1] =	stream.indirect.gather [hbm4b:s3+s7], $0x10, s18, s7, $0xb8;
	[tilespmem:$0x4400] =	vst v63  }
0x8b: {  	_ = 	snop  }
0x8c: {  	[tilespmem:s21], [sflag:$0x1] =	stream.indirect.gather [hbm4b:s3+s7], $0x10, s20, s7, $0xb8;
	[tilespmem:$0x4400] =	vst v63  }
0x8d: {  	_ =	swait.ge [sflag:s22], $0x800  }
0x8e: {  	[sflag:s22] =	ssyncset.done $0x0  }
0x8f: {  	[sflag:s22] =	ssyncadd.s32 $0xFFFFF800  }
0x90: {  	_ =	swait.ge [sflag:s22], $0x800  }
0x91: {  	[sflag:s22] =	ssyncset.done $0x0  }
0x92: {  	[sflag:s22] =	ssyncadd.s32 $0xFFFFF800  }
0x93: {  	_ =	swait.ge [sflag:s22], $0x800  }
0x94: {  	[sflag:s22] =	ssyncset.done $0x0  }
0x95: {  	[sflag:s22] =	ssyncadd.s32 $0xFFFFF800  }
0x96: {  	_ =	swait.ge [sflag:s22], $0x800  }
0x97: {  	[sflag:s22] =	ssyncset.done $0x0  }
0x98: {  	[sflag:s22] =	ssyncadd.s32 $0xFFFFF800  }
0x99: {  	_ =	swait.ge [sflag:s22], $0x800  }
0x9a: {  	[sflag:s22] =	ssyncset.done $0x0  }
0x9b: {  	[sflag:s22] =	ssyncadd.s32 $0xFFFFF800  }
0x9c: {  	_ =	swait.ge [sflag:s22], $0x800  }
0x9d: {  	[sflag:s22] =	ssyncset.done $0x0  }
0x9e: {  	[sflag:s22] =	ssyncadd.s32 $0xFFFFF800  }
0x9f: {  	_ =	swait.ge [sflag:s22], $0x800  }
0xa0: {  	[sflag:s22] =	ssyncset.done $0x0  }
0xa1: {  	[sflag:s22] =	ssyncadd.s32 $0xFFFFF800  }
0xa2: {  	_ =	swait.ge [sflag:s22], $0x800  }
0xa3: {  	s30 =	rddreg [dreg:$0x2];
	[sflag:s22] =	ssyncset.done $0x0  }
0xa4: {  	[sflag:s22] =	ssyncadd.s32 $0xFFFFF800;
	s28 =	sadd.s32 s28, s30  }
0xa5: {  	[hbm4b:s28+s2] =	stream.linear.scatter [tilespmem:s8], [sflag:$0x2], $0x800, $0x38;
	[tilespmem:$0x4400] =	vst v63  }
0xa6: {  	s29 =	sadd.s32 $0x100, s28  }
0xa7: {  	[hbm4b:s29+s2] =	stream.linear.scatter [tilespmem:s9], [sflag:$0x2], $0x800, $0x38;
	[tilespmem:$0x4400] =	vst v63  }
0xa8: {  	s31 =	sadd.s32 $0x200, s28  }
0xa9: {  	[hbm4b:s31+s2] =	stream.linear.scatter [tilespmem:s11], [sflag:$0x2], $0x800, $0x38;
	[tilespmem:$0x4400] =	vst v63  }
0xaa: {  	s25 =	sadd.s32 $0x10000, s25;
	s30 =	sadd.s32 $0x300, s28  }
0xab: {  	[hbm4b:s30+s2] =	stream.linear.scatter [tilespmem:s13], [sflag:$0x2], $0x800, $0x38;
	[tilespmem:$0x4400] =	vst v63  }
0xac: {  	p0 =	sne.s32 s25, $0x50000;
	s31 =	sadd.s32 $0x400, s28  }
0xad: {  	[hbm4b:s31+s2] =	stream.linear.scatter [tilespmem:s15], [sflag:$0x2], $0x800, $0x38;
	[tilespmem:$0x4400] =	vst v63  }
.Ltmp0:
0xae: {  	_ = 	snop;
	(pc) =	sbr.rel @p0 .LBB2_2-.Ltmp0, $4  }
0xaf: {  	s30 =	sadd.s32 $0x500, s28  }
0xb0: {  	[hbm4b:s30+s2] =	stream.linear.scatter [tilespmem:s17], [sflag:$0x2], $0x800, $0x38;
	[tilespmem:$0x4400] =	vst v63  }
0xb1: {  	s26 =	sadd.s32 $0x1000, s26;
	s31 =	sadd.s32 $0x600, s28;
	s28 =	sadd.s32 $0x700, s28  }
0xb2: {  	[hbm4b:s31+s2] =	stream.linear.scatter [tilespmem:s19], [sflag:$0x2], $0x800, $0x38;
	[tilespmem:$0x4400] =	vst v63  }
0xb3: {  	[hbm4b:s28+s2] =	stream.linear.scatter [tilespmem:s21], [sflag:$0x2], $0x800, $0x38;
	[tilespmem:$0x4400] =	vst v63  }
0xb4: {  	_ =	swait.ge [sflag:s23], $0x800  }
0xb5: {  	[sflag:s23] =	ssyncset.done $0x0  }
0xb6: {  	[sflag:s23] =	ssyncadd.s32 $0xFFFFF800  }
0xb7: {  	_ =	swait.ge [sflag:s23], $0x800  }
0xb8: {  	[sflag:s23] =	ssyncset.done $0x0  }
0xb9: {  	[sflag:s23] =	ssyncadd.s32 $0xFFFFF800  }
0xba: {  	_ =	swait.ge [sflag:s23], $0x800  }
0xbb: {  	[sflag:s23] =	ssyncset.done $0x0  }
0xbc: {  	[sflag:s23] =	ssyncadd.s32 $0xFFFFF800  }
0xbd: {  	_ =	swait.ge [sflag:s23], $0x800  }
0xbe: {  	[sflag:s23] =	ssyncset.done $0x0  }
0xbf: {  	[sflag:s23] =	ssyncadd.s32 $0xFFFFF800  }
0xc0: {  	_ =	swait.ge [sflag:s23], $0x800  }
0xc1: {  	[sflag:s23] =	ssyncset.done $0x0  }
0xc2: {  	[sflag:s23] =	ssyncadd.s32 $0xFFFFF800  }
0xc3: {  	_ =	swait.ge [sflag:s23], $0x800  }
0xc4: {  	[sflag:s23] =	ssyncset.done $0x0  }
0xc5: {  	s24 =	sadd.s32 $0x1, s24;
	[sflag:s23] =	ssyncadd.s32 $0xFFFFF800  }
0xc6: {  	p0 =	sne.s32 s24, s4;
	_ =	swait.ge [sflag:s23], $0x800  }
.Ltmp1:
0xc7: {  	[sflag:s23] =	ssyncset.done $0x0;
	(pc) =	sbr.rel @p0 .LBB2_1-.Ltmp1, $4  }
0xc8: {  	[sflag:s23] =	ssyncadd.s32 $0xFFFFF800  }
0xc9: {  	_ =	swait.ge [sflag:s23], $0x800  }
0xca: {  	[sflag:s23] =	ssyncset.done $0x0  }
0xcb: {  	[sflag:s23] =	ssyncadd.s32 $0xFFFFF800  }
0xcc: {  	_ =	sfence.sel $0x180000  }
0xcd: {  	[bflag:$0x0] =	sbarrier.arrive $0xFFFF  }
0xce: {  	p0 =	sne.s32 s1, $0x0;
	_ =	strace $0x9000004D  }
0xcf: {  	s0 =	sadd.s32 @!p0 $0x100000, s0;
	[bflag:$0x2] =	sbarrier.arrive $0xFFFF  }
0xd0: {  	[sflag:s0] =	ssyncadd.tile.s32 @!p0 $0x1;
	_ =	shalt  }
.Lfunc_end2:
_tile_overlayer_lowered:
.L_overlay_start_2:
0xd1: {  	(tag) =	ssettag $0x2  }
0xd2: {  	s0 =	rddreg [dreg:$0x0];
	s2 =	stileid.u32  }
0xd3: {  	s1 =	rddreg [dreg:$0x1];
	p0 =	sne.s32 s2, $0x0  }
0xd4: {  	s3 =	rddreg [dreg:$0x2];
	[bflag:$0x3] =	sbarrier.arrive $0xFFFF;
	s2 =	simm.s32 @!p0 $0x1C03  }
0xd5: {  	[timem:s3], [sflag:s2] =	dma.local @!p0 [hbm:s0], s1  }
0xd6: {  	s0 =	simm.s32 @!p0 $0x3  }
0xd7: {  	_ =	swait.ge @!p0 [sflag:s0], s1  }
0xd8: {  	s1 =	ssub.s32 @!p0 $0x0, s1;
	[sflag:s0] =	ssyncset.done @!p0 $0x0  }
0xd9: {  	[sflag:s0] =	ssyncadd.s32 @!p0 s1  }
0xda: {  	[bflag:$0x3] =	sbarrier.arrive $0xFFFF  }
0xdb: {  	_ =	shalt  }

// kernel: kernel.20.cloned.1.call-start
scs
__scs_entry_jumppad:
0x0: {  	(pc) =	sbr.rel $0x88, $3  }
0x1: {  	(tag) =	ssettag $0x0;
	lr =	simm.s32 $0x1  }
0x2: {  	[smem:$0x3F8C] =	sst lr;
	_ =	strace $0xD0000000  }
0x3: {  	_ = 	snop  }
0x4: {  	_ = 	snop  }
0x5: {  	_ = 	snop  }
0x6: {  	_ = 	snop  }
0x7: {  	_ = 	snop  }
__scs_overlays_trampoline_lowered:
0x8: {  	[smem:$0x3F9B] =	sst s0  }
0x9: {  	[smem:$0x3F9C] =	sst s1  }
0xa: {  	[smem:$0x3F9D] =	sst s2  }
0xb: {  	[smem:$0x3F9E] =	sst s3  }
0xc: {  	[smem:$0x3F9F] =	sst s4  }
0xd: {  	[smem:$0x3FA0] =	sst s5  }
0xe: {  	[smem:$0x3FA1] =	sst s6  }
0xf: {  	[smem:$0x3FA2] =	sst s7  }
0x10: {  	[smem:$0x3FA3] =	sst s8  }
0x11: {  	[smem:$0x3FA4] =	sst s9;
	s0 =	simm.s32 @!p0 $0x0  }
0x12: {  	s1 =	sld [smem:$0x3F8A];
	s0 =	simm.s32 @p0 $0x1  }
0x13: {  	[smem:$0x3FA5] =	sst s0;
	s0 =	simm.s32 @!p1 $0x0  }
0x14: {  	s2 =	sld [smem:$0x3F89];
	s0 =	simm.s32 @p1 $0x1  }
0x15: {  	[smem:$0x3FA6] =	sst s0;
	s0 =	simm.s32 @!p2 $0x0  }
0x16: {  	s3 =	sld [smem:$0x3FDB];
	s0 =	simm.s32 @p2 $0x1  }
0x17: {  	s4 =	simm.s32 $0x1BF5;
	[smem:$0x3FA8] =	sst s0  }
0x18: {  	s0 =	sld [smem:$0x3F8B];
	_ =	swait.ge [sflag:s4], $0x0  }
0x19: {  	s7 =	sld [smem:$0x3F8C]  }
0x1a: {  	s8 =	sadd.s32 $0xFFFFE003, lr  }
0x1b: {  	s9 =	sadd.s32 $0xFFFFFEF7, lr;
	s5 =	simm.s32 $0xFFFFFFFF;
	p2 =	slt.u32 s8, $0xFFFFF086  }
0x1c: {  	p1 =	slt.u32 s9, $0xF7A;
	s5 =	simm.s32 @!p2 $0x0  }
0x1d: {  	s5 =	simm.s32 @p1 $0x1;
	p0 =	seq.s32 s7, s2  }
0x1e: {  	s7 =	smul.u32 @!p0 $0xF7A, s2;
	p2 =	seq.s32 @!p0 s5, $0x0  }
0x1f: {  	s9 =	smul.u32 $0xF7A, s1;
	s8 =	simm.s32 @!p0 $0x1BF5;
	p2 =	por !p2, p0  }
0x20: {  	[sflag:s8] =	ssyncset.s32 @!p0 $0xFFFFF086;
	s6 =	sadd.s32 @!p0 s3, s7;
	s7 =	simm.s32 @!p0 $0x108  }
0x21: {  	s3 =	sadd.s32 s3, s9;
	s6 =	sadd.s32 @!p0 $0x88, s6;
	s7 =	simm.s32 @p2 $0x1082  }
0x22: {  	[simem:s7], [sflag:s8] =	dma.local @!p0 [hbm:s6], $0xF7A  }
0x23: {  	s9 =	sor.u32 $0xD0000000, s2;
	s6 =	simm.s32 $0x108;
	_ =	swait.ge @!p0 [sflag:s8], $0x0  }
0x24: {  	s3 =	sadd.s32 $0x88, s3;
	s6 =	simm.s32 @!p1 $0x1082;
	[sflag:s4] =	ssyncset.s32 $0xFFFFF086  }
0x25: {  	[simem:s6], [sflag:s4] =	dma.local [hbm:s3], $0xF7A  }
0x26: {  	[smem:$0x3F8C] =	sst s1;
	(tag) =	ssettag s2;
	_ =	strace s9  }
0x27: {  	s1 =	sld [smem:$0x3F9C]  }
0x28: {  	s2 =	sld [smem:$0x3F9D]  }
0x29: {  	s4 =	sld [smem:$0x3F9F]  }
0x2a: {  	p0 =	seq.s32 s5, $0x0;
	s5 =	sld [smem:$0x3FA0]  }
0x2b: {  	s6 =	sld [smem:$0x3FA1]  }
0x2c: {  	s7 =	sld [smem:$0x3FA2]  }
0x2d: {  	s3 =	simm.s32 $0x108;
	s8 =	sld [smem:$0x3FA3]  }
0x2e: {  	s3 =	simm.s32 @!p0 $0x1082;
	s9 =	sld [smem:$0x3FA4]  }
0x2f: {  	lr =	sadd.s32 s0, s3;
	s0 =	sld [smem:$0x3F9B]  }
0x30: {  	s3 =	sld [smem:$0x3F9E]  }
0x31: {  	[smem:$0x3FA7] =	sst s10  }
0x32: {  	s10 =	sld [smem:$0x3FA5];
	_ =	sdelay $0x3  }
0x33: {  	p0 =	seq.s32 s10, $0x1;
	s10 =	sld [smem:$0x3FA7];
	_ =	sdelay $0x3  }
0x34: {  	[smem:$0x3FA7] =	sst s10  }
0x35: {  	s10 =	sld [smem:$0x3FA6];
	_ =	sdelay $0x3  }
0x36: {  	p1 =	seq.s32 s10, $0x1;
	s10 =	sld [smem:$0x3FA7];
	_ =	sdelay $0x3  }
0x37: {  	[smem:$0x3FA7] =	sst s10  }
0x38: {  	s10 =	sld [smem:$0x3FA8]  }
0x39: {  	_ = 	snop;
	(pc) =	sbr.ind lr, $3  }
0x3a: {  	_ = 	snop  }
0x3b: {  	_ = 	snop  }
0x3c: {  	p2 =	seq.s32 s10, $0x1;
	s10 =	sld [smem:$0x3FA7]  }
0x3d: {  	_ =	shalt  }
0x3e: {  	_ =	shalt  }
0x3f: {  	_ =	shalt  }
0x40: {  	_ =	shalt  }
0x41: {  	_ =	shalt  }
0x42: {  	_ =	shalt  }
0x43: {  	_ =	shalt  }
0x44: {  	_ =	shalt  }
0x45: {  	_ =	shalt  }
0x46: {  	_ =	shalt  }
0x47: {  	_ =	shalt  }
0x48: {  	_ =	shalt  }
0x49: {  	_ =	shalt  }
0x4a: {  	_ =	shalt  }
0x4b: {  	_ =	shalt  }
0x4c: {  	_ =	shalt  }
0x4d: {  	_ =	shalt  }
0x4e: {  	_ =	shalt  }
0x4f: {  	_ =	shalt  }
0x50: {  	_ =	shalt  }
0x51: {  	_ =	shalt  }
0x52: {  	_ =	shalt  }
0x53: {  	_ =	shalt  }
0x54: {  	_ =	shalt  }
0x55: {  	_ =	shalt  }
0x56: {  	_ =	shalt  }
0x57: {  	_ =	shalt  }
0x58: {  	_ =	shalt  }
0x59: {  	_ =	shalt  }
0x5a: {  	_ =	shalt  }
0x5b: {  	_ =	shalt  }
0x5c: {  	_ =	shalt  }
0x5d: {  	_ =	shalt  }
0x5e: {  	_ =	shalt  }
0x5f: {  	_ =	shalt  }
0x60: {  	_ =	shalt  }
0x61: {  	_ =	shalt  }
0x62: {  	_ =	shalt  }
0x63: {  	_ =	shalt  }
0x64: {  	_ =	shalt  }
0x65: {  	_ =	shalt  }
0x66: {  	_ =	shalt  }
0x67: {  	_ =	shalt  }
0x68: {  	_ =	shalt  }
0x69: {  	_ =	shalt  }
0x6a: {  	_ =	shalt  }
0x6b: {  	_ =	shalt  }
0x6c: {  	_ =	shalt  }
0x6d: {  	_ =	shalt  }
0x6e: {  	_ =	shalt  }
0x6f: {  	_ =	shalt  }
0x70: {  	_ =	shalt  }
0x71: {  	_ =	shalt  }
0x72: {  	_ =	shalt  }
0x73: {  	_ =	shalt  }
0x74: {  	_ =	shalt  }
0x75: {  	_ =	shalt  }
0x76: {  	_ =	shalt  }
0x77: {  	_ =	shalt  }
0x78: {  	_ =	shalt  }
0x79: {  	_ =	shalt  }
0x7a: {  	_ =	shalt  }
0x7b: {  	_ =	shalt  }
0x7c: {  	_ =	shalt  }
0x7d: {  	_ =	shalt  }
0x7e: {  	_ =	shalt  }
0x7f: {  	_ =	shalt  }
0x80: {  	_ =	shalt  }
0x81: {  	_ =	shalt  }
0x82: {  	_ =	shalt  }
0x83: {  	_ =	shalt  }
0x84: {  	_ =	shalt  }
0x85: {  	_ =	shalt  }
0x86: {  	_ =	shalt  }
0x87: {  	_ =	shalt  }
.Lfunc_end0:
.L_simem_size_0:
called_computation.3_lowered:
.L_overlay_start_0:
0x88: {  	s2 =	sld [smem:$0x3FD9]  }
0x89: {  	s3 =	sld [smem:$0x3FFE];
	_ =	sdelay $0x1  }
0x8a: {  	s1 =	srdreg.scid  }
0x8b: {  	s0 =	sand.u32 $0x1, s1  }
0x8c: {  	s17 =	sshll.u32 s0, $0xA;
	s2 =	sadd.s32 s3, s2  }
0x8d: {  	s2 =	sadd.s32 s2, s17  }
0x8e: {  	[smem:$0x3FB3] =	sst s2  }
0x8f: {  	_ = 	snop  }
0x90: {  	s2 =	sld [smem:$0x3FD0];
	(tm) =	ssettm $0x1  }
0x91: {  	s18 =	sld [smem:$0x3FFB];
	_ =	sdelay $0x3  }
0x92: {  	_ =	strace s18  }
0x93: {  	s3 =	sld [smem:$0x3FFC];
	_ =	sdelay $0x3  }
0x94: {  	_ =	strace s3  }
0x95: {  	s3 =	sld [smem:$0x3FFD];
	_ =	sdelay $0x3  }
0x96: {  	_ =	strace s3  }
0x97: {  	_ =	strace $0x8FFFFFFF  }
0x98: {  	s19 =	sld [smem:$0x3FDB];
	_ =	sdelay $0x1  }
0x99: {  	s4 =	simm.s32 $_scs_section_size  }
0x9a: {  	s5 =	simm.s32 $_size__tile_overlayer_lowered;
	s6 =	simm.s32 $_tile_overlayer_lowered  }
0x9b: {  	s22 =	simm.s32 $0x1BFF;
	s21 =	sshll.u32 s6, $0x1;
	s3 =	sadd.s32 s4, s19  }
0x9c: {  	s7 =	simm.s32 $0x0;
	s20 =	sshll.u32 s5, $0x1;
	s5 =	sadd.s32 s21, s3  }
0x9d: {  	[timem:s7], [sflag:s22] =	dma.local [hbm:s5], s20  }
0x9e: {  	_ =	swait.ge [sflag:s22], s20  }
0x9f: {  	s4 =	ssub.s32 $0x0, s20;
	[sflag:s22] =	ssyncset.done $0x0  }
0xa0: {  	[sflag:s22] =	ssyncadd.s32 s4;
	_ =	sdelay $0x1  }
0xa1: {  	s23 =	simm.s32 $0x1B8B  }
0xa2: {  	_ =	swait.ge [sflag:s23], $0x1  }
0xa3: {  	[sflag:s23] =	ssyncset.done $0x0  }
0xa4: {  	s25 =	simm.s32 $0x1B8E;
	s24 =	sld [smem:$0x3FFE];
	[sflag:s23] =	ssyncadd.s32 $0xFFFFFFFF  }
0xa5: {  	s26 =	simm.s32 $execute0_lowered;
	[smem:$0x3FD2] =	sst s25  }
0xa6: {  	s5 =	sshll.u32 s26, $0x1;
	_ =	strace $0x8000004F;
	[dreg:$0x1] =	wrdreg $0xFFFFFFFF  }
0xa7: {  	s28 =	simm.s32 $_size_execute0_lowered;
	s3 =	sadd.s32 s3, s5;
	[dreg:$0x0] =	wrdreg $0x0  }
0xa8: {  	s5 =	sshll.u32 s28, $0x1;
	[dreg:$0x2] =	wrdreg s3  }
0xa9: {  	[dreg:$0x3] =	wrdreg s5  }
0xaa: {  	[dreg:$0x4] =	wrdreg $0xC0  }
0xab: {  	_ =	task [dreg:s7], $0x5FFFF  }
0xac: {  	[dreg:$0x1] =	wrdreg $0xFFFFFFFF  }
0xad: {  	[dreg:$0x0] =	wrdreg $0x60  }
0xae: {  	[dreg:$0x2] =	wrdreg s24  }
0xaf: {  	[dreg:$0x3] =	wrdreg s2  }
0xb0: {  	[dreg:$0x4] =	wrdreg $0x44000  }
0xb1: {  	[dreg:$0x5] =	wrdreg $0x9  }
0xb2: {  	_ =	task.clear_ibuf [dreg:s7], $0x6FFFF;
	_ =	strace $0x9000004F  }
0xb3: {  	s29 =	simm.s32 $0x9;
	_ =	strace $0x80000051  }
0xb4: {  	_ =	swait.ge [sflag:s29], $0x1  }
0xb5: {  	[sflag:s29] =	ssyncadd.s32 $0xFFFFFFFF  }
0xb6: {  	_ =	strace $0x90000051  }
0xb7: {  	_ =	sfence  }
0xb8: {  	s30 =	sld [smem:$0x0];
	_ =	sdelay $0x2  }
0xb9: {  	s31 =	sshll.u32 s1, $0xD;
	s1 =	sshrl.u32 s1, $0x2  }
0xba: {  	s3 =	sand.u32 $0x4000, s31;
	s1 =	sadd.s32 s1, s30  }
0xbb: {  	s0 =	sor.u32 s3, s0;
	s1 =	sshll.u32 s1, $0x11  }
0xbc: {  	s0 =	sor.u32 s1, s0  }
0xbd: {  	s0 =	sadd.s32 $0x8F2B, s0  }
0xbe: {  	[sflag:s0] =	ssyncadd.remote.s32 $0x1  }
0xbf: {  	_ =	sfence.sel $0xFFFF  }
0xc0: {  	[dreg:$0x0] =	wrdreg $0xFFFFFFFF;
	(pc) =	sbr.abs _section_cstart, $3  }
0xc1: {  	[dreg:$0x1] =	wrdreg $0xFFFFFFFF  }
0xc2: {  	_ =	task.clear_ibuf [dreg:s7], $0x2FFFF;
	_ =	strace $0x9FFFFFFF  }
0xc3: {  	(tm) =	ssettm $0x7FFFFFFF  }
tec
execute0_lowered:
.L_overlay_start_1:
0x0: {  	(tag) =	ssettag $0x1  }
0x1: {  	s4 =	rddreg [dreg:$0x0]  }
0x2: {  	s1 =	rddreg [dreg:$0x1]  }
0x3: {  	s2 =	rddreg [dreg:$0x2]  }
0x4: {  	s0 =	rddreg [dreg:$0x3]  }
0x5: {  	s3 =	simm.s32 $0x0;
	s5 =	srdreg.scid;
	s7 =	stileid.u32  }
0x6: {  	s12 =	simm.s32 $0x1C00;
	s13 =	simm.s32 $0x2400;
	s14 =	simm.s32 $0x2C00  }
0x7: {  	s15 =	simm.s32 $0x3400;
	s16 =	simm.s32 $0x3C00;
	s17 =	simm.s32 $0x1  }
0x8: {  	s18 =	simm.s32 $0x80;
	s19 =	simm.s32 $0x100;
	s20 =	simm.s32 $0x180  }
0x9: {  	s21 =	simm.s32 $0x200;
	s22 =	simm.s32 $0x280;
	s23 =	simm.s32 $0x300  }
0xa: {  	s24 =	simm.s32 $0x380;
	[smem:$0x7FF] =	sst s3;
	s5 =	sand.u32 $0x1, s5  }
0xb: {  	s6 =	sshll.u32 s7, $0xC;
	s10 =	sshll.u32 s7, $0x8;
	p0 =	sne.s32 s7, $0x0  }
0xc: {  	_ =	strace $0x80000050;
	s8 =	smul.u32 $0x4E40, s5;
	s9 =	ssub.s32 $0x2, s5  }
0xd: {  	s6 =	sadd.s32 s6, s4;
	s10 =	sadd.s32 s10, s4;
	s26 =	sshll.u32 s5, $0x7  }
0xe: {  	s28 =	sshll.u32 s5, $0xB;
	s7 =	sshrl.u32 @!p0 s2, $0x3;
	s11 =	sshrl.u32 s9, $0x1  }
0xf: {  	s29 =	sadd.s32 s26, s10;
	s30 =	sadd.s32 s28, s6;
	s10 =	simm.s32 $0xC00  }
0x10: {  	s26 =	simm.s32 $0x0;
	s4 =	sadd.s32 s8, s4;
	s25 =	ssub.s32 s9, s11  }
0x11: {  	s6 =	sadd.s32 $0xDAC00, s29;
	s31 =	sadd.s32 $0x4E00, s30;
	s8 =	simm.s32 $0x3  }
0x12: {  	s9 =	simm.s32 $0x400;
	s11 =	simm.s32 $0x1400;
	s4 =	sadd.s32 $0xC0C00, s4  }
0x13: {  	s5 =	smax.u32 s25, $0x1;
	[dreg:$0x4] =	wrdreg s31;
	s25 =	simm.s32 $0x2  }
.LBB2_1:
0x14: {  	s28 =	simm.s32 @!p0 $0x1C03  }
0x15: {  	[spmem:s7], [sflag:s28] =	dma.local @!p0 [hbm:s1], $0x4E40  }
0x16: {  	s28 =	simm.s32 @!p0 $0x3  }
0x17: {  	_ =	swait.ge @!p0 [sflag:s28], $0x4E40  }
0x18: {  	[sflag:s28] =	ssyncset.done @!p0 $0x0  }
0x19: {  	[sflag:s28] =	ssyncadd.s32 @!p0 $0xFFFFB1C0  }
0x1a: {  	[bflag:$0x0] =	sbarrier.arrive $0xFFFF  }
0x1b: {  	[tilespmem:s3], [sflag:$0x3] =	stream.linear.gather [hbm4b:s6+s3], $0x400, $0x38;
	[tilespmem:$0x6B20] =	vst v63  }
0x1c: {  	_ =	swait.ge [sflag:s8], $0x400  }
0x1d: {  	s28 =	rddreg [dreg:$0x4];
	[sflag:s8] =	ssyncset.done $0x0  }
0x1e: {  	[sflag:s8] =	ssyncadd.s32 $0xFFFFFC00;
	s28 =	sadd.s32 $0x0, s28  }
0x1f: {  	[tilespmem:s9], [sflag:$0x1] =	stream.linear.gather [hbm4b:s28+s3], $0x800, $0x38;
	[tilespmem:$0x6B20] =	vst v63  }
0x20: {  	s29 =	sadd.s32 $0x100, s28  }
0x21: {  	[tilespmem:s10], [sflag:$0x1] =	stream.linear.gather [hbm4b:s29+s3], $0x800, $0x38;
	[tilespmem:$0x6B20] =	vst v63  }
0x22: {  	s29 =	sadd.s32 $0x200, s28  }
0x23: {  	[tilespmem:s11], [sflag:$0x1] =	stream.linear.gather [hbm4b:s29+s3], $0x800, $0x38;
	[tilespmem:$0x6B20] =	vst v63  }
0x24: {  	s29 =	sadd.s32 $0x300, s28  }
0x25: {  	[tilespmem:s12], [sflag:$0x1] =	stream.linear.gather [hbm4b:s29+s3], $0x800, $0x38;
	[tilespmem:$0x6B20] =	vst v63  }
0x26: {  	s29 =	sadd.s32 $0x400, s28  }
0x27: {  	[tilespmem:s13], [sflag:$0x1] =	stream.linear.gather [hbm4b:s29+s3], $0x800, $0x38;
	[tilespmem:$0x6B20] =	vst v63  }
0x28: {  	s29 =	sadd.s32 $0x500, s28  }
0x29: {  	[tilespmem:s14], [sflag:$0x1] =	stream.linear.gather [hbm4b:s29+s3], $0x800, $0x38;
	[tilespmem:$0x6B20] =	vst v63  }
0x2a: {  	s29 =	sadd.s32 $0x600, s28  }
0x2b: {  	[tilespmem:s15], [sflag:$0x1] =	stream.linear.gather [hbm4b:s29+s3], $0x800, $0x38;
	[tilespmem:$0x6B20] =	vst v63  }
0x2c: {  	s28 =	sadd.s32 $0x700, s28  }
0x2d: {  	[tilespmem:s16], [sflag:$0x1] =	stream.linear.gather [hbm4b:s28+s3], $0x800, $0x38;
	[tilespmem:$0x6B20] =	vst v63  }
0x2e: {  	_ =	swait.ge [sflag:s17], $0x800  }
0x2f: {  	[sflag:s17] =	ssyncset.done $0x0  }
0x30: {  	[sflag:s17] =	ssyncadd.s32 $0xFFFFF800  }
0x31: {  	_ =	swait.ge [sflag:s17], $0x800  }
0x32: {  	[sflag:s17] =	ssyncset.done $0x0  }
0x33: {  	[sflag:s17] =	ssyncadd.s32 $0xFFFFF800  }
0x34: {  	_ =	swait.ge [sflag:s17], $0x800  }
0x35: {  	[sflag:s17] =	ssyncset.done $0x0  }
0x36: {  	[sflag:s17] =	ssyncadd.s32 $0xFFFFF800  }
0x37: {  	_ =	swait.ge [sflag:s17], $0x800  }
0x38: {  	[sflag:s17] =	ssyncset.done $0x0  }
0x39: {  	[sflag:s17] =	ssyncadd.s32 $0xFFFFF800  }
0x3a: {  	_ =	swait.ge [sflag:s17], $0x800  }
0x3b: {  	[sflag:s17] =	ssyncset.done $0x0  }
0x3c: {  	[sflag:s17] =	ssyncadd.s32 $0xFFFFF800  }
0x3d: {  	_ =	swait.ge [sflag:s17], $0x800  }
0x3e: {  	[sflag:s17] =	ssyncset.done $0x0  }
0x3f: {  	[sflag:s17] =	ssyncadd.s32 $0xFFFFF800  }
0x40: {  	_ =	swait.ge [sflag:s17], $0x800  }
0x41: {  	[sflag:s17] =	ssyncset.done $0x0  }
0x42: {  	[sflag:s17] =	ssyncadd.s32 $0xFFFFF800  }
0x43: {  	_ =	swait.ge [sflag:s17], $0x800  }
0x44: {  	[sflag:s17] =	ssyncset.done $0x0  }
0x45: {  	[sflag:s17] =	ssyncadd.s32 $0xFFFFF800  }
0x46: {  	[spmem:s2] =	stream.indirect.scatter.add.f32 [tilespmem:s9], [sflag:$0x2], $0x10, s3, s18, $0xb8;
	[tilespmem:$0x6B20] =	vst v63  }
0x47: {  	_ = 	snop  }
0x48: {  	[spmem:s2] =	stream.indirect.scatter.add.f32 [tilespmem:s10], [sflag:$0x2], $0x10, s18, s18, $0xb8;
	[tilespmem:$0x6B20] =	vst v63  }
0x49: {  	_ = 	snop  }
0x4a: {  	[spmem:s2] =	stream.indirect.scatter.add.f32 [tilespmem:s11], [sflag:$0x2], $0x10, s19, s18, $0xb8;
	[tilespmem:$0x6B20] =	vst v63  }
0x4b: {  	_ = 	snop  }
0x4c: {  	[spmem:s2] =	stream.indirect.scatter.add.f32 [tilespmem:s12], [sflag:$0x2], $0x10, s20, s18, $0xb8;
	[tilespmem:$0x6B20] =	vst v63  }
0x4d: {  	_ = 	snop  }
0x4e: {  	[spmem:s2] =	stream.indirect.scatter.add.f32 [tilespmem:s13], [sflag:$0x2], $0x10, s21, s18, $0xb8;
	[tilespmem:$0x6B20] =	vst v63  }
0x4f: {  	_ = 	snop  }
0x50: {  	[spmem:s2] =	stream.indirect.scatter.add.f32 [tilespmem:s14], [sflag:$0x2], $0x10, s22, s18, $0xb8;
	[tilespmem:$0x6B20] =	vst v63  }
0x51: {  	_ = 	snop  }
0x52: {  	[spmem:s2] =	stream.indirect.scatter.add.f32 [tilespmem:s15], [sflag:$0x2], $0x10, s23, s18, $0xb8;
	[tilespmem:$0x6B20] =	vst v63  }
0x53: {  	_ = 	snop  }
0x54: {  	[spmem:s2] =	stream.indirect.scatter.add.f32 [tilespmem:s16], [sflag:$0x2], $0x10, s24, s18, $0xb8;
	[tilespmem:$0x6B20] =	vst v63  }
0x55: {  	_ =	swait.ge [sflag:s25], $0x800  }
0x56: {  	[sflag:s25] =	ssyncset.done $0x0  }
0x57: {  	[sflag:s25] =	ssyncadd.s32 $0xFFFFF800  }
0x58: {  	_ =	swait.ge [sflag:s25], $0x800  }
0x59: {  	[sflag:s25] =	ssyncset.done $0x0  }
0x5a: {  	[sflag:s25] =	ssyncadd.s32 $0xFFFFF800  }
0x5b: {  	_ =	swait.ge [sflag:s25], $0x800  }
0x5c: {  	[sflag:s25] =	ssyncset.done $0x0  }
0x5d: {  	[sflag:s25] =	ssyncadd.s32 $0xFFFFF800  }
0x5e: {  	_ =	swait.ge [sflag:s25], $0x800  }
0x5f: {  	[sflag:s25] =	ssyncset.done $0x0  }
0x60: {  	[sflag:s25] =	ssyncadd.s32 $0xFFFFF800  }
0x61: {  	_ =	swait.ge [sflag:s25], $0x800  }
0x62: {  	[sflag:s25] =	ssyncset.done $0x0  }
0x63: {  	[sflag:s25] =	ssyncadd.s32 $0xFFFFF800  }
0x64: {  	_ =	swait.ge [sflag:s25], $0x800  }
0x65: {  	[sflag:s25] =	ssyncset.done $0x0  }
0x66: {  	[sflag:s25] =	ssyncadd.s32 $0xFFFFF800  }
0x67: {  	_ =	swait.ge [sflag:s25], $0x800  }
0x68: {  	[sflag:s25] =	ssyncset.done $0x0  }
0x69: {  	[sflag:s25] =	ssyncadd.s32 $0xFFFFF800  }
0x6a: {  	_ =	swait.ge [sflag:s25], $0x800  }
0x6b: {  	s29 =	smov.u32 s6;
	s28 =	simm.s32 $0x10000;
	[sflag:s25] =	ssyncset.done $0x0  }
.LBB2_2:
0x6c: {  	[sflag:s25] =	ssyncadd.s32 $0xFFFFF800;
	s29 =	sadd.s32 $0x1000, s29  }
0x6d: {  	[tilespmem:s3], [sflag:$0x3] =	stream.linear.gather [hbm4b:s29+s3], $0x400, $0x38;
	[tilespmem:$0x6B20] =	vst v63  }
0x6e: {  	_ =	swait.ge [sflag:s8], $0x400  }
0x6f: {  	s30 =	smov.u32 s28;
	s31 =	rddreg [dreg:$0x4];
	[sflag:s8] =	ssyncset.done $0x0  }
0x70: {  	[sflag:s8] =	ssyncadd.s32 $0xFFFFFC00;
	s30 =	sadd.s32 s30, s31  }
0x71: {  	[tilespmem:s9], [sflag:$0x1] =	stream.linear.gather [hbm4b:s30+s3], $0x800, $0x38;
	[tilespmem:$0x6B20] =	vst v63  }
0x72: {  	s31 =	sadd.s32 $0x100, s30  }
0x73: {  	[tilespmem:s10], [sflag:$0x1] =	stream.linear.gather [hbm4b:s31+s3], $0x800, $0x38;
	[tilespmem:$0x6B20] =	vst v63  }
0x74: {  	s31 =	sadd.s32 $0x200, s30  }
0x75: {  	[tilespmem:s11], [sflag:$0x1] =	stream.linear.gather [hbm4b:s31+s3], $0x800, $0x38;
	[tilespmem:$0x6B20] =	vst v63  }
0x76: {  	s31 =	sadd.s32 $0x300, s30  }
0x77: {  	[tilespmem:s12], [sflag:$0x1] =	stream.linear.gather [hbm4b:s31+s3], $0x800, $0x38;
	[tilespmem:$0x6B20] =	vst v63  }
0x78: {  	s31 =	sadd.s32 $0x400, s30  }
0x79: {  	[tilespmem:s13], [sflag:$0x1] =	stream.linear.gather [hbm4b:s31+s3], $0x800, $0x38;
	[tilespmem:$0x6B20] =	vst v63  }
0x7a: {  	s31 =	sadd.s32 $0x500, s30  }
0x7b: {  	[tilespmem:s14], [sflag:$0x1] =	stream.linear.gather [hbm4b:s31+s3], $0x800, $0x38;
	[tilespmem:$0x6B20] =	vst v63  }
0x7c: {  	s31 =	sadd.s32 $0x600, s30  }
0x7d: {  	[tilespmem:s15], [sflag:$0x1] =	stream.linear.gather [hbm4b:s31+s3], $0x800, $0x38;
	[tilespmem:$0x6B20] =	vst v63  }
0x7e: {  	s30 =	sadd.s32 $0x700, s30  }
0x7f: {  	[tilespmem:s16], [sflag:$0x1] =	stream.linear.gather [hbm4b:s30+s3], $0x800, $0x38;
	[tilespmem:$0x6B20] =	vst v63  }
0x80: {  	_ =	swait.ge [sflag:s17], $0x800  }
0x81: {  	[sflag:s17] =	ssyncset.done $0x0  }
0x82: {  	[sflag:s17] =	ssyncadd.s32 $0xFFFFF800  }
0x83: {  	_ =	swait.ge [sflag:s17], $0x800  }
0x84: {  	[sflag:s17] =	ssyncset.done $0x0  }
0x85: {  	[sflag:s17] =	ssyncadd.s32 $0xFFFFF800  }
0x86: {  	_ =	swait.ge [sflag:s17], $0x800  }
0x87: {  	[sflag:s17] =	ssyncset.done $0x0  }
0x88: {  	[sflag:s17] =	ssyncadd.s32 $0xFFFFF800  }
0x89: {  	_ =	swait.ge [sflag:s17], $0x800  }
0x8a: {  	[sflag:s17] =	ssyncset.done $0x0  }
0x8b: {  	[sflag:s17] =	ssyncadd.s32 $0xFFFFF800  }
0x8c: {  	_ =	swait.ge [sflag:s17], $0x800  }
0x8d: {  	[sflag:s17] =	ssyncset.done $0x0  }
0x8e: {  	[sflag:s17] =	ssyncadd.s32 $0xFFFFF800  }
0x8f: {  	_ =	swait.ge [sflag:s17], $0x800  }
0x90: {  	[sflag:s17] =	ssyncset.done $0x0  }
0x91: {  	[sflag:s17] =	ssyncadd.s32 $0xFFFFF800  }
0x92: {  	_ =	swait.ge [sflag:s17], $0x800  }
0x93: {  	[sflag:s17] =	ssyncset.done $0x0  }
0x94: {  	[sflag:s17] =	ssyncadd.s32 $0xFFFFF800  }
0x95: {  	_ =	swait.ge [sflag:s17], $0x800  }
0x96: {  	[sflag:s17] =	ssyncset.done $0x0  }
0x97: {  	[sflag:s17] =	ssyncadd.s32 $0xFFFFF800  }
0x98: {  	[spmem:s2] =	stream.indirect.scatter.add.f32 [tilespmem:s9], [sflag:$0x2], $0x10, s3, s18, $0xb8;
	[tilespmem:$0x6B20] =	vst v63  }
0x99: {  	_ = 	snop  }
0x9a: {  	[spmem:s2] =	stream.indirect.scatter.add.f32 [tilespmem:s10], [sflag:$0x2], $0x10, s18, s18, $0xb8;
	[tilespmem:$0x6B20] =	vst v63  }
0x9b: {  	_ = 	snop  }
0x9c: {  	[spmem:s2] =	stream.indirect.scatter.add.f32 [tilespmem:s11], [sflag:$0x2], $0x10, s19, s18, $0xb8;
	[tilespmem:$0x6B20] =	vst v63  }
0x9d: {  	_ = 	snop  }
0x9e: {  	[spmem:s2] =	stream.indirect.scatter.add.f32 [tilespmem:s12], [sflag:$0x2], $0x10, s20, s18, $0xb8;
	[tilespmem:$0x6B20] =	vst v63  }
0x9f: {  	_ = 	snop  }
0xa0: {  	[spmem:s2] =	stream.indirect.scatter.add.f32 [tilespmem:s13], [sflag:$0x2], $0x10, s21, s18, $0xb8;
	[tilespmem:$0x6B20] =	vst v63  }
0xa1: {  	_ = 	snop  }
0xa2: {  	[spmem:s2] =	stream.indirect.scatter.add.f32 [tilespmem:s14], [sflag:$0x2], $0x10, s22, s18, $0xb8;
	[tilespmem:$0x6B20] =	vst v63  }
0xa3: {  	_ = 	snop  }
0xa4: {  	[spmem:s2] =	stream.indirect.scatter.add.f32 [tilespmem:s15], [sflag:$0x2], $0x10, s23, s18, $0xb8;
	[tilespmem:$0x6B20] =	vst v63  }
0xa5: {  	_ = 	snop  }
0xa6: {  	[spmem:s2] =	stream.indirect.scatter.add.f32 [tilespmem:s16], [sflag:$0x2], $0x10, s24, s18, $0xb8;
	[tilespmem:$0x6B20] =	vst v63  }
0xa7: {  	_ =	swait.ge [sflag:s25], $0x800  }
0xa8: {  	[sflag:s25] =	ssyncset.done $0x0  }
0xa9: {  	[sflag:s25] =	ssyncadd.s32 $0xFFFFF800  }
0xaa: {  	_ =	swait.ge [sflag:s25], $0x800  }
0xab: {  	[sflag:s25] =	ssyncset.done $0x0  }
0xac: {  	[sflag:s25] =	ssyncadd.s32 $0xFFFFF800  }
0xad: {  	_ =	swait.ge [sflag:s25], $0x800  }
0xae: {  	[sflag:s25] =	ssyncset.done $0x0  }
0xaf: {  	[sflag:s25] =	ssyncadd.s32 $0xFFFFF800  }
0xb0: {  	_ =	swait.ge [sflag:s25], $0x800  }
0xb1: {  	[sflag:s25] =	ssyncset.done $0x0  }
0xb2: {  	[sflag:s25] =	ssyncadd.s32 $0xFFFFF800  }
0xb3: {  	_ =	swait.ge [sflag:s25], $0x800  }
0xb4: {  	[sflag:s25] =	ssyncset.done $0x0  }
0xb5: {  	[sflag:s25] =	ssyncadd.s32 $0xFFFFF800  }
0xb6: {  	_ =	swait.ge [sflag:s25], $0x800  }
0xb7: {  	[sflag:s25] =	ssyncset.done $0x0  }
0xb8: {  	p1 =	sne.s32 s28, $0x40000;
	[sflag:s25] =	ssyncadd.s32 $0xFFFFF800  }
.Ltmp0:
0xb9: {  	_ =	swait.ge [sflag:s25], $0x800;
	(pc) =	sbr.rel @p1 .LBB2_2-.Ltmp0, $4  }
0xba: {  	[sflag:s25] =	ssyncset.done $0x0  }
0xbb: {  	[sflag:s25] =	ssyncadd.s32 $0xFFFFF800  }
0xbc: {  	_ =	swait.ge [sflag:s25], $0x800  }
0xbd: {  	s28 =	sadd.s32 $0x10000, s28;
	[sflag:s25] =	ssyncset.done $0x0  }
0xbe: {  	[sflag:s25] =	ssyncadd.s32 $0xFFFFF800;
	s26 =	sadd.s32 $0x1, s26  }
0xbf: {  	s28 =	simm.s32 @!p0 $0x1C03;
	[bflag:$0x0] =	sbarrier.arrive $0xFFFF;
	p1 =	sne.s32 s26, s5  }
0xc0: {  	[hbm:s4], [sflag:s28] =	dma.local @!p0 [spmem:s7], $0x4E40  }
.Ltmp1:
0xc1: {  	_ = 	snop;
	(pc) =	sbr.rel @p1 .LBB2_1-.Ltmp1, $4  }
0xc2: {  	s28 =	simm.s32 @!p0 $0x3  }
0xc3: {  	_ =	swait.ge @!p0 [sflag:s28], $0x4E40  }
0xc4: {  	[sflag:s28] =	ssyncset.done @!p0 $0x0  }
0xc5: {  	[sflag:s28] =	ssyncadd.s32 @!p0 $0xFFFFB1C0  }
0xc6: {  	_ =	sfence.sel $0x180000  }
0xc7: {  	[bflag:$0x0] =	sbarrier.arrive $0xFFFF  }
0xc8: {  	_ =	strace $0x90000050  }
0xc9: {  	s0 =	sadd.s32 @!p0 $0x100000, s0;
	[bflag:$0x2] =	sbarrier.arrive $0xFFFF  }
0xca: {  	[sflag:s0] =	ssyncadd.tile.s32 @!p0 $0x1;
	_ =	shalt  }
.Lfunc_end2:
_tile_overlayer_lowered:
.L_overlay_start_2:
0xcb: {  	(tag) =	ssettag $0x2  }
0xcc: {  	s0 =	rddreg [dreg:$0x0];
	s2 =	stileid.u32  }
0xcd: {  	s1 =	rddreg [dreg:$0x1];
	p0 =	sne.s32 s2, $0x0  }
0xce: {  	s3 =	rddreg [dreg:$0x2];
	[bflag:$0x3] =	sbarrier.arrive $0xFFFF;
	s2 =	simm.s32 @!p0 $0x1C03  }
0xcf: {  	[timem:s3], [sflag:s2] =	dma.local @!p0 [hbm:s0], s1  }
0xd0: {  	s0 =	simm.s32 @!p0 $0x3  }
0xd1: {  	_ =	swait.ge @!p0 [sflag:s0], s1  }
0xd2: {  	s1 =	ssub.s32 @!p0 $0x0, s1;
	[sflag:s0] =	ssyncset.done @!p0 $0x0  }
0xd3: {  	[sflag:s0] =	ssyncadd.s32 @!p0 s1  }
0xd4: {  	[bflag:$0x3] =	sbarrier.arrive $0xFFFF  }
0xd5: {  	_ =	shalt  }

</sc_bundles>
